<compile_context>
chip_gen: v7x
topology: tpu7x:2x2x1
jax: 0.10.2.dev20260603
libtpu: 0.0.44.dev20260713+nightly
codegen_flags: <defaults>
</compile_context>

<pallas_src>
import functools

import jax
import jax.numpy as jnp
from jax import lax
from jax.experimental import pallas as pl
from jax.experimental.pallas import tpu as pltpu
from jax.experimental.pallas import tpu_sc as plsc

SEQ = 2048
HIDDEN = 768
LANES = 16
NCORES = 2
NSUB = 16
NW = NCORES * NSUB
RPW = SEQ // NW
NCHUNK = 4
CROWS = RPW // NCHUNK
NPASS = 3
PCH = HIDDEN // (NPASS * LANES)

_MESH = plsc.VectorSubcoreMesh(core_axis_name="c", subcore_axis_name="s")


@functools.partial(
    pl.kernel,
    out_type=jax.ShapeDtypeStruct((NW, HIDDEN), jnp.float32),
    mesh=_MESH,
    scratch_types=[
        pltpu.VMEM((RPW,), jnp.int32),
        pltpu.VMEM((RPW, HIDDEN), jnp.float32),
        pltpu.VMEM((1, HIDDEN), jnp.float32),
        [pltpu.SemaphoreType.DMA] * NCHUNK,
    ],
)
def _sc_partials(ids_hbm, wt_hbm, out_hbm, idx_v, rows_v, acc_v, sems):
    wid = lax.axis_index("s") * NCORES + lax.axis_index("c")
    base = wid * RPW
    pltpu.sync_copy(ids_hbm.at[pl.ds(base, RPW)], idx_v)
    gathers = []
    for c in range(NCHUNK):
        gathers.append(pltpu.async_copy(
            wt_hbm.at[idx_v.at[pl.ds(c * CROWS, CROWS)]],
            rows_v.at[pl.ds(c * CROWS, CROWS)],
            sems[c]))

    zero = jnp.zeros((LANES,), jnp.float32)
    UNROLL = 1
    for c in range(NCHUNK):
        gathers[c].wait()
        for p in range(NPASS):
            def body(r, carry):
                for u in range(UNROLL):
                    carry = tuple(
                        carry[j] + rows_v[c * CROWS + r * UNROLL + u,
                                          pl.ds((p * PCH + j) * LANES, LANES)]
                        for j in range(PCH))
                return carry
            carry = lax.fori_loop(0, CROWS // UNROLL, body, (zero,) * PCH)
            for j in range(PCH):
                sl = pl.ds((p * PCH + j) * LANES, LANES)
                if c == 0:
                    acc_v[0, sl] = carry[j]
                else:
                    plsc.addupdate(acc_v.at[0, sl], carry[j])

    pltpu.sync_copy(acc_v, out_hbm.at[pl.ds(wid, 1)])


POS_BLK = 256


def _pos_sum_body(pos_ref, o_ref):
    step = pl.program_id(0)

    @pl.when(step == 0)
    def _init():
        o_ref[...] = jnp.zeros_like(o_ref)

    o_ref[...] += jnp.sum(pos_ref[...], axis=0, keepdims=True)


_pos_sum = pl.pallas_call(
    _pos_sum_body,
    grid=(SEQ // POS_BLK,),
    in_specs=[pl.BlockSpec((POS_BLK, HIDDEN), lambda i: (i, 0))],
    out_specs=pl.BlockSpec((1, HIDDEN), lambda i: (0, 0)),
    out_shape=jax.ShapeDtypeStruct((1, HIDDEN), jnp.float32),
)


def _final_body(parts_ref, pos_ref, o_ref):
    o_ref[...] = (jnp.sum(parts_ref[...], axis=0)
                  + pos_ref[0, :]) * (1.0 / SEQ)


_final = pl.pallas_call(
    _final_body,
    out_shape=jax.ShapeDtypeStruct((HIDDEN,), jnp.float32),
)


def kernel(input_ids, word_table, pos_table):
    ids = input_ids.reshape(-1).astype(jnp.int32)
    parts = _sc_partials(ids, word_table)
    pos_part = _pos_sum(pos_table)
    return _final(parts, pos_part)

# --- scband reference (transcript-rebuilt; emitter-appended) ---
"""Pipeline reference for scband-agitext-embedder-57681410785574 (READ-ONLY COPY).

The authoritative reference and input builder live on the scoring server;
editing this copy changes nothing except your own understanding.
"""

import jax, jax.numpy as jnp
import numpy as np

VOCAB = 100000
HIDDEN = 768
MAX_POS = 2048
SEQ = 2048


def setup_inputs(seed: int = 0) -> dict:
    key = jax.random.key(seed)
    k_ids, k_wt, k_pt = jax.random.split(key, 3)
    input_ids = jax.random.randint(k_ids, (1, SEQ), 0, VOCAB, dtype=jnp.int64 if jax.config.jax_enable_x64 else jnp.int32)
    word_table = jax.random.normal(k_wt, (VOCAB, HIDDEN), dtype=jnp.float32) * 0.02
    pos_table = jax.random.normal(k_pt, (MAX_POS, HIDDEN), dtype=jnp.float32) * 0.02
    return {"input_ids": input_ids, "word_table": word_table, "pos_table": pos_table}


def reference(input_ids, word_table, pos_table):
    # word_embeddings(input_ids): gather rows from the embedding table
    word_embeddings = jnp.take(word_table, input_ids, axis=0)  # [1, SEQ, HIDDEN]
    # position_ids = arange(seq_len).unsqueeze(0); position_embeddings lookup
    position_ids = jnp.arange(input_ids.shape[1])
    position_embeddings = jnp.take(pos_table, position_ids, axis=0)[None, :, :]  # [1, SEQ, HIDDEN]
    embeddings = word_embeddings + position_embeddings
    # use_transformer=False branch: mean over sequence dim, then squeeze batch
    embeddings = jnp.mean(embeddings, axis=1)  # [1, HIDDEN]
    embeddings = jnp.squeeze(embeddings, axis=0)  # [HIDDEN]
    return embeddings

if __name__ == "__main__":
    import jax
    _d = setup_inputs()
    print(jax.jit(kernel)(*tuple(_d.values())))

</pallas_src>

<mosaic_0001>
#map = affine_map<(d0, d1) -> (0)>
#map1 = affine_map<(d0, d1) -> (0, 0)>
module attributes {stable_mosaic.version = 14 : i64} {
  func.func @_sc_partials(%arg0: i32, %arg1: i32, %arg2: memref<2048xi32, #tpu.memory_space<hbm>>, %arg3: memref<100000x768xf32, #tpu.memory_space<hbm>>, %arg4: memref<32x768xf32, #tpu.memory_space<hbm>>, %arg5: memref<64xi32, #tpu.memory_space<vmem>>, %arg6: memref<64x768xf32, #tpu.memory_space<vmem>>, %arg7: memref<1x768xf32, #tpu.memory_space<vmem>>, %arg8: memref<!tpu.dma_semaphore, #tpu.memory_space<semaphore_mem>>, %arg9: memref<!tpu.dma_semaphore, #tpu.memory_space<semaphore_mem>>, %arg10: memref<!tpu.dma_semaphore, #tpu.memory_space<semaphore_mem>>, %arg11: memref<!tpu.dma_semaphore, #tpu.memory_space<semaphore_mem>>) attributes {dimension_semantics = [#tpu.dimension_semantics<core_parallel>, #tpu.dimension_semantics<subcore_parallel>], iteration_bounds = array<i64: 2, 16>, scalar_prefetch = 0 : i64, scratch_operands = 7 : i64, tpu.core_type = #tpu.core_type<sc_vector_subcore>, window_params = [{transform_indices = #map}, {transform_indices = #map1}, {transform_indices = #map1}]} {
    %mul3A = arith.constant 2 : i32
    %mul3A_0 = arith.muli %arg1, %mul3A : i32
    %add3A = arith.addi %mul3A_0, %arg0 : i32
    %mul3A_1 = arith.constant 64 : i32
    %mul3A_2 = arith.muli %add3A, %mul3A_1 : i32
    "tpu.region"() ({
      %run_scoped3A = tpu.sem_alloc : memref<!tpu.dma_semaphore, #tpu.memory_space<semaphore_mem>>
      %dma_start3A_1288 = tpu.memref_slice %arg2[%mul3A_2] : memref<2048xi32, #tpu.memory_space<hbm>> -> memref<64xi32, #tpu.memory_space<hbm>>
      %dma_start3A_1289 = tpu.memref_slice %arg2[%mul3A_2] : memref<2048xi32, #tpu.memory_space<hbm>> -> memref<64xi32, #tpu.memory_space<hbm>>
      tpu.enqueue_dma source(%dma_start3A_1289 : memref<64xi32, #tpu.memory_space<hbm>>) target(%arg5 : memref<64xi32, #tpu.memory_space<vmem>>) target_semaphore(%run_scoped3A : memref<!tpu.dma_semaphore, #tpu.memory_space<semaphore_mem>>)
      %dma_wait3A_1290 = tpu.memref_slice %arg2[%mul3A_2] : memref<2048xi32, #tpu.memory_space<hbm>> -> memref<64xi32, #tpu.memory_space<hbm>>
      %dma_wait3A_1291 = tpu.memref_slice %arg2[%mul3A_2] : memref<2048xi32, #tpu.memory_space<hbm>> -> memref<64xi32, #tpu.memory_space<hbm>>
      tpu.wait_dma2 semaphore(%run_scoped3A : memref<!tpu.dma_semaphore, #tpu.memory_space<semaphore_mem>>) src(%dma_wait3A_1291 : memref<64xi32, #tpu.memory_space<hbm>>) dst(%arg5 : memref<64xi32, #tpu.memory_space<vmem>>)
      tpu.yield
    }) : () -> ()
    %dma_start3A = arith.constant 0 : i32
    %dma_start3A_3 = arith.constant 0 : i32
    %dma_start3A_4 = tpu.memref_slice %arg6[%dma_start3A, %dma_start3A_3] : memref<64x768xf32, #tpu.memory_space<vmem>> -> memref<16x768xf32, #tpu.memory_space<vmem>>
    %dma_start3A_5 = arith.constant 0 : i32
    %dma_start3A_6 = tpu.memref_slice %arg5[%dma_start3A_5] : memref<64xi32, #tpu.memory_space<vmem>> -> memref<16xi32, #tpu.memory_space<vmem>>
    %dma_start3A_7 = arith.constant 0 : i32
    %dma_start3A_8 = arith.constant 0 : i32
    %dma_start3A_9 = tpu.memref_slice %arg3[%dma_start3A_7, %dma_start3A_8] : memref<100000x768xf32, #tpu.memory_space<hbm>> -> memref<100000x768xf32, #tpu.memory_space<hbm>>
    tpu.enqueue_indirect_dma source(%dma_start3A_9 : memref<100000x768xf32, #tpu.memory_space<hbm>>) target(%dma_start3A_4 : memref<16x768xf32, #tpu.memory_space<vmem>>) offsets(%dma_start3A_6 : memref<16xi32, #tpu.memory_space<vmem>>) semaphore(%arg8 : memref<!tpu.dma_semaphore, #tpu.memory_space<semaphore_mem>>)
    %dma_start3A_10 = arith.constant 16 : i32
    %dma_start3A_11 = arith.constant 0 : i32
    %dma_start3A_12 = tpu.memref_slice %arg6[%dma_start3A_10, %dma_start3A_11] : memref<64x768xf32, #tpu.memory_space<vmem>> -> memref<16x768xf32, #tpu.memory_space<vmem>>
    %dma_start3A_13 = arith.constant 16 : i32
    %dma_start3A_14 = tpu.memref_slice %arg5[%dma_start3A_13] : memref<64xi32, #tpu.memory_space<vmem>> -> memref<16xi32, #tpu.memory_space<vmem>>
    %dma_start3A_15 = arith.constant 0 : i32
    %dma_start3A_16 = arith.constant 0 : i32
    %dma_start3A_17 = tpu.memref_slice %arg3[%dma_start3A_15, %dma_start3A_16] : memref<100000x768xf32, #tpu.memory_space<hbm>> -> memref<100000x768xf32, #tpu.memory_space<hbm>>
    tpu.enqueue_indirect_dma source(%dma_start3A_17 : memref<100000x768xf32, #tpu.memory_space<hbm>>) target(%dma_start3A_12 : memref<16x768xf32, #tpu.memory_space<vmem>>) offsets(%dma_start3A_14 : memref<16xi32, #tpu.memory_space<vmem>>) semaphore(%arg9 : memref<!tpu.dma_semaphore, #tpu.memory_space<semaphore_mem>>)
    %dma_start3A_18 = arith.constant 32 : i32
    %dma_start3A_19 = arith.constant 0 : i32
    %dma_start3A_20 = tpu.memref_slice %arg6[%dma_start3A_18, %dma_start3A_19] : memref<64x768xf32, #tpu.memory_space<vmem>> -> memref<16x768xf32, #tpu.memory_space<vmem>>
    %dma_start3A_21 = arith.constant 32 : i32
    %dma_start3A_22 = tpu.memref_slice %arg5[%dma_start3A_21] : memref<64xi32, #tpu.memory_space<vmem>> -> memref<16xi32, #tpu.memory_space<vmem>>
    %dma_start3A_23 = arith.constant 0 : i32
    %dma_start3A_24 = arith.constant 0 : i32
    %dma_start3A_25 = tpu.memref_slice %arg3[%dma_start3A_23, %dma_start3A_24] : memref<100000x768xf32, #tpu.memory_space<hbm>> -> memref<100000x768xf32, #tpu.memory_space<hbm>>
    tpu.enqueue_indirect_dma source(%dma_start3A_25 : memref<100000x768xf32, #tpu.memory_space<hbm>>) target(%dma_start3A_20 : memref<16x768xf32, #tpu.memory_space<vmem>>) offsets(%dma_start3A_22 : memref<16xi32, #tpu.memory_space<vmem>>) semaphore(%arg10 : memref<!tpu.dma_semaphore, #tpu.memory_space<semaphore_mem>>)
    %dma_start3A_26 = arith.constant 48 : i32
    %dma_start3A_27 = arith.constant 0 : i32
    %dma_start3A_28 = tpu.memref_slice %arg6[%dma_start3A_26, %dma_start3A_27] : memref<64x768xf32, #tpu.memory_space<vmem>> -> memref<16x768xf32, #tpu.memory_space<vmem>>
    %dma_start3A_29 = arith.constant 48 : i32
    %dma_start3A_30 = tpu.memref_slice %arg5[%dma_start3A_29] : memref<64xi32, #tpu.memory_space<vmem>> -> memref<16xi32, #tpu.memory_space<vmem>>
    %dma_start3A_31 = arith.constant 0 : i32
    %dma_start3A_32 = arith.constant 0 : i32
    %dma_start3A_33 = tpu.memref_slice %arg3[%dma_start3A_31, %dma_start3A_32] : memref<100000x768xf32, #tpu.memory_space<hbm>> -> memref<100000x768xf32, #tpu.memory_space<hbm>>
    tpu.enqueue_indirect_dma source(%dma_start3A_33 : memref<100000x768xf32, #tpu.memory_space<hbm>>) target(%dma_start3A_28 : memref<16x768xf32, #tpu.memory_space<vmem>>) offsets(%dma_start3A_30 : memref<16xi32, #tpu.memory_space<vmem>>) semaphore(%arg11 : memref<!tpu.dma_semaphore, #tpu.memory_space<semaphore_mem>>)
    %broadcast_in_dim3A = arith.constant 0.000000e+00 : f32
    %broadcast_in_dim3A_34 = vector.broadcast %broadcast_in_dim3A : f32 to vector<16xf32>
    %dma_wait3A = arith.constant 0 : i32
    %dma_wait3A_35 = arith.constant 0 : i32
    %dma_wait3A_36 = tpu.memref_slice %arg6[%dma_wait3A, %dma_wait3A_35] : memref<64x768xf32, #tpu.memory_space<vmem>> -> memref<16x768xf32, #tpu.memory_space<vmem>>
    %dma_wait3A_37 = arith.constant 0 : i32
    %dma_wait3A_38 = tpu.memref_slice %arg5[%dma_wait3A_37] : memref<64xi32, #tpu.memory_space<vmem>> -> memref<16xi32, #tpu.memory_space<vmem>>
    %dma_wait3A_39 = arith.constant 0 : i32
    %dma_wait3A_40 = arith.constant 0 : i32
    %dma_wait3A_41 = tpu.memref_slice %arg3[%dma_wait3A_39, %dma_wait3A_40] : memref<100000x768xf32, #tpu.memory_space<hbm>> -> memref<100000x768xf32, #tpu.memory_space<hbm>>
    tpu.wait_indirect_dma semaphore(%arg8 : memref<!tpu.dma_semaphore, #tpu.memory_space<semaphore_mem>>) src(%dma_wait3A_41 : memref<100000x768xf32, #tpu.memory_space<hbm>>) dst(%dma_wait3A_36 : memref<16x768xf32, #tpu.memory_space<vmem>>)
    %scan3A = arith.constant 0 : i32
    %scan3A_42 = arith.constant 16 : i32
    %scan3A_43 = arith.addi %scan3A, %scan3A_42 : i32
    %scan3A_44 = arith.constant 1 : i32
    %scan3A_45:16 = scf.for %scan3A_1288 = %scan3A to %scan3A_43 step %scan3A_44 iter_args(%scan3A_1289 = %broadcast_in_dim3A_34, %scan3A_1290 = %broadcast_in_dim3A_34, %scan3A_1291 = %broadcast_in_dim3A_34, %scan3A_1292 = %broadcast_in_dim3A_34, %scan3A_1293 = %broadcast_in_dim3A_34, %scan3A_1294 = %broadcast_in_dim3A_34, %scan3A_1295 = %broadcast_in_dim3A_34, %scan3A_1296 = %broadcast_in_dim3A_34, %scan3A_1297 = %broadcast_in_dim3A_34, %scan3A_1298 = %broadcast_in_dim3A_34, %scan3A_1299 = %broadcast_in_dim3A_34, %scan3A_1300 = %broadcast_in_dim3A_34, %scan3A_1301 = %broadcast_in_dim3A_34, %scan3A_1302 = %broadcast_in_dim3A_34, %scan3A_1303 = %broadcast_in_dim3A_34, %scan3A_1304 = %broadcast_in_dim3A_34) -> (vector<16xf32>, vector<16xf32>, vector<16xf32>, vector<16xf32>, vector<16xf32>, vector<16xf32>, vector<16xf32>, vector<16xf32>, vector<16xf32>, vector<16xf32>, vector<16xf32>, vector<16xf32>, vector<16xf32>, vector<16xf32>, vector<16xf32>, vector<16xf32>)  : i32 {
      %mul3A_1305 = arith.constant 1 : i32
      %mul3A_1306 = arith.muli %scan3A_1288, %mul3A_1305 : i32
      %add3A_1307 = arith.constant 0 : i32
      %add3A_1308 = arith.addi %add3A_1307, %mul3A_1306 : i32
      %add3A_1309 = arith.constant 0 : i32
      %add3A_1310 = arith.addi %add3A_1308, %add3A_1309 : i32
      %get3A = arith.index_cast %add3A_1310 : i32 to index
      %get3A_1311 = arith.constant 0 : index
      %get3A_1312 = tpu.vector_load %arg6[%get3A, %get3A_1311] {strides = array<i32>} : memref<64x768xf32, #tpu.memory_space<vmem>>, vector<1x16xf32>,
      %get3A_1313 = vector.shape_cast %get3A_1312 : vector<1x16xf32> to vector<16xf32>
      %add3A_1314 = arith.addf %scan3A_1289, %get3A_1313 : vector<16xf32>
      %mul3A_1315 = arith.constant 1 : i32
      %mul3A_1316 = arith.muli %scan3A_1288, %mul3A_1315 : i32
      %add3A_1317 = arith.constant 0 : i32
      %add3A_1318 = arith.addi %add3A_1317, %mul3A_1316 : i32
      %add3A_1319 = arith.constant 0 : i32
      %add3A_1320 = arith.addi %add3A_1318, %add3A_1319 : i32
      %get3A_1321 = arith.index_cast %add3A_1320 : i32 to index
      %get3A_1322 = arith.constant 16 : index
      %get3A_1323 = tpu.vector_load %arg6[%get3A_1321, %get3A_1322] {strides = array<i32>} : memref<64x768xf32, #tpu.memory_space<vmem>>, vector<1x16xf32>,
      %get3A_1324 = vector.shape_cast %get3A_1323 : vector<1x16xf32> to vector<16xf32>
      %add3A_1325 = arith.addf %scan3A_1290, %get3A_1324 : vector<16xf32>
      %mul3A_1326 = arith.constant 1 : i32
      %mul3A_1327 = arith.muli %scan3A_1288, %mul3A_1326 : i32
      %add3A_1328 = arith.constant 0 : i32
      %add3A_1329 = arith.addi %add3A_1328, %mul3A_1327 : i32
      %add3A_1330 = arith.constant 0 : i32
      %add3A_1331 = arith.addi %add3A_1329, %add3A_1330 : i32
      %get3A_1332 = arith.index_cast %add3A_1331 : i32 to index
      %get3A_1333 = arith.constant 32 : index
      %get3A_1334 = tpu.vector_load %arg6[%get3A_1332, %get3A_1333] {strides = array<i32>} : memref<64x768xf32, #tpu.memory_space<vmem>>, vector<1x16xf32>,
      %get3A_1335 = vector.shape_cast %get3A_1334 : vector<1x16xf32> to vector<16xf32>
      %add3A_1336 = arith.addf %scan3A_1291, %get3A_1335 : vector<16xf32>
      %mul3A_1337 = arith.constant 1 : i32
      %mul3A_1338 = arith.muli %scan3A_1288, %mul3A_1337 : i32
      %add3A_1339 = arith.constant 0 : i32
      %add3A_1340 = arith.addi %add3A_1339, %mul3A_1338 : i32
      %add3A_1341 = arith.constant 0 : i32
      %add3A_1342 = arith.addi %add3A_1340, %add3A_1341 : i32
      %get3A_1343 = arith.index_cast %add3A_1342 : i32 to index
      %get3A_1344 = arith.constant 48 : index
      %get3A_1345 = tpu.vector_load %arg6[%get3A_1343, %get3A_1344] {strides = array<i32>} : memref<64x768xf32, #tpu.memory_space<vmem>>, vector<1x16xf32>,
      %get3A_1346 = vector.shape_cast %get3A_1345 : vector<1x16xf32> to vector<16xf32>
      %add3A_1347 = arith.addf %scan3A_1292, %get3A_1346 : vector<16xf32>
      %mul3A_1348 = arith.constant 1 : i32
      %mul3A_1349 = arith.muli %scan3A_1288, %mul3A_1348 : i32
      %add3A_1350 = arith.constant 0 : i32
      %add3A_1351 = arith.addi %add3A_1350, %mul3A_1349 : i32
      %add3A_1352 = arith.constant 0 : i32
      %add3A_1353 = arith.addi %add3A_1351, %add3A_1352 : i32
      %get3A_1354 = arith.index_cast %add3A_1353 : i32 to index
      %get3A_1355 = arith.constant 64 : index
      %get3A_1356 = tpu.vector_load %arg6[%get3A_1354, %get3A_1355] {strides = array<i32>} : memref<64x768xf32, #tpu.memory_space<vmem>>, vector<1x16xf32>,
      %get3A_1357 = vector.shape_cast %get3A_1356 : vector<1x16xf32> to vector<16xf32>
      %add3A_1358 = arith.addf %scan3A_1293, %get3A_1357 : vector<16xf32>
      %mul3A_1359 = arith.constant 1 : i32
      %mul3A_1360 = arith.muli %scan3A_1288, %mul3A_1359 : i32
      %add3A_1361 = arith.constant 0 : i32
      %add3A_1362 = arith.addi %add3A_1361, %mul3A_1360 : i32
      %add3A_1363 = arith.constant 0 : i32
      %add3A_1364 = arith.addi %add3A_1362, %add3A_1363 : i32
      %get3A_1365 = arith.index_cast %add3A_1364 : i32 to index
      %get3A_1366 = arith.constant 80 : index
      %get3A_1367 = tpu.vector_load %arg6[%get3A_1365, %get3A_1366] {strides = array<i32>} : memref<64x768xf32, #tpu.memory_space<vmem>>, vector<1x16xf32>,
      %get3A_1368 = vector.shape_cast %get3A_1367 : vector<1x16xf32> to vector<16xf32>
      %add3A_1369 = arith.addf %scan3A_1294, %get3A_1368 : vector<16xf32>
      %mul3A_1370 = arith.constant 1 : i32
      %mul3A_1371 = arith.muli %scan3A_1288, %mul3A_1370 : i32
      %add3A_1372 = arith.constant 0 : i32
      %add3A_1373 = arith.addi %add3A_1372, %mul3A_1371 : i32
      %add3A_1374 = arith.constant 0 : i32
      %add3A_1375 = arith.addi %add3A_1373, %add3A_1374 : i32
      %get3A_1376 = arith.index_cast %add3A_1375 : i32 to index
      %get3A_1377 = arith.constant 96 : index
      %get3A_1378 = tpu.vector_load %arg6[%get3A_1376, %get3A_1377] {strides = array<i32>} : memref<64x768xf32, #tpu.memory_space<vmem>>, vector<1x16xf32>,
      %get3A_1379 = vector.shape_cast %get3A_1378 : vector<1x16xf32> to vector<16xf32>
      %add3A_1380 = arith.addf %scan3A_1295, %get3A_1379 : vector<16xf32>
      %mul3A_1381 = arith.constant 1 : i32
      %mul3A_1382 = arith.muli %scan3A_1288, %mul3A_1381 : i32
      %add3A_1383 = arith.constant 0 : i32
      %add3A_1384 = arith.addi %add3A_1383, %mul3A_1382 : i32
      %add3A_1385 = arith.constant 0 : i32
      %add3A_1386 = arith.addi %add3A_1384, %add3A_1385 : i32
      %get3A_1387 = arith.index_cast %add3A_1386 : i32 to index
      %get3A_1388 = arith.constant 112 : index
      %get3A_1389 = tpu.vector_load %arg6[%get3A_1387, %get3A_1388] {strides = array<i32>} : memref<64x768xf32, #tpu.memory_space<vmem>>, vector<1x16xf32>,
      %get3A_1390 = vector.shape_cast %get3A_1389 : vector<1x16xf32> to vector<16xf32>
      %add3A_1391 = arith.addf %scan3A_1296, %get3A_1390 : vector<16xf32>
      %mul3A_1392 = arith.constant 1 : i32
      %mul3A_1393 = arith.muli %scan3A_1288, %mul3A_1392 : i32
      %add3A_1394 = arith.constant 0 : i32
      %add3A_1395 = arith.addi %add3A_1394, %mul3A_1393 : i32
      %add3A_1396 = arith.constant 0 : i32
      %add3A_1397 = arith.addi %add3A_1395, %add3A_1396 : i32
      %get3A_1398 = arith.index_cast %add3A_1397 : i32 to index
      %get3A_1399 = arith.constant 128 : index
      %get3A_1400 = tpu.vector_load %arg6[%get3A_1398, %get3A_1399] {strides = array<i32>} : memref<64x768xf32, #tpu.memory_space<vmem>>, vector<1x16xf32>,
      %get3A_1401 = vector.shape_cast %get3A_1400 : vector<1x16xf32> to vector<16xf32>
      %add3A_1402 = arith.addf %scan3A_1297, %get3A_1401 : vector<16xf32>
      %mul3A_1403 = arith.constant 1 : i32
      %mul3A_1404 = arith.muli %scan3A_1288, %mul3A_1403 : i32
      %add3A_1405 = arith.constant 0 : i32
      %add3A_1406 = arith.addi %add3A_1405, %mul3A_1404 : i32
      %add3A_1407 = arith.constant 0 : i32
      %add3A_1408 = arith.addi %add3A_1406, %add3A_1407 : i32
      %get3A_1409 = arith.index_cast %add3A_1408 : i32 to index
      %get3A_1410 = arith.constant 144 : index
      %get3A_1411 = tpu.vector_load %arg6[%get3A_1409, %get3A_1410] {strides = array<i32>} : memref<64x768xf32, #tpu.memory_space<vmem>>, vector<1x16xf32>,
      %get3A_1412 = vector.shape_cast %get3A_1411 : vector<1x16xf32> to vector<16xf32>
      %add3A_1413 = arith.addf %scan3A_1298, %get3A_1412 : vector<16xf32>
      %mul3A_1414 = arith.constant 1 : i32
      %mul3A_1415 = arith.muli %scan3A_1288, %mul3A_1414 : i32
      %add3A_1416 = arith.constant 0 : i32
      %add3A_1417 = arith.addi %add3A_1416, %mul3A_1415 : i32
      %add3A_1418 = arith.constant 0 : i32
      %add3A_1419 = arith.addi %add3A_1417, %add3A_1418 : i32
      %get3A_1420 = arith.index_cast %add3A_1419 : i32 to index
      %get3A_1421 = arith.constant 160 : index
      %get3A_1422 = tpu.vector_load %arg6[%get3A_1420, %get3A_1421] {strides = array<i32>} : memref<64x768xf32, #tpu.memory_space<vmem>>, vector<1x16xf32>,
      %get3A_1423 = vector.shape_cast %get3A_1422 : vector<1x16xf32> to vector<16xf32>
      %add3A_1424 = arith.addf %scan3A_1299, %get3A_1423 : vector<16xf32>
      %mul3A_1425 = arith.constant 1 : i32
      %mul3A_1426 = arith.muli %scan3A_1288, %mul3A_1425 : i32
      %add3A_1427 = arith.constant 0 : i32
      %add3A_1428 = arith.addi %add3A_1427, %mul3A_1426 : i32
      %add3A_1429 = arith.constant 0 : i32
      %add3A_1430 = arith.addi %add3A_1428, %add3A_1429 : i32
      %get3A_1431 = arith.index_cast %add3A_1430 : i32 to index
      %get3A_1432 = arith.constant 176 : index
      %get3A_1433 = tpu.vector_load %arg6[%get3A_1431, %get3A_1432] {strides = array<i32>} : memref<64x768xf32, #tpu.memory_space<vmem>>, vector<1x16xf32>,
      %get3A_1434 = vector.shape_cast %get3A_1433 : vector<1x16xf32> to vector<16xf32>
      %add3A_1435 = arith.addf %scan3A_1300, %get3A_1434 : vector<16xf32>
      %mul3A_1436 = arith.constant 1 : i32
      %mul3A_1437 = arith.muli %scan3A_1288, %mul3A_1436 : i32
      %add3A_1438 = arith.constant 0 : i32
      %add3A_1439 = arith.addi %add3A_1438, %mul3A_1437 : i32
      %add3A_1440 = arith.constant 0 : i32
      %add3A_1441 = arith.addi %add3A_1439, %add3A_1440 : i32
      %get3A_1442 = arith.index_cast %add3A_1441 : i32 to index
      %get3A_1443 = arith.constant 192 : index
      %get3A_1444 = tpu.vector_load %arg6[%get3A_1442, %get3A_1443] {strides = array<i32>} : memref<64x768xf32, #tpu.memory_space<vmem>>, vector<1x16xf32>,
      %get3A_1445 = vector.shape_cast %get3A_1444 : vector<1x16xf32> to vector<16xf32>
      %add3A_1446 = arith.addf %scan3A_1301, %get3A_1445 : vector<16xf32>
      %mul3A_1447 = arith.constant 1 : i32
      %mul3A_1448 = arith.muli %scan3A_1288, %mul3A_1447 : i32
      %add3A_1449 = arith.constant 0 : i32
      %add3A_1450 = arith.addi %add3A_1449, %mul3A_1448 : i32
      %add3A_1451 = arith.constant 0 : i32
      %add3A_1452 = arith.addi %add3A_1450, %add3A_1451 : i32
      %get3A_1453 = arith.index_cast %add3A_1452 : i32 to index
      %get3A_1454 = arith.constant 208 : index
      %get3A_1455 = tpu.vector_load %arg6[%get3A_1453, %get3A_1454] {strides = array<i32>} : memref<64x768xf32, #tpu.memory_space<vmem>>, vector<1x16xf32>,
      %get3A_1456 = vector.shape_cast %get3A_1455 : vector<1x16xf32> to vector<16xf32>
      %add3A_1457 = arith.addf %scan3A_1302, %get3A_1456 : vector<16xf32>
      %mul3A_1458 = arith.constant 1 : i32
      %mul3A_1459 = arith.muli %scan3A_1288, %mul3A_1458 : i32
      %add3A_1460 = arith.constant 0 : i32
      %add3A_1461 = arith.addi %add3A_1460, %mul3A_1459 : i32
      %add3A_1462 = arith.constant 0 : i32
      %add3A_1463 = arith.addi %add3A_1461, %add3A_1462 : i32
      %get3A_1464 = arith.index_cast %add3A_1463 : i32 to index
      %get3A_1465 = arith.constant 224 : index
      %get3A_1466 = tpu.vector_load %arg6[%get3A_1464, %get3A_1465] {strides = array<i32>} : memref<64x768xf32, #tpu.memory_space<vmem>>, vector<1x16xf32>,
      %get3A_1467 = vector.shape_cast %get3A_1466 : vector<1x16xf32> to vector<16xf32>
      %add3A_1468 = arith.addf %scan3A_1303, %get3A_1467 : vector<16xf32>
      %mul3A_1469 = arith.constant 1 : i32
      %mul3A_1470 = arith.muli %scan3A_1288, %mul3A_1469 : i32
      %add3A_1471 = arith.constant 0 : i32
      %add3A_1472 = arith.addi %add3A_1471, %mul3A_1470 : i32
      %add3A_1473 = arith.constant 0 : i32
      %add3A_1474 = arith.addi %add3A_1472, %add3A_1473 : i32
      %get3A_1475 = arith.index_cast %add3A_1474 : i32 to index
      %get3A_1476 = arith.constant 240 : index
      %get3A_1477 = tpu.vector_load %arg6[%get3A_1475, %get3A_1476] {strides = array<i32>} : memref<64x768xf32, #tpu.memory_space<vmem>>, vector<1x16xf32>,
      %get3A_1478 = vector.shape_cast %get3A_1477 : vector<1x16xf32> to vector<16xf32>
      %add3A_1479 = arith.addf %scan3A_1304, %get3A_1478 : vector<16xf32>
      scf.yield %add3A_1314, %add3A_1325, %add3A_1336, %add3A_1347, %add3A_1358, %add3A_1369, %add3A_1380, %add3A_1391, %add3A_1402, %add3A_1413, %add3A_1424, %add3A_1435, %add3A_1446, %add3A_1457, %add3A_1468, %add3A_1479 : vector<16xf32>, vector<16xf32>, vector<16xf32>, vector<16xf32>, vector<16xf32>, vector<16xf32>, vector<16xf32>, vector<16xf32>, vector<16xf32>, vector<16xf32>, vector<16xf32>, vector<16xf32>, vector<16xf32>, vector<16xf32>, vector<16xf32>, vector<16xf32>
    }
    %scan3A_46 = arith.constant 16 : i32
    %swap3A = arith.constant 0 : i32
    %swap3A_47 = arith.index_cast %swap3A : i32 to index
    %swap3A_48 = arith.constant 0 : index
    %swap3A_49 = tpu.vector_load %arg7[%swap3A_47, %swap3A_48] {strides = array<i32>} : memref<1x768xf32, #tpu.memory_space<vmem>>, vector<1x16xf32>,
    %swap3A_50 = vector.shape_cast %swap3A_49 : vector<1x16xf32> to vector<16xf32>
    %swap3A_51 = vector.shape_cast %scan3A_45#0 : vector<16xf32> to vector<1x16xf32>
    tpu.vector_store %arg7[%swap3A_47, %swap3A_48], %swap3A_51 {strides = array<i32>} : memref<1x768xf32, #tpu.memory_space<vmem>>, vector<1x16xf32>,
    %swap3A_52 = arith.constant 0 : i32
    %swap3A_53 = arith.index_cast %swap3A_52 : i32 to index
    %swap3A_54 = arith.constant 16 : index
    %swap3A_55 = tpu.vector_load %arg7[%swap3A_53, %swap3A_54] {strides = array<i32>} : memref<1x768xf32, #tpu.memory_space<vmem>>, vector<1x16xf32>,
    %swap3A_56 = vector.shape_cast %swap3A_55 : vector<1x16xf32> to vector<16xf32>
    %swap3A_57 = vector.shape_cast %scan3A_45#1 : vector<16xf32> to vector<1x16xf32>
    tpu.vector_store %arg7[%swap3A_53, %swap3A_54], %swap3A_57 {strides = array<i32>} : memref<1x768xf32, #tpu.memory_space<vmem>>, vector<1x16xf32>,
    %swap3A_58 = arith.constant 0 : i32
    %swap3A_59 = arith.index_cast %swap3A_58 : i32 to index
    %swap3A_60 = arith.constant 32 : index
    %swap3A_61 = tpu.vector_load %arg7[%swap3A_59, %swap3A_60] {strides = array<i32>} : memref<1x768xf32, #tpu.memory_space<vmem>>, vector<1x16xf32>,
    %swap3A_62 = vector.shape_cast %swap3A_61 : vector<1x16xf32> to vector<16xf32>
    %swap3A_63 = vector.shape_cast %scan3A_45#2 : vector<16xf32> to vector<1x16xf32>
    tpu.vector_store %arg7[%swap3A_59, %swap3A_60], %swap3A_63 {strides = array<i32>} : memref<1x768xf32, #tpu.memory_space<vmem>>, vector<1x16xf32>,
    %swap3A_64 = arith.constant 0 : i32
    %swap3A_65 = arith.index_cast %swap3A_64 : i32 to index
    %swap3A_66 = arith.constant 48 : index
    %swap3A_67 = tpu.vector_load %arg7[%swap3A_65, %swap3A_66] {strides = array<i32>} : memref<1x768xf32, #tpu.memory_space<vmem>>, vector<1x16xf32>,
    %swap3A_68 = vector.shape_cast %swap3A_67 : vector<1x16xf32> to vector<16xf32>
    %swap3A_69 = vector.shape_cast %scan3A_45#3 : vector<16xf32> to vector<1x16xf32>
    tpu.vector_store %arg7[%swap3A_65, %swap3A_66], %swap3A_69 {strides = array<i32>} : memref<1x768xf32, #tpu.memory_space<vmem>>, vector<1x16xf32>,
    %swap3A_70 = arith.constant 0 : i32
    %swap3A_71 = arith.index_cast %swap3A_70 : i32 to index
    %swap3A_72 = arith.constant 64 : index
    %swap3A_73 = tpu.vector_load %arg7[%swap3A_71, %swap3A_72] {strides = array<i32>} : memref<1x768xf32, #tpu.memory_space<vmem>>, vector<1x16xf32>,
    %swap3A_74 = vector.shape_cast %swap3A_73 : vector<1x16xf32> to vector<16xf32>
    %swap3A_75 = vector.shape_cast %scan3A_45#4 : vector<16xf32> to vector<1x16xf32>
    tpu.vector_store %arg7[%swap3A_71, %swap3A_72], %swap3A_75 {strides = array<i32>} : memref<1x768xf32, #tpu.memory_space<vmem>>, vector<1x16xf32>,
    %swap3A_76 = arith.constant 0 : i32
    %swap3A_77 = arith.index_cast %swap3A_76 : i32 to index
    %swap3A_78 = arith.constant 80 : index
    %swap3A_79 = tpu.vector_load %arg7[%swap3A_77, %swap3A_78] {strides = array<i32>} : memref<1x768xf32, #tpu.memory_space<vmem>>, vector<1x16xf32>,
    %swap3A_80 = vector.shape_cast %swap3A_79 : vector<1x16xf32> to vector<16xf32>
    %swap3A_81 = vector.shape_cast %scan3A_45#5 : vector<16xf32> to vector<1x16xf32>
    tpu.vector_store %arg7[%swap3A_77, %swap3A_78], %swap3A_81 {strides = array<i32>} : memref<1x768xf32, #tpu.memory_space<vmem>>, vector<1x16xf32>,
    %swap3A_82 = arith.constant 0 : i32
    %swap3A_83 = arith.index_cast %swap3A_82 : i32 to index
    %swap3A_84 = arith.constant 96 : index
    %swap3A_85 = tpu.vector_load %arg7[%swap3A_83, %swap3A_84] {strides = array<i32>} : memref<1x768xf32, #tpu.memory_space<vmem>>, vector<1x16xf32>,
    %swap3A_86 = vector.shape_cast %swap3A_85 : vector<1x16xf32> to vector<16xf32>
    %swap3A_87 = vector.shape_cast %scan3A_45#6 : vector<16xf32> to vector<1x16xf32>
    tpu.vector_store %arg7[%swap3A_83, %swap3A_84], %swap3A_87 {strides = array<i32>} : memref<1x768xf32, #tpu.memory_space<vmem>>, vector<1x16xf32>,
    %swap3A_88 = arith.constant 0 : i32
    %swap3A_89 = arith.index_cast %swap3A_88 : i32 to index
    %swap3A_90 = arith.constant 112 : index
    %swap3A_91 = tpu.vector_load %arg7[%swap3A_89, %swap3A_90] {strides = array<i32>} : memref<1x768xf32, #tpu.memory_space<vmem>>, vector<1x16xf32>,
    %swap3A_92 = vector.shape_cast %swap3A_91 : vector<1x16xf32> to vector<16xf32>
    %swap3A_93 = vector.shape_cast %scan3A_45#7 : vector<16xf32> to vector<1x16xf32>
    tpu.vector_store %arg7[%swap3A_89, %swap3A_90], %swap3A_93 {strides = array<i32>} : memref<1x768xf32, #tpu.memory_space<vmem>>, vector<1x16xf32>,
    %swap3A_94 = arith.constant 0 : i32
    %swap3A_95 = arith.index_cast %swap3A_94 : i32 to index
    %swap3A_96 = arith.constant 128 : index
    %swap3A_97 = tpu.vector_load %arg7[%swap3A_95, %swap3A_96] {strides = array<i32>} : memref<1x768xf32, #tpu.memory_space<vmem>>, vector<1x16xf32>,
    %swap3A_98 = vector.shape_cast %swap3A_97 : vector<1x16xf32> to vector<16xf32>
    %swap3A_99 = vector.shape_cast %scan3A_45#8 : vector<16xf32> to vector<1x16xf32>
    tpu.vector_store %arg7[%swap3A_95, %swap3A_96], %swap3A_99 {strides = array<i32>} : memref<1x768xf32, #tpu.memory_space<vmem>>, vector<1x16xf32>,
    %swap3A_100 = arith.constant 0 : i32
    %swap3A_101 = arith.index_cast %swap3A_100 : i32 to index
    %swap3A_102 = arith.constant 144 : index
    %swap3A_103 = tpu.vector_load %arg7[%swap3A_101, %swap3A_102] {strides = array<i32>} : memref<1x768xf32, #tpu.memory_space<vmem>>, vector<1x16xf32>,
    %swap3A_104 = vector.shape_cast %swap3A_103 : vector<1x16xf32> to vector<16xf32>
    %swap3A_105 = vector.shape_cast %scan3A_45#9 : vector<16xf32> to vector<1x16xf32>
    tpu.vector_store %arg7[%swap3A_101, %swap3A_102], %swap3A_105 {strides = array<i32>} : memref<1x768xf32, #tpu.memory_space<vmem>>, vector<1x16xf32>,
    %swap3A_106 = arith.constant 0 : i32
    %swap3A_107 = arith.index_cast %swap3A_106 : i32 to index
    %swap3A_108 = arith.constant 160 : index
    %swap3A_109 = tpu.vector_load %arg7[%swap3A_107, %swap3A_108] {strides = array<i32>} : memref<1x768xf32, #tpu.memory_space<vmem>>, vector<1x16xf32>,
    %swap3A_110 = vector.shape_cast %swap3A_109 : vector<1x16xf32> to vector<16xf32>
    %swap3A_111 = vector.shape_cast %scan3A_45#10 : vector<16xf32> to vector<1x16xf32>
    tpu.vector_store %arg7[%swap3A_107, %swap3A_108], %swap3A_111 {strides = array<i32>} : memref<1x768xf32, #tpu.memory_space<vmem>>, vector<1x16xf32>,
    %swap3A_112 = arith.constant 0 : i32
    %swap3A_113 = arith.index_cast %swap3A_112 : i32 to index
    %swap3A_114 = arith.constant 176 : index
    %swap3A_115 = tpu.vector_load %arg7[%swap3A_113, %swap3A_114] {strides = array<i32>} : memref<1x768xf32, #tpu.memory_space<vmem>>, vector<1x16xf32>,
    %swap3A_116 = vector.shape_cast %swap3A_115 : vector<1x16xf32> to vector<16xf32>
    %swap3A_117 = vector.shape_cast %scan3A_45#11 : vector<16xf32> to vector<1x16xf32>
    tpu.vector_store %arg7[%swap3A_113, %swap3A_114], %swap3A_117 {strides = array<i32>} : memref<1x768xf32, #tpu.memory_space<vmem>>, vector<1x16xf32>,
    %swap3A_118 = arith.constant 0 : i32
    %swap3A_119 = arith.index_cast %swap3A_118 : i32 to index
    %swap3A_120 = arith.constant 192 : index
    %swap3A_121 = tpu.vector_load %arg7[%swap3A_119, %swap3A_120] {strides = array<i32>} : memref<1x768xf32, #tpu.memory_space<vmem>>, vector<1x16xf32>,
    %swap3A_122 = vector.shape_cast %swap3A_121 : vector<1x16xf32> to vector<16xf32>
    %swap3A_123 = vector.shape_cast %scan3A_45#12 : vector<16xf32> to vector<1x16xf32>
    tpu.vector_store %arg7[%swap3A_119, %swap3A_120], %swap3A_123 {strides = array<i32>} : memref<1x768xf32, #tpu.memory_space<vmem>>, vector<1x16xf32>,
    %swap3A_124 = arith.constant 0 : i32
    %swap3A_125 = arith.index_cast %swap3A_124 : i32 to index
    %swap3A_126 = arith.constant 208 : index
    %swap3A_127 = tpu.vector_load %arg7[%swap3A_125, %swap3A_126] {strides = array<i32>} : memref<1x768xf32, #tpu.memory_space<vmem>>, vector<1x16xf32>,
    %swap3A_128 = vector.shape_cast %swap3A_127 : vector<1x16xf32> to vector<16xf32>
    %swap3A_129 = vector.shape_cast %scan3A_45#13 : vector<16xf32> to vector<1x16xf32>
    tpu.vector_store %arg7[%swap3A_125, %swap3A_126], %swap3A_129 {strides = array<i32>} : memref<1x768xf32, #tpu.memory_space<vmem>>, vector<1x16xf32>,
    %swap3A_130 = arith.constant 0 : i32
    %swap3A_131 = arith.index_cast %swap3A_130 : i32 to index
    %swap3A_132 = arith.constant 224 : index
    %swap3A_133 = tpu.vector_load %arg7[%swap3A_131, %swap3A_132] {strides = array<i32>} : memref<1x768xf32, #tpu.memory_space<vmem>>, vector<1x16xf32>,
    %swap3A_134 = vector.shape_cast %swap3A_133 : vector<1x16xf32> to vector<16xf32>
    %swap3A_135 = vector.shape_cast %scan3A_45#14 : vector<16xf32> to vector<1x16xf32>
    tpu.vector_store %arg7[%swap3A_131, %swap3A_132], %swap3A_135 {strides = array<i32>} : memref<1x768xf32, #tpu.memory_space<vmem>>, vector<1x16xf32>,
    %swap3A_136 = arith.constant 0 : i32
    %swap3A_137 = arith.index_cast %swap3A_136 : i32 to index
    %swap3A_138 = arith.constant 240 : index
    %swap3A_139 = tpu.vector_load %arg7[%swap3A_137, %swap3A_138] {strides = array<i32>} : memref<1x768xf32, #tpu.memory_space<vmem>>, vector<1x16xf32>,
    %swap3A_140 = vector.shape_cast %swap3A_139 : vector<1x16xf32> to vector<16xf32>
    %swap3A_141 = vector.shape_cast %scan3A_45#15 : vector<16xf32> to vector<1x16xf32>
    tpu.vector_store %arg7[%swap3A_137, %swap3A_138], %swap3A_141 {strides = array<i32>} : memref<1x768xf32, #tpu.memory_space<vmem>>, vector<1x16xf32>,
    %scan3A_142 = arith.constant 0 : i32
    %scan3A_143 = arith.constant 16 : i32
    %scan3A_144 = arith.addi %scan3A_142, %scan3A_143 : i32
    %scan3A_145 = arith.constant 1 : i32
    %scan3A_146:16 = scf.for %scan3A_1288 = %scan3A_142 to %scan3A_144 step %scan3A_145 iter_args(%scan3A_1289 = %broadcast_in_dim3A_34, %scan3A_1290 = %broadcast_in_dim3A_34, %scan3A_1291 = %broadcast_in_dim3A_34, %scan3A_1292 = %broadcast_in_dim3A_34, %scan3A_1293 = %broadcast_in_dim3A_34, %scan3A_1294 = %broadcast_in_dim3A_34, %scan3A_1295 = %broadcast_in_dim3A_34, %scan3A_1296 = %broadcast_in_dim3A_34, %scan3A_1297 = %broadcast_in_dim3A_34, %scan3A_1298 = %broadcast_in_dim3A_34, %scan3A_1299 = %broadcast_in_dim3A_34, %scan3A_1300 = %broadcast_in_dim3A_34, %scan3A_1301 = %broadcast_in_dim3A_34, %scan3A_1302 = %broadcast_in_dim3A_34, %scan3A_1303 = %broadcast_in_dim3A_34, %scan3A_1304 = %broadcast_in_dim3A_34) -> (vector<16xf32>, vector<16xf32>, vector<16xf32>, vector<16xf32>, vector<16xf32>, vector<16xf32>, vector<16xf32>, vector<16xf32>, vector<16xf32>, vector<16xf32>, vector<16xf32>, vector<16xf32>, vector<16xf32>, vector<16xf32>, vector<16xf32>, vector<16xf32>)  : i32 {
      %mul3A_1305 = arith.constant 1 : i32
      %mul3A_1306 = arith.muli %scan3A_1288, %mul3A_1305 : i32
      %add3A_1307 = arith.constant 0 : i32
      %add3A_1308 = arith.addi %add3A_1307, %mul3A_1306 : i32
      %add3A_1309 = arith.constant 0 : i32
      %add3A_1310 = arith.addi %add3A_1308, %add3A_1309 : i32
      %get3A = arith.index_cast %add3A_1310 : i32 to index
      %get3A_1311 = arith.constant 256 : index
      %get3A_1312 = tpu.vector_load %arg6[%get3A, %get3A_1311] {strides = array<i32>} : memref<64x768xf32, #tpu.memory_space<vmem>>, vector<1x16xf32>,
      %get3A_1313 = vector.shape_cast %get3A_1312 : vector<1x16xf32> to vector<16xf32>
      %add3A_1314 = arith.addf %scan3A_1289, %get3A_1313 : vector<16xf32>
      %mul3A_1315 = arith.constant 1 : i32
      %mul3A_1316 = arith.muli %scan3A_1288, %mul3A_1315 : i32
      %add3A_1317 = arith.constant 0 : i32
      %add3A_1318 = arith.addi %add3A_1317, %mul3A_1316 : i32
      %add3A_1319 = arith.constant 0 : i32
      %add3A_1320 = arith.addi %add3A_1318, %add3A_1319 : i32
      %get3A_1321 = arith.index_cast %add3A_1320 : i32 to index
      %get3A_1322 = arith.constant 272 : index
      %get3A_1323 = tpu.vector_load %arg6[%get3A_1321, %get3A_1322] {strides = array<i32>} : memref<64x768xf32, #tpu.memory_space<vmem>>, vector<1x16xf32>,
      %get3A_1324 = vector.shape_cast %get3A_1323 : vector<1x16xf32> to vector<16xf32>
      %add3A_1325 = arith.addf %scan3A_1290, %get3A_1324 : vector<16xf32>
      %mul3A_1326 = arith.constant 1 : i32
      %mul3A_1327 = arith.muli %scan3A_1288, %mul3A_1326 : i32
      %add3A_1328 = arith.constant 0 : i32
      %add3A_1329 = arith.addi %add3A_1328, %mul3A_1327 : i32
      %add3A_1330 = arith.constant 0 : i32
      %add3A_1331 = arith.addi %add3A_1329, %add3A_1330 : i32
      %get3A_1332 = arith.index_cast %add3A_1331 : i32 to index
      %get3A_1333 = arith.constant 288 : index
      %get3A_1334 = tpu.vector_load %arg6[%get3A_1332, %get3A_1333] {strides = array<i32>} : memref<64x768xf32, #tpu.memory_space<vmem>>, vector<1x16xf32>,
      %get3A_1335 = vector.shape_cast %get3A_1334 : vector<1x16xf32> to vector<16xf32>
      %add3A_1336 = arith.addf %scan3A_1291, %get3A_1335 : vector<16xf32>
      %mul3A_1337 = arith.constant 1 : i32
      %mul3A_1338 = arith.muli %scan3A_1288, %mul3A_1337 : i32
      %add3A_1339 = arith.constant 0 : i32
      %add3A_1340 = arith.addi %add3A_1339, %mul3A_1338 : i32
      %add3A_1341 = arith.constant 0 : i32
      %add3A_1342 = arith.addi %add3A_1340, %add3A_1341 : i32
      %get3A_1343 = arith.index_cast %add3A_1342 : i32 to index
      %get3A_1344 = arith.constant 304 : index
      %get3A_1345 = tpu.vector_load %arg6[%get3A_1343, %get3A_1344] {strides = array<i32>} : memref<64x768xf32, #tpu.memory_space<vmem>>, vector<1x16xf32>,
      %get3A_1346 = vector.shape_cast %get3A_1345 : vector<1x16xf32> to vector<16xf32>
      %add3A_1347 = arith.addf %scan3A_1292, %get3A_1346 : vector<16xf32>
      %mul3A_1348 = arith.constant 1 : i32
      %mul3A_1349 = arith.muli %scan3A_1288, %mul3A_1348 : i32
      %add3A_1350 = arith.constant 0 : i32
      %add3A_1351 = arith.addi %add3A_1350, %mul3A_1349 : i32
      %add3A_1352 = arith.constant 0 : i32
      %add3A_1353 = arith.addi %add3A_1351, %add3A_1352 : i32
      %get3A_1354 = arith.index_cast %add3A_1353 : i32 to index
      %get3A_1355 = arith.constant 320 : index
      %get3A_1356 = tpu.vector_load %arg6[%get3A_1354, %get3A_1355] {strides = array<i32>} : memref<64x768xf32, #tpu.memory_space<vmem>>, vector<1x16xf32>,
      %get3A_1357 = vector.shape_cast %get3A_1356 : vector<1x16xf32> to vector<16xf32>
      %add3A_1358 = arith.addf %scan3A_1293, %get3A_1357 : vector<16xf32>
      %mul3A_1359 = arith.constant 1 : i32
      %mul3A_1360 = arith.muli %scan3A_1288, %mul3A_1359 : i32
      %add3A_1361 = arith.constant 0 : i32
      %add3A_1362 = arith.addi %add3A_1361, %mul3A_1360 : i32
      %add3A_1363 = arith.constant 0 : i32
      %add3A_1364 = arith.addi %add3A_1362, %add3A_1363 : i32
      %get3A_1365 = arith.index_cast %add3A_1364 : i32 to index
      %get3A_1366 = arith.constant 336 : index
      %get3A_1367 = tpu.vector_load %arg6[%get3A_1365, %get3A_1366] {strides = array<i32>} : memref<64x768xf32, #tpu.memory_space<vmem>>, vector<1x16xf32>,
      %get3A_1368 = vector.shape_cast %get3A_1367 : vector<1x16xf32> to vector<16xf32>
      %add3A_1369 = arith.addf %scan3A_1294, %get3A_1368 : vector<16xf32>
      %mul3A_1370 = arith.constant 1 : i32
      %mul3A_1371 = arith.muli %scan3A_1288, %mul3A_1370 : i32
      %add3A_1372 = arith.constant 0 : i32
      %add3A_1373 = arith.addi %add3A_1372, %mul3A_1371 : i32
      %add3A_1374 = arith.constant 0 : i32
      %add3A_1375 = arith.addi %add3A_1373, %add3A_1374 : i32
      %get3A_1376 = arith.index_cast %add3A_1375 : i32 to index
      %get3A_1377 = arith.constant 352 : index
      %get3A_1378 = tpu.vector_load %arg6[%get3A_1376, %get3A_1377] {strides = array<i32>} : memref<64x768xf32, #tpu.memory_space<vmem>>, vector<1x16xf32>,
      %get3A_1379 = vector.shape_cast %get3A_1378 : vector<1x16xf32> to vector<16xf32>
      %add3A_1380 = arith.addf %scan3A_1295, %get3A_1379 : vector<16xf32>
      %mul3A_1381 = arith.constant 1 : i32
      %mul3A_1382 = arith.muli %scan3A_1288, %mul3A_1381 : i32
      %add3A_1383 = arith.constant 0 : i32
      %add3A_1384 = arith.addi %add3A_1383, %mul3A_1382 : i32
      %add3A_1385 = arith.constant 0 : i32
      %add3A_1386 = arith.addi %add3A_1384, %add3A_1385 : i32
      %get3A_1387 = arith.index_cast %add3A_1386 : i32 to index
      %get3A_1388 = arith.constant 368 : index
      %get3A_1389 = tpu.vector_load %arg6[%get3A_1387, %get3A_1388] {strides = array<i32>} : memref<64x768xf32, #tpu.memory_space<vmem>>, vector<1x16xf32>,
      %get3A_1390 = vector.shape_cast %get3A_1389 : vector<1x16xf32> to vector<16xf32>
      %add3A_1391 = arith.addf %scan3A_1296, %get3A_1390 : vector<16xf32>
      %mul3A_1392 = arith.constant 1 : i32
      %mul3A_1393 = arith.muli %scan3A_1288, %mul3A_1392 : i32
      %add3A_1394 = arith.constant 0 : i32
      %add3A_1395 = arith.addi %add3A_1394, %mul3A_1393 : i32
      %add3A_1396 = arith.constant 0 : i32
      %add3A_1397 = arith.addi %add3A_1395, %add3A_1396 : i32
      %get3A_1398 = arith.index_cast %add3A_1397 : i32 to index
      %get3A_1399 = arith.constant 384 : index
      %get3A_1400 = tpu.vector_load %arg6[%get3A_1398, %get3A_1399] {strides = array<i32>} : memref<64x768xf32, #tpu.memory_space<vmem>>, vector<1x16xf32>,
      %get3A_1401 = vector.shape_cast %get3A_1400 : vector<1x16xf32> to vector<16xf32>
      %add3A_1402 = arith.addf %scan3A_1297, %get3A_1401 : vector<16xf32>
      %mul3A_1403 = arith.constant 1 : i32
      %mul3A_1404 = arith.muli %scan3A_1288, %mul3A_1403 : i32
      %add3A_1405 = arith.constant 0 : i32
      %add3A_1406 = arith.addi %add3A_1405, %mul3A_1404 : i32
      %add3A_1407 = arith.constant 0 : i32
      %add3A_1408 = arith.addi %add3A_1406, %add3A_1407 : i32
      %get3A_1409 = arith.index_cast %add3A_1408 : i32 to index
      %get3A_1410 = arith.constant 400 : index
      %get3A_1411 = tpu.vector_load %arg6[%get3A_1409, %get3A_1410] {strides = array<i32>} : memref<64x768xf32, #tpu.memory_space<vmem>>, vector<1x16xf32>,
      %get3A_1412 = vector.shape_cast %get3A_1411 : vector<1x16xf32> to vector<16xf32>
      %add3A_1413 = arith.addf %scan3A_1298, %get3A_1412 : vector<16xf32>
      %mul3A_1414 = arith.constant 1 : i32
      %mul3A_1415 = arith.muli %scan3A_1288, %mul3A_1414 : i32
      %add3A_1416 = arith.constant 0 : i32
      %add3A_1417 = arith.addi %add3A_1416, %mul3A_1415 : i32
      %add3A_1418 = arith.constant 0 : i32
      %add3A_1419 = arith.addi %add3A_1417, %add3A_1418 : i32
      %get3A_1420 = arith.index_cast %add3A_1419 : i32 to index
      %get3A_1421 = arith.constant 416 : index
      %get3A_1422 = tpu.vector_load %arg6[%get3A_1420, %get3A_1421] {strides = array<i32>} : memref<64x768xf32, #tpu.memory_space<vmem>>, vector<1x16xf32>,
      %get3A_1423 = vector.shape_cast %get3A_1422 : vector<1x16xf32> to vector<16xf32>
      %add3A_1424 = arith.addf %scan3A_1299, %get3A_1423 : vector<16xf32>
      %mul3A_1425 = arith.constant 1 : i32
      %mul3A_1426 = arith.muli %scan3A_1288, %mul3A_1425 : i32
      %add3A_1427 = arith.constant 0 : i32
      %add3A_1428 = arith.addi %add3A_1427, %mul3A_1426 : i32
      %add3A_1429 = arith.constant 0 : i32
      %add3A_1430 = arith.addi %add3A_1428, %add3A_1429 : i32
      %get3A_1431 = arith.index_cast %add3A_1430 : i32 to index
      %get3A_1432 = arith.constant 432 : index
      %get3A_1433 = tpu.vector_load %arg6[%get3A_1431, %get3A_1432] {strides = array<i32>} : memref<64x768xf32, #tpu.memory_space<vmem>>, vector<1x16xf32>,
      %get3A_1434 = vector.shape_cast %get3A_1433 : vector<1x16xf32> to vector<16xf32>
      %add3A_1435 = arith.addf %scan3A_1300, %get3A_1434 : vector<16xf32>
      %mul3A_1436 = arith.constant 1 : i32
      %mul3A_1437 = arith.muli %scan3A_1288, %mul3A_1436 : i32
      %add3A_1438 = arith.constant 0 : i32
      %add3A_1439 = arith.addi %add3A_1438, %mul3A_1437 : i32
      %add3A_1440 = arith.constant 0 : i32
      %add3A_1441 = arith.addi %add3A_1439, %add3A_1440 : i32
      %get3A_1442 = arith.index_cast %add3A_1441 : i32 to index
      %get3A_1443 = arith.constant 448 : index
      %get3A_1444 = tpu.vector_load %arg6[%get3A_1442, %get3A_1443] {strides = array<i32>} : memref<64x768xf32, #tpu.memory_space<vmem>>, vector<1x16xf32>,
      %get3A_1445 = vector.shape_cast %get3A_1444 : vector<1x16xf32> to vector<16xf32>
      %add3A_1446 = arith.addf %scan3A_1301, %get3A_1445 : vector<16xf32>
      %mul3A_1447 = arith.constant 1 : i32
      %mul3A_1448 = arith.muli %scan3A_1288, %mul3A_1447 : i32
      %add3A_1449 = arith.constant 0 : i32
      %add3A_1450 = arith.addi %add3A_1449, %mul3A_1448 : i32
      %add3A_1451 = arith.constant 0 : i32
      %add3A_1452 = arith.addi %add3A_1450, %add3A_1451 : i32
      %get3A_1453 = arith.index_cast %add3A_1452 : i32 to index
      %get3A_1454 = arith.constant 464 : index
      %get3A_1455 = tpu.vector_load %arg6[%get3A_1453, %get3A_1454] {strides = array<i32>} : memref<64x768xf32, #tpu.memory_space<vmem>>, vector<1x16xf32>,
      %get3A_1456 = vector.shape_cast %get3A_1455 : vector<1x16xf32> to vector<16xf32>
      %add3A_1457 = arith.addf %scan3A_1302, %get3A_1456 : vector<16xf32>
      %mul3A_1458 = arith.constant 1 : i32
      %mul3A_1459 = arith.muli %scan3A_1288, %mul3A_1458 : i32
      %add3A_1460 = arith.constant 0 : i32
      %add3A_1461 = arith.addi %add3A_1460, %mul3A_1459 : i32
      %add3A_1462 = arith.constant 0 : i32
      %add3A_1463 = arith.addi %add3A_1461, %add3A_1462 : i32
      %get3A_1464 = arith.index_cast %add3A_1463 : i32 to index
      %get3A_1465 = arith.constant 480 : index
      %get3A_1466 = tpu.vector_load %arg6[%get3A_1464, %get3A_1465] {strides = array<i32>} : memref<64x768xf32, #tpu.memory_space<vmem>>, vector<1x16xf32>,
      %get3A_1467 = vector.shape_cast %get3A_1466 : vector<1x16xf32> to vector<16xf32>
      %add3A_1468 = arith.addf %scan3A_1303, %get3A_1467 : vector<16xf32>
      %mul3A_1469 = arith.constant 1 : i32
      %mul3A_1470 = arith.muli %scan3A_1288, %mul3A_1469 : i32
      %add3A_1471 = arith.constant 0 : i32
      %add3A_1472 = arith.addi %add3A_1471, %mul3A_1470 : i32
      %add3A_1473 = arith.constant 0 : i32
      %add3A_1474 = arith.addi %add3A_1472, %add3A_1473 : i32
      %get3A_1475 = arith.index_cast %add3A_1474 : i32 to index
      %get3A_1476 = arith.constant 496 : index
      %get3A_1477 = tpu.vector_load %arg6[%get3A_1475, %get3A_1476] {strides = array<i32>} : memref<64x768xf32, #tpu.memory_space<vmem>>, vector<1x16xf32>,
      %get3A_1478 = vector.shape_cast %get3A_1477 : vector<1x16xf32> to vector<16xf32>
      %add3A_1479 = arith.addf %scan3A_1304, %get3A_1478 : vector<16xf32>
      scf.yield %add3A_1314, %add3A_1325, %add3A_1336, %add3A_1347, %add3A_1358, %add3A_1369, %add3A_1380, %add3A_1391, %add3A_1402, %add3A_1413, %add3A_1424, %add3A_1435, %add3A_1446, %add3A_1457, %add3A_1468, %add3A_1479 : vector<16xf32>, vector<16xf32>, vector<16xf32>, vector<16xf32>, vector<16xf32>, vector<16xf32>, vector<16xf32>, vector<16xf32>, vector<16xf32>, vector<16xf32>, vector<16xf32>, vector<16xf32>, vector<16xf32>, vector<16xf32>, vector<16xf32>, vector<16xf32>
    }
    %scan3A_147 = arith.constant 16 : i32
    %swap3A_148 = arith.constant 0 : i32
    %swap3A_149 = arith.index_cast %swap3A_148 : i32 to index
    %swap3A_150 = arith.constant 256 : index
    %swap3A_151 = tpu.vector_load %arg7[%swap3A_149, %swap3A_150] {strides = array<i32>} : memref<1x768xf32, #tpu.memory_space<vmem>>, vector<1x16xf32>,
    %swap3A_152 = vector.shape_cast %swap3A_151 : vector<1x16xf32> to vector<16xf32>
    %swap3A_153 = vector.shape_cast %scan3A_146#0 : vector<16xf32> to vector<1x16xf32>
    tpu.vector_store %arg7[%swap3A_149, %swap3A_150], %swap3A_153 {strides = array<i32>} : memref<1x768xf32, #tpu.memory_space<vmem>>, vector<1x16xf32>,
    %swap3A_154 = arith.constant 0 : i32
    %swap3A_155 = arith.index_cast %swap3A_154 : i32 to index
    %swap3A_156 = arith.constant 272 : index
    %swap3A_157 = tpu.vector_load %arg7[%swap3A_155, %swap3A_156] {strides = array<i32>} : memref<1x768xf32, #tpu.memory_space<vmem>>, vector<1x16xf32>,
    %swap3A_158 = vector.shape_cast %swap3A_157 : vector<1x16xf32> to vector<16xf32>
    %swap3A_159 = vector.shape_cast %scan3A_146#1 : vector<16xf32> to vector<1x16xf32>
    tpu.vector_store %arg7[%swap3A_155, %swap3A_156], %swap3A_159 {strides = array<i32>} : memref<1x768xf32, #tpu.memory_space<vmem>>, vector<1x16xf32>,
    %swap3A_160 = arith.constant 0 : i32
    %swap3A_161 = arith.index_cast %swap3A_160 : i32 to index
    %swap3A_162 = arith.constant 288 : index
    %swap3A_163 = tpu.vector_load %arg7[%swap3A_161, %swap3A_162] {strides = array<i32>} : memref<1x768xf32, #tpu.memory_space<vmem>>, vector<1x16xf32>,
    %swap3A_164 = vector.shape_cast %swap3A_163 : vector<1x16xf32> to vector<16xf32>
    %swap3A_165 = vector.shape_cast %scan3A_146#2 : vector<16xf32> to vector<1x16xf32>
    tpu.vector_store %arg7[%swap3A_161, %swap3A_162], %swap3A_165 {strides = array<i32>} : memref<1x768xf32, #tpu.memory_space<vmem>>, vector<1x16xf32>,
    %swap3A_166 = arith.constant 0 : i32
    %swap3A_167 = arith.index_cast %swap3A_166 : i32 to index
    %swap3A_168 = arith.constant 304 : index
    %swap3A_169 = tpu.vector_load %arg7[%swap3A_167, %swap3A_168] {strides = array<i32>} : memref<1x768xf32, #tpu.memory_space<vmem>>, vector<1x16xf32>,
    %swap3A_170 = vector.shape_cast %swap3A_169 : vector<1x16xf32> to vector<16xf32>
    %swap3A_171 = vector.shape_cast %scan3A_146#3 : vector<16xf32> to vector<1x16xf32>
    tpu.vector_store %arg7[%swap3A_167, %swap3A_168], %swap3A_171 {strides = array<i32>} : memref<1x768xf32, #tpu.memory_space<vmem>>, vector<1x16xf32>,
    %swap3A_172 = arith.constant 0 : i32
    %swap3A_173 = arith.index_cast %swap3A_172 : i32 to index
    %swap3A_174 = arith.constant 320 : index
    %swap3A_175 = tpu.vector_load %arg7[%swap3A_173, %swap3A_174] {strides = array<i32>} : memref<1x768xf32, #tpu.memory_space<vmem>>, vector<1x16xf32>,
    %swap3A_176 = vector.shape_cast %swap3A_175 : vector<1x16xf32> to vector<16xf32>
    %swap3A_177 = vector.shape_cast %scan3A_146#4 : vector<16xf32> to vector<1x16xf32>
    tpu.vector_store %arg7[%swap3A_173, %swap3A_174], %swap3A_177 {strides = array<i32>} : memref<1x768xf32, #tpu.memory_space<vmem>>, vector<1x16xf32>,
    %swap3A_178 = arith.constant 0 : i32
    %swap3A_179 = arith.index_cast %swap3A_178 : i32 to index
    %swap3A_180 = arith.constant 336 : index
    %swap3A_181 = tpu.vector_load %arg7[%swap3A_179, %swap3A_180] {strides = array<i32>} : memref<1x768xf32, #tpu.memory_space<vmem>>, vector<1x16xf32>,
    %swap3A_182 = vector.shape_cast %swap3A_181 : vector<1x16xf32> to vector<16xf32>
    %swap3A_183 = vector.shape_cast %scan3A_146#5 : vector<16xf32> to vector<1x16xf32>
    tpu.vector_store %arg7[%swap3A_179, %swap3A_180], %swap3A_183 {strides = array<i32>} : memref<1x768xf32, #tpu.memory_space<vmem>>, vector<1x16xf32>,
    %swap3A_184 = arith.constant 0 : i32
    %swap3A_185 = arith.index_cast %swap3A_184 : i32 to index
    %swap3A_186 = arith.constant 352 : index
    %swap3A_187 = tpu.vector_load %arg7[%swap3A_185, %swap3A_186] {strides = array<i32>} : memref<1x768xf32, #tpu.memory_space<vmem>>, vector<1x16xf32>,
    %swap3A_188 = vector.shape_cast %swap3A_187 : vector<1x16xf32> to vector<16xf32>
    %swap3A_189 = vector.shape_cast %scan3A_146#6 : vector<16xf32> to vector<1x16xf32>
    tpu.vector_store %arg7[%swap3A_185, %swap3A_186], %swap3A_189 {strides = array<i32>} : memref<1x768xf32, #tpu.memory_space<vmem>>, vector<1x16xf32>,
    %swap3A_190 = arith.constant 0 : i32
    %swap3A_191 = arith.index_cast %swap3A_190 : i32 to index
    %swap3A_192 = arith.constant 368 : index
    %swap3A_193 = tpu.vector_load %arg7[%swap3A_191, %swap3A_192] {strides = array<i32>} : memref<1x768xf32, #tpu.memory_space<vmem>>, vector<1x16xf32>,
    %swap3A_194 = vector.shape_cast %swap3A_193 : vector<1x16xf32> to vector<16xf32>
    %swap3A_195 = vector.shape_cast %scan3A_146#7 : vector<16xf32> to vector<1x16xf32>
    tpu.vector_store %arg7[%swap3A_191, %swap3A_192], %swap3A_195 {strides = array<i32>} : memref<1x768xf32, #tpu.memory_space<vmem>>, vector<1x16xf32>,
    %swap3A_196 = arith.constant 0 : i32
    %swap3A_197 = arith.index_cast %swap3A_196 : i32 to index
    %swap3A_198 = arith.constant 384 : index
    %swap3A_199 = tpu.vector_load %arg7[%swap3A_197, %swap3A_198] {strides = array<i32>} : memref<1x768xf32, #tpu.memory_space<vmem>>, vector<1x16xf32>,
    %swap3A_200 = vector.shape_cast %swap3A_199 : vector<1x16xf32> to vector<16xf32>
    %swap3A_201 = vector.shape_cast %scan3A_146#8 : vector<16xf32> to vector<1x16xf32>
    tpu.vector_store %arg7[%swap3A_197, %swap3A_198], %swap3A_201 {strides = array<i32>} : memref<1x768xf32, #tpu.memory_space<vmem>>, vector<1x16xf32>,
    %swap3A_202 = arith.constant 0 : i32
    %swap3A_203 = arith.index_cast %swap3A_202 : i32 to index
    %swap3A_204 = arith.constant 400 : index
    %swap3A_205 = tpu.vector_load %arg7[%swap3A_203, %swap3A_204] {strides = array<i32>} : memref<1x768xf32, #tpu.memory_space<vmem>>, vector<1x16xf32>,
    %swap3A_206 = vector.shape_cast %swap3A_205 : vector<1x16xf32> to vector<16xf32>
    %swap3A_207 = vector.shape_cast %scan3A_146#9 : vector<16xf32> to vector<1x16xf32>
    tpu.vector_store %arg7[%swap3A_203, %swap3A_204], %swap3A_207 {strides = array<i32>} : memref<1x768xf32, #tpu.memory_space<vmem>>, vector<1x16xf32>,
    %swap3A_208 = arith.constant 0 : i32
    %swap3A_209 = arith.index_cast %swap3A_208 : i32 to index
    %swap3A_210 = arith.constant 416 : index
    %swap3A_211 = tpu.vector_load %arg7[%swap3A_209, %swap3A_210] {strides = array<i32>} : memref<1x768xf32, #tpu.memory_space<vmem>>, vector<1x16xf32>,
    %swap3A_212 = vector.shape_cast %swap3A_211 : vector<1x16xf32> to vector<16xf32>
    %swap3A_213 = vector.shape_cast %scan3A_146#10 : vector<16xf32> to vector<1x16xf32>
    tpu.vector_store %arg7[%swap3A_209, %swap3A_210], %swap3A_213 {strides = array<i32>} : memref<1x768xf32, #tpu.memory_space<vmem>>, vector<1x16xf32>,
    %swap3A_214 = arith.constant 0 : i32
    %swap3A_215 = arith.index_cast %swap3A_214 : i32 to index
    %swap3A_216 = arith.constant 432 : index
    %swap3A_217 = tpu.vector_load %arg7[%swap3A_215, %swap3A_216] {strides = array<i32>} : memref<1x768xf32, #tpu.memory_space<vmem>>, vector<1x16xf32>,
    %swap3A_218 = vector.shape_cast %swap3A_217 : vector<1x16xf32> to vector<16xf32>
    %swap3A_219 = vector.shape_cast %scan3A_146#11 : vector<16xf32> to vector<1x16xf32>
    tpu.vector_store %arg7[%swap3A_215, %swap3A_216], %swap3A_219 {strides = array<i32>} : memref<1x768xf32, #tpu.memory_space<vmem>>, vector<1x16xf32>,
    %swap3A_220 = arith.constant 0 : i32
    %swap3A_221 = arith.index_cast %swap3A_220 : i32 to index
    %swap3A_222 = arith.constant 448 : index
    %swap3A_223 = tpu.vector_load %arg7[%swap3A_221, %swap3A_222] {strides = array<i32>} : memref<1x768xf32, #tpu.memory_space<vmem>>, vector<1x16xf32>,
    %swap3A_224 = vector.shape_cast %swap3A_223 : vector<1x16xf32> to vector<16xf32>
    %swap3A_225 = vector.shape_cast %scan3A_146#12 : vector<16xf32> to vector<1x16xf32>
    tpu.vector_store %arg7[%swap3A_221, %swap3A_222], %swap3A_225 {strides = array<i32>} : memref<1x768xf32, #tpu.memory_space<vmem>>, vector<1x16xf32>,
    %swap3A_226 = arith.constant 0 : i32
    %swap3A_227 = arith.index_cast %swap3A_226 : i32 to index
    %swap3A_228 = arith.constant 464 : index
    %swap3A_229 = tpu.vector_load %arg7[%swap3A_227, %swap3A_228] {strides = array<i32>} : memref<1x768xf32, #tpu.memory_space<vmem>>, vector<1x16xf32>,
    %swap3A_230 = vector.shape_cast %swap3A_229 : vector<1x16xf32> to vector<16xf32>
    %swap3A_231 = vector.shape_cast %scan3A_146#13 : vector<16xf32> to vector<1x16xf32>
    tpu.vector_store %arg7[%swap3A_227, %swap3A_228], %swap3A_231 {strides = array<i32>} : memref<1x768xf32, #tpu.memory_space<vmem>>, vector<1x16xf32>,
    %swap3A_232 = arith.constant 0 : i32
    %swap3A_233 = arith.index_cast %swap3A_232 : i32 to index
    %swap3A_234 = arith.constant 480 : index
    %swap3A_235 = tpu.vector_load %arg7[%swap3A_233, %swap3A_234] {strides = array<i32>} : memref<1x768xf32, #tpu.memory_space<vmem>>, vector<1x16xf32>,
    %swap3A_236 = vector.shape_cast %swap3A_235 : vector<1x16xf32> to vector<16xf32>
    %swap3A_237 = vector.shape_cast %scan3A_146#14 : vector<16xf32> to vector<1x16xf32>
    tpu.vector_store %arg7[%swap3A_233, %swap3A_234], %swap3A_237 {strides = array<i32>} : memref<1x768xf32, #tpu.memory_space<vmem>>, vector<1x16xf32>,
    %swap3A_238 = arith.constant 0 : i32
    %swap3A_239 = arith.index_cast %swap3A_238 : i32 to index
    %swap3A_240 = arith.constant 496 : index
    %swap3A_241 = tpu.vector_load %arg7[%swap3A_239, %swap3A_240] {strides = array<i32>} : memref<1x768xf32, #tpu.memory_space<vmem>>, vector<1x16xf32>,
    %swap3A_242 = vector.shape_cast %swap3A_241 : vector<1x16xf32> to vector<16xf32>
    %swap3A_243 = vector.shape_cast %scan3A_146#15 : vector<16xf32> to vector<1x16xf32>
    tpu.vector_store %arg7[%swap3A_239, %swap3A_240], %swap3A_243 {strides = array<i32>} : memref<1x768xf32, #tpu.memory_space<vmem>>, vector<1x16xf32>,
    %scan3A_244 = arith.constant 0 : i32
    %scan3A_245 = arith.constant 16 : i32
    %scan3A_246 = arith.addi %scan3A_244, %scan3A_245 : i32
    %scan3A_247 = arith.constant 1 : i32
    %scan3A_248:16 = scf.for %scan3A_1288 = %scan3A_244 to %scan3A_246 step %scan3A_247 iter_args(%scan3A_1289 = %broadcast_in_dim3A_34, %scan3A_1290 = %broadcast_in_dim3A_34, %scan3A_1291 = %broadcast_in_dim3A_34, %scan3A_1292 = %broadcast_in_dim3A_34, %scan3A_1293 = %broadcast_in_dim3A_34, %scan3A_1294 = %broadcast_in_dim3A_34, %scan3A_1295 = %broadcast_in_dim3A_34, %scan3A_1296 = %broadcast_in_dim3A_34, %scan3A_1297 = %broadcast_in_dim3A_34, %scan3A_1298 = %broadcast_in_dim3A_34, %scan3A_1299 = %broadcast_in_dim3A_34, %scan3A_1300 = %broadcast_in_dim3A_34, %scan3A_1301 = %broadcast_in_dim3A_34, %scan3A_1302 = %broadcast_in_dim3A_34, %scan3A_1303 = %broadcast_in_dim3A_34, %scan3A_1304 = %broadcast_in_dim3A_34) -> (vector<16xf32>, vector<16xf32>, vector<16xf32>, vector<16xf32>, vector<16xf32>, vector<16xf32>, vector<16xf32>, vector<16xf32>, vector<16xf32>, vector<16xf32>, vector<16xf32>, vector<16xf32>, vector<16xf32>, vector<16xf32>, vector<16xf32>, vector<16xf32>)  : i32 {
      %mul3A_1305 = arith.constant 1 : i32
      %mul3A_1306 = arith.muli %scan3A_1288, %mul3A_1305 : i32
      %add3A_1307 = arith.constant 0 : i32
      %add3A_1308 = arith.addi %add3A_1307, %mul3A_1306 : i32
      %add3A_1309 = arith.constant 0 : i32
      %add3A_1310 = arith.addi %add3A_1308, %add3A_1309 : i32
      %get3A = arith.index_cast %add3A_1310 : i32 to index
      %get3A_1311 = arith.constant 512 : index
      %get3A_1312 = tpu.vector_load %arg6[%get3A, %get3A_1311] {strides = array<i32>} : memref<64x768xf32, #tpu.memory_space<vmem>>, vector<1x16xf32>,
      %get3A_1313 = vector.shape_cast %get3A_1312 : vector<1x16xf32> to vector<16xf32>
      %add3A_1314 = arith.addf %scan3A_1289, %get3A_1313 : vector<16xf32>
      %mul3A_1315 = arith.constant 1 : i32
      %mul3A_1316 = arith.muli %scan3A_1288, %mul3A_1315 : i32
      %add3A_1317 = arith.constant 0 : i32
      %add3A_1318 = arith.addi %add3A_1317, %mul3A_1316 : i32
      %add3A_1319 = arith.constant 0 : i32
      %add3A_1320 = arith.addi %add3A_1318, %add3A_1319 : i32
      %get3A_1321 = arith.index_cast %add3A_1320 : i32 to index
      %get3A_1322 = arith.constant 528 : index
      %get3A_1323 = tpu.vector_load %arg6[%get3A_1321, %get3A_1322] {strides = array<i32>} : memref<64x768xf32, #tpu.memory_space<vmem>>, vector<1x16xf32>,
      %get3A_1324 = vector.shape_cast %get3A_1323 : vector<1x16xf32> to vector<16xf32>
      %add3A_1325 = arith.addf %scan3A_1290, %get3A_1324 : vector<16xf32>
      %mul3A_1326 = arith.constant 1 : i32
      %mul3A_1327 = arith.muli %scan3A_1288, %mul3A_1326 : i32
      %add3A_1328 = arith.constant 0 : i32
      %add3A_1329 = arith.addi %add3A_1328, %mul3A_1327 : i32
      %add3A_1330 = arith.constant 0 : i32
      %add3A_1331 = arith.addi %add3A_1329, %add3A_1330 : i32
      %get3A_1332 = arith.index_cast %add3A_1331 : i32 to index
      %get3A_1333 = arith.constant 544 : index
      %get3A_1334 = tpu.vector_load %arg6[%get3A_1332, %get3A_1333] {strides = array<i32>} : memref<64x768xf32, #tpu.memory_space<vmem>>, vector<1x16xf32>,
      %get3A_1335 = vector.shape_cast %get3A_1334 : vector<1x16xf32> to vector<16xf32>
      %add3A_1336 = arith.addf %scan3A_1291, %get3A_1335 : vector<16xf32>
      %mul3A_1337 = arith.constant 1 : i32
      %mul3A_1338 = arith.muli %scan3A_1288, %mul3A_1337 : i32
      %add3A_1339 = arith.constant 0 : i32
      %add3A_1340 = arith.addi %add3A_1339, %mul3A_1338 : i32
      %add3A_1341 = arith.constant 0 : i32
      %add3A_1342 = arith.addi %add3A_1340, %add3A_1341 : i32
      %get3A_1343 = arith.index_cast %add3A_1342 : i32 to index
      %get3A_1344 = arith.constant 560 : index
      %get3A_1345 = tpu.vector_load %arg6[%get3A_1343, %get3A_1344] {strides = array<i32>} : memref<64x768xf32, #tpu.memory_space<vmem>>, vector<1x16xf32>,
      %get3A_1346 = vector.shape_cast %get3A_1345 : vector<1x16xf32> to vector<16xf32>
      %add3A_1347 = arith.addf %scan3A_1292, %get3A_1346 : vector<16xf32>
      %mul3A_1348 = arith.constant 1 : i32
      %mul3A_1349 = arith.muli %scan3A_1288, %mul3A_1348 : i32
      %add3A_1350 = arith.constant 0 : i32
      %add3A_1351 = arith.addi %add3A_1350, %mul3A_1349 : i32
      %add3A_1352 = arith.constant 0 : i32
      %add3A_1353 = arith.addi %add3A_1351, %add3A_1352 : i32
      %get3A_1354 = arith.index_cast %add3A_1353 : i32 to index
      %get3A_1355 = arith.constant 576 : index
      %get3A_1356 = tpu.vector_load %arg6[%get3A_1354, %get3A_1355] {strides = array<i32>} : memref<64x768xf32, #tpu.memory_space<vmem>>, vector<1x16xf32>,
      %get3A_1357 = vector.shape_cast %get3A_1356 : vector<1x16xf32> to vector<16xf32>
      %add3A_1358 = arith.addf %scan3A_1293, %get3A_1357 : vector<16xf32>
      %mul3A_1359 = arith.constant 1 : i32
      %mul3A_1360 = arith.muli %scan3A_1288, %mul3A_1359 : i32
      %add3A_1361 = arith.constant 0 : i32
      %add3A_1362 = arith.addi %add3A_1361, %mul3A_1360 : i32
      %add3A_1363 = arith.constant 0 : i32
      %add3A_1364 = arith.addi %add3A_1362, %add3A_1363 : i32
      %get3A_1365 = arith.index_cast %add3A_1364 : i32 to index
      %get3A_1366 = arith.constant 592 : index
      %get3A_1367 = tpu.vector_load %arg6[%get3A_1365, %get3A_1366] {strides = array<i32>} : memref<64x768xf32, #tpu.memory_space<vmem>>, vector<1x16xf32>,
      %get3A_1368 = vector.shape_cast %get3A_1367 : vector<1x16xf32> to vector<16xf32>
      %add3A_1369 = arith.addf %scan3A_1294, %get3A_1368 : vector<16xf32>
      %mul3A_1370 = arith.constant 1 : i32
      %mul3A_1371 = arith.muli %scan3A_1288, %mul3A_1370 : i32
      %add3A_1372 = arith.constant 0 : i32
      %add3A_1373 = arith.addi %add3A_1372, %mul3A_1371 : i32
      %add3A_1374 = arith.constant 0 : i32
      %add3A_1375 = arith.addi %add3A_1373, %add3A_1374 : i32
      %get3A_1376 = arith.index_cast %add3A_1375 : i32 to index
      %get3A_1377 = arith.constant 608 : index
      %get3A_1378 = tpu.vector_load %arg6[%get3A_1376, %get3A_1377] {strides = array<i32>} : memref<64x768xf32, #tpu.memory_space<vmem>>, vector<1x16xf32>,
      %get3A_1379 = vector.shape_cast %get3A_1378 : vector<1x16xf32> to vector<16xf32>
      %add3A_1380 = arith.addf %scan3A_1295, %get3A_1379 : vector<16xf32>
      %mul3A_1381 = arith.constant 1 : i32
      %mul3A_1382 = arith.muli %scan3A_1288, %mul3A_1381 : i32
      %add3A_1383 = arith.constant 0 : i32
      %add3A_1384 = arith.addi %add3A_1383, %mul3A_1382 : i32
      %add3A_1385 = arith.constant 0 : i32
      %add3A_1386 = arith.addi %add3A_1384, %add3A_1385 : i32
      %get3A_1387 = arith.index_cast %add3A_1386 : i32 to index
      %get3A_1388 = arith.constant 624 : index
      %get3A_1389 = tpu.vector_load %arg6[%get3A_1387, %get3A_1388] {strides = array<i32>} : memref<64x768xf32, #tpu.memory_space<vmem>>, vector<1x16xf32>,
      %get3A_1390 = vector.shape_cast %get3A_1389 : vector<1x16xf32> to vector<16xf32>
      %add3A_1391 = arith.addf %scan3A_1296, %get3A_1390 : vector<16xf32>
      %mul3A_1392 = arith.constant 1 : i32
      %mul3A_1393 = arith.muli %scan3A_1288, %mul3A_1392 : i32
      %add3A_1394 = arith.constant 0 : i32
      %add3A_1395 = arith.addi %add3A_1394, %mul3A_1393 : i32
      %add3A_1396 = arith.constant 0 : i32
      %add3A_1397 = arith.addi %add3A_1395, %add3A_1396 : i32
      %get3A_1398 = arith.index_cast %add3A_1397 : i32 to index
      %get3A_1399 = arith.constant 640 : index
      %get3A_1400 = tpu.vector_load %arg6[%get3A_1398, %get3A_1399] {strides = array<i32>} : memref<64x768xf32, #tpu.memory_space<vmem>>, vector<1x16xf32>,
      %get3A_1401 = vector.shape_cast %get3A_1400 : vector<1x16xf32> to vector<16xf32>
      %add3A_1402 = arith.addf %scan3A_1297, %get3A_1401 : vector<16xf32>
      %mul3A_1403 = arith.constant 1 : i32
      %mul3A_1404 = arith.muli %scan3A_1288, %mul3A_1403 : i32
      %add3A_1405 = arith.constant 0 : i32
      %add3A_1406 = arith.addi %add3A_1405, %mul3A_1404 : i32
      %add3A_1407 = arith.constant 0 : i32
      %add3A_1408 = arith.addi %add3A_1406, %add3A_1407 : i32
      %get3A_1409 = arith.index_cast %add3A_1408 : i32 to index
      %get3A_1410 = arith.constant 656 : index
      %get3A_1411 = tpu.vector_load %arg6[%get3A_1409, %get3A_1410] {strides = array<i32>} : memref<64x768xf32, #tpu.memory_space<vmem>>, vector<1x16xf32>,
      %get3A_1412 = vector.shape_cast %get3A_1411 : vector<1x16xf32> to vector<16xf32>
      %add3A_1413 = arith.addf %scan3A_1298, %get3A_1412 : vector<16xf32>
      %mul3A_1414 = arith.constant 1 : i32
      %mul3A_1415 = arith.muli %scan3A_1288, %mul3A_1414 : i32
      %add3A_1416 = arith.constant 0 : i32
      %add3A_1417 = arith.addi %add3A_1416, %mul3A_1415 : i32
      %add3A_1418 = arith.constant 0 : i32
      %add3A_1419 = arith.addi %add3A_1417, %add3A_1418 : i32
      %get3A_1420 = arith.index_cast %add3A_1419 : i32 to index
      %get3A_1421 = arith.constant 672 : index
      %get3A_1422 = tpu.vector_load %arg6[%get3A_1420, %get3A_1421] {strides = array<i32>} : memref<64x768xf32, #tpu.memory_space<vmem>>, vector<1x16xf32>,
      %get3A_1423 = vector.shape_cast %get3A_1422 : vector<1x16xf32> to vector<16xf32>
      %add3A_1424 = arith.addf %scan3A_1299, %get3A_1423 : vector<16xf32>
      %mul3A_1425 = arith.constant 1 : i32
      %mul3A_1426 = arith.muli %scan3A_1288, %mul3A_1425 : i32
      %add3A_1427 = arith.constant 0 : i32
      %add3A_1428 = arith.addi %add3A_1427, %mul3A_1426 : i32
      %add3A_1429 = arith.constant 0 : i32
      %add3A_1430 = arith.addi %add3A_1428, %add3A_1429 : i32
      %get3A_1431 = arith.index_cast %add3A_1430 : i32 to index
      %get3A_1432 = arith.constant 688 : index
      %get3A_1433 = tpu.vector_load %arg6[%get3A_1431, %get3A_1432] {strides = array<i32>} : memref<64x768xf32, #tpu.memory_space<vmem>>, vector<1x16xf32>,
      %get3A_1434 = vector.shape_cast %get3A_1433 : vector<1x16xf32> to vector<16xf32>
      %add3A_1435 = arith.addf %scan3A_1300, %get3A_1434 : vector<16xf32>
      %mul3A_1436 = arith.constant 1 : i32
      %mul3A_1437 = arith.muli %scan3A_1288, %mul3A_1436 : i32
      %add3A_1438 = arith.constant 0 : i32
      %add3A_1439 = arith.addi %add3A_1438, %mul3A_1437 : i32
      %add3A_1440 = arith.constant 0 : i32
      %add3A_1441 = arith.addi %add3A_1439, %add3A_1440 : i32
      %get3A_1442 = arith.index_cast %add3A_1441 : i32 to index
      %get3A_1443 = arith.constant 704 : index
      %get3A_1444 = tpu.vector_load %arg6[%get3A_1442, %get3A_1443] {strides = array<i32>} : memref<64x768xf32, #tpu.memory_space<vmem>>, vector<1x16xf32>,
      %get3A_1445 = vector.shape_cast %get3A_1444 : vector<1x16xf32> to vector<16xf32>
      %add3A_1446 = arith.addf %scan3A_1301, %get3A_1445 : vector<16xf32>
      %mul3A_1447 = arith.constant 1 : i32
      %mul3A_1448 = arith.muli %scan3A_1288, %mul3A_1447 : i32
      %add3A_1449 = arith.constant 0 : i32
      %add3A_1450 = arith.addi %add3A_1449, %mul3A_1448 : i32
      %add3A_1451 = arith.constant 0 : i32
      %add3A_1452 = arith.addi %add3A_1450, %add3A_1451 : i32
      %get3A_1453 = arith.index_cast %add3A_1452 : i32 to index
      %get3A_1454 = arith.constant 720 : index
      %get3A_1455 = tpu.vector_load %arg6[%get3A_1453, %get3A_1454] {strides = array<i32>} : memref<64x768xf32, #tpu.memory_space<vmem>>, vector<1x16xf32>,
      %get3A_1456 = vector.shape_cast %get3A_1455 : vector<1x16xf32> to vector<16xf32>
      %add3A_1457 = arith.addf %scan3A_1302, %get3A_1456 : vector<16xf32>
      %mul3A_1458 = arith.constant 1 : i32
      %mul3A_1459 = arith.muli %scan3A_1288, %mul3A_1458 : i32
      %add3A_1460 = arith.constant 0 : i32
      %add3A_1461 = arith.addi %add3A_1460, %mul3A_1459 : i32
      %add3A_1462 = arith.constant 0 : i32
      %add3A_1463 = arith.addi %add3A_1461, %add3A_1462 : i32
      %get3A_1464 = arith.index_cast %add3A_1463 : i32 to index
      %get3A_1465 = arith.constant 736 : index
      %get3A_1466 = tpu.vector_load %arg6[%get3A_1464, %get3A_1465] {strides = array<i32>} : memref<64x768xf32, #tpu.memory_space<vmem>>, vector<1x16xf32>,
      %get3A_1467 = vector.shape_cast %get3A_1466 : vector<1x16xf32> to vector<16xf32>
      %add3A_1468 = arith.addf %scan3A_1303, %get3A_1467 : vector<16xf32>
      %mul3A_1469 = arith.constant 1 : i32
      %mul3A_1470 = arith.muli %scan3A_1288, %mul3A_1469 : i32
      %add3A_1471 = arith.constant 0 : i32
      %add3A_1472 = arith.addi %add3A_1471, %mul3A_1470 : i32
      %add3A_1473 = arith.constant 0 : i32
      %add3A_1474 = arith.addi %add3A_1472, %add3A_1473 : i32
      %get3A_1475 = arith.index_cast %add3A_1474 : i32 to index
      %get3A_1476 = arith.constant 752 : index
      %get3A_1477 = tpu.vector_load %arg6[%get3A_1475, %get3A_1476] {strides = array<i32>} : memref<64x768xf32, #tpu.memory_space<vmem>>, vector<1x16xf32>,
      %get3A_1478 = vector.shape_cast %get3A_1477 : vector<1x16xf32> to vector<16xf32>
      %add3A_1479 = arith.addf %scan3A_1304, %get3A_1478 : vector<16xf32>
      scf.yield %add3A_1314, %add3A_1325, %add3A_1336, %add3A_1347, %add3A_1358, %add3A_1369, %add3A_1380, %add3A_1391, %add3A_1402, %add3A_1413, %add3A_1424, %add3A_1435, %add3A_1446, %add3A_1457, %add3A_1468, %add3A_1479 : vector<16xf32>, vector<16xf32>, vector<16xf32>, vector<16xf32>, vector<16xf32>, vector<16xf32>, vector<16xf32>, vector<16xf32>, vector<16xf32>, vector<16xf32>, vector<16xf32>, vector<16xf32>, vector<16xf32>, vector<16xf32>, vector<16xf32>, vector<16xf32>
    }
    %scan3A_249 = arith.constant 16 : i32
    %swap3A_250 = arith.constant 0 : i32
    %swap3A_251 = arith.index_cast %swap3A_250 : i32 to index
    %swap3A_252 = arith.constant 512 : index
    %swap3A_253 = tpu.vector_load %arg7[%swap3A_251, %swap3A_252] {strides = array<i32>} : memref<1x768xf32, #tpu.memory_space<vmem>>, vector<1x16xf32>,
    %swap3A_254 = vector.shape_cast %swap3A_253 : vector<1x16xf32> to vector<16xf32>
    %swap3A_255 = vector.shape_cast %scan3A_248#0 : vector<16xf32> to vector<1x16xf32>
    tpu.vector_store %arg7[%swap3A_251, %swap3A_252], %swap3A_255 {strides = array<i32>} : memref<1x768xf32, #tpu.memory_space<vmem>>, vector<1x16xf32>,
    %swap3A_256 = arith.constant 0 : i32
    %swap3A_257 = arith.index_cast %swap3A_256 : i32 to index
    %swap3A_258 = arith.constant 528 : index
    %swap3A_259 = tpu.vector_load %arg7[%swap3A_257, %swap3A_258] {strides = array<i32>} : memref<1x768xf32, #tpu.memory_space<vmem>>, vector<1x16xf32>,
    %swap3A_260 = vector.shape_cast %swap3A_259 : vector<1x16xf32> to vector<16xf32>
    %swap3A_261 = vector.shape_cast %scan3A_248#1 : vector<16xf32> to vector<1x16xf32>
    tpu.vector_store %arg7[%swap3A_257, %swap3A_258], %swap3A_261 {strides = array<i32>} : memref<1x768xf32, #tpu.memory_space<vmem>>, vector<1x16xf32>,
    %swap3A_262 = arith.constant 0 : i32
    %swap3A_263 = arith.index_cast %swap3A_262 : i32 to index
    %swap3A_264 = arith.constant 544 : index
    %swap3A_265 = tpu.vector_load %arg7[%swap3A_263, %swap3A_264] {strides = array<i32>} : memref<1x768xf32, #tpu.memory_space<vmem>>, vector<1x16xf32>,
    %swap3A_266 = vector.shape_cast %swap3A_265 : vector<1x16xf32> to vector<16xf32>
    %swap3A_267 = vector.shape_cast %scan3A_248#2 : vector<16xf32> to vector<1x16xf32>
    tpu.vector_store %arg7[%swap3A_263, %swap3A_264], %swap3A_267 {strides = array<i32>} : memref<1x768xf32, #tpu.memory_space<vmem>>, vector<1x16xf32>,
    %swap3A_268 = arith.constant 0 : i32
    %swap3A_269 = arith.index_cast %swap3A_268 : i32 to index
    %swap3A_270 = arith.constant 560 : index
    %swap3A_271 = tpu.vector_load %arg7[%swap3A_269, %swap3A_270] {strides = array<i32>} : memref<1x768xf32, #tpu.memory_space<vmem>>, vector<1x16xf32>,
    %swap3A_272 = vector.shape_cast %swap3A_271 : vector<1x16xf32> to vector<16xf32>
    %swap3A_273 = vector.shape_cast %scan3A_248#3 : vector<16xf32> to vector<1x16xf32>
    tpu.vector_store %arg7[%swap3A_269, %swap3A_270], %swap3A_273 {strides = array<i32>} : memref<1x768xf32, #tpu.memory_space<vmem>>, vector<1x16xf32>,
    %swap3A_274 = arith.constant 0 : i32
    %swap3A_275 = arith.index_cast %swap3A_274 : i32 to index
    %swap3A_276 = arith.constant 576 : index
    %swap3A_277 = tpu.vector_load %arg7[%swap3A_275, %swap3A_276] {strides = array<i32>} : memref<1x768xf32, #tpu.memory_space<vmem>>, vector<1x16xf32>,
    %swap3A_278 = vector.shape_cast %swap3A_277 : vector<1x16xf32> to vector<16xf32>
    %swap3A_279 = vector.shape_cast %scan3A_248#4 : vector<16xf32> to vector<1x16xf32>
    tpu.vector_store %arg7[%swap3A_275, %swap3A_276], %swap3A_279 {strides = array<i32>} : memref<1x768xf32, #tpu.memory_space<vmem>>, vector<1x16xf32>,
    %swap3A_280 = arith.constant 0 : i32
    %swap3A_281 = arith.index_cast %swap3A_280 : i32 to index
    %swap3A_282 = arith.constant 592 : index
    %swap3A_283 = tpu.vector_load %arg7[%swap3A_281, %swap3A_282] {strides = array<i32>} : memref<1x768xf32, #tpu.memory_space<vmem>>, vector<1x16xf32>,
    %swap3A_284 = vector.shape_cast %swap3A_283 : vector<1x16xf32> to vector<16xf32>
    %swap3A_285 = vector.shape_cast %scan3A_248#5 : vector<16xf32> to vector<1x16xf32>
    tpu.vector_store %arg7[%swap3A_281, %swap3A_282], %swap3A_285 {strides = array<i32>} : memref<1x768xf32, #tpu.memory_space<vmem>>, vector<1x16xf32>,
    %swap3A_286 = arith.constant 0 : i32
    %swap3A_287 = arith.index_cast %swap3A_286 : i32 to index
    %swap3A_288 = arith.constant 608 : index
    %swap3A_289 = tpu.vector_load %arg7[%swap3A_287, %swap3A_288] {strides = array<i32>} : memref<1x768xf32, #tpu.memory_space<vmem>>, vector<1x16xf32>,
    %swap3A_290 = vector.shape_cast %swap3A_289 : vector<1x16xf32> to vector<16xf32>
    %swap3A_291 = vector.shape_cast %scan3A_248#6 : vector<16xf32> to vector<1x16xf32>
    tpu.vector_store %arg7[%swap3A_287, %swap3A_288], %swap3A_291 {strides = array<i32>} : memref<1x768xf32, #tpu.memory_space<vmem>>, vector<1x16xf32>,
    %swap3A_292 = arith.constant 0 : i32
    %swap3A_293 = arith.index_cast %swap3A_292 : i32 to index
    %swap3A_294 = arith.constant 624 : index
    %swap3A_295 = tpu.vector_load %arg7[%swap3A_293, %swap3A_294] {strides = array<i32>} : memref<1x768xf32, #tpu.memory_space<vmem>>, vector<1x16xf32>,
    %swap3A_296 = vector.shape_cast %swap3A_295 : vector<1x16xf32> to vector<16xf32>
    %swap3A_297 = vector.shape_cast %scan3A_248#7 : vector<16xf32> to vector<1x16xf32>
    tpu.vector_store %arg7[%swap3A_293, %swap3A_294], %swap3A_297 {strides = array<i32>} : memref<1x768xf32, #tpu.memory_space<vmem>>, vector<1x16xf32>,
    %swap3A_298 = arith.constant 0 : i32
    %swap3A_299 = arith.index_cast %swap3A_298 : i32 to index
    %swap3A_300 = arith.constant 640 : index
    %swap3A_301 = tpu.vector_load %arg7[%swap3A_299, %swap3A_300] {strides = array<i32>} : memref<1x768xf32, #tpu.memory_space<vmem>>, vector<1x16xf32>,
    %swap3A_302 = vector.shape_cast %swap3A_301 : vector<1x16xf32> to vector<16xf32>
    %swap3A_303 = vector.shape_cast %scan3A_248#8 : vector<16xf32> to vector<1x16xf32>
    tpu.vector_store %arg7[%swap3A_299, %swap3A_300], %swap3A_303 {strides = array<i32>} : memref<1x768xf32, #tpu.memory_space<vmem>>, vector<1x16xf32>,
    %swap3A_304 = arith.constant 0 : i32
    %swap3A_305 = arith.index_cast %swap3A_304 : i32 to index
    %swap3A_306 = arith.constant 656 : index
    %swap3A_307 = tpu.vector_load %arg7[%swap3A_305, %swap3A_306] {strides = array<i32>} : memref<1x768xf32, #tpu.memory_space<vmem>>, vector<1x16xf32>,
    %swap3A_308 = vector.shape_cast %swap3A_307 : vector<1x16xf32> to vector<16xf32>
    %swap3A_309 = vector.shape_cast %scan3A_248#9 : vector<16xf32> to vector<1x16xf32>
    tpu.vector_store %arg7[%swap3A_305, %swap3A_306], %swap3A_309 {strides = array<i32>} : memref<1x768xf32, #tpu.memory_space<vmem>>, vector<1x16xf32>,
    %swap3A_310 = arith.constant 0 : i32
    %swap3A_311 = arith.index_cast %swap3A_310 : i32 to index
    %swap3A_312 = arith.constant 672 : index
    %swap3A_313 = tpu.vector_load %arg7[%swap3A_311, %swap3A_312] {strides = array<i32>} : memref<1x768xf32, #tpu.memory_space<vmem>>, vector<1x16xf32>,
    %swap3A_314 = vector.shape_cast %swap3A_313 : vector<1x16xf32> to vector<16xf32>
    %swap3A_315 = vector.shape_cast %scan3A_248#10 : vector<16xf32> to vector<1x16xf32>
    tpu.vector_store %arg7[%swap3A_311, %swap3A_312], %swap3A_315 {strides = array<i32>} : memref<1x768xf32, #tpu.memory_space<vmem>>, vector<1x16xf32>,
    %swap3A_316 = arith.constant 0 : i32
    %swap3A_317 = arith.index_cast %swap3A_316 : i32 to index
    %swap3A_318 = arith.constant 688 : index
    %swap3A_319 = tpu.vector_load %arg7[%swap3A_317, %swap3A_318] {strides = array<i32>} : memref<1x768xf32, #tpu.memory_space<vmem>>, vector<1x16xf32>,
    %swap3A_320 = vector.shape_cast %swap3A_319 : vector<1x16xf32> to vector<16xf32>
    %swap3A_321 = vector.shape_cast %scan3A_248#11 : vector<16xf32> to vector<1x16xf32>
    tpu.vector_store %arg7[%swap3A_317, %swap3A_318], %swap3A_321 {strides = array<i32>} : memref<1x768xf32, #tpu.memory_space<vmem>>, vector<1x16xf32>,
    %swap3A_322 = arith.constant 0 : i32
    %swap3A_323 = arith.index_cast %swap3A_322 : i32 to index
    %swap3A_324 = arith.constant 704 : index
    %swap3A_325 = tpu.vector_load %arg7[%swap3A_323, %swap3A_324] {strides = array<i32>} : memref<1x768xf32, #tpu.memory_space<vmem>>, vector<1x16xf32>,
    %swap3A_326 = vector.shape_cast %swap3A_325 : vector<1x16xf32> to vector<16xf32>
    %swap3A_327 = vector.shape_cast %scan3A_248#12 : vector<16xf32> to vector<1x16xf32>
    tpu.vector_store %arg7[%swap3A_323, %swap3A_324], %swap3A_327 {strides = array<i32>} : memref<1x768xf32, #tpu.memory_space<vmem>>, vector<1x16xf32>,
    %swap3A_328 = arith.constant 0 : i32
    %swap3A_329 = arith.index_cast %swap3A_328 : i32 to index
    %swap3A_330 = arith.constant 720 : index
    %swap3A_331 = tpu.vector_load %arg7[%swap3A_329, %swap3A_330] {strides = array<i32>} : memref<1x768xf32, #tpu.memory_space<vmem>>, vector<1x16xf32>,
    %swap3A_332 = vector.shape_cast %swap3A_331 : vector<1x16xf32> to vector<16xf32>
    %swap3A_333 = vector.shape_cast %scan3A_248#13 : vector<16xf32> to vector<1x16xf32>
    tpu.vector_store %arg7[%swap3A_329, %swap3A_330], %swap3A_333 {strides = array<i32>} : memref<1x768xf32, #tpu.memory_space<vmem>>, vector<1x16xf32>,
    %swap3A_334 = arith.constant 0 : i32
    %swap3A_335 = arith.index_cast %swap3A_334 : i32 to index
    %swap3A_336 = arith.constant 736 : index
    %swap3A_337 = tpu.vector_load %arg7[%swap3A_335, %swap3A_336] {strides = array<i32>} : memref<1x768xf32, #tpu.memory_space<vmem>>, vector<1x16xf32>,
    %swap3A_338 = vector.shape_cast %swap3A_337 : vector<1x16xf32> to vector<16xf32>
    %swap3A_339 = vector.shape_cast %scan3A_248#14 : vector<16xf32> to vector<1x16xf32>
    tpu.vector_store %arg7[%swap3A_335, %swap3A_336], %swap3A_339 {strides = array<i32>} : memref<1x768xf32, #tpu.memory_space<vmem>>, vector<1x16xf32>,
    %swap3A_340 = arith.constant 0 : i32
    %swap3A_341 = arith.index_cast %swap3A_340 : i32 to index
    %swap3A_342 = arith.constant 752 : index
    %swap3A_343 = tpu.vector_load %arg7[%swap3A_341, %swap3A_342] {strides = array<i32>} : memref<1x768xf32, #tpu.memory_space<vmem>>, vector<1x16xf32>,
    %swap3A_344 = vector.shape_cast %swap3A_343 : vector<1x16xf32> to vector<16xf32>
    %swap3A_345 = vector.shape_cast %scan3A_248#15 : vector<16xf32> to vector<1x16xf32>
    tpu.vector_store %arg7[%swap3A_341, %swap3A_342], %swap3A_345 {strides = array<i32>} : memref<1x768xf32, #tpu.memory_space<vmem>>, vector<1x16xf32>,
    %dma_wait3A_346 = arith.constant 16 : i32
    %dma_wait3A_347 = arith.constant 0 : i32
    %dma_wait3A_348 = tpu.memref_slice %arg6[%dma_wait3A_346, %dma_wait3A_347] : memref<64x768xf32, #tpu.memory_space<vmem>> -> memref<16x768xf32, #tpu.memory_space<vmem>>
    %dma_wait3A_349 = arith.constant 16 : i32
    %dma_wait3A_350 = tpu.memref_slice %arg5[%dma_wait3A_349] : memref<64xi32, #tpu.memory_space<vmem>> -> memref<16xi32, #tpu.memory_space<vmem>>
    %dma_wait3A_351 = arith.constant 0 : i32
    %dma_wait3A_352 = arith.constant 0 : i32
    %dma_wait3A_353 = tpu.memref_slice %arg3[%dma_wait3A_351, %dma_wait3A_352] : memref<100000x768xf32, #tpu.memory_space<hbm>> -> memref<100000x768xf32, #tpu.memory_space<hbm>>
    tpu.wait_indirect_dma semaphore(%arg9 : memref<!tpu.dma_semaphore, #tpu.memory_space<semaphore_mem>>) src(%dma_wait3A_353 : memref<100000x768xf32, #tpu.memory_space<hbm>>) dst(%dma_wait3A_348 : memref<16x768xf32, #tpu.memory_space<vmem>>)
    %scan3A_354 = arith.constant 0 : i32
    %scan3A_355 = arith.constant 16 : i32
    %scan3A_356 = arith.addi %scan3A_354, %scan3A_355 : i32
    %scan3A_357 = arith.constant 1 : i32
    %scan3A_358:16 = scf.for %scan3A_1288 = %scan3A_354 to %scan3A_356 step %scan3A_357 iter_args(%scan3A_1289 = %broadcast_in_dim3A_34, %scan3A_1290 = %broadcast_in_dim3A_34, %scan3A_1291 = %broadcast_in_dim3A_34, %scan3A_1292 = %broadcast_in_dim3A_34, %scan3A_1293 = %broadcast_in_dim3A_34, %scan3A_1294 = %broadcast_in_dim3A_34, %scan3A_1295 = %broadcast_in_dim3A_34, %scan3A_1296 = %broadcast_in_dim3A_34, %scan3A_1297 = %broadcast_in_dim3A_34, %scan3A_1298 = %broadcast_in_dim3A_34, %scan3A_1299 = %broadcast_in_dim3A_34, %scan3A_1300 = %broadcast_in_dim3A_34, %scan3A_1301 = %broadcast_in_dim3A_34, %scan3A_1302 = %broadcast_in_dim3A_34, %scan3A_1303 = %broadcast_in_dim3A_34, %scan3A_1304 = %broadcast_in_dim3A_34) -> (vector<16xf32>, vector<16xf32>, vector<16xf32>, vector<16xf32>, vector<16xf32>, vector<16xf32>, vector<16xf32>, vector<16xf32>, vector<16xf32>, vector<16xf32>, vector<16xf32>, vector<16xf32>, vector<16xf32>, vector<16xf32>, vector<16xf32>, vector<16xf32>)  : i32 {
      %mul3A_1305 = arith.constant 1 : i32
      %mul3A_1306 = arith.muli %scan3A_1288, %mul3A_1305 : i32
      %add3A_1307 = arith.constant 16 : i32
      %add3A_1308 = arith.addi %add3A_1307, %mul3A_1306 : i32
      %add3A_1309 = arith.constant 0 : i32
      %add3A_1310 = arith.addi %add3A_1308, %add3A_1309 : i32
      %get3A = arith.index_cast %add3A_1310 : i32 to index
      %get3A_1311 = arith.constant 0 : index
      %get3A_1312 = tpu.vector_load %arg6[%get3A, %get3A_1311] {strides = array<i32>} : memref<64x768xf32, #tpu.memory_space<vmem>>, vector<1x16xf32>,
      %get3A_1313 = vector.shape_cast %get3A_1312 : vector<1x16xf32> to vector<16xf32>
      %add3A_1314 = arith.addf %scan3A_1289, %get3A_1313 : vector<16xf32>
      %mul3A_1315 = arith.constant 1 : i32
      %mul3A_1316 = arith.muli %scan3A_1288, %mul3A_1315 : i32
      %add3A_1317 = arith.constant 16 : i32
      %add3A_1318 = arith.addi %add3A_1317, %mul3A_1316 : i32
      %add3A_1319 = arith.constant 0 : i32
      %add3A_1320 = arith.addi %add3A_1318, %add3A_1319 : i32
      %get3A_1321 = arith.index_cast %add3A_1320 : i32 to index
      %get3A_1322 = arith.constant 16 : index
      %get3A_1323 = tpu.vector_load %arg6[%get3A_1321, %get3A_1322] {strides = array<i32>} : memref<64x768xf32, #tpu.memory_space<vmem>>, vector<1x16xf32>,
      %get3A_1324 = vector.shape_cast %get3A_1323 : vector<1x16xf32> to vector<16xf32>
      %add3A_1325 = arith.addf %scan3A_1290, %get3A_1324 : vector<16xf32>
      %mul3A_1326 = arith.constant 1 : i32
      %mul3A_1327 = arith.muli %scan3A_1288, %mul3A_1326 : i32
      %add3A_1328 = arith.constant 16 : i32
      %add3A_1329 = arith.addi %add3A_1328, %mul3A_1327 : i32
      %add3A_1330 = arith.constant 0 : i32
      %add3A_1331 = arith.addi %add3A_1329, %add3A_1330 : i32
      %get3A_1332 = arith.index_cast %add3A_1331 : i32 to index
      %get3A_1333 = arith.constant 32 : index
      %get3A_1334 = tpu.vector_load %arg6[%get3A_1332, %get3A_1333] {strides = array<i32>} : memref<64x768xf32, #tpu.memory_space<vmem>>, vector<1x16xf32>,
      %get3A_1335 = vector.shape_cast %get3A_1334 : vector<1x16xf32> to vector<16xf32>
      %add3A_1336 = arith.addf %scan3A_1291, %get3A_1335 : vector<16xf32>
      %mul3A_1337 = arith.constant 1 : i32
      %mul3A_1338 = arith.muli %scan3A_1288, %mul3A_1337 : i32
      %add3A_1339 = arith.constant 16 : i32
      %add3A_1340 = arith.addi %add3A_1339, %mul3A_1338 : i32
      %add3A_1341 = arith.constant 0 : i32
      %add3A_1342 = arith.addi %add3A_1340, %add3A_1341 : i32
      %get3A_1343 = arith.index_cast %add3A_1342 : i32 to index
      %get3A_1344 = arith.constant 48 : index
      %get3A_1345 = tpu.vector_load %arg6[%get3A_1343, %get3A_1344] {strides = array<i32>} : memref<64x768xf32, #tpu.memory_space<vmem>>, vector<1x16xf32>,
      %get3A_1346 = vector.shape_cast %get3A_1345 : vector<1x16xf32> to vector<16xf32>
      %add3A_1347 = arith.addf %scan3A_1292, %get3A_1346 : vector<16xf32>
      %mul3A_1348 = arith.constant 1 : i32
      %mul3A_1349 = arith.muli %scan3A_1288, %mul3A_1348 : i32
      %add3A_1350 = arith.constant 16 : i32
      %add3A_1351 = arith.addi %add3A_1350, %mul3A_1349 : i32
      %add3A_1352 = arith.constant 0 : i32
      %add3A_1353 = arith.addi %add3A_1351, %add3A_1352 : i32
      %get3A_1354 = arith.index_cast %add3A_1353 : i32 to index
      %get3A_1355 = arith.constant 64 : index
      %get3A_1356 = tpu.vector_load %arg6[%get3A_1354, %get3A_1355] {strides = array<i32>} : memref<64x768xf32, #tpu.memory_space<vmem>>, vector<1x16xf32>,
      %get3A_1357 = vector.shape_cast %get3A_1356 : vector<1x16xf32> to vector<16xf32>
      %add3A_1358 = arith.addf %scan3A_1293, %get3A_1357 : vector<16xf32>
      %mul3A_1359 = arith.constant 1 : i32
      %mul3A_1360 = arith.muli %scan3A_1288, %mul3A_1359 : i32
      %add3A_1361 = arith.constant 16 : i32
      %add3A_1362 = arith.addi %add3A_1361, %mul3A_1360 : i32
      %add3A_1363 = arith.constant 0 : i32
      %add3A_1364 = arith.addi %add3A_1362, %add3A_1363 : i32
      %get3A_1365 = arith.index_cast %add3A_1364 : i32 to index
      %get3A_1366 = arith.constant 80 : index
      %get3A_1367 = tpu.vector_load %arg6[%get3A_1365, %get3A_1366] {strides = array<i32>} : memref<64x768xf32, #tpu.memory_space<vmem>>, vector<1x16xf32>,
      %get3A_1368 = vector.shape_cast %get3A_1367 : vector<1x16xf32> to vector<16xf32>
      %add3A_1369 = arith.addf %scan3A_1294, %get3A_1368 : vector<16xf32>
      %mul3A_1370 = arith.constant 1 : i32
      %mul3A_1371 = arith.muli %scan3A_1288, %mul3A_1370 : i32
      %add3A_1372 = arith.constant 16 : i32
      %add3A_1373 = arith.addi %add3A_1372, %mul3A_1371 : i32
      %add3A_1374 = arith.constant 0 : i32
      %add3A_1375 = arith.addi %add3A_1373, %add3A_1374 : i32
      %get3A_1376 = arith.index_cast %add3A_1375 : i32 to index
      %get3A_1377 = arith.constant 96 : index
      %get3A_1378 = tpu.vector_load %arg6[%get3A_1376, %get3A_1377] {strides = array<i32>} : memref<64x768xf32, #tpu.memory_space<vmem>>, vector<1x16xf32>,
      %get3A_1379 = vector.shape_cast %get3A_1378 : vector<1x16xf32> to vector<16xf32>
      %add3A_1380 = arith.addf %scan3A_1295, %get3A_1379 : vector<16xf32>
      %mul3A_1381 = arith.constant 1 : i32
      %mul3A_1382 = arith.muli %scan3A_1288, %mul3A_1381 : i32
      %add3A_1383 = arith.constant 16 : i32
      %add3A_1384 = arith.addi %add3A_1383, %mul3A_1382 : i32
      %add3A_1385 = arith.constant 0 : i32
      %add3A_1386 = arith.addi %add3A_1384, %add3A_1385 : i32
      %get3A_1387 = arith.index_cast %add3A_1386 : i32 to index
      %get3A_1388 = arith.constant 112 : index
      %get3A_1389 = tpu.vector_load %arg6[%get3A_1387, %get3A_1388] {strides = array<i32>} : memref<64x768xf32, #tpu.memory_space<vmem>>, vector<1x16xf32>,
      %get3A_1390 = vector.shape_cast %get3A_1389 : vector<1x16xf32> to vector<16xf32>
      %add3A_1391 = arith.addf %scan3A_1296, %get3A_1390 : vector<16xf32>
      %mul3A_1392 = arith.constant 1 : i32
      %mul3A_1393 = arith.muli %scan3A_1288, %mul3A_1392 : i32
      %add3A_1394 = arith.constant 16 : i32
      %add3A_1395 = arith.addi %add3A_1394, %mul3A_1393 : i32
      %add3A_1396 = arith.constant 0 : i32
      %add3A_1397 = arith.addi %add3A_1395, %add3A_1396 : i32
      %get3A_1398 = arith.index_cast %add3A_1397 : i32 to index
      %get3A_1399 = arith.constant 128 : index
      %get3A_1400 = tpu.vector_load %arg6[%get3A_1398, %get3A_1399] {strides = array<i32>} : memref<64x768xf32, #tpu.memory_space<vmem>>, vector<1x16xf32>,
      %get3A_1401 = vector.shape_cast %get3A_1400 : vector<1x16xf32> to vector<16xf32>
      %add3A_1402 = arith.addf %scan3A_1297, %get3A_1401 : vector<16xf32>
      %mul3A_1403 = arith.constant 1 : i32
      %mul3A_1404 = arith.muli %scan3A_1288, %mul3A_1403 : i32
      %add3A_1405 = arith.constant 16 : i32
      %add3A_1406 = arith.addi %add3A_1405, %mul3A_1404 : i32
      %add3A_1407 = arith.constant 0 : i32
      %add3A_1408 = arith.addi %add3A_1406, %add3A_1407 : i32
      %get3A_1409 = arith.index_cast %add3A_1408 : i32 to index
      %get3A_1410 = arith.constant 144 : index
      %get3A_1411 = tpu.vector_load %arg6[%get3A_1409, %get3A_1410] {strides = array<i32>} : memref<64x768xf32, #tpu.memory_space<vmem>>, vector<1x16xf32>,
      %get3A_1412 = vector.shape_cast %get3A_1411 : vector<1x16xf32> to vector<16xf32>
      %add3A_1413 = arith.addf %scan3A_1298, %get3A_1412 : vector<16xf32>
      %mul3A_1414 = arith.constant 1 : i32
      %mul3A_1415 = arith.muli %scan3A_1288, %mul3A_1414 : i32
      %add3A_1416 = arith.constant 16 : i32
      %add3A_1417 = arith.addi %add3A_1416, %mul3A_1415 : i32
      %add3A_1418 = arith.constant 0 : i32
      %add3A_1419 = arith.addi %add3A_1417, %add3A_1418 : i32
      %get3A_1420 = arith.index_cast %add3A_1419 : i32 to index
      %get3A_1421 = arith.constant 160 : index
      %get3A_1422 = tpu.vector_load %arg6[%get3A_1420, %get3A_1421] {strides = array<i32>} : memref<64x768xf32, #tpu.memory_space<vmem>>, vector<1x16xf32>,
      %get3A_1423 = vector.shape_cast %get3A_1422 : vector<1x16xf32> to vector<16xf32>
      %add3A_1424 = arith.addf %scan3A_1299, %get3A_1423 : vector<16xf32>
      %mul3A_1425 = arith.constant 1 : i32
      %mul3A_1426 = arith.muli %scan3A_1288, %mul3A_1425 : i32
      %add3A_1427 = arith.constant 16 : i32
      %add3A_1428 = arith.addi %add3A_1427, %mul3A_1426 : i32
      %add3A_1429 = arith.constant 0 : i32
      %add3A_1430 = arith.addi %add3A_1428, %add3A_1429 : i32
      %get3A_1431 = arith.index_cast %add3A_1430 : i32 to index
      %get3A_1432 = arith.constant 176 : index
      %get3A_1433 = tpu.vector_load %arg6[%get3A_1431, %get3A_1432] {strides = array<i32>} : memref<64x768xf32, #tpu.memory_space<vmem>>, vector<1x16xf32>,
      %get3A_1434 = vector.shape_cast %get3A_1433 : vector<1x16xf32> to vector<16xf32>
      %add3A_1435 = arith.addf %scan3A_1300, %get3A_1434 : vector<16xf32>
      %mul3A_1436 = arith.constant 1 : i32
      %mul3A_1437 = arith.muli %scan3A_1288, %mul3A_1436 : i32
      %add3A_1438 = arith.constant 16 : i32
      %add3A_1439 = arith.addi %add3A_1438, %mul3A_1437 : i32
      %add3A_1440 = arith.constant 0 : i32
      %add3A_1441 = arith.addi %add3A_1439, %add3A_1440 : i32
      %get3A_1442 = arith.index_cast %add3A_1441 : i32 to index
      %get3A_1443 = arith.constant 192 : index
      %get3A_1444 = tpu.vector_load %arg6[%get3A_1442, %get3A_1443] {strides = array<i32>} : memref<64x768xf32, #tpu.memory_space<vmem>>, vector<1x16xf32>,
      %get3A_1445 = vector.shape_cast %get3A_1444 : vector<1x16xf32> to vector<16xf32>
      %add3A_1446 = arith.addf %scan3A_1301, %get3A_1445 : vector<16xf32>
      %mul3A_1447 = arith.constant 1 : i32
      %mul3A_1448 = arith.muli %scan3A_1288, %mul3A_1447 : i32
      %add3A_1449 = arith.constant 16 : i32
      %add3A_1450 = arith.addi %add3A_1449, %mul3A_1448 : i32
      %add3A_1451 = arith.constant 0 : i32
      %add3A_1452 = arith.addi %add3A_1450, %add3A_1451 : i32
      %get3A_1453 = arith.index_cast %add3A_1452 : i32 to index
      %get3A_1454 = arith.constant 208 : index
      %get3A_1455 = tpu.vector_load %arg6[%get3A_1453, %get3A_1454] {strides = array<i32>} : memref<64x768xf32, #tpu.memory_space<vmem>>, vector<1x16xf32>,
      %get3A_1456 = vector.shape_cast %get3A_1455 : vector<1x16xf32> to vector<16xf32>
      %add3A_1457 = arith.addf %scan3A_1302, %get3A_1456 : vector<16xf32>
      %mul3A_1458 = arith.constant 1 : i32
      %mul3A_1459 = arith.muli %scan3A_1288, %mul3A_1458 : i32
      %add3A_1460 = arith.constant 16 : i32
      %add3A_1461 = arith.addi %add3A_1460, %mul3A_1459 : i32
      %add3A_1462 = arith.constant 0 : i32
      %add3A_1463 = arith.addi %add3A_1461, %add3A_1462 : i32
      %get3A_1464 = arith.index_cast %add3A_1463 : i32 to index
      %get3A_1465 = arith.constant 224 : index
      %get3A_1466 = tpu.vector_load %arg6[%get3A_1464, %get3A_1465] {strides = array<i32>} : memref<64x768xf32, #tpu.memory_space<vmem>>, vector<1x16xf32>,
      %get3A_1467 = vector.shape_cast %get3A_1466 : vector<1x16xf32> to vector<16xf32>
      %add3A_1468 = arith.addf %scan3A_1303, %get3A_1467 : vector<16xf32>
      %mul3A_1469 = arith.constant 1 : i32
      %mul3A_1470 = arith.muli %scan3A_1288, %mul3A_1469 : i32
      %add3A_1471 = arith.constant 16 : i32
      %add3A_1472 = arith.addi %add3A_1471, %mul3A_1470 : i32
      %add3A_1473 = arith.constant 0 : i32
      %add3A_1474 = arith.addi %add3A_1472, %add3A_1473 : i32
      %get3A_1475 = arith.index_cast %add3A_1474 : i32 to index
      %get3A_1476 = arith.constant 240 : index
      %get3A_1477 = tpu.vector_load %arg6[%get3A_1475, %get3A_1476] {strides = array<i32>} : memref<64x768xf32, #tpu.memory_space<vmem>>, vector<1x16xf32>,
      %get3A_1478 = vector.shape_cast %get3A_1477 : vector<1x16xf32> to vector<16xf32>
      %add3A_1479 = arith.addf %scan3A_1304, %get3A_1478 : vector<16xf32>
      scf.yield %add3A_1314, %add3A_1325, %add3A_1336, %add3A_1347, %add3A_1358, %add3A_1369, %add3A_1380, %add3A_1391, %add3A_1402, %add3A_1413, %add3A_1424, %add3A_1435, %add3A_1446, %add3A_1457, %add3A_1468, %add3A_1479 : vector<16xf32>, vector<16xf32>, vector<16xf32>, vector<16xf32>, vector<16xf32>, vector<16xf32>, vector<16xf32>, vector<16xf32>, vector<16xf32>, vector<16xf32>, vector<16xf32>, vector<16xf32>, vector<16xf32>, vector<16xf32>, vector<16xf32>, vector<16xf32>
    }
    %scan3A_359 = arith.constant 16 : i32
    %swap3A_360 = arith.constant 0 : i32
    %swap3A_361 = arith.index_cast %swap3A_360 : i32 to index
    %swap3A_362 = arith.constant 0 : index
    %swap3A_363 = tpu.vector_load %arg7[%swap3A_361, %swap3A_362] {strides = array<i32>} : memref<1x768xf32, #tpu.memory_space<vmem>>, vector<1x16xf32>,
    %swap3A_364 = vector.shape_cast %swap3A_363 : vector<1x16xf32> to vector<16xf32>
    %swap3A_365 = vector.shape_cast %scan3A_358#0 : vector<16xf32> to vector<1x16xf32>
    tpu.vector_store %arg7[%swap3A_361, %swap3A_362], %swap3A_365 {add = true, strides = array<i32>} : memref<1x768xf32, #tpu.memory_space<vmem>>, vector<1x16xf32>,
    %swap3A_366 = arith.constant 0 : i32
    %swap3A_367 = arith.index_cast %swap3A_366 : i32 to index
    %swap3A_368 = arith.constant 16 : index
    %swap3A_369 = tpu.vector_load %arg7[%swap3A_367, %swap3A_368] {strides = array<i32>} : memref<1x768xf32, #tpu.memory_space<vmem>>, vector<1x16xf32>,
    %swap3A_370 = vector.shape_cast %swap3A_369 : vector<1x16xf32> to vector<16xf32>
    %swap3A_371 = vector.shape_cast %scan3A_358#1 : vector<16xf32> to vector<1x16xf32>
    tpu.vector_store %arg7[%swap3A_367, %swap3A_368], %swap3A_371 {add = true, strides = array<i32>} : memref<1x768xf32, #tpu.memory_space<vmem>>, vector<1x16xf32>,
    %swap3A_372 = arith.constant 0 : i32
    %swap3A_373 = arith.index_cast %swap3A_372 : i32 to index
    %swap3A_374 = arith.constant 32 : index
    %swap3A_375 = tpu.vector_load %arg7[%swap3A_373, %swap3A_374] {strides = array<i32>} : memref<1x768xf32, #tpu.memory_space<vmem>>, vector<1x16xf32>,
    %swap3A_376 = vector.shape_cast %swap3A_375 : vector<1x16xf32> to vector<16xf32>
    %swap3A_377 = vector.shape_cast %scan3A_358#2 : vector<16xf32> to vector<1x16xf32>
    tpu.vector_store %arg7[%swap3A_373, %swap3A_374], %swap3A_377 {add = true, strides = array<i32>} : memref<1x768xf32, #tpu.memory_space<vmem>>, vector<1x16xf32>,
    %swap3A_378 = arith.constant 0 : i32
    %swap3A_379 = arith.index_cast %swap3A_378 : i32 to index
    %swap3A_380 = arith.constant 48 : index
    %swap3A_381 = tpu.vector_load %arg7[%swap3A_379, %swap3A_380] {strides = array<i32>} : memref<1x768xf32, #tpu.memory_space<vmem>>, vector<1x16xf32>,
    %swap3A_382 = vector.shape_cast %swap3A_381 : vector<1x16xf32> to vector<16xf32>
    %swap3A_383 = vector.shape_cast %scan3A_358#3 : vector<16xf32> to vector<1x16xf32>
    tpu.vector_store %arg7[%swap3A_379, %swap3A_380], %swap3A_383 {add = true, strides = array<i32>} : memref<1x768xf32, #tpu.memory_space<vmem>>, vector<1x16xf32>,
    %swap3A_384 = arith.constant 0 : i32
    %swap3A_385 = arith.index_cast %swap3A_384 : i32 to index
    %swap3A_386 = arith.constant 64 : index
    %swap3A_387 = tpu.vector_load %arg7[%swap3A_385, %swap3A_386] {strides = array<i32>} : memref<1x768xf32, #tpu.memory_space<vmem>>, vector<1x16xf32>,
    %swap3A_388 = vector.shape_cast %swap3A_387 : vector<1x16xf32> to vector<16xf32>
    %swap3A_389 = vector.shape_cast %scan3A_358#4 : vector<16xf32> to vector<1x16xf32>
    tpu.vector_store %arg7[%swap3A_385, %swap3A_386], %swap3A_389 {add = true, strides = array<i32>} : memref<1x768xf32, #tpu.memory_space<vmem>>, vector<1x16xf32>,
    %swap3A_390 = arith.constant 0 : i32
    %swap3A_391 = arith.index_cast %swap3A_390 : i32 to index
    %swap3A_392 = arith.constant 80 : index
    %swap3A_393 = tpu.vector_load %arg7[%swap3A_391, %swap3A_392] {strides = array<i32>} : memref<1x768xf32, #tpu.memory_space<vmem>>, vector<1x16xf32>,
    %swap3A_394 = vector.shape_cast %swap3A_393 : vector<1x16xf32> to vector<16xf32>
    %swap3A_395 = vector.shape_cast %scan3A_358#5 : vector<16xf32> to vector<1x16xf32>
    tpu.vector_store %arg7[%swap3A_391, %swap3A_392], %swap3A_395 {add = true, strides = array<i32>} : memref<1x768xf32, #tpu.memory_space<vmem>>, vector<1x16xf32>,
    %swap3A_396 = arith.constant 0 : i32
    %swap3A_397 = arith.index_cast %swap3A_396 : i32 to index
    %swap3A_398 = arith.constant 96 : index
    %swap3A_399 = tpu.vector_load %arg7[%swap3A_397, %swap3A_398] {strides = array<i32>} : memref<1x768xf32, #tpu.memory_space<vmem>>, vector<1x16xf32>,
    %swap3A_400 = vector.shape_cast %swap3A_399 : vector<1x16xf32> to vector<16xf32>
    %swap3A_401 = vector.shape_cast %scan3A_358#6 : vector<16xf32> to vector<1x16xf32>
    tpu.vector_store %arg7[%swap3A_397, %swap3A_398], %swap3A_401 {add = true, strides = array<i32>} : memref<1x768xf32, #tpu.memory_space<vmem>>, vector<1x16xf32>,
    %swap3A_402 = arith.constant 0 : i32
    %swap3A_403 = arith.index_cast %swap3A_402 : i32 to index
    %swap3A_404 = arith.constant 112 : index
    %swap3A_405 = tpu.vector_load %arg7[%swap3A_403, %swap3A_404] {strides = array<i32>} : memref<1x768xf32, #tpu.memory_space<vmem>>, vector<1x16xf32>,
    %swap3A_406 = vector.shape_cast %swap3A_405 : vector<1x16xf32> to vector<16xf32>
    %swap3A_407 = vector.shape_cast %scan3A_358#7 : vector<16xf32> to vector<1x16xf32>
    tpu.vector_store %arg7[%swap3A_403, %swap3A_404], %swap3A_407 {add = true, strides = array<i32>} : memref<1x768xf32, #tpu.memory_space<vmem>>, vector<1x16xf32>,
    %swap3A_408 = arith.constant 0 : i32
    %swap3A_409 = arith.index_cast %swap3A_408 : i32 to index
    %swap3A_410 = arith.constant 128 : index
    %swap3A_411 = tpu.vector_load %arg7[%swap3A_409, %swap3A_410] {strides = array<i32>} : memref<1x768xf32, #tpu.memory_space<vmem>>, vector<1x16xf32>,
    %swap3A_412 = vector.shape_cast %swap3A_411 : vector<1x16xf32> to vector<16xf32>
    %swap3A_413 = vector.shape_cast %scan3A_358#8 : vector<16xf32> to vector<1x16xf32>
    tpu.vector_store %arg7[%swap3A_409, %swap3A_410], %swap3A_413 {add = true, strides = array<i32>} : memref<1x768xf32, #tpu.memory_space<vmem>>, vector<1x16xf32>,
    %swap3A_414 = arith.constant 0 : i32
    %swap3A_415 = arith.index_cast %swap3A_414 : i32 to index
    %swap3A_416 = arith.constant 144 : index
    %swap3A_417 = tpu.vector_load %arg7[%swap3A_415, %swap3A_416] {strides = array<i32>} : memref<1x768xf32, #tpu.memory_space<vmem>>, vector<1x16xf32>,
    %swap3A_418 = vector.shape_cast %swap3A_417 : vector<1x16xf32> to vector<16xf32>
    %swap3A_419 = vector.shape_cast %scan3A_358#9 : vector<16xf32> to vector<1x16xf32>
    tpu.vector_store %arg7[%swap3A_415, %swap3A_416], %swap3A_419 {add = true, strides = array<i32>} : memref<1x768xf32, #tpu.memory_space<vmem>>, vector<1x16xf32>,
    %swap3A_420 = arith.constant 0 : i32
    %swap3A_421 = arith.index_cast %swap3A_420 : i32 to index
    %swap3A_422 = arith.constant 160 : index
    %swap3A_423 = tpu.vector_load %arg7[%swap3A_421, %swap3A_422] {strides = array<i32>} : memref<1x768xf32, #tpu.memory_space<vmem>>, vector<1x16xf32>,
    %swap3A_424 = vector.shape_cast %swap3A_423 : vector<1x16xf32> to vector<16xf32>
    %swap3A_425 = vector.shape_cast %scan3A_358#10 : vector<16xf32> to vector<1x16xf32>
    tpu.vector_store %arg7[%swap3A_421, %swap3A_422], %swap3A_425 {add = true, strides = array<i32>} : memref<1x768xf32, #tpu.memory_space<vmem>>, vector<1x16xf32>,
    %swap3A_426 = arith.constant 0 : i32
    %swap3A_427 = arith.index_cast %swap3A_426 : i32 to index
    %swap3A_428 = arith.constant 176 : index
    %swap3A_429 = tpu.vector_load %arg7[%swap3A_427, %swap3A_428] {strides = array<i32>} : memref<1x768xf32, #tpu.memory_space<vmem>>, vector<1x16xf32>,
    %swap3A_430 = vector.shape_cast %swap3A_429 : vector<1x16xf32> to vector<16xf32>
    %swap3A_431 = vector.shape_cast %scan3A_358#11 : vector<16xf32> to vector<1x16xf32>
    tpu.vector_store %arg7[%swap3A_427, %swap3A_428], %swap3A_431 {add = true, strides = array<i32>} : memref<1x768xf32, #tpu.memory_space<vmem>>, vector<1x16xf32>,
    %swap3A_432 = arith.constant 0 : i32
    %swap3A_433 = arith.index_cast %swap3A_432 : i32 to index
    %swap3A_434 = arith.constant 192 : index
    %swap3A_435 = tpu.vector_load %arg7[%swap3A_433, %swap3A_434] {strides = array<i32>} : memref<1x768xf32, #tpu.memory_space<vmem>>, vector<1x16xf32>,
    %swap3A_436 = vector.shape_cast %swap3A_435 : vector<1x16xf32> to vector<16xf32>
    %swap3A_437 = vector.shape_cast %scan3A_358#12 : vector<16xf32> to vector<1x16xf32>
    tpu.vector_store %arg7[%swap3A_433, %swap3A_434], %swap3A_437 {add = true, strides = array<i32>} : memref<1x768xf32, #tpu.memory_space<vmem>>, vector<1x16xf32>,
    %swap3A_438 = arith.constant 0 : i32
    %swap3A_439 = arith.index_cast %swap3A_438 : i32 to index
    %swap3A_440 = arith.constant 208 : index
    %swap3A_441 = tpu.vector_load %arg7[%swap3A_439, %swap3A_440] {strides = array<i32>} : memref<1x768xf32, #tpu.memory_space<vmem>>, vector<1x16xf32>,
    %swap3A_442 = vector.shape_cast %swap3A_441 : vector<1x16xf32> to vector<16xf32>
    %swap3A_443 = vector.shape_cast %scan3A_358#13 : vector<16xf32> to vector<1x16xf32>
    tpu.vector_store %arg7[%swap3A_439, %swap3A_440], %swap3A_443 {add = true, strides = array<i32>} : memref<1x768xf32, #tpu.memory_space<vmem>>, vector<1x16xf32>,
    %swap3A_444 = arith.constant 0 : i32
    %swap3A_445 = arith.index_cast %swap3A_444 : i32 to index
    %swap3A_446 = arith.constant 224 : index
    %swap3A_447 = tpu.vector_load %arg7[%swap3A_445, %swap3A_446] {strides = array<i32>} : memref<1x768xf32, #tpu.memory_space<vmem>>, vector<1x16xf32>,
    %swap3A_448 = vector.shape_cast %swap3A_447 : vector<1x16xf32> to vector<16xf32>
    %swap3A_449 = vector.shape_cast %scan3A_358#14 : vector<16xf32> to vector<1x16xf32>
    tpu.vector_store %arg7[%swap3A_445, %swap3A_446], %swap3A_449 {add = true, strides = array<i32>} : memref<1x768xf32, #tpu.memory_space<vmem>>, vector<1x16xf32>,
    %swap3A_450 = arith.constant 0 : i32
    %swap3A_451 = arith.index_cast %swap3A_450 : i32 to index
    %swap3A_452 = arith.constant 240 : index
    %swap3A_453 = tpu.vector_load %arg7[%swap3A_451, %swap3A_452] {strides = array<i32>} : memref<1x768xf32, #tpu.memory_space<vmem>>, vector<1x16xf32>,
    %swap3A_454 = vector.shape_cast %swap3A_453 : vector<1x16xf32> to vector<16xf32>
    %swap3A_455 = vector.shape_cast %scan3A_358#15 : vector<16xf32> to vector<1x16xf32>
    tpu.vector_store %arg7[%swap3A_451, %swap3A_452], %swap3A_455 {add = true, strides = array<i32>} : memref<1x768xf32, #tpu.memory_space<vmem>>, vector<1x16xf32>,
    %scan3A_456 = arith.constant 0 : i32
    %scan3A_457 = arith.constant 16 : i32
    %scan3A_458 = arith.addi %scan3A_456, %scan3A_457 : i32
    %scan3A_459 = arith.constant 1 : i32
    %scan3A_460:16 = scf.for %scan3A_1288 = %scan3A_456 to %scan3A_458 step %scan3A_459 iter_args(%scan3A_1289 = %broadcast_in_dim3A_34, %scan3A_1290 = %broadcast_in_dim3A_34, %scan3A_1291 = %broadcast_in_dim3A_34, %scan3A_1292 = %broadcast_in_dim3A_34, %scan3A_1293 = %broadcast_in_dim3A_34, %scan3A_1294 = %broadcast_in_dim3A_34, %scan3A_1295 = %broadcast_in_dim3A_34, %scan3A_1296 = %broadcast_in_dim3A_34, %scan3A_1297 = %broadcast_in_dim3A_34, %scan3A_1298 = %broadcast_in_dim3A_34, %scan3A_1299 = %broadcast_in_dim3A_34, %scan3A_1300 = %broadcast_in_dim3A_34, %scan3A_1301 = %broadcast_in_dim3A_34, %scan3A_1302 = %broadcast_in_dim3A_34, %scan3A_1303 = %broadcast_in_dim3A_34, %scan3A_1304 = %broadcast_in_dim3A_34) -> (vector<16xf32>, vector<16xf32>, vector<16xf32>, vector<16xf32>, vector<16xf32>, vector<16xf32>, vector<16xf32>, vector<16xf32>, vector<16xf32>, vector<16xf32>, vector<16xf32>, vector<16xf32>, vector<16xf32>, vector<16xf32>, vector<16xf32>, vector<16xf32>)  : i32 {
      %mul3A_1305 = arith.constant 1 : i32
      %mul3A_1306 = arith.muli %scan3A_1288, %mul3A_1305 : i32
      %add3A_1307 = arith.constant 16 : i32
      %add3A_1308 = arith.addi %add3A_1307, %mul3A_1306 : i32
      %add3A_1309 = arith.constant 0 : i32
      %add3A_1310 = arith.addi %add3A_1308, %add3A_1309 : i32
      %get3A = arith.index_cast %add3A_1310 : i32 to index
      %get3A_1311 = arith.constant 256 : index
      %get3A_1312 = tpu.vector_load %arg6[%get3A, %get3A_1311] {strides = array<i32>} : memref<64x768xf32, #tpu.memory_space<vmem>>, vector<1x16xf32>,
      %get3A_1313 = vector.shape_cast %get3A_1312 : vector<1x16xf32> to vector<16xf32>
      %add3A_1314 = arith.addf %scan3A_1289, %get3A_1313 : vector<16xf32>
      %mul3A_1315 = arith.constant 1 : i32
      %mul3A_1316 = arith.muli %scan3A_1288, %mul3A_1315 : i32
      %add3A_1317 = arith.constant 16 : i32
      %add3A_1318 = arith.addi %add3A_1317, %mul3A_1316 : i32
      %add3A_1319 = arith.constant 0 : i32
      %add3A_1320 = arith.addi %add3A_1318, %add3A_1319 : i32
      %get3A_1321 = arith.index_cast %add3A_1320 : i32 to index
      %get3A_1322 = arith.constant 272 : index
      %get3A_1323 = tpu.vector_load %arg6[%get3A_1321, %get3A_1322] {strides = array<i32>} : memref<64x768xf32, #tpu.memory_space<vmem>>, vector<1x16xf32>,
      %get3A_1324 = vector.shape_cast %get3A_1323 : vector<1x16xf32> to vector<16xf32>
      %add3A_1325 = arith.addf %scan3A_1290, %get3A_1324 : vector<16xf32>
      %mul3A_1326 = arith.constant 1 : i32
      %mul3A_1327 = arith.muli %scan3A_1288, %mul3A_1326 : i32
      %add3A_1328 = arith.constant 16 : i32
      %add3A_1329 = arith.addi %add3A_1328, %mul3A_1327 : i32
      %add3A_1330 = arith.constant 0 : i32
      %add3A_1331 = arith.addi %add3A_1329, %add3A_1330 : i32
      %get3A_1332 = arith.index_cast %add3A_1331 : i32 to index
      %get3A_1333 = arith.constant 288 : index
      %get3A_1334 = tpu.vector_load %arg6[%get3A_1332, %get3A_1333] {strides = array<i32>} : memref<64x768xf32, #tpu.memory_space<vmem>>, vector<1x16xf32>,
      %get3A_1335 = vector.shape_cast %get3A_1334 : vector<1x16xf32> to vector<16xf32>
      %add3A_1336 = arith.addf %scan3A_1291, %get3A_1335 : vector<16xf32>
      %mul3A_1337 = arith.constant 1 : i32
      %mul3A_1338 = arith.muli %scan3A_1288, %mul3A_1337 : i32
      %add3A_1339 = arith.constant 16 : i32
      %add3A_1340 = arith.addi %add3A_1339, %mul3A_1338 : i32
      %add3A_1341 = arith.constant 0 : i32
      %add3A_1342 = arith.addi %add3A_1340, %add3A_1341 : i32
      %get3A_1343 = arith.index_cast %add3A_1342 : i32 to index
      %get3A_1344 = arith.constant 304 : index
      %get3A_1345 = tpu.vector_load %arg6[%get3A_1343, %get3A_1344] {strides = array<i32>} : memref<64x768xf32, #tpu.memory_space<vmem>>, vector<1x16xf32>,
      %get3A_1346 = vector.shape_cast %get3A_1345 : vector<1x16xf32> to vector<16xf32>
      %add3A_1347 = arith.addf %scan3A_1292, %get3A_1346 : vector<16xf32>
      %mul3A_1348 = arith.constant 1 : i32
      %mul3A_1349 = arith.muli %scan3A_1288, %mul3A_1348 : i32
      %add3A_1350 = arith.constant 16 : i32
      %add3A_1351 = arith.addi %add3A_1350, %mul3A_1349 : i32
      %add3A_1352 = arith.constant 0 : i32
      %add3A_1353 = arith.addi %add3A_1351, %add3A_1352 : i32
      %get3A_1354 = arith.index_cast %add3A_1353 : i32 to index
      %get3A_1355 = arith.constant 320 : index
      %get3A_1356 = tpu.vector_load %arg6[%get3A_1354, %get3A_1355] {strides = array<i32>} : memref<64x768xf32, #tpu.memory_space<vmem>>, vector<1x16xf32>,
      %get3A_1357 = vector.shape_cast %get3A_1356 : vector<1x16xf32> to vector<16xf32>
      %add3A_1358 = arith.addf %scan3A_1293, %get3A_1357 : vector<16xf32>
      %mul3A_1359 = arith.constant 1 : i32
      %mul3A_1360 = arith.muli %scan3A_1288, %mul3A_1359 : i32
      %add3A_1361 = arith.constant 16 : i32
      %add3A_1362 = arith.addi %add3A_1361, %mul3A_1360 : i32
      %add3A_1363 = arith.constant 0 : i32
      %add3A_1364 = arith.addi %add3A_1362, %add3A_1363 : i32
      %get3A_1365 = arith.index_cast %add3A_1364 : i32 to index
      %get3A_1366 = arith.constant 336 : index
      %get3A_1367 = tpu.vector_load %arg6[%get3A_1365, %get3A_1366] {strides = array<i32>} : memref<64x768xf32, #tpu.memory_space<vmem>>, vector<1x16xf32>,
      %get3A_1368 = vector.shape_cast %get3A_1367 : vector<1x16xf32> to vector<16xf32>
      %add3A_1369 = arith.addf %scan3A_1294, %get3A_1368 : vector<16xf32>
      %mul3A_1370 = arith.constant 1 : i32
      %mul3A_1371 = arith.muli %scan3A_1288, %mul3A_1370 : i32
      %add3A_1372 = arith.constant 16 : i32
      %add3A_1373 = arith.addi %add3A_1372, %mul3A_1371 : i32
      %add3A_1374 = arith.constant 0 : i32
      %add3A_1375 = arith.addi %add3A_1373, %add3A_1374 : i32
      %get3A_1376 = arith.index_cast %add3A_1375 : i32 to index
      %get3A_1377 = arith.constant 352 : index
      %get3A_1378 = tpu.vector_load %arg6[%get3A_1376, %get3A_1377] {strides = array<i32>} : memref<64x768xf32, #tpu.memory_space<vmem>>, vector<1x16xf32>,
      %get3A_1379 = vector.shape_cast %get3A_1378 : vector<1x16xf32> to vector<16xf32>
      %add3A_1380 = arith.addf %scan3A_1295, %get3A_1379 : vector<16xf32>
      %mul3A_1381 = arith.constant 1 : i32
      %mul3A_1382 = arith.muli %scan3A_1288, %mul3A_1381 : i32
      %add3A_1383 = arith.constant 16 : i32
      %add3A_1384 = arith.addi %add3A_1383, %mul3A_1382 : i32
      %add3A_1385 = arith.constant 0 : i32
      %add3A_1386 = arith.addi %add3A_1384, %add3A_1385 : i32
      %get3A_1387 = arith.index_cast %add3A_1386 : i32 to index
      %get3A_1388 = arith.constant 368 : index
      %get3A_1389 = tpu.vector_load %arg6[%get3A_1387, %get3A_1388] {strides = array<i32>} : memref<64x768xf32, #tpu.memory_space<vmem>>, vector<1x16xf32>,
      %get3A_1390 = vector.shape_cast %get3A_1389 : vector<1x16xf32> to vector<16xf32>
      %add3A_1391 = arith.addf %scan3A_1296, %get3A_1390 : vector<16xf32>
      %mul3A_1392 = arith.constant 1 : i32
      %mul3A_1393 = arith.muli %scan3A_1288, %mul3A_1392 : i32
      %add3A_1394 = arith.constant 16 : i32
      %add3A_1395 = arith.addi %add3A_1394, %mul3A_1393 : i32
      %add3A_1396 = arith.constant 0 : i32
      %add3A_1397 = arith.addi %add3A_1395, %add3A_1396 : i32
      %get3A_1398 = arith.index_cast %add3A_1397 : i32 to index
      %get3A_1399 = arith.constant 384 : index
      %get3A_1400 = tpu.vector_load %arg6[%get3A_1398, %get3A_1399] {strides = array<i32>} : memref<64x768xf32, #tpu.memory_space<vmem>>, vector<1x16xf32>,
      %get3A_1401 = vector.shape_cast %get3A_1400 : vector<1x16xf32> to vector<16xf32>
      %add3A_1402 = arith.addf %scan3A_1297, %get3A_1401 : vector<16xf32>
      %mul3A_1403 = arith.constant 1 : i32
      %mul3A_1404 = arith.muli %scan3A_1288, %mul3A_1403 : i32
      %add3A_1405 = arith.constant 16 : i32
      %add3A_1406 = arith.addi %add3A_1405, %mul3A_1404 : i32
      %add3A_1407 = arith.constant 0 : i32
      %add3A_1408 = arith.addi %add3A_1406, %add3A_1407 : i32
      %get3A_1409 = arith.index_cast %add3A_1408 : i32 to index
      %get3A_1410 = arith.constant 400 : index
      %get3A_1411 = tpu.vector_load %arg6[%get3A_1409, %get3A_1410] {strides = array<i32>} : memref<64x768xf32, #tpu.memory_space<vmem>>, vector<1x16xf32>,
      %get3A_1412 = vector.shape_cast %get3A_1411 : vector<1x16xf32> to vector<16xf32>
      %add3A_1413 = arith.addf %scan3A_1298, %get3A_1412 : vector<16xf32>
      %mul3A_1414 = arith.constant 1 : i32
      %mul3A_1415 = arith.muli %scan3A_1288, %mul3A_1414 : i32
      %add3A_1416 = arith.constant 16 : i32
      %add3A_1417 = arith.addi %add3A_1416, %mul3A_1415 : i32
      %add3A_1418 = arith.constant 0 : i32
      %add3A_1419 = arith.addi %add3A_1417, %add3A_1418 : i32
      %get3A_1420 = arith.index_cast %add3A_1419 : i32 to index
      %get3A_1421 = arith.constant 416 : index
      %get3A_1422 = tpu.vector_load %arg6[%get3A_1420, %get3A_1421] {strides = array<i32>} : memref<64x768xf32, #tpu.memory_space<vmem>>, vector<1x16xf32>,
      %get3A_1423 = vector.shape_cast %get3A_1422 : vector<1x16xf32> to vector<16xf32>
      %add3A_1424 = arith.addf %scan3A_1299, %get3A_1423 : vector<16xf32>
      %mul3A_1425 = arith.constant 1 : i32
      %mul3A_1426 = arith.muli %scan3A_1288, %mul3A_1425 : i32
      %add3A_1427 = arith.constant 16 : i32
      %add3A_1428 = arith.addi %add3A_1427, %mul3A_1426 : i32
      %add3A_1429 = arith.constant 0 : i32
      %add3A_1430 = arith.addi %add3A_1428, %add3A_1429 : i32
      %get3A_1431 = arith.index_cast %add3A_1430 : i32 to index
      %get3A_1432 = arith.constant 432 : index
      %get3A_1433 = tpu.vector_load %arg6[%get3A_1431, %get3A_1432] {strides = array<i32>} : memref<64x768xf32, #tpu.memory_space<vmem>>, vector<1x16xf32>,
      %get3A_1434 = vector.shape_cast %get3A_1433 : vector<1x16xf32> to vector<16xf32>
      %add3A_1435 = arith.addf %scan3A_1300, %get3A_1434 : vector<16xf32>
      %mul3A_1436 = arith.constant 1 : i32
      %mul3A_1437 = arith.muli %scan3A_1288, %mul3A_1436 : i32
      %add3A_1438 = arith.constant 16 : i32
      %add3A_1439 = arith.addi %add3A_1438, %mul3A_1437 : i32
      %add3A_1440 = arith.constant 0 : i32
      %add3A_1441 = arith.addi %add3A_1439, %add3A_1440 : i32
      %get3A_1442 = arith.index_cast %add3A_1441 : i32 to index
      %get3A_1443 = arith.constant 448 : index
      %get3A_1444 = tpu.vector_load %arg6[%get3A_1442, %get3A_1443] {strides = array<i32>} : memref<64x768xf32, #tpu.memory_space<vmem>>, vector<1x16xf32>,
      %get3A_1445 = vector.shape_cast %get3A_1444 : vector<1x16xf32> to vector<16xf32>
      %add3A_1446 = arith.addf %scan3A_1301, %get3A_1445 : vector<16xf32>
      %mul3A_1447 = arith.constant 1 : i32
      %mul3A_1448 = arith.muli %scan3A_1288, %mul3A_1447 : i32
      %add3A_1449 = arith.constant 16 : i32
      %add3A_1450 = arith.addi %add3A_1449, %mul3A_1448 : i32
      %add3A_1451 = arith.constant 0 : i32
      %add3A_1452 = arith.addi %add3A_1450, %add3A_1451 : i32
      %get3A_1453 = arith.index_cast %add3A_1452 : i32 to index
      %get3A_1454 = arith.constant 464 : index
      %get3A_1455 = tpu.vector_load %arg6[%get3A_1453, %get3A_1454] {strides = array<i32>} : memref<64x768xf32, #tpu.memory_space<vmem>>, vector<1x16xf32>,
      %get3A_1456 = vector.shape_cast %get3A_1455 : vector<1x16xf32> to vector<16xf32>
      %add3A_1457 = arith.addf %scan3A_1302, %get3A_1456 : vector<16xf32>
      %mul3A_1458 = arith.constant 1 : i32
      %mul3A_1459 = arith.muli %scan3A_1288, %mul3A_1458 : i32
      %add3A_1460 = arith.constant 16 : i32
      %add3A_1461 = arith.addi %add3A_1460, %mul3A_1459 : i32
      %add3A_1462 = arith.constant 0 : i32
      %add3A_1463 = arith.addi %add3A_1461, %add3A_1462 : i32
      %get3A_1464 = arith.index_cast %add3A_1463 : i32 to index
      %get3A_1465 = arith.constant 480 : index
      %get3A_1466 = tpu.vector_load %arg6[%get3A_1464, %get3A_1465] {strides = array<i32>} : memref<64x768xf32, #tpu.memory_space<vmem>>, vector<1x16xf32>,
      %get3A_1467 = vector.shape_cast %get3A_1466 : vector<1x16xf32> to vector<16xf32>
      %add3A_1468 = arith.addf %scan3A_1303, %get3A_1467 : vector<16xf32>
      %mul3A_1469 = arith.constant 1 : i32
      %mul3A_1470 = arith.muli %scan3A_1288, %mul3A_1469 : i32
      %add3A_1471 = arith.constant 16 : i32
      %add3A_1472 = arith.addi %add3A_1471, %mul3A_1470 : i32
      %add3A_1473 = arith.constant 0 : i32
      %add3A_1474 = arith.addi %add3A_1472, %add3A_1473 : i32
      %get3A_1475 = arith.index_cast %add3A_1474 : i32 to index
      %get3A_1476 = arith.constant 496 : index
      %get3A_1477 = tpu.vector_load %arg6[%get3A_1475, %get3A_1476] {strides = array<i32>} : memref<64x768xf32, #tpu.memory_space<vmem>>, vector<1x16xf32>,
      %get3A_1478 = vector.shape_cast %get3A_1477 : vector<1x16xf32> to vector<16xf32>
      %add3A_1479 = arith.addf %scan3A_1304, %get3A_1478 : vector<16xf32>
      scf.yield %add3A_1314, %add3A_1325, %add3A_1336, %add3A_1347, %add3A_1358, %add3A_1369, %add3A_1380, %add3A_1391, %add3A_1402, %add3A_1413, %add3A_1424, %add3A_1435, %add3A_1446, %add3A_1457, %add3A_1468, %add3A_1479 : vector<16xf32>, vector<16xf32>, vector<16xf32>, vector<16xf32>, vector<16xf32>, vector<16xf32>, vector<16xf32>, vector<16xf32>, vector<16xf32>, vector<16xf32>, vector<16xf32>, vector<16xf32>, vector<16xf32>, vector<16xf32>, vector<16xf32>, vector<16xf32>
    }
    %scan3A_461 = arith.constant 16 : i32
    %swap3A_462 = arith.constant 0 : i32
    %swap3A_463 = arith.index_cast %swap3A_462 : i32 to index
    %swap3A_464 = arith.constant 256 : index
    %swap3A_465 = tpu.vector_load %arg7[%swap3A_463, %swap3A_464] {strides = array<i32>} : memref<1x768xf32, #tpu.memory_space<vmem>>, vector<1x16xf32>,
    %swap3A_466 = vector.shape_cast %swap3A_465 : vector<1x16xf32> to vector<16xf32>
    %swap3A_467 = vector.shape_cast %scan3A_460#0 : vector<16xf32> to vector<1x16xf32>
    tpu.vector_store %arg7[%swap3A_463, %swap3A_464], %swap3A_467 {add = true, strides = array<i32>} : memref<1x768xf32, #tpu.memory_space<vmem>>, vector<1x16xf32>,
    %swap3A_468 = arith.constant 0 : i32
    %swap3A_469 = arith.index_cast %swap3A_468 : i32 to index
    %swap3A_470 = arith.constant 272 : index
    %swap3A_471 = tpu.vector_load %arg7[%swap3A_469, %swap3A_470] {strides = array<i32>} : memref<1x768xf32, #tpu.memory_space<vmem>>, vector<1x16xf32>,
    %swap3A_472 = vector.shape_cast %swap3A_471 : vector<1x16xf32> to vector<16xf32>
    %swap3A_473 = vector.shape_cast %scan3A_460#1 : vector<16xf32> to vector<1x16xf32>
    tpu.vector_store %arg7[%swap3A_469, %swap3A_470], %swap3A_473 {add = true, strides = array<i32>} : memref<1x768xf32, #tpu.memory_space<vmem>>, vector<1x16xf32>,
    %swap3A_474 = arith.constant 0 : i32
    %swap3A_475 = arith.index_cast %swap3A_474 : i32 to index
    %swap3A_476 = arith.constant 288 : index
    %swap3A_477 = tpu.vector_load %arg7[%swap3A_475, %swap3A_476] {strides = array<i32>} : memref<1x768xf32, #tpu.memory_space<vmem>>, vector<1x16xf32>,
    %swap3A_478 = vector.shape_cast %swap3A_477 : vector<1x16xf32> to vector<16xf32>
    %swap3A_479 = vector.shape_cast %scan3A_460#2 : vector<16xf32> to vector<1x16xf32>
    tpu.vector_store %arg7[%swap3A_475, %swap3A_476], %swap3A_479 {add = true, strides = array<i32>} : memref<1x768xf32, #tpu.memory_space<vmem>>, vector<1x16xf32>,
    %swap3A_480 = arith.constant 0 : i32
    %swap3A_481 = arith.index_cast %swap3A_480 : i32 to index
    %swap3A_482 = arith.constant 304 : index
    %swap3A_483 = tpu.vector_load %arg7[%swap3A_481, %swap3A_482] {strides = array<i32>} : memref<1x768xf32, #tpu.memory_space<vmem>>, vector<1x16xf32>,
    %swap3A_484 = vector.shape_cast %swap3A_483 : vector<1x16xf32> to vector<16xf32>
    %swap3A_485 = vector.shape_cast %scan3A_460#3 : vector<16xf32> to vector<1x16xf32>
    tpu.vector_store %arg7[%swap3A_481, %swap3A_482], %swap3A_485 {add = true, strides = array<i32>} : memref<1x768xf32, #tpu.memory_space<vmem>>, vector<1x16xf32>,
    %swap3A_486 = arith.constant 0 : i32
    %swap3A_487 = arith.index_cast %swap3A_486 : i32 to index
    %swap3A_488 = arith.constant 320 : index
    %swap3A_489 = tpu.vector_load %arg7[%swap3A_487, %swap3A_488] {strides = array<i32>} : memref<1x768xf32, #tpu.memory_space<vmem>>, vector<1x16xf32>,
    %swap3A_490 = vector.shape_cast %swap3A_489 : vector<1x16xf32> to vector<16xf32>
    %swap3A_491 = vector.shape_cast %scan3A_460#4 : vector<16xf32> to vector<1x16xf32>
    tpu.vector_store %arg7[%swap3A_487, %swap3A_488], %swap3A_491 {add = true, strides = array<i32>} : memref<1x768xf32, #tpu.memory_space<vmem>>, vector<1x16xf32>,
    %swap3A_492 = arith.constant 0 : i32
    %swap3A_493 = arith.index_cast %swap3A_492 : i32 to index
    %swap3A_494 = arith.constant 336 : index
    %swap3A_495 = tpu.vector_load %arg7[%swap3A_493, %swap3A_494] {strides = array<i32>} : memref<1x768xf32, #tpu.memory_space<vmem>>, vector<1x16xf32>,
    %swap3A_496 = vector.shape_cast %swap3A_495 : vector<1x16xf32> to vector<16xf32>
    %swap3A_497 = vector.shape_cast %scan3A_460#5 : vector<16xf32> to vector<1x16xf32>
    tpu.vector_store %arg7[%swap3A_493, %swap3A_494], %swap3A_497 {add = true, strides = array<i32>} : memref<1x768xf32, #tpu.memory_space<vmem>>, vector<1x16xf32>,
    %swap3A_498 = arith.constant 0 : i32
    %swap3A_499 = arith.index_cast %swap3A_498 : i32 to index
    %swap3A_500 = arith.constant 352 : index
    %swap3A_501 = tpu.vector_load %arg7[%swap3A_499, %swap3A_500] {strides = array<i32>} : memref<1x768xf32, #tpu.memory_space<vmem>>, vector<1x16xf32>,
    %swap3A_502 = vector.shape_cast %swap3A_501 : vector<1x16xf32> to vector<16xf32>
    %swap3A_503 = vector.shape_cast %scan3A_460#6 : vector<16xf32> to vector<1x16xf32>
    tpu.vector_store %arg7[%swap3A_499, %swap3A_500], %swap3A_503 {add = true, strides = array<i32>} : memref<1x768xf32, #tpu.memory_space<vmem>>, vector<1x16xf32>,
    %swap3A_504 = arith.constant 0 : i32
    %swap3A_505 = arith.index_cast %swap3A_504 : i32 to index
    %swap3A_506 = arith.constant 368 : index
    %swap3A_507 = tpu.vector_load %arg7[%swap3A_505, %swap3A_506] {strides = array<i32>} : memref<1x768xf32, #tpu.memory_space<vmem>>, vector<1x16xf32>,
    %swap3A_508 = vector.shape_cast %swap3A_507 : vector<1x16xf32> to vector<16xf32>
    %swap3A_509 = vector.shape_cast %scan3A_460#7 : vector<16xf32> to vector<1x16xf32>
    tpu.vector_store %arg7[%swap3A_505, %swap3A_506], %swap3A_509 {add = true, strides = array<i32>} : memref<1x768xf32, #tpu.memory_space<vmem>>, vector<1x16xf32>,
    %swap3A_510 = arith.constant 0 : i32
    %swap3A_511 = arith.index_cast %swap3A_510 : i32 to index
    %swap3A_512 = arith.constant 384 : index
    %swap3A_513 = tpu.vector_load %arg7[%swap3A_511, %swap3A_512] {strides = array<i32>} : memref<1x768xf32, #tpu.memory_space<vmem>>, vector<1x16xf32>,
    %swap3A_514 = vector.shape_cast %swap3A_513 : vector<1x16xf32> to vector<16xf32>
    %swap3A_515 = vector.shape_cast %scan3A_460#8 : vector<16xf32> to vector<1x16xf32>
    tpu.vector_store %arg7[%swap3A_511, %swap3A_512], %swap3A_515 {add = true, strides = array<i32>} : memref<1x768xf32, #tpu.memory_space<vmem>>, vector<1x16xf32>,
    %swap3A_516 = arith.constant 0 : i32
    %swap3A_517 = arith.index_cast %swap3A_516 : i32 to index
    %swap3A_518 = arith.constant 400 : index
    %swap3A_519 = tpu.vector_load %arg7[%swap3A_517, %swap3A_518] {strides = array<i32>} : memref<1x768xf32, #tpu.memory_space<vmem>>, vector<1x16xf32>,
    %swap3A_520 = vector.shape_cast %swap3A_519 : vector<1x16xf32> to vector<16xf32>
    %swap3A_521 = vector.shape_cast %scan3A_460#9 : vector<16xf32> to vector<1x16xf32>
    tpu.vector_store %arg7[%swap3A_517, %swap3A_518], %swap3A_521 {add = true, strides = array<i32>} : memref<1x768xf32, #tpu.memory_space<vmem>>, vector<1x16xf32>,
    %swap3A_522 = arith.constant 0 : i32
    %swap3A_523 = arith.index_cast %swap3A_522 : i32 to index
    %swap3A_524 = arith.constant 416 : index
    %swap3A_525 = tpu.vector_load %arg7[%swap3A_523, %swap3A_524] {strides = array<i32>} : memref<1x768xf32, #tpu.memory_space<vmem>>, vector<1x16xf32>,
    %swap3A_526 = vector.shape_cast %swap3A_525 : vector<1x16xf32> to vector<16xf32>
    %swap3A_527 = vector.shape_cast %scan3A_460#10 : vector<16xf32> to vector<1x16xf32>
    tpu.vector_store %arg7[%swap3A_523, %swap3A_524], %swap3A_527 {add = true, strides = array<i32>} : memref<1x768xf32, #tpu.memory_space<vmem>>, vector<1x16xf32>,
    %swap3A_528 = arith.constant 0 : i32
    %swap3A_529 = arith.index_cast %swap3A_528 : i32 to index
    %swap3A_530 = arith.constant 432 : index
    %swap3A_531 = tpu.vector_load %arg7[%swap3A_529, %swap3A_530] {strides = array<i32>} : memref<1x768xf32, #tpu.memory_space<vmem>>, vector<1x16xf32>,
    %swap3A_532 = vector.shape_cast %swap3A_531 : vector<1x16xf32> to vector<16xf32>
    %swap3A_533 = vector.shape_cast %scan3A_460#11 : vector<16xf32> to vector<1x16xf32>
    tpu.vector_store %arg7[%swap3A_529, %swap3A_530], %swap3A_533 {add = true, strides = array<i32>} : memref<1x768xf32, #tpu.memory_space<vmem>>, vector<1x16xf32>,
    %swap3A_534 = arith.constant 0 : i32
    %swap3A_535 = arith.index_cast %swap3A_534 : i32 to index
    %swap3A_536 = arith.constant 448 : index
    %swap3A_537 = tpu.vector_load %arg7[%swap3A_535, %swap3A_536] {strides = array<i32>} : memref<1x768xf32, #tpu.memory_space<vmem>>, vector<1x16xf32>,
    %swap3A_538 = vector.shape_cast %swap3A_537 : vector<1x16xf32> to vector<16xf32>
    %swap3A_539 = vector.shape_cast %scan3A_460#12 : vector<16xf32> to vector<1x16xf32>
    tpu.vector_store %arg7[%swap3A_535, %swap3A_536], %swap3A_539 {add = true, strides = array<i32>} : memref<1x768xf32, #tpu.memory_space<vmem>>, vector<1x16xf32>,
    %swap3A_540 = arith.constant 0 : i32
    %swap3A_541 = arith.index_cast %swap3A_540 : i32 to index
    %swap3A_542 = arith.constant 464 : index
    %swap3A_543 = tpu.vector_load %arg7[%swap3A_541, %swap3A_542] {strides = array<i32>} : memref<1x768xf32, #tpu.memory_space<vmem>>, vector<1x16xf32>,
    %swap3A_544 = vector.shape_cast %swap3A_543 : vector<1x16xf32> to vector<16xf32>
    %swap3A_545 = vector.shape_cast %scan3A_460#13 : vector<16xf32> to vector<1x16xf32>
    tpu.vector_store %arg7[%swap3A_541, %swap3A_542], %swap3A_545 {add = true, strides = array<i32>} : memref<1x768xf32, #tpu.memory_space<vmem>>, vector<1x16xf32>,
    %swap3A_546 = arith.constant 0 : i32
    %swap3A_547 = arith.index_cast %swap3A_546 : i32 to index
    %swap3A_548 = arith.constant 480 : index
    %swap3A_549 = tpu.vector_load %arg7[%swap3A_547, %swap3A_548] {strides = array<i32>} : memref<1x768xf32, #tpu.memory_space<vmem>>, vector<1x16xf32>,
    %swap3A_550 = vector.shape_cast %swap3A_549 : vector<1x16xf32> to vector<16xf32>
    %swap3A_551 = vector.shape_cast %scan3A_460#14 : vector<16xf32> to vector<1x16xf32>
    tpu.vector_store %arg7[%swap3A_547, %swap3A_548], %swap3A_551 {add = true, strides = array<i32>} : memref<1x768xf32, #tpu.memory_space<vmem>>, vector<1x16xf32>,
    %swap3A_552 = arith.constant 0 : i32
    %swap3A_553 = arith.index_cast %swap3A_552 : i32 to index
    %swap3A_554 = arith.constant 496 : index
    %swap3A_555 = tpu.vector_load %arg7[%swap3A_553, %swap3A_554] {strides = array<i32>} : memref<1x768xf32, #tpu.memory_space<vmem>>, vector<1x16xf32>,
    %swap3A_556 = vector.shape_cast %swap3A_555 : vector<1x16xf32> to vector<16xf32>
    %swap3A_557 = vector.shape_cast %scan3A_460#15 : vector<16xf32> to vector<1x16xf32>
    tpu.vector_store %arg7[%swap3A_553, %swap3A_554], %swap3A_557 {add = true, strides = array<i32>} : memref<1x768xf32, #tpu.memory_space<vmem>>, vector<1x16xf32>,
    %scan3A_558 = arith.constant 0 : i32
    %scan3A_559 = arith.constant 16 : i32
    %scan3A_560 = arith.addi %scan3A_558, %scan3A_559 : i32
    %scan3A_561 = arith.constant 1 : i32
    %scan3A_562:16 = scf.for %scan3A_1288 = %scan3A_558 to %scan3A_560 step %scan3A_561 iter_args(%scan3A_1289 = %broadcast_in_dim3A_34, %scan3A_1290 = %broadcast_in_dim3A_34, %scan3A_1291 = %broadcast_in_dim3A_34, %scan3A_1292 = %broadcast_in_dim3A_34, %scan3A_1293 = %broadcast_in_dim3A_34, %scan3A_1294 = %broadcast_in_dim3A_34, %scan3A_1295 = %broadcast_in_dim3A_34, %scan3A_1296 = %broadcast_in_dim3A_34, %scan3A_1297 = %broadcast_in_dim3A_34, %scan3A_1298 = %broadcast_in_dim3A_34, %scan3A_1299 = %broadcast_in_dim3A_34, %scan3A_1300 = %broadcast_in_dim3A_34, %scan3A_1301 = %broadcast_in_dim3A_34, %scan3A_1302 = %broadcast_in_dim3A_34, %scan3A_1303 = %broadcast_in_dim3A_34, %scan3A_1304 = %broadcast_in_dim3A_34) -> (vector<16xf32>, vector<16xf32>, vector<16xf32>, vector<16xf32>, vector<16xf32>, vector<16xf32>, vector<16xf32>, vector<16xf32>, vector<16xf32>, vector<16xf32>, vector<16xf32>, vector<16xf32>, vector<16xf32>, vector<16xf32>, vector<16xf32>, vector<16xf32>)  : i32 {
      %mul3A_1305 = arith.constant 1 : i32
      %mul3A_1306 = arith.muli %scan3A_1288, %mul3A_1305 : i32
      %add3A_1307 = arith.constant 16 : i32
      %add3A_1308 = arith.addi %add3A_1307, %mul3A_1306 : i32
      %add3A_1309 = arith.constant 0 : i32
      %add3A_1310 = arith.addi %add3A_1308, %add3A_1309 : i32
      %get3A = arith.index_cast %add3A_1310 : i32 to index
      %get3A_1311 = arith.constant 512 : index
      %get3A_1312 = tpu.vector_load %arg6[%get3A, %get3A_1311] {strides = array<i32>} : memref<64x768xf32, #tpu.memory_space<vmem>>, vector<1x16xf32>,
      %get3A_1313 = vector.shape_cast %get3A_1312 : vector<1x16xf32> to vector<16xf32>
      %add3A_1314 = arith.addf %scan3A_1289, %get3A_1313 : vector<16xf32>
      %mul3A_1315 = arith.constant 1 : i32
      %mul3A_1316 = arith.muli %scan3A_1288, %mul3A_1315 : i32
      %add3A_1317 = arith.constant 16 : i32
      %add3A_1318 = arith.addi %add3A_1317, %mul3A_1316 : i32
      %add3A_1319 = arith.constant 0 : i32
      %add3A_1320 = arith.addi %add3A_1318, %add3A_1319 : i32
      %get3A_1321 = arith.index_cast %add3A_1320 : i32 to index
      %get3A_1322 = arith.constant 528 : index
      %get3A_1323 = tpu.vector_load %arg6[%get3A_1321, %get3A_1322] {strides = array<i32>} : memref<64x768xf32, #tpu.memory_space<vmem>>, vector<1x16xf32>,
      %get3A_1324 = vector.shape_cast %get3A_1323 : vector<1x16xf32> to vector<16xf32>
      %add3A_1325 = arith.addf %scan3A_1290, %get3A_1324 : vector<16xf32>
      %mul3A_1326 = arith.constant 1 : i32
      %mul3A_1327 = arith.muli %scan3A_1288, %mul3A_1326 : i32
      %add3A_1328 = arith.constant 16 : i32
      %add3A_1329 = arith.addi %add3A_1328, %mul3A_1327 : i32
      %add3A_1330 = arith.constant 0 : i32
      %add3A_1331 = arith.addi %add3A_1329, %add3A_1330 : i32
      %get3A_1332 = arith.index_cast %add3A_1331 : i32 to index
      %get3A_1333 = arith.constant 544 : index
      %get3A_1334 = tpu.vector_load %arg6[%get3A_1332, %get3A_1333] {strides = array<i32>} : memref<64x768xf32, #tpu.memory_space<vmem>>, vector<1x16xf32>,
      %get3A_1335 = vector.shape_cast %get3A_1334 : vector<1x16xf32> to vector<16xf32>
      %add3A_1336 = arith.addf %scan3A_1291, %get3A_1335 : vector<16xf32>
      %mul3A_1337 = arith.constant 1 : i32
      %mul3A_1338 = arith.muli %scan3A_1288, %mul3A_1337 : i32
      %add3A_1339 = arith.constant 16 : i32
      %add3A_1340 = arith.addi %add3A_1339, %mul3A_1338 : i32
      %add3A_1341 = arith.constant 0 : i32
      %add3A_1342 = arith.addi %add3A_1340, %add3A_1341 : i32
      %get3A_1343 = arith.index_cast %add3A_1342 : i32 to index
      %get3A_1344 = arith.constant 560 : index
      %get3A_1345 = tpu.vector_load %arg6[%get3A_1343, %get3A_1344] {strides = array<i32>} : memref<64x768xf32, #tpu.memory_space<vmem>>, vector<1x16xf32>,
      %get3A_1346 = vector.shape_cast %get3A_1345 : vector<1x16xf32> to vector<16xf32>
      %add3A_1347 = arith.addf %scan3A_1292, %get3A_1346 : vector<16xf32>
      %mul3A_1348 = arith.constant 1 : i32
      %mul3A_1349 = arith.muli %scan3A_1288, %mul3A_1348 : i32
      %add3A_1350 = arith.constant 16 : i32
      %add3A_1351 = arith.addi %add3A_1350, %mul3A_1349 : i32
      %add3A_1352 = arith.constant 0 : i32
      %add3A_1353 = arith.addi %add3A_1351, %add3A_1352 : i32
      %get3A_1354 = arith.index_cast %add3A_1353 : i32 to index
      %get3A_1355 = arith.constant 576 : index
      %get3A_1356 = tpu.vector_load %arg6[%get3A_1354, %get3A_1355] {strides = array<i32>} : memref<64x768xf32, #tpu.memory_space<vmem>>, vector<1x16xf32>,
      %get3A_1357 = vector.shape_cast %get3A_1356 : vector<1x16xf32> to vector<16xf32>
      %add3A_1358 = arith.addf %scan3A_1293, %get3A_1357 : vector<16xf32>
      %mul3A_1359 = arith.constant 1 : i32
      %mul3A_1360 = arith.muli %scan3A_1288, %mul3A_1359 : i32
      %add3A_1361 = arith.constant 16 : i32
      %add3A_1362 = arith.addi %add3A_1361, %mul3A_1360 : i32
      %add3A_1363 = arith.constant 0 : i32
      %add3A_1364 = arith.addi %add3A_1362, %add3A_1363 : i32
      %get3A_1365 = arith.index_cast %add3A_1364 : i32 to index
      %get3A_1366 = arith.constant 592 : index
      %get3A_1367 = tpu.vector_load %arg6[%get3A_1365, %get3A_1366] {strides = array<i32>} : memref<64x768xf32, #tpu.memory_space<vmem>>, vector<1x16xf32>,
      %get3A_1368 = vector.shape_cast %get3A_1367 : vector<1x16xf32> to vector<16xf32>
      %add3A_1369 = arith.addf %scan3A_1294, %get3A_1368 : vector<16xf32>
      %mul3A_1370 = arith.constant 1 : i32
      %mul3A_1371 = arith.muli %scan3A_1288, %mul3A_1370 : i32
      %add3A_1372 = arith.constant 16 : i32
      %add3A_1373 = arith.addi %add3A_1372, %mul3A_1371 : i32
      %add3A_1374 = arith.constant 0 : i32
      %add3A_1375 = arith.addi %add3A_1373, %add3A_1374 : i32
      %get3A_1376 = arith.index_cast %add3A_1375 : i32 to index
      %get3A_1377 = arith.constant 608 : index
      %get3A_1378 = tpu.vector_load %arg6[%get3A_1376, %get3A_1377] {strides = array<i32>} : memref<64x768xf32, #tpu.memory_space<vmem>>, vector<1x16xf32>,
      %get3A_1379 = vector.shape_cast %get3A_1378 : vector<1x16xf32> to vector<16xf32>
      %add3A_1380 = arith.addf %scan3A_1295, %get3A_1379 : vector<16xf32>
      %mul3A_1381 = arith.constant 1 : i32
      %mul3A_1382 = arith.muli %scan3A_1288, %mul3A_1381 : i32
      %add3A_1383 = arith.constant 16 : i32
      %add3A_1384 = arith.addi %add3A_1383, %mul3A_1382 : i32
      %add3A_1385 = arith.constant 0 : i32
      %add3A_1386 = arith.addi %add3A_1384, %add3A_1385 : i32
      %get3A_1387 = arith.index_cast %add3A_1386 : i32 to index
      %get3A_1388 = arith.constant 624 : index
      %get3A_1389 = tpu.vector_load %arg6[%get3A_1387, %get3A_1388] {strides = array<i32>} : memref<64x768xf32, #tpu.memory_space<vmem>>, vector<1x16xf32>,
      %get3A_1390 = vector.shape_cast %get3A_1389 : vector<1x16xf32> to vector<16xf32>
      %add3A_1391 = arith.addf %scan3A_1296, %get3A_1390 : vector<16xf32>
      %mul3A_1392 = arith.constant 1 : i32
      %mul3A_1393 = arith.muli %scan3A_1288, %mul3A_1392 : i32
      %add3A_1394 = arith.constant 16 : i32
      %add3A_1395 = arith.addi %add3A_1394, %mul3A_1393 : i32
      %add3A_1396 = arith.constant 0 : i32
      %add3A_1397 = arith.addi %add3A_1395, %add3A_1396 : i32
      %get3A_1398 = arith.index_cast %add3A_1397 : i32 to index
      %get3A_1399 = arith.constant 640 : index
      %get3A_1400 = tpu.vector_load %arg6[%get3A_1398, %get3A_1399] {strides = array<i32>} : memref<64x768xf32, #tpu.memory_space<vmem>>, vector<1x16xf32>,
      %get3A_1401 = vector.shape_cast %get3A_1400 : vector<1x16xf32> to vector<16xf32>
      %add3A_1402 = arith.addf %scan3A_1297, %get3A_1401 : vector<16xf32>
      %mul3A_1403 = arith.constant 1 : i32
      %mul3A_1404 = arith.muli %scan3A_1288, %mul3A_1403 : i32
      %add3A_1405 = arith.constant 16 : i32
      %add3A_1406 = arith.addi %add3A_1405, %mul3A_1404 : i32
      %add3A_1407 = arith.constant 0 : i32
      %add3A_1408 = arith.addi %add3A_1406, %add3A_1407 : i32
      %get3A_1409 = arith.index_cast %add3A_1408 : i32 to index
      %get3A_1410 = arith.constant 656 : index
      %get3A_1411 = tpu.vector_load %arg6[%get3A_1409, %get3A_1410] {strides = array<i32>} : memref<64x768xf32, #tpu.memory_space<vmem>>, vector<1x16xf32>,
      %get3A_1412 = vector.shape_cast %get3A_1411 : vector<1x16xf32> to vector<16xf32>
      %add3A_1413 = arith.addf %scan3A_1298, %get3A_1412 : vector<16xf32>
      %mul3A_1414 = arith.constant 1 : i32
      %mul3A_1415 = arith.muli %scan3A_1288, %mul3A_1414 : i32
      %add3A_1416 = arith.constant 16 : i32
      %add3A_1417 = arith.addi %add3A_1416, %mul3A_1415 : i32
      %add3A_1418 = arith.constant 0 : i32
      %add3A_1419 = arith.addi %add3A_1417, %add3A_1418 : i32
      %get3A_1420 = arith.index_cast %add3A_1419 : i32 to index
      %get3A_1421 = arith.constant 672 : index
      %get3A_1422 = tpu.vector_load %arg6[%get3A_1420, %get3A_1421] {strides = array<i32>} : memref<64x768xf32, #tpu.memory_space<vmem>>, vector<1x16xf32>,
      %get3A_1423 = vector.shape_cast %get3A_1422 : vector<1x16xf32> to vector<16xf32>
      %add3A_1424 = arith.addf %scan3A_1299, %get3A_1423 : vector<16xf32>
      %mul3A_1425 = arith.constant 1 : i32
      %mul3A_1426 = arith.muli %scan3A_1288, %mul3A_1425 : i32
      %add3A_1427 = arith.constant 16 : i32
      %add3A_1428 = arith.addi %add3A_1427, %mul3A_1426 : i32
      %add3A_1429 = arith.constant 0 : i32
      %add3A_1430 = arith.addi %add3A_1428, %add3A_1429 : i32
      %get3A_1431 = arith.index_cast %add3A_1430 : i32 to index
      %get3A_1432 = arith.constant 688 : index
      %get3A_1433 = tpu.vector_load %arg6[%get3A_1431, %get3A_1432] {strides = array<i32>} : memref<64x768xf32, #tpu.memory_space<vmem>>, vector<1x16xf32>,
      %get3A_1434 = vector.shape_cast %get3A_1433 : vector<1x16xf32> to vector<16xf32>
      %add3A_1435 = arith.addf %scan3A_1300, %get3A_1434 : vector<16xf32>
      %mul3A_1436 = arith.constant 1 : i32
      %mul3A_1437 = arith.muli %scan3A_1288, %mul3A_1436 : i32
      %add3A_1438 = arith.constant 16 : i32
      %add3A_1439 = arith.addi %add3A_1438, %mul3A_1437 : i32
      %add3A_1440 = arith.constant 0 : i32
      %add3A_1441 = arith.addi %add3A_1439, %add3A_1440 : i32
      %get3A_1442 = arith.index_cast %add3A_1441 : i32 to index
      %get3A_1443 = arith.constant 704 : index
      %get3A_1444 = tpu.vector_load %arg6[%get3A_1442, %get3A_1443] {strides = array<i32>} : memref<64x768xf32, #tpu.memory_space<vmem>>, vector<1x16xf32>,
      %get3A_1445 = vector.shape_cast %get3A_1444 : vector<1x16xf32> to vector<16xf32>
      %add3A_1446 = arith.addf %scan3A_1301, %get3A_1445 : vector<16xf32>
      %mul3A_1447 = arith.constant 1 : i32
      %mul3A_1448 = arith.muli %scan3A_1288, %mul3A_1447 : i32
      %add3A_1449 = arith.constant 16 : i32
      %add3A_1450 = arith.addi %add3A_1449, %mul3A_1448 : i32
      %add3A_1451 = arith.constant 0 : i32
      %add3A_1452 = arith.addi %add3A_1450, %add3A_1451 : i32
      %get3A_1453 = arith.index_cast %add3A_1452 : i32 to index
      %get3A_1454 = arith.constant 720 : index
      %get3A_1455 = tpu.vector_load %arg6[%get3A_1453, %get3A_1454] {strides = array<i32>} : memref<64x768xf32, #tpu.memory_space<vmem>>, vector<1x16xf32>,
      %get3A_1456 = vector.shape_cast %get3A_1455 : vector<1x16xf32> to vector<16xf32>
      %add3A_1457 = arith.addf %scan3A_1302, %get3A_1456 : vector<16xf32>
      %mul3A_1458 = arith.constant 1 : i32
      %mul3A_1459 = arith.muli %scan3A_1288, %mul3A_1458 : i32
      %add3A_1460 = arith.constant 16 : i32
      %add3A_1461 = arith.addi %add3A_1460, %mul3A_1459 : i32
      %add3A_1462 = arith.constant 0 : i32
      %add3A_1463 = arith.addi %add3A_1461, %add3A_1462 : i32
      %get3A_1464 = arith.index_cast %add3A_1463 : i32 to index
      %get3A_1465 = arith.constant 736 : index
      %get3A_1466 = tpu.vector_load %arg6[%get3A_1464, %get3A_1465] {strides = array<i32>} : memref<64x768xf32, #tpu.memory_space<vmem>>, vector<1x16xf32>,
      %get3A_1467 = vector.shape_cast %get3A_1466 : vector<1x16xf32> to vector<16xf32>
      %add3A_1468 = arith.addf %scan3A_1303, %get3A_1467 : vector<16xf32>
      %mul3A_1469 = arith.constant 1 : i32
      %mul3A_1470 = arith.muli %scan3A_1288, %mul3A_1469 : i32
      %add3A_1471 = arith.constant 16 : i32
      %add3A_1472 = arith.addi %add3A_1471, %mul3A_1470 : i32
      %add3A_1473 = arith.constant 0 : i32
      %add3A_1474 = arith.addi %add3A_1472, %add3A_1473 : i32
      %get3A_1475 = arith.index_cast %add3A_1474 : i32 to index
      %get3A_1476 = arith.constant 752 : index
      %get3A_1477 = tpu.vector_load %arg6[%get3A_1475, %get3A_1476] {strides = array<i32>} : memref<64x768xf32, #tpu.memory_space<vmem>>, vector<1x16xf32>,
      %get3A_1478 = vector.shape_cast %get3A_1477 : vector<1x16xf32> to vector<16xf32>
      %add3A_1479 = arith.addf %scan3A_1304, %get3A_1478 : vector<16xf32>
      scf.yield %add3A_1314, %add3A_1325, %add3A_1336, %add3A_1347, %add3A_1358, %add3A_1369, %add3A_1380, %add3A_1391, %add3A_1402, %add3A_1413, %add3A_1424, %add3A_1435, %add3A_1446, %add3A_1457, %add3A_1468, %add3A_1479 : vector<16xf32>, vector<16xf32>, vector<16xf32>, vector<16xf32>, vector<16xf32>, vector<16xf32>, vector<16xf32>, vector<16xf32>, vector<16xf32>, vector<16xf32>, vector<16xf32>, vector<16xf32>, vector<16xf32>, vector<16xf32>, vector<16xf32>, vector<16xf32>
    }
    %scan3A_563 = arith.constant 16 : i32
    %swap3A_564 = arith.constant 0 : i32
    %swap3A_565 = arith.index_cast %swap3A_564 : i32 to index
    %swap3A_566 = arith.constant 512 : index
    %swap3A_567 = tpu.vector_load %arg7[%swap3A_565, %swap3A_566] {strides = array<i32>} : memref<1x768xf32, #tpu.memory_space<vmem>>, vector<1x16xf32>,
    %swap3A_568 = vector.shape_cast %swap3A_567 : vector<1x16xf32> to vector<16xf32>
    %swap3A_569 = vector.shape_cast %scan3A_562#0 : vector<16xf32> to vector<1x16xf32>
    tpu.vector_store %arg7[%swap3A_565, %swap3A_566], %swap3A_569 {add = true, strides = array<i32>} : memref<1x768xf32, #tpu.memory_space<vmem>>, vector<1x16xf32>,
    %swap3A_570 = arith.constant 0 : i32
    %swap3A_571 = arith.index_cast %swap3A_570 : i32 to index
    %swap3A_572 = arith.constant 528 : index
    %swap3A_573 = tpu.vector_load %arg7[%swap3A_571, %swap3A_572] {strides = array<i32>} : memref<1x768xf32, #tpu.memory_space<vmem>>, vector<1x16xf32>,
    %swap3A_574 = vector.shape_cast %swap3A_573 : vector<1x16xf32> to vector<16xf32>
    %swap3A_575 = vector.shape_cast %scan3A_562#1 : vector<16xf32> to vector<1x16xf32>
    tpu.vector_store %arg7[%swap3A_571, %swap3A_572], %swap3A_575 {add = true, strides = array<i32>} : memref<1x768xf32, #tpu.memory_space<vmem>>, vector<1x16xf32>,
    %swap3A_576 = arith.constant 0 : i32
    %swap3A_577 = arith.index_cast %swap3A_576 : i32 to index
    %swap3A_578 = arith.constant 544 : index
    %swap3A_579 = tpu.vector_load %arg7[%swap3A_577, %swap3A_578] {strides = array<i32>} : memref<1x768xf32, #tpu.memory_space<vmem>>, vector<1x16xf32>,
    %swap3A_580 = vector.shape_cast %swap3A_579 : vector<1x16xf32> to vector<16xf32>
    %swap3A_581 = vector.shape_cast %scan3A_562#2 : vector<16xf32> to vector<1x16xf32>
    tpu.vector_store %arg7[%swap3A_577, %swap3A_578], %swap3A_581 {add = true, strides = array<i32>} : memref<1x768xf32, #tpu.memory_space<vmem>>, vector<1x16xf32>,
    %swap3A_582 = arith.constant 0 : i32
    %swap3A_583 = arith.index_cast %swap3A_582 : i32 to index
    %swap3A_584 = arith.constant 560 : index
    %swap3A_585 = tpu.vector_load %arg7[%swap3A_583, %swap3A_584] {strides = array<i32>} : memref<1x768xf32, #tpu.memory_space<vmem>>, vector<1x16xf32>,
    %swap3A_586 = vector.shape_cast %swap3A_585 : vector<1x16xf32> to vector<16xf32>
    %swap3A_587 = vector.shape_cast %scan3A_562#3 : vector<16xf32> to vector<1x16xf32>
    tpu.vector_store %arg7[%swap3A_583, %swap3A_584], %swap3A_587 {add = true, strides = array<i32>} : memref<1x768xf32, #tpu.memory_space<vmem>>, vector<1x16xf32>,
    %swap3A_588 = arith.constant 0 : i32
    %swap3A_589 = arith.index_cast %swap3A_588 : i32 to index
    %swap3A_590 = arith.constant 576 : index
    %swap3A_591 = tpu.vector_load %arg7[%swap3A_589, %swap3A_590] {strides = array<i32>} : memref<1x768xf32, #tpu.memory_space<vmem>>, vector<1x16xf32>,
    %swap3A_592 = vector.shape_cast %swap3A_591 : vector<1x16xf32> to vector<16xf32>
    %swap3A_593 = vector.shape_cast %scan3A_562#4 : vector<16xf32> to vector<1x16xf32>
    tpu.vector_store %arg7[%swap3A_589, %swap3A_590], %swap3A_593 {add = true, strides = array<i32>} : memref<1x768xf32, #tpu.memory_space<vmem>>, vector<1x16xf32>,
    %swap3A_594 = arith.constant 0 : i32
    %swap3A_595 = arith.index_cast %swap3A_594 : i32 to index
    %swap3A_596 = arith.constant 592 : index
    %swap3A_597 = tpu.vector_load %arg7[%swap3A_595, %swap3A_596] {strides = array<i32>} : memref<1x768xf32, #tpu.memory_space<vmem>>, vector<1x16xf32>,
    %swap3A_598 = vector.shape_cast %swap3A_597 : vector<1x16xf32> to vector<16xf32>
    %swap3A_599 = vector.shape_cast %scan3A_562#5 : vector<16xf32> to vector<1x16xf32>
    tpu.vector_store %arg7[%swap3A_595, %swap3A_596], %swap3A_599 {add = true, strides = array<i32>} : memref<1x768xf32, #tpu.memory_space<vmem>>, vector<1x16xf32>,
    %swap3A_600 = arith.constant 0 : i32
    %swap3A_601 = arith.index_cast %swap3A_600 : i32 to index
    %swap3A_602 = arith.constant 608 : index
    %swap3A_603 = tpu.vector_load %arg7[%swap3A_601, %swap3A_602] {strides = array<i32>} : memref<1x768xf32, #tpu.memory_space<vmem>>, vector<1x16xf32>,
    %swap3A_604 = vector.shape_cast %swap3A_603 : vector<1x16xf32> to vector<16xf32>
    %swap3A_605 = vector.shape_cast %scan3A_562#6 : vector<16xf32> to vector<1x16xf32>
    tpu.vector_store %arg7[%swap3A_601, %swap3A_602], %swap3A_605 {add = true, strides = array<i32>} : memref<1x768xf32, #tpu.memory_space<vmem>>, vector<1x16xf32>,
    %swap3A_606 = arith.constant 0 : i32
    %swap3A_607 = arith.index_cast %swap3A_606 : i32 to index
    %swap3A_608 = arith.constant 624 : index
    %swap3A_609 = tpu.vector_load %arg7[%swap3A_607, %swap3A_608] {strides = array<i32>} : memref<1x768xf32, #tpu.memory_space<vmem>>, vector<1x16xf32>,
    %swap3A_610 = vector.shape_cast %swap3A_609 : vector<1x16xf32> to vector<16xf32>
    %swap3A_611 = vector.shape_cast %scan3A_562#7 : vector<16xf32> to vector<1x16xf32>
    tpu.vector_store %arg7[%swap3A_607, %swap3A_608], %swap3A_611 {add = true, strides = array<i32>} : memref<1x768xf32, #tpu.memory_space<vmem>>, vector<1x16xf32>,
    %swap3A_612 = arith.constant 0 : i32
    %swap3A_613 = arith.index_cast %swap3A_612 : i32 to index
    %swap3A_614 = arith.constant 640 : index
    %swap3A_615 = tpu.vector_load %arg7[%swap3A_613, %swap3A_614] {strides = array<i32>} : memref<1x768xf32, #tpu.memory_space<vmem>>, vector<1x16xf32>,
    %swap3A_616 = vector.shape_cast %swap3A_615 : vector<1x16xf32> to vector<16xf32>
    %swap3A_617 = vector.shape_cast %scan3A_562#8 : vector<16xf32> to vector<1x16xf32>
    tpu.vector_store %arg7[%swap3A_613, %swap3A_614], %swap3A_617 {add = true, strides = array<i32>} : memref<1x768xf32, #tpu.memory_space<vmem>>, vector<1x16xf32>,
    %swap3A_618 = arith.constant 0 : i32
    %swap3A_619 = arith.index_cast %swap3A_618 : i32 to index
    %swap3A_620 = arith.constant 656 : index
    %swap3A_621 = tpu.vector_load %arg7[%swap3A_619, %swap3A_620] {strides = array<i32>} : memref<1x768xf32, #tpu.memory_space<vmem>>, vector<1x16xf32>,
    %swap3A_622 = vector.shape_cast %swap3A_621 : vector<1x16xf32> to vector<16xf32>
    %swap3A_623 = vector.shape_cast %scan3A_562#9 : vector<16xf32> to vector<1x16xf32>
    tpu.vector_store %arg7[%swap3A_619, %swap3A_620], %swap3A_623 {add = true, strides = array<i32>} : memref<1x768xf32, #tpu.memory_space<vmem>>, vector<1x16xf32>,
    %swap3A_624 = arith.constant 0 : i32
    %swap3A_625 = arith.index_cast %swap3A_624 : i32 to index
    %swap3A_626 = arith.constant 672 : index
    %swap3A_627 = tpu.vector_load %arg7[%swap3A_625, %swap3A_626] {strides = array<i32>} : memref<1x768xf32, #tpu.memory_space<vmem>>, vector<1x16xf32>,
    %swap3A_628 = vector.shape_cast %swap3A_627 : vector<1x16xf32> to vector<16xf32>
    %swap3A_629 = vector.shape_cast %scan3A_562#10 : vector<16xf32> to vector<1x16xf32>
    tpu.vector_store %arg7[%swap3A_625, %swap3A_626], %swap3A_629 {add = true, strides = array<i32>} : memref<1x768xf32, #tpu.memory_space<vmem>>, vector<1x16xf32>,
    %swap3A_630 = arith.constant 0 : i32
    %swap3A_631 = arith.index_cast %swap3A_630 : i32 to index
    %swap3A_632 = arith.constant 688 : index
    %swap3A_633 = tpu.vector_load %arg7[%swap3A_631, %swap3A_632] {strides = array<i32>} : memref<1x768xf32, #tpu.memory_space<vmem>>, vector<1x16xf32>,
    %swap3A_634 = vector.shape_cast %swap3A_633 : vector<1x16xf32> to vector<16xf32>
    %swap3A_635 = vector.shape_cast %scan3A_562#11 : vector<16xf32> to vector<1x16xf32>
    tpu.vector_store %arg7[%swap3A_631, %swap3A_632], %swap3A_635 {add = true, strides = array<i32>} : memref<1x768xf32, #tpu.memory_space<vmem>>, vector<1x16xf32>,
    %swap3A_636 = arith.constant 0 : i32
    %swap3A_637 = arith.index_cast %swap3A_636 : i32 to index
    %swap3A_638 = arith.constant 704 : index
    %swap3A_639 = tpu.vector_load %arg7[%swap3A_637, %swap3A_638] {strides = array<i32>} : memref<1x768xf32, #tpu.memory_space<vmem>>, vector<1x16xf32>,
    %swap3A_640 = vector.shape_cast %swap3A_639 : vector<1x16xf32> to vector<16xf32>
    %swap3A_641 = vector.shape_cast %scan3A_562#12 : vector<16xf32> to vector<1x16xf32>
    tpu.vector_store %arg7[%swap3A_637, %swap3A_638], %swap3A_641 {add = true, strides = array<i32>} : memref<1x768xf32, #tpu.memory_space<vmem>>, vector<1x16xf32>,
    %swap3A_642 = arith.constant 0 : i32
    %swap3A_643 = arith.index_cast %swap3A_642 : i32 to index
    %swap3A_644 = arith.constant 720 : index
    %swap3A_645 = tpu.vector_load %arg7[%swap3A_643, %swap3A_644] {strides = array<i32>} : memref<1x768xf32, #tpu.memory_space<vmem>>, vector<1x16xf32>,
    %swap3A_646 = vector.shape_cast %swap3A_645 : vector<1x16xf32> to vector<16xf32>
    %swap3A_647 = vector.shape_cast %scan3A_562#13 : vector<16xf32> to vector<1x16xf32>
    tpu.vector_store %arg7[%swap3A_643, %swap3A_644], %swap3A_647 {add = true, strides = array<i32>} : memref<1x768xf32, #tpu.memory_space<vmem>>, vector<1x16xf32>,
    %swap3A_648 = arith.constant 0 : i32
    %swap3A_649 = arith.index_cast %swap3A_648 : i32 to index
    %swap3A_650 = arith.constant 736 : index
    %swap3A_651 = tpu.vector_load %arg7[%swap3A_649, %swap3A_650] {strides = array<i32>} : memref<1x768xf32, #tpu.memory_space<vmem>>, vector<1x16xf32>,
    %swap3A_652 = vector.shape_cast %swap3A_651 : vector<1x16xf32> to vector<16xf32>
    %swap3A_653 = vector.shape_cast %scan3A_562#14 : vector<16xf32> to vector<1x16xf32>
    tpu.vector_store %arg7[%swap3A_649, %swap3A_650], %swap3A_653 {add = true, strides = array<i32>} : memref<1x768xf32, #tpu.memory_space<vmem>>, vector<1x16xf32>,
    %swap3A_654 = arith.constant 0 : i32
    %swap3A_655 = arith.index_cast %swap3A_654 : i32 to index
    %swap3A_656 = arith.constant 752 : index
    %swap3A_657 = tpu.vector_load %arg7[%swap3A_655, %swap3A_656] {strides = array<i32>} : memref<1x768xf32, #tpu.memory_space<vmem>>, vector<1x16xf32>,
    %swap3A_658 = vector.shape_cast %swap3A_657 : vector<1x16xf32> to vector<16xf32>
    %swap3A_659 = vector.shape_cast %scan3A_562#15 : vector<16xf32> to vector<1x16xf32>
    tpu.vector_store %arg7[%swap3A_655, %swap3A_656], %swap3A_659 {add = true, strides = array<i32>} : memref<1x768xf32, #tpu.memory_space<vmem>>, vector<1x16xf32>,
    %dma_wait3A_660 = arith.constant 32 : i32
    %dma_wait3A_661 = arith.constant 0 : i32
    %dma_wait3A_662 = tpu.memref_slice %arg6[%dma_wait3A_660, %dma_wait3A_661] : memref<64x768xf32, #tpu.memory_space<vmem>> -> memref<16x768xf32, #tpu.memory_space<vmem>>
    %dma_wait3A_663 = arith.constant 32 : i32
    %dma_wait3A_664 = tpu.memref_slice %arg5[%dma_wait3A_663] : memref<64xi32, #tpu.memory_space<vmem>> -> memref<16xi32, #tpu.memory_space<vmem>>
    %dma_wait3A_665 = arith.constant 0 : i32
    %dma_wait3A_666 = arith.constant 0 : i32
    %dma_wait3A_667 = tpu.memref_slice %arg3[%dma_wait3A_665, %dma_wait3A_666] : memref<100000x768xf32, #tpu.memory_space<hbm>> -> memref<100000x768xf32, #tpu.memory_space<hbm>>
    tpu.wait_indirect_dma semaphore(%arg10 : memref<!tpu.dma_semaphore, #tpu.memory_space<semaphore_mem>>) src(%dma_wait3A_667 : memref<100000x768xf32, #tpu.memory_space<hbm>>) dst(%dma_wait3A_662 : memref<16x768xf32, #tpu.memory_space<vmem>>)
    %scan3A_668 = arith.constant 0 : i32
    %scan3A_669 = arith.constant 16 : i32
    %scan3A_670 = arith.addi %scan3A_668, %scan3A_669 : i32
    %scan3A_671 = arith.constant 1 : i32
    %scan3A_672:16 = scf.for %scan3A_1288 = %scan3A_668 to %scan3A_670 step %scan3A_671 iter_args(%scan3A_1289 = %broadcast_in_dim3A_34, %scan3A_1290 = %broadcast_in_dim3A_34, %scan3A_1291 = %broadcast_in_dim3A_34, %scan3A_1292 = %broadcast_in_dim3A_34, %scan3A_1293 = %broadcast_in_dim3A_34, %scan3A_1294 = %broadcast_in_dim3A_34, %scan3A_1295 = %broadcast_in_dim3A_34, %scan3A_1296 = %broadcast_in_dim3A_34, %scan3A_1297 = %broadcast_in_dim3A_34, %scan3A_1298 = %broadcast_in_dim3A_34, %scan3A_1299 = %broadcast_in_dim3A_34, %scan3A_1300 = %broadcast_in_dim3A_34, %scan3A_1301 = %broadcast_in_dim3A_34, %scan3A_1302 = %broadcast_in_dim3A_34, %scan3A_1303 = %broadcast_in_dim3A_34, %scan3A_1304 = %broadcast_in_dim3A_34) -> (vector<16xf32>, vector<16xf32>, vector<16xf32>, vector<16xf32>, vector<16xf32>, vector<16xf32>, vector<16xf32>, vector<16xf32>, vector<16xf32>, vector<16xf32>, vector<16xf32>, vector<16xf32>, vector<16xf32>, vector<16xf32>, vector<16xf32>, vector<16xf32>)  : i32 {
      %mul3A_1305 = arith.constant 1 : i32
      %mul3A_1306 = arith.muli %scan3A_1288, %mul3A_1305 : i32
      %add3A_1307 = arith.constant 32 : i32
      %add3A_1308 = arith.addi %add3A_1307, %mul3A_1306 : i32
      %add3A_1309 = arith.constant 0 : i32
      %add3A_1310 = arith.addi %add3A_1308, %add3A_1309 : i32
      %get3A = arith.index_cast %add3A_1310 : i32 to index
      %get3A_1311 = arith.constant 0 : index
      %get3A_1312 = tpu.vector_load %arg6[%get3A, %get3A_1311] {strides = array<i32>} : memref<64x768xf32, #tpu.memory_space<vmem>>, vector<1x16xf32>,
      %get3A_1313 = vector.shape_cast %get3A_1312 : vector<1x16xf32> to vector<16xf32>
      %add3A_1314 = arith.addf %scan3A_1289, %get3A_1313 : vector<16xf32>
      %mul3A_1315 = arith.constant 1 : i32
      %mul3A_1316 = arith.muli %scan3A_1288, %mul3A_1315 : i32
      %add3A_1317 = arith.constant 32 : i32
      %add3A_1318 = arith.addi %add3A_1317, %mul3A_1316 : i32
      %add3A_1319 = arith.constant 0 : i32
      %add3A_1320 = arith.addi %add3A_1318, %add3A_1319 : i32
      %get3A_1321 = arith.index_cast %add3A_1320 : i32 to index
      %get3A_1322 = arith.constant 16 : index
      %get3A_1323 = tpu.vector_load %arg6[%get3A_1321, %get3A_1322] {strides = array<i32>} : memref<64x768xf32, #tpu.memory_space<vmem>>, vector<1x16xf32>,
      %get3A_1324 = vector.shape_cast %get3A_1323 : vector<1x16xf32> to vector<16xf32>
      %add3A_1325 = arith.addf %scan3A_1290, %get3A_1324 : vector<16xf32>
      %mul3A_1326 = arith.constant 1 : i32
      %mul3A_1327 = arith.muli %scan3A_1288, %mul3A_1326 : i32
      %add3A_1328 = arith.constant 32 : i32
      %add3A_1329 = arith.addi %add3A_1328, %mul3A_1327 : i32
      %add3A_1330 = arith.constant 0 : i32
      %add3A_1331 = arith.addi %add3A_1329, %add3A_1330 : i32
      %get3A_1332 = arith.index_cast %add3A_1331 : i32 to index
      %get3A_1333 = arith.constant 32 : index
      %get3A_1334 = tpu.vector_load %arg6[%get3A_1332, %get3A_1333] {strides = array<i32>} : memref<64x768xf32, #tpu.memory_space<vmem>>, vector<1x16xf32>,
      %get3A_1335 = vector.shape_cast %get3A_1334 : vector<1x16xf32> to vector<16xf32>
      %add3A_1336 = arith.addf %scan3A_1291, %get3A_1335 : vector<16xf32>
      %mul3A_1337 = arith.constant 1 : i32
      %mul3A_1338 = arith.muli %scan3A_1288, %mul3A_1337 : i32
      %add3A_1339 = arith.constant 32 : i32
      %add3A_1340 = arith.addi %add3A_1339, %mul3A_1338 : i32
      %add3A_1341 = arith.constant 0 : i32
      %add3A_1342 = arith.addi %add3A_1340, %add3A_1341 : i32
      %get3A_1343 = arith.index_cast %add3A_1342 : i32 to index
      %get3A_1344 = arith.constant 48 : index
      %get3A_1345 = tpu.vector_load %arg6[%get3A_1343, %get3A_1344] {strides = array<i32>} : memref<64x768xf32, #tpu.memory_space<vmem>>, vector<1x16xf32>,
      %get3A_1346 = vector.shape_cast %get3A_1345 : vector<1x16xf32> to vector<16xf32>
      %add3A_1347 = arith.addf %scan3A_1292, %get3A_1346 : vector<16xf32>
      %mul3A_1348 = arith.constant 1 : i32
      %mul3A_1349 = arith.muli %scan3A_1288, %mul3A_1348 : i32
      %add3A_1350 = arith.constant 32 : i32
      %add3A_1351 = arith.addi %add3A_1350, %mul3A_1349 : i32
      %add3A_1352 = arith.constant 0 : i32
      %add3A_1353 = arith.addi %add3A_1351, %add3A_1352 : i32
      %get3A_1354 = arith.index_cast %add3A_1353 : i32 to index
      %get3A_1355 = arith.constant 64 : index
      %get3A_1356 = tpu.vector_load %arg6[%get3A_1354, %get3A_1355] {strides = array<i32>} : memref<64x768xf32, #tpu.memory_space<vmem>>, vector<1x16xf32>,
      %get3A_1357 = vector.shape_cast %get3A_1356 : vector<1x16xf32> to vector<16xf32>
      %add3A_1358 = arith.addf %scan3A_1293, %get3A_1357 : vector<16xf32>
      %mul3A_1359 = arith.constant 1 : i32
      %mul3A_1360 = arith.muli %scan3A_1288, %mul3A_1359 : i32
      %add3A_1361 = arith.constant 32 : i32
      %add3A_1362 = arith.addi %add3A_1361, %mul3A_1360 : i32
      %add3A_1363 = arith.constant 0 : i32
      %add3A_1364 = arith.addi %add3A_1362, %add3A_1363 : i32
      %get3A_1365 = arith.index_cast %add3A_1364 : i32 to index
      %get3A_1366 = arith.constant 80 : index
      %get3A_1367 = tpu.vector_load %arg6[%get3A_1365, %get3A_1366] {strides = array<i32>} : memref<64x768xf32, #tpu.memory_space<vmem>>, vector<1x16xf32>,
      %get3A_1368 = vector.shape_cast %get3A_1367 : vector<1x16xf32> to vector<16xf32>
      %add3A_1369 = arith.addf %scan3A_1294, %get3A_1368 : vector<16xf32>
      %mul3A_1370 = arith.constant 1 : i32
      %mul3A_1371 = arith.muli %scan3A_1288, %mul3A_1370 : i32
      %add3A_1372 = arith.constant 32 : i32
      %add3A_1373 = arith.addi %add3A_1372, %mul3A_1371 : i32
      %add3A_1374 = arith.constant 0 : i32
      %add3A_1375 = arith.addi %add3A_1373, %add3A_1374 : i32
      %get3A_1376 = arith.index_cast %add3A_1375 : i32 to index
      %get3A_1377 = arith.constant 96 : index
      %get3A_1378 = tpu.vector_load %arg6[%get3A_1376, %get3A_1377] {strides = array<i32>} : memref<64x768xf32, #tpu.memory_space<vmem>>, vector<1x16xf32>,
      %get3A_1379 = vector.shape_cast %get3A_1378 : vector<1x16xf32> to vector<16xf32>
      %add3A_1380 = arith.addf %scan3A_1295, %get3A_1379 : vector<16xf32>
      %mul3A_1381 = arith.constant 1 : i32
      %mul3A_1382 = arith.muli %scan3A_1288, %mul3A_1381 : i32
      %add3A_1383 = arith.constant 32 : i32
      %add3A_1384 = arith.addi %add3A_1383, %mul3A_1382 : i32
      %add3A_1385 = arith.constant 0 : i32
      %add3A_1386 = arith.addi %add3A_1384, %add3A_1385 : i32
      %get3A_1387 = arith.index_cast %add3A_1386 : i32 to index
      %get3A_1388 = arith.constant 112 : index
      %get3A_1389 = tpu.vector_load %arg6[%get3A_1387, %get3A_1388] {strides = array<i32>} : memref<64x768xf32, #tpu.memory_space<vmem>>, vector<1x16xf32>,
      %get3A_1390 = vector.shape_cast %get3A_1389 : vector<1x16xf32> to vector<16xf32>
      %add3A_1391 = arith.addf %scan3A_1296, %get3A_1390 : vector<16xf32>
      %mul3A_1392 = arith.constant 1 : i32
      %mul3A_1393 = arith.muli %scan3A_1288, %mul3A_1392 : i32
      %add3A_1394 = arith.constant 32 : i32
      %add3A_1395 = arith.addi %add3A_1394, %mul3A_1393 : i32
      %add3A_1396 = arith.constant 0 : i32
      %add3A_1397 = arith.addi %add3A_1395, %add3A_1396 : i32
      %get3A_1398 = arith.index_cast %add3A_1397 : i32 to index
      %get3A_1399 = arith.constant 128 : index
      %get3A_1400 = tpu.vector_load %arg6[%get3A_1398, %get3A_1399] {strides = array<i32>} : memref<64x768xf32, #tpu.memory_space<vmem>>, vector<1x16xf32>,
      %get3A_1401 = vector.shape_cast %get3A_1400 : vector<1x16xf32> to vector<16xf32>
      %add3A_1402 = arith.addf %scan3A_1297, %get3A_1401 : vector<16xf32>
      %mul3A_1403 = arith.constant 1 : i32
      %mul3A_1404 = arith.muli %scan3A_1288, %mul3A_1403 : i32
      %add3A_1405 = arith.constant 32 : i32
      %add3A_1406 = arith.addi %add3A_1405, %mul3A_1404 : i32
      %add3A_1407 = arith.constant 0 : i32
      %add3A_1408 = arith.addi %add3A_1406, %add3A_1407 : i32
      %get3A_1409 = arith.index_cast %add3A_1408 : i32 to index
      %get3A_1410 = arith.constant 144 : index
      %get3A_1411 = tpu.vector_load %arg6[%get3A_1409, %get3A_1410] {strides = array<i32>} : memref<64x768xf32, #tpu.memory_space<vmem>>, vector<1x16xf32>,
      %get3A_1412 = vector.shape_cast %get3A_1411 : vector<1x16xf32> to vector<16xf32>
      %add3A_1413 = arith.addf %scan3A_1298, %get3A_1412 : vector<16xf32>
      %mul3A_1414 = arith.constant 1 : i32
      %mul3A_1415 = arith.muli %scan3A_1288, %mul3A_1414 : i32
      %add3A_1416 = arith.constant 32 : i32
      %add3A_1417 = arith.addi %add3A_1416, %mul3A_1415 : i32
      %add3A_1418 = arith.constant 0 : i32
      %add3A_1419 = arith.addi %add3A_1417, %add3A_1418 : i32
      %get3A_1420 = arith.index_cast %add3A_1419 : i32 to index
      %get3A_1421 = arith.constant 160 : index
      %get3A_1422 = tpu.vector_load %arg6[%get3A_1420, %get3A_1421] {strides = array<i32>} : memref<64x768xf32, #tpu.memory_space<vmem>>, vector<1x16xf32>,
      %get3A_1423 = vector.shape_cast %get3A_1422 : vector<1x16xf32> to vector<16xf32>
      %add3A_1424 = arith.addf %scan3A_1299, %get3A_1423 : vector<16xf32>
      %mul3A_1425 = arith.constant 1 : i32
      %mul3A_1426 = arith.muli %scan3A_1288, %mul3A_1425 : i32
      %add3A_1427 = arith.constant 32 : i32
      %add3A_1428 = arith.addi %add3A_1427, %mul3A_1426 : i32
      %add3A_1429 = arith.constant 0 : i32
      %add3A_1430 = arith.addi %add3A_1428, %add3A_1429 : i32
      %get3A_1431 = arith.index_cast %add3A_1430 : i32 to index
      %get3A_1432 = arith.constant 176 : index
      %get3A_1433 = tpu.vector_load %arg6[%get3A_1431, %get3A_1432] {strides = array<i32>} : memref<64x768xf32, #tpu.memory_space<vmem>>, vector<1x16xf32>,
      %get3A_1434 = vector.shape_cast %get3A_1433 : vector<1x16xf32> to vector<16xf32>
      %add3A_1435 = arith.addf %scan3A_1300, %get3A_1434 : vector<16xf32>
      %mul3A_1436 = arith.constant 1 : i32
      %mul3A_1437 = arith.muli %scan3A_1288, %mul3A_1436 : i32
      %add3A_1438 = arith.constant 32 : i32
      %add3A_1439 = arith.addi %add3A_1438, %mul3A_1437 : i32
      %add3A_1440 = arith.constant 0 : i32
      %add3A_1441 = arith.addi %add3A_1439, %add3A_1440 : i32
      %get3A_1442 = arith.index_cast %add3A_1441 : i32 to index
      %get3A_1443 = arith.constant 192 : index
      %get3A_1444 = tpu.vector_load %arg6[%get3A_1442, %get3A_1443] {strides = array<i32>} : memref<64x768xf32, #tpu.memory_space<vmem>>, vector<1x16xf32>,
      %get3A_1445 = vector.shape_cast %get3A_1444 : vector<1x16xf32> to vector<16xf32>
      %add3A_1446 = arith.addf %scan3A_1301, %get3A_1445 : vector<16xf32>
      %mul3A_1447 = arith.constant 1 : i32
      %mul3A_1448 = arith.muli %scan3A_1288, %mul3A_1447 : i32
      %add3A_1449 = arith.constant 32 : i32
      %add3A_1450 = arith.addi %add3A_1449, %mul3A_1448 : i32
      %add3A_1451 = arith.constant 0 : i32
      %add3A_1452 = arith.addi %add3A_1450, %add3A_1451 : i32
      %get3A_1453 = arith.index_cast %add3A_1452 : i32 to index
      %get3A_1454 = arith.constant 208 : index
      %get3A_1455 = tpu.vector_load %arg6[%get3A_1453, %get3A_1454] {strides = array<i32>} : memref<64x768xf32, #tpu.memory_space<vmem>>, vector<1x16xf32>,
      %get3A_1456 = vector.shape_cast %get3A_1455 : vector<1x16xf32> to vector<16xf32>
      %add3A_1457 = arith.addf %scan3A_1302, %get3A_1456 : vector<16xf32>
      %mul3A_1458 = arith.constant 1 : i32
      %mul3A_1459 = arith.muli %scan3A_1288, %mul3A_1458 : i32
      %add3A_1460 = arith.constant 32 : i32
      %add3A_1461 = arith.addi %add3A_1460, %mul3A_1459 : i32
      %add3A_1462 = arith.constant 0 : i32
      %add3A_1463 = arith.addi %add3A_1461, %add3A_1462 : i32
      %get3A_1464 = arith.index_cast %add3A_1463 : i32 to index
      %get3A_1465 = arith.constant 224 : index
      %get3A_1466 = tpu.vector_load %arg6[%get3A_1464, %get3A_1465] {strides = array<i32>} : memref<64x768xf32, #tpu.memory_space<vmem>>, vector<1x16xf32>,
      %get3A_1467 = vector.shape_cast %get3A_1466 : vector<1x16xf32> to vector<16xf32>
      %add3A_1468 = arith.addf %scan3A_1303, %get3A_1467 : vector<16xf32>
      %mul3A_1469 = arith.constant 1 : i32
      %mul3A_1470 = arith.muli %scan3A_1288, %mul3A_1469 : i32
      %add3A_1471 = arith.constant 32 : i32
      %add3A_1472 = arith.addi %add3A_1471, %mul3A_1470 : i32
      %add3A_1473 = arith.constant 0 : i32
      %add3A_1474 = arith.addi %add3A_1472, %add3A_1473 : i32
      %get3A_1475 = arith.index_cast %add3A_1474 : i32 to index
      %get3A_1476 = arith.constant 240 : index
      %get3A_1477 = tpu.vector_load %arg6[%get3A_1475, %get3A_1476] {strides = array<i32>} : memref<64x768xf32, #tpu.memory_space<vmem>>, vector<1x16xf32>,
      %get3A_1478 = vector.shape_cast %get3A_1477 : vector<1x16xf32> to vector<16xf32>
      %add3A_1479 = arith.addf %scan3A_1304, %get3A_1478 : vector<16xf32>
      scf.yield %add3A_1314, %add3A_1325, %add3A_1336, %add3A_1347, %add3A_1358, %add3A_1369, %add3A_1380, %add3A_1391, %add3A_1402, %add3A_1413, %add3A_1424, %add3A_1435, %add3A_1446, %add3A_1457, %add3A_1468, %add3A_1479 : vector<16xf32>, vector<16xf32>, vector<16xf32>, vector<16xf32>, vector<16xf32>, vector<16xf32>, vector<16xf32>, vector<16xf32>, vector<16xf32>, vector<16xf32>, vector<16xf32>, vector<16xf32>, vector<16xf32>, vector<16xf32>, vector<16xf32>, vector<16xf32>
    }
    %scan3A_673 = arith.constant 16 : i32
    %swap3A_674 = arith.constant 0 : i32
    %swap3A_675 = arith.index_cast %swap3A_674 : i32 to index
    %swap3A_676 = arith.constant 0 : index
    %swap3A_677 = tpu.vector_load %arg7[%swap3A_675, %swap3A_676] {strides = array<i32>} : memref<1x768xf32, #tpu.memory_space<vmem>>, vector<1x16xf32>,
    %swap3A_678 = vector.shape_cast %swap3A_677 : vector<1x16xf32> to vector<16xf32>
    %swap3A_679 = vector.shape_cast %scan3A_672#0 : vector<16xf32> to vector<1x16xf32>
    tpu.vector_store %arg7[%swap3A_675, %swap3A_676], %swap3A_679 {add = true, strides = array<i32>} : memref<1x768xf32, #tpu.memory_space<vmem>>, vector<1x16xf32>,
    %swap3A_680 = arith.constant 0 : i32
    %swap3A_681 = arith.index_cast %swap3A_680 : i32 to index
    %swap3A_682 = arith.constant 16 : index
    %swap3A_683 = tpu.vector_load %arg7[%swap3A_681, %swap3A_682] {strides = array<i32>} : memref<1x768xf32, #tpu.memory_space<vmem>>, vector<1x16xf32>,
    %swap3A_684 = vector.shape_cast %swap3A_683 : vector<1x16xf32> to vector<16xf32>
    %swap3A_685 = vector.shape_cast %scan3A_672#1 : vector<16xf32> to vector<1x16xf32>
    tpu.vector_store %arg7[%swap3A_681, %swap3A_682], %swap3A_685 {add = true, strides = array<i32>} : memref<1x768xf32, #tpu.memory_space<vmem>>, vector<1x16xf32>,
    %swap3A_686 = arith.constant 0 : i32
    %swap3A_687 = arith.index_cast %swap3A_686 : i32 to index
    %swap3A_688 = arith.constant 32 : index
    %swap3A_689 = tpu.vector_load %arg7[%swap3A_687, %swap3A_688] {strides = array<i32>} : memref<1x768xf32, #tpu.memory_space<vmem>>, vector<1x16xf32>,
    %swap3A_690 = vector.shape_cast %swap3A_689 : vector<1x16xf32> to vector<16xf32>
    %swap3A_691 = vector.shape_cast %scan3A_672#2 : vector<16xf32> to vector<1x16xf32>
    tpu.vector_store %arg7[%swap3A_687, %swap3A_688], %swap3A_691 {add = true, strides = array<i32>} : memref<1x768xf32, #tpu.memory_space<vmem>>, vector<1x16xf32>,
    %swap3A_692 = arith.constant 0 : i32
    %swap3A_693 = arith.index_cast %swap3A_692 : i32 to index
    %swap3A_694 = arith.constant 48 : index
    %swap3A_695 = tpu.vector_load %arg7[%swap3A_693, %swap3A_694] {strides = array<i32>} : memref<1x768xf32, #tpu.memory_space<vmem>>, vector<1x16xf32>,
    %swap3A_696 = vector.shape_cast %swap3A_695 : vector<1x16xf32> to vector<16xf32>
    %swap3A_697 = vector.shape_cast %scan3A_672#3 : vector<16xf32> to vector<1x16xf32>
    tpu.vector_store %arg7[%swap3A_693, %swap3A_694], %swap3A_697 {add = true, strides = array<i32>} : memref<1x768xf32, #tpu.memory_space<vmem>>, vector<1x16xf32>,
    %swap3A_698 = arith.constant 0 : i32
    %swap3A_699 = arith.index_cast %swap3A_698 : i32 to index
    %swap3A_700 = arith.constant 64 : index
    %swap3A_701 = tpu.vector_load %arg7[%swap3A_699, %swap3A_700] {strides = array<i32>} : memref<1x768xf32, #tpu.memory_space<vmem>>, vector<1x16xf32>,
    %swap3A_702 = vector.shape_cast %swap3A_701 : vector<1x16xf32> to vector<16xf32>
    %swap3A_703 = vector.shape_cast %scan3A_672#4 : vector<16xf32> to vector<1x16xf32>
    tpu.vector_store %arg7[%swap3A_699, %swap3A_700], %swap3A_703 {add = true, strides = array<i32>} : memref<1x768xf32, #tpu.memory_space<vmem>>, vector<1x16xf32>,
    %swap3A_704 = arith.constant 0 : i32
    %swap3A_705 = arith.index_cast %swap3A_704 : i32 to index
    %swap3A_706 = arith.constant 80 : index
    %swap3A_707 = tpu.vector_load %arg7[%swap3A_705, %swap3A_706] {strides = array<i32>} : memref<1x768xf32, #tpu.memory_space<vmem>>, vector<1x16xf32>,
    %swap3A_708 = vector.shape_cast %swap3A_707 : vector<1x16xf32> to vector<16xf32>
    %swap3A_709 = vector.shape_cast %scan3A_672#5 : vector<16xf32> to vector<1x16xf32>
    tpu.vector_store %arg7[%swap3A_705, %swap3A_706], %swap3A_709 {add = true, strides = array<i32>} : memref<1x768xf32, #tpu.memory_space<vmem>>, vector<1x16xf32>,
    %swap3A_710 = arith.constant 0 : i32
    %swap3A_711 = arith.index_cast %swap3A_710 : i32 to index
    %swap3A_712 = arith.constant 96 : index
    %swap3A_713 = tpu.vector_load %arg7[%swap3A_711, %swap3A_712] {strides = array<i32>} : memref<1x768xf32, #tpu.memory_space<vmem>>, vector<1x16xf32>,
    %swap3A_714 = vector.shape_cast %swap3A_713 : vector<1x16xf32> to vector<16xf32>
    %swap3A_715 = vector.shape_cast %scan3A_672#6 : vector<16xf32> to vector<1x16xf32>
    tpu.vector_store %arg7[%swap3A_711, %swap3A_712], %swap3A_715 {add = true, strides = array<i32>} : memref<1x768xf32, #tpu.memory_space<vmem>>, vector<1x16xf32>,
    %swap3A_716 = arith.constant 0 : i32
    %swap3A_717 = arith.index_cast %swap3A_716 : i32 to index
    %swap3A_718 = arith.constant 112 : index
    %swap3A_719 = tpu.vector_load %arg7[%swap3A_717, %swap3A_718] {strides = array<i32>} : memref<1x768xf32, #tpu.memory_space<vmem>>, vector<1x16xf32>,
    %swap3A_720 = vector.shape_cast %swap3A_719 : vector<1x16xf32> to vector<16xf32>
    %swap3A_721 = vector.shape_cast %scan3A_672#7 : vector<16xf32> to vector<1x16xf32>
    tpu.vector_store %arg7[%swap3A_717, %swap3A_718], %swap3A_721 {add = true, strides = array<i32>} : memref<1x768xf32, #tpu.memory_space<vmem>>, vector<1x16xf32>,
    %swap3A_722 = arith.constant 0 : i32
    %swap3A_723 = arith.index_cast %swap3A_722 : i32 to index
    %swap3A_724 = arith.constant 128 : index
    %swap3A_725 = tpu.vector_load %arg7[%swap3A_723, %swap3A_724] {strides = array<i32>} : memref<1x768xf32, #tpu.memory_space<vmem>>, vector<1x16xf32>,
    %swap3A_726 = vector.shape_cast %swap3A_725 : vector<1x16xf32> to vector<16xf32>
    %swap3A_727 = vector.shape_cast %scan3A_672#8 : vector<16xf32> to vector<1x16xf32>
    tpu.vector_store %arg7[%swap3A_723, %swap3A_724], %swap3A_727 {add = true, strides = array<i32>} : memref<1x768xf32, #tpu.memory_space<vmem>>, vector<1x16xf32>,
    %swap3A_728 = arith.constant 0 : i32
    %swap3A_729 = arith.index_cast %swap3A_728 : i32 to index
    %swap3A_730 = arith.constant 144 : index
    %swap3A_731 = tpu.vector_load %arg7[%swap3A_729, %swap3A_730] {strides = array<i32>} : memref<1x768xf32, #tpu.memory_space<vmem>>, vector<1x16xf32>,
    %swap3A_732 = vector.shape_cast %swap3A_731 : vector<1x16xf32> to vector<16xf32>
    %swap3A_733 = vector.shape_cast %scan3A_672#9 : vector<16xf32> to vector<1x16xf32>
    tpu.vector_store %arg7[%swap3A_729, %swap3A_730], %swap3A_733 {add = true, strides = array<i32>} : memref<1x768xf32, #tpu.memory_space<vmem>>, vector<1x16xf32>,
    %swap3A_734 = arith.constant 0 : i32
    %swap3A_735 = arith.index_cast %swap3A_734 : i32 to index
    %swap3A_736 = arith.constant 160 : index
    %swap3A_737 = tpu.vector_load %arg7[%swap3A_735, %swap3A_736] {strides = array<i32>} : memref<1x768xf32, #tpu.memory_space<vmem>>, vector<1x16xf32>,
    %swap3A_738 = vector.shape_cast %swap3A_737 : vector<1x16xf32> to vector<16xf32>
    %swap3A_739 = vector.shape_cast %scan3A_672#10 : vector<16xf32> to vector<1x16xf32>
    tpu.vector_store %arg7[%swap3A_735, %swap3A_736], %swap3A_739 {add = true, strides = array<i32>} : memref<1x768xf32, #tpu.memory_space<vmem>>, vector<1x16xf32>,
    %swap3A_740 = arith.constant 0 : i32
    %swap3A_741 = arith.index_cast %swap3A_740 : i32 to index
    %swap3A_742 = arith.constant 176 : index
    %swap3A_743 = tpu.vector_load %arg7[%swap3A_741, %swap3A_742] {strides = array<i32>} : memref<1x768xf32, #tpu.memory_space<vmem>>, vector<1x16xf32>,
    %swap3A_744 = vector.shape_cast %swap3A_743 : vector<1x16xf32> to vector<16xf32>
    %swap3A_745 = vector.shape_cast %scan3A_672#11 : vector<16xf32> to vector<1x16xf32>
    tpu.vector_store %arg7[%swap3A_741, %swap3A_742], %swap3A_745 {add = true, strides = array<i32>} : memref<1x768xf32, #tpu.memory_space<vmem>>, vector<1x16xf32>,
    %swap3A_746 = arith.constant 0 : i32
    %swap3A_747 = arith.index_cast %swap3A_746 : i32 to index
    %swap3A_748 = arith.constant 192 : index
    %swap3A_749 = tpu.vector_load %arg7[%swap3A_747, %swap3A_748] {strides = array<i32>} : memref<1x768xf32, #tpu.memory_space<vmem>>, vector<1x16xf32>,
    %swap3A_750 = vector.shape_cast %swap3A_749 : vector<1x16xf32> to vector<16xf32>
    %swap3A_751 = vector.shape_cast %scan3A_672#12 : vector<16xf32> to vector<1x16xf32>
    tpu.vector_store %arg7[%swap3A_747, %swap3A_748], %swap3A_751 {add = true, strides = array<i32>} : memref<1x768xf32, #tpu.memory_space<vmem>>, vector<1x16xf32>,
    %swap3A_752 = arith.constant 0 : i32
    %swap3A_753 = arith.index_cast %swap3A_752 : i32 to index
    %swap3A_754 = arith.constant 208 : index
    %swap3A_755 = tpu.vector_load %arg7[%swap3A_753, %swap3A_754] {strides = array<i32>} : memref<1x768xf32, #tpu.memory_space<vmem>>, vector<1x16xf32>,
    %swap3A_756 = vector.shape_cast %swap3A_755 : vector<1x16xf32> to vector<16xf32>
    %swap3A_757 = vector.shape_cast %scan3A_672#13 : vector<16xf32> to vector<1x16xf32>
    tpu.vector_store %arg7[%swap3A_753, %swap3A_754], %swap3A_757 {add = true, strides = array<i32>} : memref<1x768xf32, #tpu.memory_space<vmem>>, vector<1x16xf32>,
    %swap3A_758 = arith.constant 0 : i32
    %swap3A_759 = arith.index_cast %swap3A_758 : i32 to index
    %swap3A_760 = arith.constant 224 : index
    %swap3A_761 = tpu.vector_load %arg7[%swap3A_759, %swap3A_760] {strides = array<i32>} : memref<1x768xf32, #tpu.memory_space<vmem>>, vector<1x16xf32>,
    %swap3A_762 = vector.shape_cast %swap3A_761 : vector<1x16xf32> to vector<16xf32>
    %swap3A_763 = vector.shape_cast %scan3A_672#14 : vector<16xf32> to vector<1x16xf32>
    tpu.vector_store %arg7[%swap3A_759, %swap3A_760], %swap3A_763 {add = true, strides = array<i32>} : memref<1x768xf32, #tpu.memory_space<vmem>>, vector<1x16xf32>,
    %swap3A_764 = arith.constant 0 : i32
    %swap3A_765 = arith.index_cast %swap3A_764 : i32 to index
    %swap3A_766 = arith.constant 240 : index
    %swap3A_767 = tpu.vector_load %arg7[%swap3A_765, %swap3A_766] {strides = array<i32>} : memref<1x768xf32, #tpu.memory_space<vmem>>, vector<1x16xf32>,
    %swap3A_768 = vector.shape_cast %swap3A_767 : vector<1x16xf32> to vector<16xf32>
    %swap3A_769 = vector.shape_cast %scan3A_672#15 : vector<16xf32> to vector<1x16xf32>
    tpu.vector_store %arg7[%swap3A_765, %swap3A_766], %swap3A_769 {add = true, strides = array<i32>} : memref<1x768xf32, #tpu.memory_space<vmem>>, vector<1x16xf32>,
    %scan3A_770 = arith.constant 0 : i32
    %scan3A_771 = arith.constant 16 : i32
    %scan3A_772 = arith.addi %scan3A_770, %scan3A_771 : i32
    %scan3A_773 = arith.constant 1 : i32
    %scan3A_774:16 = scf.for %scan3A_1288 = %scan3A_770 to %scan3A_772 step %scan3A_773 iter_args(%scan3A_1289 = %broadcast_in_dim3A_34, %scan3A_1290 = %broadcast_in_dim3A_34, %scan3A_1291 = %broadcast_in_dim3A_34, %scan3A_1292 = %broadcast_in_dim3A_34, %scan3A_1293 = %broadcast_in_dim3A_34, %scan3A_1294 = %broadcast_in_dim3A_34, %scan3A_1295 = %broadcast_in_dim3A_34, %scan3A_1296 = %broadcast_in_dim3A_34, %scan3A_1297 = %broadcast_in_dim3A_34, %scan3A_1298 = %broadcast_in_dim3A_34, %scan3A_1299 = %broadcast_in_dim3A_34, %scan3A_1300 = %broadcast_in_dim3A_34, %scan3A_1301 = %broadcast_in_dim3A_34, %scan3A_1302 = %broadcast_in_dim3A_34, %scan3A_1303 = %broadcast_in_dim3A_34, %scan3A_1304 = %broadcast_in_dim3A_34) -> (vector<16xf32>, vector<16xf32>, vector<16xf32>, vector<16xf32>, vector<16xf32>, vector<16xf32>, vector<16xf32>, vector<16xf32>, vector<16xf32>, vector<16xf32>, vector<16xf32>, vector<16xf32>, vector<16xf32>, vector<16xf32>, vector<16xf32>, vector<16xf32>)  : i32 {
      %mul3A_1305 = arith.constant 1 : i32
      %mul3A_1306 = arith.muli %scan3A_1288, %mul3A_1305 : i32
      %add3A_1307 = arith.constant 32 : i32
      %add3A_1308 = arith.addi %add3A_1307, %mul3A_1306 : i32
      %add3A_1309 = arith.constant 0 : i32
      %add3A_1310 = arith.addi %add3A_1308, %add3A_1309 : i32
      %get3A = arith.index_cast %add3A_1310 : i32 to index
      %get3A_1311 = arith.constant 256 : index
      %get3A_1312 = tpu.vector_load %arg6[%get3A, %get3A_1311] {strides = array<i32>} : memref<64x768xf32, #tpu.memory_space<vmem>>, vector<1x16xf32>,
      %get3A_1313 = vector.shape_cast %get3A_1312 : vector<1x16xf32> to vector<16xf32>
      %add3A_1314 = arith.addf %scan3A_1289, %get3A_1313 : vector<16xf32>
      %mul3A_1315 = arith.constant 1 : i32
      %mul3A_1316 = arith.muli %scan3A_1288, %mul3A_1315 : i32
      %add3A_1317 = arith.constant 32 : i32
      %add3A_1318 = arith.addi %add3A_1317, %mul3A_1316 : i32
      %add3A_1319 = arith.constant 0 : i32
      %add3A_1320 = arith.addi %add3A_1318, %add3A_1319 : i32
      %get3A_1321 = arith.index_cast %add3A_1320 : i32 to index
      %get3A_1322 = arith.constant 272 : index
      %get3A_1323 = tpu.vector_load %arg6[%get3A_1321, %get3A_1322] {strides = array<i32>} : memref<64x768xf32, #tpu.memory_space<vmem>>, vector<1x16xf32>,
      %get3A_1324 = vector.shape_cast %get3A_1323 : vector<1x16xf32> to vector<16xf32>
      %add3A_1325 = arith.addf %scan3A_1290, %get3A_1324 : vector<16xf32>
      %mul3A_1326 = arith.constant 1 : i32
      %mul3A_1327 = arith.muli %scan3A_1288, %mul3A_1326 : i32
      %add3A_1328 = arith.constant 32 : i32
      %add3A_1329 = arith.addi %add3A_1328, %mul3A_1327 : i32
      %add3A_1330 = arith.constant 0 : i32
      %add3A_1331 = arith.addi %add3A_1329, %add3A_1330 : i32
      %get3A_1332 = arith.index_cast %add3A_1331 : i32 to index
      %get3A_1333 = arith.constant 288 : index
      %get3A_1334 = tpu.vector_load %arg6[%get3A_1332, %get3A_1333] {strides = array<i32>} : memref<64x768xf32, #tpu.memory_space<vmem>>, vector<1x16xf32>,
      %get3A_1335 = vector.shape_cast %get3A_1334 : vector<1x16xf32> to vector<16xf32>
      %add3A_1336 = arith.addf %scan3A_1291, %get3A_1335 : vector<16xf32>
      %mul3A_1337 = arith.constant 1 : i32
      %mul3A_1338 = arith.muli %scan3A_1288, %mul3A_1337 : i32
      %add3A_1339 = arith.constant 32 : i32
      %add3A_1340 = arith.addi %add3A_1339, %mul3A_1338 : i32
      %add3A_1341 = arith.constant 0 : i32
      %add3A_1342 = arith.addi %add3A_1340, %add3A_1341 : i32
      %get3A_1343 = arith.index_cast %add3A_1342 : i32 to index
      %get3A_1344 = arith.constant 304 : index
      %get3A_1345 = tpu.vector_load %arg6[%get3A_1343, %get3A_1344] {strides = array<i32>} : memref<64x768xf32, #tpu.memory_space<vmem>>, vector<1x16xf32>,
      %get3A_1346 = vector.shape_cast %get3A_1345 : vector<1x16xf32> to vector<16xf32>
      %add3A_1347 = arith.addf %scan3A_1292, %get3A_1346 : vector<16xf32>
      %mul3A_1348 = arith.constant 1 : i32
      %mul3A_1349 = arith.muli %scan3A_1288, %mul3A_1348 : i32
      %add3A_1350 = arith.constant 32 : i32
      %add3A_1351 = arith.addi %add3A_1350, %mul3A_1349 : i32
      %add3A_1352 = arith.constant 0 : i32
      %add3A_1353 = arith.addi %add3A_1351, %add3A_1352 : i32
      %get3A_1354 = arith.index_cast %add3A_1353 : i32 to index
      %get3A_1355 = arith.constant 320 : index
      %get3A_1356 = tpu.vector_load %arg6[%get3A_1354, %get3A_1355] {strides = array<i32>} : memref<64x768xf32, #tpu.memory_space<vmem>>, vector<1x16xf32>,
      %get3A_1357 = vector.shape_cast %get3A_1356 : vector<1x16xf32> to vector<16xf32>
      %add3A_1358 = arith.addf %scan3A_1293, %get3A_1357 : vector<16xf32>
      %mul3A_1359 = arith.constant 1 : i32
      %mul3A_1360 = arith.muli %scan3A_1288, %mul3A_1359 : i32
      %add3A_1361 = arith.constant 32 : i32
      %add3A_1362 = arith.addi %add3A_1361, %mul3A_1360 : i32
      %add3A_1363 = arith.constant 0 : i32
      %add3A_1364 = arith.addi %add3A_1362, %add3A_1363 : i32
      %get3A_1365 = arith.index_cast %add3A_1364 : i32 to index
      %get3A_1366 = arith.constant 336 : index
      %get3A_1367 = tpu.vector_load %arg6[%get3A_1365, %get3A_1366] {strides = array<i32>} : memref<64x768xf32, #tpu.memory_space<vmem>>, vector<1x16xf32>,
      %get3A_1368 = vector.shape_cast %get3A_1367 : vector<1x16xf32> to vector<16xf32>
      %add3A_1369 = arith.addf %scan3A_1294, %get3A_1368 : vector<16xf32>
      %mul3A_1370 = arith.constant 1 : i32
      %mul3A_1371 = arith.muli %scan3A_1288, %mul3A_1370 : i32
      %add3A_1372 = arith.constant 32 : i32
      %add3A_1373 = arith.addi %add3A_1372, %mul3A_1371 : i32
      %add3A_1374 = arith.constant 0 : i32
      %add3A_1375 = arith.addi %add3A_1373, %add3A_1374 : i32
      %get3A_1376 = arith.index_cast %add3A_1375 : i32 to index
      %get3A_1377 = arith.constant 352 : index
      %get3A_1378 = tpu.vector_load %arg6[%get3A_1376, %get3A_1377] {strides = array<i32>} : memref<64x768xf32, #tpu.memory_space<vmem>>, vector<1x16xf32>,
      %get3A_1379 = vector.shape_cast %get3A_1378 : vector<1x16xf32> to vector<16xf32>
      %add3A_1380 = arith.addf %scan3A_1295, %get3A_1379 : vector<16xf32>
      %mul3A_1381 = arith.constant 1 : i32
      %mul3A_1382 = arith.muli %scan3A_1288, %mul3A_1381 : i32
      %add3A_1383 = arith.constant 32 : i32
      %add3A_1384 = arith.addi %add3A_1383, %mul3A_1382 : i32
      %add3A_1385 = arith.constant 0 : i32
      %add3A_1386 = arith.addi %add3A_1384, %add3A_1385 : i32
      %get3A_1387 = arith.index_cast %add3A_1386 : i32 to index
      %get3A_1388 = arith.constant 368 : index
      %get3A_1389 = tpu.vector_load %arg6[%get3A_1387, %get3A_1388] {strides = array<i32>} : memref<64x768xf32, #tpu.memory_space<vmem>>, vector<1x16xf32>,
      %get3A_1390 = vector.shape_cast %get3A_1389 : vector<1x16xf32> to vector<16xf32>
      %add3A_1391 = arith.addf %scan3A_1296, %get3A_1390 : vector<16xf32>
      %mul3A_1392 = arith.constant 1 : i32
      %mul3A_1393 = arith.muli %scan3A_1288, %mul3A_1392 : i32
      %add3A_1394 = arith.constant 32 : i32
      %add3A_1395 = arith.addi %add3A_1394, %mul3A_1393 : i32
      %add3A_1396 = arith.constant 0 : i32
      %add3A_1397 = arith.addi %add3A_1395, %add3A_1396 : i32
      %get3A_1398 = arith.index_cast %add3A_1397 : i32 to index
      %get3A_1399 = arith.constant 384 : index
      %get3A_1400 = tpu.vector_load %arg6[%get3A_1398, %get3A_1399] {strides = array<i32>} : memref<64x768xf32, #tpu.memory_space<vmem>>, vector<1x16xf32>,
      %get3A_1401 = vector.shape_cast %get3A_1400 : vector<1x16xf32> to vector<16xf32>
      %add3A_1402 = arith.addf %scan3A_1297, %get3A_1401 : vector<16xf32>
      %mul3A_1403 = arith.constant 1 : i32
      %mul3A_1404 = arith.muli %scan3A_1288, %mul3A_1403 : i32
      %add3A_1405 = arith.constant 32 : i32
      %add3A_1406 = arith.addi %add3A_1405, %mul3A_1404 : i32
      %add3A_1407 = arith.constant 0 : i32
      %add3A_1408 = arith.addi %add3A_1406, %add3A_1407 : i32
      %get3A_1409 = arith.index_cast %add3A_1408 : i32 to index
      %get3A_1410 = arith.constant 400 : index
      %get3A_1411 = tpu.vector_load %arg6[%get3A_1409, %get3A_1410] {strides = array<i32>} : memref<64x768xf32, #tpu.memory_space<vmem>>, vector<1x16xf32>,
      %get3A_1412 = vector.shape_cast %get3A_1411 : vector<1x16xf32> to vector<16xf32>
      %add3A_1413 = arith.addf %scan3A_1298, %get3A_1412 : vector<16xf32>
      %mul3A_1414 = arith.constant 1 : i32
      %mul3A_1415 = arith.muli %scan3A_1288, %mul3A_1414 : i32
      %add3A_1416 = arith.constant 32 : i32
      %add3A_1417 = arith.addi %add3A_1416, %mul3A_1415 : i32
      %add3A_1418 = arith.constant 0 : i32
      %add3A_1419 = arith.addi %add3A_1417, %add3A_1418 : i32
      %get3A_1420 = arith.index_cast %add3A_1419 : i32 to index
      %get3A_1421 = arith.constant 416 : index
      %get3A_1422 = tpu.vector_load %arg6[%get3A_1420, %get3A_1421] {strides = array<i32>} : memref<64x768xf32, #tpu.memory_space<vmem>>, vector<1x16xf32>,
      %get3A_1423 = vector.shape_cast %get3A_1422 : vector<1x16xf32> to vector<16xf32>
      %add3A_1424 = arith.addf %scan3A_1299, %get3A_1423 : vector<16xf32>
      %mul3A_1425 = arith.constant 1 : i32
      %mul3A_1426 = arith.muli %scan3A_1288, %mul3A_1425 : i32
      %add3A_1427 = arith.constant 32 : i32
      %add3A_1428 = arith.addi %add3A_1427, %mul3A_1426 : i32
      %add3A_1429 = arith.constant 0 : i32
      %add3A_1430 = arith.addi %add3A_1428, %add3A_1429 : i32
      %get3A_1431 = arith.index_cast %add3A_1430 : i32 to index
      %get3A_1432 = arith.constant 432 : index
      %get3A_1433 = tpu.vector_load %arg6[%get3A_1431, %get3A_1432] {strides = array<i32>} : memref<64x768xf32, #tpu.memory_space<vmem>>, vector<1x16xf32>,
      %get3A_1434 = vector.shape_cast %get3A_1433 : vector<1x16xf32> to vector<16xf32>
      %add3A_1435 = arith.addf %scan3A_1300, %get3A_1434 : vector<16xf32>
      %mul3A_1436 = arith.constant 1 : i32
      %mul3A_1437 = arith.muli %scan3A_1288, %mul3A_1436 : i32
      %add3A_1438 = arith.constant 32 : i32
      %add3A_1439 = arith.addi %add3A_1438, %mul3A_1437 : i32
      %add3A_1440 = arith.constant 0 : i32
      %add3A_1441 = arith.addi %add3A_1439, %add3A_1440 : i32
      %get3A_1442 = arith.index_cast %add3A_1441 : i32 to index
      %get3A_1443 = arith.constant 448 : index
      %get3A_1444 = tpu.vector_load %arg6[%get3A_1442, %get3A_1443] {strides = array<i32>} : memref<64x768xf32, #tpu.memory_space<vmem>>, vector<1x16xf32>,
      %get3A_1445 = vector.shape_cast %get3A_1444 : vector<1x16xf32> to vector<16xf32>
      %add3A_1446 = arith.addf %scan3A_1301, %get3A_1445 : vector<16xf32>
      %mul3A_1447 = arith.constant 1 : i32
      %mul3A_1448 = arith.muli %scan3A_1288, %mul3A_1447 : i32
      %add3A_1449 = arith.constant 32 : i32
      %add3A_1450 = arith.addi %add3A_1449, %mul3A_1448 : i32
      %add3A_1451 = arith.constant 0 : i32
      %add3A_1452 = arith.addi %add3A_1450, %add3A_1451 : i32
      %get3A_1453 = arith.index_cast %add3A_1452 : i32 to index
      %get3A_1454 = arith.constant 464 : index
      %get3A_1455 = tpu.vector_load %arg6[%get3A_1453, %get3A_1454] {strides = array<i32>} : memref<64x768xf32, #tpu.memory_space<vmem>>, vector<1x16xf32>,
      %get3A_1456 = vector.shape_cast %get3A_1455 : vector<1x16xf32> to vector<16xf32>
      %add3A_1457 = arith.addf %scan3A_1302, %get3A_1456 : vector<16xf32>
      %mul3A_1458 = arith.constant 1 : i32
      %mul3A_1459 = arith.muli %scan3A_1288, %mul3A_1458 : i32
      %add3A_1460 = arith.constant 32 : i32
      %add3A_1461 = arith.addi %add3A_1460, %mul3A_1459 : i32
      %add3A_1462 = arith.constant 0 : i32
      %add3A_1463 = arith.addi %add3A_1461, %add3A_1462 : i32
      %get3A_1464 = arith.index_cast %add3A_1463 : i32 to index
      %get3A_1465 = arith.constant 480 : index
      %get3A_1466 = tpu.vector_load %arg6[%get3A_1464, %get3A_1465] {strides = array<i32>} : memref<64x768xf32, #tpu.memory_space<vmem>>, vector<1x16xf32>,
      %get3A_1467 = vector.shape_cast %get3A_1466 : vector<1x16xf32> to vector<16xf32>
      %add3A_1468 = arith.addf %scan3A_1303, %get3A_1467 : vector<16xf32>
      %mul3A_1469 = arith.constant 1 : i32
      %mul3A_1470 = arith.muli %scan3A_1288, %mul3A_1469 : i32
      %add3A_1471 = arith.constant 32 : i32
      %add3A_1472 = arith.addi %add3A_1471, %mul3A_1470 : i32
      %add3A_1473 = arith.constant 0 : i32
      %add3A_1474 = arith.addi %add3A_1472, %add3A_1473 : i32
      %get3A_1475 = arith.index_cast %add3A_1474 : i32 to index
      %get3A_1476 = arith.constant 496 : index
      %get3A_1477 = tpu.vector_load %arg6[%get3A_1475, %get3A_1476] {strides = array<i32>} : memref<64x768xf32, #tpu.memory_space<vmem>>, vector<1x16xf32>,
      %get3A_1478 = vector.shape_cast %get3A_1477 : vector<1x16xf32> to vector<16xf32>
      %add3A_1479 = arith.addf %scan3A_1304, %get3A_1478 : vector<16xf32>
      scf.yield %add3A_1314, %add3A_1325, %add3A_1336, %add3A_1347, %add3A_1358, %add3A_1369, %add3A_1380, %add3A_1391, %add3A_1402, %add3A_1413, %add3A_1424, %add3A_1435, %add3A_1446, %add3A_1457, %add3A_1468, %add3A_1479 : vector<16xf32>, vector<16xf32>, vector<16xf32>, vector<16xf32>, vector<16xf32>, vector<16xf32>, vector<16xf32>, vector<16xf32>, vector<16xf32>, vector<16xf32>, vector<16xf32>, vector<16xf32>, vector<16xf32>, vector<16xf32>, vector<16xf32>, vector<16xf32>
    }
    %scan3A_775 = arith.constant 16 : i32
    %swap3A_776 = arith.constant 0 : i32
    %swap3A_777 = arith.index_cast %swap3A_776 : i32 to index
    %swap3A_778 = arith.constant 256 : index
    %swap3A_779 = tpu.vector_load %arg7[%swap3A_777, %swap3A_778] {strides = array<i32>} : memref<1x768xf32, #tpu.memory_space<vmem>>, vector<1x16xf32>,
    %swap3A_780 = vector.shape_cast %swap3A_779 : vector<1x16xf32> to vector<16xf32>
    %swap3A_781 = vector.shape_cast %scan3A_774#0 : vector<16xf32> to vector<1x16xf32>
    tpu.vector_store %arg7[%swap3A_777, %swap3A_778], %swap3A_781 {add = true, strides = array<i32>} : memref<1x768xf32, #tpu.memory_space<vmem>>, vector<1x16xf32>,
    %swap3A_782 = arith.constant 0 : i32
    %swap3A_783 = arith.index_cast %swap3A_782 : i32 to index
    %swap3A_784 = arith.constant 272 : index
    %swap3A_785 = tpu.vector_load %arg7[%swap3A_783, %swap3A_784] {strides = array<i32>} : memref<1x768xf32, #tpu.memory_space<vmem>>, vector<1x16xf32>,
    %swap3A_786 = vector.shape_cast %swap3A_785 : vector<1x16xf32> to vector<16xf32>
    %swap3A_787 = vector.shape_cast %scan3A_774#1 : vector<16xf32> to vector<1x16xf32>
    tpu.vector_store %arg7[%swap3A_783, %swap3A_784], %swap3A_787 {add = true, strides = array<i32>} : memref<1x768xf32, #tpu.memory_space<vmem>>, vector<1x16xf32>,
    %swap3A_788 = arith.constant 0 : i32
    %swap3A_789 = arith.index_cast %swap3A_788 : i32 to index
    %swap3A_790 = arith.constant 288 : index
    %swap3A_791 = tpu.vector_load %arg7[%swap3A_789, %swap3A_790] {strides = array<i32>} : memref<1x768xf32, #tpu.memory_space<vmem>>, vector<1x16xf32>,
    %swap3A_792 = vector.shape_cast %swap3A_791 : vector<1x16xf32> to vector<16xf32>
    %swap3A_793 = vector.shape_cast %scan3A_774#2 : vector<16xf32> to vector<1x16xf32>
    tpu.vector_store %arg7[%swap3A_789, %swap3A_790], %swap3A_793 {add = true, strides = array<i32>} : memref<1x768xf32, #tpu.memory_space<vmem>>, vector<1x16xf32>,
    %swap3A_794 = arith.constant 0 : i32
    %swap3A_795 = arith.index_cast %swap3A_794 : i32 to index
    %swap3A_796 = arith.constant 304 : index
    %swap3A_797 = tpu.vector_load %arg7[%swap3A_795, %swap3A_796] {strides = array<i32>} : memref<1x768xf32, #tpu.memory_space<vmem>>, vector<1x16xf32>,
    %swap3A_798 = vector.shape_cast %swap3A_797 : vector<1x16xf32> to vector<16xf32>
    %swap3A_799 = vector.shape_cast %scan3A_774#3 : vector<16xf32> to vector<1x16xf32>
    tpu.vector_store %arg7[%swap3A_795, %swap3A_796], %swap3A_799 {add = true, strides = array<i32>} : memref<1x768xf32, #tpu.memory_space<vmem>>, vector<1x16xf32>,
    %swap3A_800 = arith.constant 0 : i32
    %swap3A_801 = arith.index_cast %swap3A_800 : i32 to index
    %swap3A_802 = arith.constant 320 : index
    %swap3A_803 = tpu.vector_load %arg7[%swap3A_801, %swap3A_802] {strides = array<i32>} : memref<1x768xf32, #tpu.memory_space<vmem>>, vector<1x16xf32>,
    %swap3A_804 = vector.shape_cast %swap3A_803 : vector<1x16xf32> to vector<16xf32>
    %swap3A_805 = vector.shape_cast %scan3A_774#4 : vector<16xf32> to vector<1x16xf32>
    tpu.vector_store %arg7[%swap3A_801, %swap3A_802], %swap3A_805 {add = true, strides = array<i32>} : memref<1x768xf32, #tpu.memory_space<vmem>>, vector<1x16xf32>,
    %swap3A_806 = arith.constant 0 : i32
    %swap3A_807 = arith.index_cast %swap3A_806 : i32 to index
    %swap3A_808 = arith.constant 336 : index
    %swap3A_809 = tpu.vector_load %arg7[%swap3A_807, %swap3A_808] {strides = array<i32>} : memref<1x768xf32, #tpu.memory_space<vmem>>, vector<1x16xf32>,
    %swap3A_810 = vector.shape_cast %swap3A_809 : vector<1x16xf32> to vector<16xf32>
    %swap3A_811 = vector.shape_cast %scan3A_774#5 : vector<16xf32> to vector<1x16xf32>
    tpu.vector_store %arg7[%swap3A_807, %swap3A_808], %swap3A_811 {add = true, strides = array<i32>} : memref<1x768xf32, #tpu.memory_space<vmem>>, vector<1x16xf32>,
    %swap3A_812 = arith.constant 0 : i32
    %swap3A_813 = arith.index_cast %swap3A_812 : i32 to index
    %swap3A_814 = arith.constant 352 : index
    %swap3A_815 = tpu.vector_load %arg7[%swap3A_813, %swap3A_814] {strides = array<i32>} : memref<1x768xf32, #tpu.memory_space<vmem>>, vector<1x16xf32>,
    %swap3A_816 = vector.shape_cast %swap3A_815 : vector<1x16xf32> to vector<16xf32>
    %swap3A_817 = vector.shape_cast %scan3A_774#6 : vector<16xf32> to vector<1x16xf32>
    tpu.vector_store %arg7[%swap3A_813, %swap3A_814], %swap3A_817 {add = true, strides = array<i32>} : memref<1x768xf32, #tpu.memory_space<vmem>>, vector<1x16xf32>,
    %swap3A_818 = arith.constant 0 : i32
    %swap3A_819 = arith.index_cast %swap3A_818 : i32 to index
    %swap3A_820 = arith.constant 368 : index
    %swap3A_821 = tpu.vector_load %arg7[%swap3A_819, %swap3A_820] {strides = array<i32>} : memref<1x768xf32, #tpu.memory_space<vmem>>, vector<1x16xf32>,
    %swap3A_822 = vector.shape_cast %swap3A_821 : vector<1x16xf32> to vector<16xf32>
    %swap3A_823 = vector.shape_cast %scan3A_774#7 : vector<16xf32> to vector<1x16xf32>
    tpu.vector_store %arg7[%swap3A_819, %swap3A_820], %swap3A_823 {add = true, strides = array<i32>} : memref<1x768xf32, #tpu.memory_space<vmem>>, vector<1x16xf32>,
    %swap3A_824 = arith.constant 0 : i32
    %swap3A_825 = arith.index_cast %swap3A_824 : i32 to index
    %swap3A_826 = arith.constant 384 : index
    %swap3A_827 = tpu.vector_load %arg7[%swap3A_825, %swap3A_826] {strides = array<i32>} : memref<1x768xf32, #tpu.memory_space<vmem>>, vector<1x16xf32>,
    %swap3A_828 = vector.shape_cast %swap3A_827 : vector<1x16xf32> to vector<16xf32>
    %swap3A_829 = vector.shape_cast %scan3A_774#8 : vector<16xf32> to vector<1x16xf32>
    tpu.vector_store %arg7[%swap3A_825, %swap3A_826], %swap3A_829 {add = true, strides = array<i32>} : memref<1x768xf32, #tpu.memory_space<vmem>>, vector<1x16xf32>,
    %swap3A_830 = arith.constant 0 : i32
    %swap3A_831 = arith.index_cast %swap3A_830 : i32 to index
    %swap3A_832 = arith.constant 400 : index
    %swap3A_833 = tpu.vector_load %arg7[%swap3A_831, %swap3A_832] {strides = array<i32>} : memref<1x768xf32, #tpu.memory_space<vmem>>, vector<1x16xf32>,
    %swap3A_834 = vector.shape_cast %swap3A_833 : vector<1x16xf32> to vector<16xf32>
    %swap3A_835 = vector.shape_cast %scan3A_774#9 : vector<16xf32> to vector<1x16xf32>
    tpu.vector_store %arg7[%swap3A_831, %swap3A_832], %swap3A_835 {add = true, strides = array<i32>} : memref<1x768xf32, #tpu.memory_space<vmem>>, vector<1x16xf32>,
    %swap3A_836 = arith.constant 0 : i32
    %swap3A_837 = arith.index_cast %swap3A_836 : i32 to index
    %swap3A_838 = arith.constant 416 : index
    %swap3A_839 = tpu.vector_load %arg7[%swap3A_837, %swap3A_838] {strides = array<i32>} : memref<1x768xf32, #tpu.memory_space<vmem>>, vector<1x16xf32>,
    %swap3A_840 = vector.shape_cast %swap3A_839 : vector<1x16xf32> to vector<16xf32>
    %swap3A_841 = vector.shape_cast %scan3A_774#10 : vector<16xf32> to vector<1x16xf32>
    tpu.vector_store %arg7[%swap3A_837, %swap3A_838], %swap3A_841 {add = true, strides = array<i32>} : memref<1x768xf32, #tpu.memory_space<vmem>>, vector<1x16xf32>,
    %swap3A_842 = arith.constant 0 : i32
    %swap3A_843 = arith.index_cast %swap3A_842 : i32 to index
    %swap3A_844 = arith.constant 432 : index
    %swap3A_845 = tpu.vector_load %arg7[%swap3A_843, %swap3A_844] {strides = array<i32>} : memref<1x768xf32, #tpu.memory_space<vmem>>, vector<1x16xf32>,
    %swap3A_846 = vector.shape_cast %swap3A_845 : vector<1x16xf32> to vector<16xf32>
    %swap3A_847 = vector.shape_cast %scan3A_774#11 : vector<16xf32> to vector<1x16xf32>
    tpu.vector_store %arg7[%swap3A_843, %swap3A_844], %swap3A_847 {add = true, strides = array<i32>} : memref<1x768xf32, #tpu.memory_space<vmem>>, vector<1x16xf32>,
    %swap3A_848 = arith.constant 0 : i32
    %swap3A_849 = arith.index_cast %swap3A_848 : i32 to index
    %swap3A_850 = arith.constant 448 : index
    %swap3A_851 = tpu.vector_load %arg7[%swap3A_849, %swap3A_850] {strides = array<i32>} : memref<1x768xf32, #tpu.memory_space<vmem>>, vector<1x16xf32>,
    %swap3A_852 = vector.shape_cast %swap3A_851 : vector<1x16xf32> to vector<16xf32>
    %swap3A_853 = vector.shape_cast %scan3A_774#12 : vector<16xf32> to vector<1x16xf32>
    tpu.vector_store %arg7[%swap3A_849, %swap3A_850], %swap3A_853 {add = true, strides = array<i32>} : memref<1x768xf32, #tpu.memory_space<vmem>>, vector<1x16xf32>,
    %swap3A_854 = arith.constant 0 : i32
    %swap3A_855 = arith.index_cast %swap3A_854 : i32 to index
    %swap3A_856 = arith.constant 464 : index
    %swap3A_857 = tpu.vector_load %arg7[%swap3A_855, %swap3A_856] {strides = array<i32>} : memref<1x768xf32, #tpu.memory_space<vmem>>, vector<1x16xf32>,
    %swap3A_858 = vector.shape_cast %swap3A_857 : vector<1x16xf32> to vector<16xf32>
    %swap3A_859 = vector.shape_cast %scan3A_774#13 : vector<16xf32> to vector<1x16xf32>
    tpu.vector_store %arg7[%swap3A_855, %swap3A_856], %swap3A_859 {add = true, strides = array<i32>} : memref<1x768xf32, #tpu.memory_space<vmem>>, vector<1x16xf32>,
    %swap3A_860 = arith.constant 0 : i32
    %swap3A_861 = arith.index_cast %swap3A_860 : i32 to index
    %swap3A_862 = arith.constant 480 : index
    %swap3A_863 = tpu.vector_load %arg7[%swap3A_861, %swap3A_862] {strides = array<i32>} : memref<1x768xf32, #tpu.memory_space<vmem>>, vector<1x16xf32>,
    %swap3A_864 = vector.shape_cast %swap3A_863 : vector<1x16xf32> to vector<16xf32>
    %swap3A_865 = vector.shape_cast %scan3A_774#14 : vector<16xf32> to vector<1x16xf32>
    tpu.vector_store %arg7[%swap3A_861, %swap3A_862], %swap3A_865 {add = true, strides = array<i32>} : memref<1x768xf32, #tpu.memory_space<vmem>>, vector<1x16xf32>,
    %swap3A_866 = arith.constant 0 : i32
    %swap3A_867 = arith.index_cast %swap3A_866 : i32 to index
    %swap3A_868 = arith.constant 496 : index
    %swap3A_869 = tpu.vector_load %arg7[%swap3A_867, %swap3A_868] {strides = array<i32>} : memref<1x768xf32, #tpu.memory_space<vmem>>, vector<1x16xf32>,
    %swap3A_870 = vector.shape_cast %swap3A_869 : vector<1x16xf32> to vector<16xf32>
    %swap3A_871 = vector.shape_cast %scan3A_774#15 : vector<16xf32> to vector<1x16xf32>
    tpu.vector_store %arg7[%swap3A_867, %swap3A_868], %swap3A_871 {add = true, strides = array<i32>} : memref<1x768xf32, #tpu.memory_space<vmem>>, vector<1x16xf32>,
    %scan3A_872 = arith.constant 0 : i32
    %scan3A_873 = arith.constant 16 : i32
    %scan3A_874 = arith.addi %scan3A_872, %scan3A_873 : i32
    %scan3A_875 = arith.constant 1 : i32
    %scan3A_876:16 = scf.for %scan3A_1288 = %scan3A_872 to %scan3A_874 step %scan3A_875 iter_args(%scan3A_1289 = %broadcast_in_dim3A_34, %scan3A_1290 = %broadcast_in_dim3A_34, %scan3A_1291 = %broadcast_in_dim3A_34, %scan3A_1292 = %broadcast_in_dim3A_34, %scan3A_1293 = %broadcast_in_dim3A_34, %scan3A_1294 = %broadcast_in_dim3A_34, %scan3A_1295 = %broadcast_in_dim3A_34, %scan3A_1296 = %broadcast_in_dim3A_34, %scan3A_1297 = %broadcast_in_dim3A_34, %scan3A_1298 = %broadcast_in_dim3A_34, %scan3A_1299 = %broadcast_in_dim3A_34, %scan3A_1300 = %broadcast_in_dim3A_34, %scan3A_1301 = %broadcast_in_dim3A_34, %scan3A_1302 = %broadcast_in_dim3A_34, %scan3A_1303 = %broadcast_in_dim3A_34, %scan3A_1304 = %broadcast_in_dim3A_34) -> (vector<16xf32>, vector<16xf32>, vector<16xf32>, vector<16xf32>, vector<16xf32>, vector<16xf32>, vector<16xf32>, vector<16xf32>, vector<16xf32>, vector<16xf32>, vector<16xf32>, vector<16xf32>, vector<16xf32>, vector<16xf32>, vector<16xf32>, vector<16xf32>)  : i32 {
      %mul3A_1305 = arith.constant 1 : i32
      %mul3A_1306 = arith.muli %scan3A_1288, %mul3A_1305 : i32
      %add3A_1307 = arith.constant 32 : i32
      %add3A_1308 = arith.addi %add3A_1307, %mul3A_1306 : i32
      %add3A_1309 = arith.constant 0 : i32
      %add3A_1310 = arith.addi %add3A_1308, %add3A_1309 : i32
      %get3A = arith.index_cast %add3A_1310 : i32 to index
      %get3A_1311 = arith.constant 512 : index
      %get3A_1312 = tpu.vector_load %arg6[%get3A, %get3A_1311] {strides = array<i32>} : memref<64x768xf32, #tpu.memory_space<vmem>>, vector<1x16xf32>,
      %get3A_1313 = vector.shape_cast %get3A_1312 : vector<1x16xf32> to vector<16xf32>
      %add3A_1314 = arith.addf %scan3A_1289, %get3A_1313 : vector<16xf32>
      %mul3A_1315 = arith.constant 1 : i32
      %mul3A_1316 = arith.muli %scan3A_1288, %mul3A_1315 : i32
      %add3A_1317 = arith.constant 32 : i32
      %add3A_1318 = arith.addi %add3A_1317, %mul3A_1316 : i32
      %add3A_1319 = arith.constant 0 : i32
      %add3A_1320 = arith.addi %add3A_1318, %add3A_1319 : i32
      %get3A_1321 = arith.index_cast %add3A_1320 : i32 to index
      %get3A_1322 = arith.constant 528 : index
      %get3A_1323 = tpu.vector_load %arg6[%get3A_1321, %get3A_1322] {strides = array<i32>} : memref<64x768xf32, #tpu.memory_space<vmem>>, vector<1x16xf32>,
      %get3A_1324 = vector.shape_cast %get3A_1323 : vector<1x16xf32> to vector<16xf32>
      %add3A_1325 = arith.addf %scan3A_1290, %get3A_1324 : vector<16xf32>
      %mul3A_1326 = arith.constant 1 : i32
      %mul3A_1327 = arith.muli %scan3A_1288, %mul3A_1326 : i32
      %add3A_1328 = arith.constant 32 : i32
      %add3A_1329 = arith.addi %add3A_1328, %mul3A_1327 : i32
      %add3A_1330 = arith.constant 0 : i32
      %add3A_1331 = arith.addi %add3A_1329, %add3A_1330 : i32
      %get3A_1332 = arith.index_cast %add3A_1331 : i32 to index
      %get3A_1333 = arith.constant 544 : index
      %get3A_1334 = tpu.vector_load %arg6[%get3A_1332, %get3A_1333] {strides = array<i32>} : memref<64x768xf32, #tpu.memory_space<vmem>>, vector<1x16xf32>,
      %get3A_1335 = vector.shape_cast %get3A_1334 : vector<1x16xf32> to vector<16xf32>
      %add3A_1336 = arith.addf %scan3A_1291, %get3A_1335 : vector<16xf32>
      %mul3A_1337 = arith.constant 1 : i32
      %mul3A_1338 = arith.muli %scan3A_1288, %mul3A_1337 : i32
      %add3A_1339 = arith.constant 32 : i32
      %add3A_1340 = arith.addi %add3A_1339, %mul3A_1338 : i32
      %add3A_1341 = arith.constant 0 : i32
      %add3A_1342 = arith.addi %add3A_1340, %add3A_1341 : i32
      %get3A_1343 = arith.index_cast %add3A_1342 : i32 to index
      %get3A_1344 = arith.constant 560 : index
      %get3A_1345 = tpu.vector_load %arg6[%get3A_1343, %get3A_1344] {strides = array<i32>} : memref<64x768xf32, #tpu.memory_space<vmem>>, vector<1x16xf32>,
      %get3A_1346 = vector.shape_cast %get3A_1345 : vector<1x16xf32> to vector<16xf32>
      %add3A_1347 = arith.addf %scan3A_1292, %get3A_1346 : vector<16xf32>
      %mul3A_1348 = arith.constant 1 : i32
      %mul3A_1349 = arith.muli %scan3A_1288, %mul3A_1348 : i32
      %add3A_1350 = arith.constant 32 : i32
      %add3A_1351 = arith.addi %add3A_1350, %mul3A_1349 : i32
      %add3A_1352 = arith.constant 0 : i32
      %add3A_1353 = arith.addi %add3A_1351, %add3A_1352 : i32
      %get3A_1354 = arith.index_cast %add3A_1353 : i32 to index
      %get3A_1355 = arith.constant 576 : index
      %get3A_1356 = tpu.vector_load %arg6[%get3A_1354, %get3A_1355] {strides = array<i32>} : memref<64x768xf32, #tpu.memory_space<vmem>>, vector<1x16xf32>,
      %get3A_1357 = vector.shape_cast %get3A_1356 : vector<1x16xf32> to vector<16xf32>
      %add3A_1358 = arith.addf %scan3A_1293, %get3A_1357 : vector<16xf32>
      %mul3A_1359 = arith.constant 1 : i32
      %mul3A_1360 = arith.muli %scan3A_1288, %mul3A_1359 : i32
      %add3A_1361 = arith.constant 32 : i32
      %add3A_1362 = arith.addi %add3A_1361, %mul3A_1360 : i32
      %add3A_1363 = arith.constant 0 : i32
      %add3A_1364 = arith.addi %add3A_1362, %add3A_1363 : i32
      %get3A_1365 = arith.index_cast %add3A_1364 : i32 to index
      %get3A_1366 = arith.constant 592 : index
      %get3A_1367 = tpu.vector_load %arg6[%get3A_1365, %get3A_1366] {strides = array<i32>} : memref<64x768xf32, #tpu.memory_space<vmem>>, vector<1x16xf32>,
      %get3A_1368 = vector.shape_cast %get3A_1367 : vector<1x16xf32> to vector<16xf32>
      %add3A_1369 = arith.addf %scan3A_1294, %get3A_1368 : vector<16xf32>
      %mul3A_1370 = arith.constant 1 : i32
      %mul3A_1371 = arith.muli %scan3A_1288, %mul3A_1370 : i32
      %add3A_1372 = arith.constant 32 : i32
      %add3A_1373 = arith.addi %add3A_1372, %mul3A_1371 : i32
      %add3A_1374 = arith.constant 0 : i32
      %add3A_1375 = arith.addi %add3A_1373, %add3A_1374 : i32
      %get3A_1376 = arith.index_cast %add3A_1375 : i32 to index
      %get3A_1377 = arith.constant 608 : index
      %get3A_1378 = tpu.vector_load %arg6[%get3A_1376, %get3A_1377] {strides = array<i32>} : memref<64x768xf32, #tpu.memory_space<vmem>>, vector<1x16xf32>,
      %get3A_1379 = vector.shape_cast %get3A_1378 : vector<1x16xf32> to vector<16xf32>
      %add3A_1380 = arith.addf %scan3A_1295, %get3A_1379 : vector<16xf32>
      %mul3A_1381 = arith.constant 1 : i32
      %mul3A_1382 = arith.muli %scan3A_1288, %mul3A_1381 : i32
      %add3A_1383 = arith.constant 32 : i32
      %add3A_1384 = arith.addi %add3A_1383, %mul3A_1382 : i32
      %add3A_1385 = arith.constant 0 : i32
      %add3A_1386 = arith.addi %add3A_1384, %add3A_1385 : i32
      %get3A_1387 = arith.index_cast %add3A_1386 : i32 to index
      %get3A_1388 = arith.constant 624 : index
      %get3A_1389 = tpu.vector_load %arg6[%get3A_1387, %get3A_1388] {strides = array<i32>} : memref<64x768xf32, #tpu.memory_space<vmem>>, vector<1x16xf32>,
      %get3A_1390 = vector.shape_cast %get3A_1389 : vector<1x16xf32> to vector<16xf32>
      %add3A_1391 = arith.addf %scan3A_1296, %get3A_1390 : vector<16xf32>
      %mul3A_1392 = arith.constant 1 : i32
      %mul3A_1393 = arith.muli %scan3A_1288, %mul3A_1392 : i32
      %add3A_1394 = arith.constant 32 : i32
      %add3A_1395 = arith.addi %add3A_1394, %mul3A_1393 : i32
      %add3A_1396 = arith.constant 0 : i32
      %add3A_1397 = arith.addi %add3A_1395, %add3A_1396 : i32
      %get3A_1398 = arith.index_cast %add3A_1397 : i32 to index
      %get3A_1399 = arith.constant 640 : index
      %get3A_1400 = tpu.vector_load %arg6[%get3A_1398, %get3A_1399] {strides = array<i32>} : memref<64x768xf32, #tpu.memory_space<vmem>>, vector<1x16xf32>,
      %get3A_1401 = vector.shape_cast %get3A_1400 : vector<1x16xf32> to vector<16xf32>
      %add3A_1402 = arith.addf %scan3A_1297, %get3A_1401 : vector<16xf32>
      %mul3A_1403 = arith.constant 1 : i32
      %mul3A_1404 = arith.muli %scan3A_1288, %mul3A_1403 : i32
      %add3A_1405 = arith.constant 32 : i32
      %add3A_1406 = arith.addi %add3A_1405, %mul3A_1404 : i32
      %add3A_1407 = arith.constant 0 : i32
      %add3A_1408 = arith.addi %add3A_1406, %add3A_1407 : i32
      %get3A_1409 = arith.index_cast %add3A_1408 : i32 to index
      %get3A_1410 = arith.constant 656 : index
      %get3A_1411 = tpu.vector_load %arg6[%get3A_1409, %get3A_1410] {strides = array<i32>} : memref<64x768xf32, #tpu.memory_space<vmem>>, vector<1x16xf32>,
      %get3A_1412 = vector.shape_cast %get3A_1411 : vector<1x16xf32> to vector<16xf32>
      %add3A_1413 = arith.addf %scan3A_1298, %get3A_1412 : vector<16xf32>
      %mul3A_1414 = arith.constant 1 : i32
      %mul3A_1415 = arith.muli %scan3A_1288, %mul3A_1414 : i32
      %add3A_1416 = arith.constant 32 : i32
      %add3A_1417 = arith.addi %add3A_1416, %mul3A_1415 : i32
      %add3A_1418 = arith.constant 0 : i32
      %add3A_1419 = arith.addi %add3A_1417, %add3A_1418 : i32
      %get3A_1420 = arith.index_cast %add3A_1419 : i32 to index
      %get3A_1421 = arith.constant 672 : index
      %get3A_1422 = tpu.vector_load %arg6[%get3A_1420, %get3A_1421] {strides = array<i32>} : memref<64x768xf32, #tpu.memory_space<vmem>>, vector<1x16xf32>,
      %get3A_1423 = vector.shape_cast %get3A_1422 : vector<1x16xf32> to vector<16xf32>
      %add3A_1424 = arith.addf %scan3A_1299, %get3A_1423 : vector<16xf32>
      %mul3A_1425 = arith.constant 1 : i32
      %mul3A_1426 = arith.muli %scan3A_1288, %mul3A_1425 : i32
      %add3A_1427 = arith.constant 32 : i32
      %add3A_1428 = arith.addi %add3A_1427, %mul3A_1426 : i32
      %add3A_1429 = arith.constant 0 : i32
      %add3A_1430 = arith.addi %add3A_1428, %add3A_1429 : i32
      %get3A_1431 = arith.index_cast %add3A_1430 : i32 to index
      %get3A_1432 = arith.constant 688 : index
      %get3A_1433 = tpu.vector_load %arg6[%get3A_1431, %get3A_1432] {strides = array<i32>} : memref<64x768xf32, #tpu.memory_space<vmem>>, vector<1x16xf32>,
      %get3A_1434 = vector.shape_cast %get3A_1433 : vector<1x16xf32> to vector<16xf32>
      %add3A_1435 = arith.addf %scan3A_1300, %get3A_1434 : vector<16xf32>
      %mul3A_1436 = arith.constant 1 : i32
      %mul3A_1437 = arith.muli %scan3A_1288, %mul3A_1436 : i32
      %add3A_1438 = arith.constant 32 : i32
      %add3A_1439 = arith.addi %add3A_1438, %mul3A_1437 : i32
      %add3A_1440 = arith.constant 0 : i32
      %add3A_1441 = arith.addi %add3A_1439, %add3A_1440 : i32
      %get3A_1442 = arith.index_cast %add3A_1441 : i32 to index
      %get3A_1443 = arith.constant 704 : index
      %get3A_1444 = tpu.vector_load %arg6[%get3A_1442, %get3A_1443] {strides = array<i32>} : memref<64x768xf32, #tpu.memory_space<vmem>>, vector<1x16xf32>,
      %get3A_1445 = vector.shape_cast %get3A_1444 : vector<1x16xf32> to vector<16xf32>
      %add3A_1446 = arith.addf %scan3A_1301, %get3A_1445 : vector<16xf32>
      %mul3A_1447 = arith.constant 1 : i32
      %mul3A_1448 = arith.muli %scan3A_1288, %mul3A_1447 : i32
      %add3A_1449 = arith.constant 32 : i32
      %add3A_1450 = arith.addi %add3A_1449, %mul3A_1448 : i32
      %add3A_1451 = arith.constant 0 : i32
      %add3A_1452 = arith.addi %add3A_1450, %add3A_1451 : i32
      %get3A_1453 = arith.index_cast %add3A_1452 : i32 to index
      %get3A_1454 = arith.constant 720 : index
      %get3A_1455 = tpu.vector_load %arg6[%get3A_1453, %get3A_1454] {strides = array<i32>} : memref<64x768xf32, #tpu.memory_space<vmem>>, vector<1x16xf32>,
      %get3A_1456 = vector.shape_cast %get3A_1455 : vector<1x16xf32> to vector<16xf32>
      %add3A_1457 = arith.addf %scan3A_1302, %get3A_1456 : vector<16xf32>
      %mul3A_1458 = arith.constant 1 : i32
      %mul3A_1459 = arith.muli %scan3A_1288, %mul3A_1458 : i32
      %add3A_1460 = arith.constant 32 : i32
      %add3A_1461 = arith.addi %add3A_1460, %mul3A_1459 : i32
      %add3A_1462 = arith.constant 0 : i32
      %add3A_1463 = arith.addi %add3A_1461, %add3A_1462 : i32
      %get3A_1464 = arith.index_cast %add3A_1463 : i32 to index
      %get3A_1465 = arith.constant 736 : index
      %get3A_1466 = tpu.vector_load %arg6[%get3A_1464, %get3A_1465] {strides = array<i32>} : memref<64x768xf32, #tpu.memory_space<vmem>>, vector<1x16xf32>,
      %get3A_1467 = vector.shape_cast %get3A_1466 : vector<1x16xf32> to vector<16xf32>
      %add3A_1468 = arith.addf %scan3A_1303, %get3A_1467 : vector<16xf32>
      %mul3A_1469 = arith.constant 1 : i32
      %mul3A_1470 = arith.muli %scan3A_1288, %mul3A_1469 : i32
      %add3A_1471 = arith.constant 32 : i32
      %add3A_1472 = arith.addi %add3A_1471, %mul3A_1470 : i32
      %add3A_1473 = arith.constant 0 : i32
      %add3A_1474 = arith.addi %add3A_1472, %add3A_1473 : i32
      %get3A_1475 = arith.index_cast %add3A_1474 : i32 to index
      %get3A_1476 = arith.constant 752 : index
      %get3A_1477 = tpu.vector_load %arg6[%get3A_1475, %get3A_1476] {strides = array<i32>} : memref<64x768xf32, #tpu.memory_space<vmem>>, vector<1x16xf32>,
      %get3A_1478 = vector.shape_cast %get3A_1477 : vector<1x16xf32> to vector<16xf32>
      %add3A_1479 = arith.addf %scan3A_1304, %get3A_1478 : vector<16xf32>
      scf.yield %add3A_1314, %add3A_1325, %add3A_1336, %add3A_1347, %add3A_1358, %add3A_1369, %add3A_1380, %add3A_1391, %add3A_1402, %add3A_1413, %add3A_1424, %add3A_1435, %add3A_1446, %add3A_1457, %add3A_1468, %add3A_1479 : vector<16xf32>, vector<16xf32>, vector<16xf32>, vector<16xf32>, vector<16xf32>, vector<16xf32>, vector<16xf32>, vector<16xf32>, vector<16xf32>, vector<16xf32>, vector<16xf32>, vector<16xf32>, vector<16xf32>, vector<16xf32>, vector<16xf32>, vector<16xf32>
    }
    %scan3A_877 = arith.constant 16 : i32
    %swap3A_878 = arith.constant 0 : i32
    %swap3A_879 = arith.index_cast %swap3A_878 : i32 to index
    %swap3A_880 = arith.constant 512 : index
    %swap3A_881 = tpu.vector_load %arg7[%swap3A_879, %swap3A_880] {strides = array<i32>} : memref<1x768xf32, #tpu.memory_space<vmem>>, vector<1x16xf32>,
    %swap3A_882 = vector.shape_cast %swap3A_881 : vector<1x16xf32> to vector<16xf32>
    %swap3A_883 = vector.shape_cast %scan3A_876#0 : vector<16xf32> to vector<1x16xf32>
    tpu.vector_store %arg7[%swap3A_879, %swap3A_880], %swap3A_883 {add = true, strides = array<i32>} : memref<1x768xf32, #tpu.memory_space<vmem>>, vector<1x16xf32>,
    %swap3A_884 = arith.constant 0 : i32
    %swap3A_885 = arith.index_cast %swap3A_884 : i32 to index
    %swap3A_886 = arith.constant 528 : index
    %swap3A_887 = tpu.vector_load %arg7[%swap3A_885, %swap3A_886] {strides = array<i32>} : memref<1x768xf32, #tpu.memory_space<vmem>>, vector<1x16xf32>,
    %swap3A_888 = vector.shape_cast %swap3A_887 : vector<1x16xf32> to vector<16xf32>
    %swap3A_889 = vector.shape_cast %scan3A_876#1 : vector<16xf32> to vector<1x16xf32>
    tpu.vector_store %arg7[%swap3A_885, %swap3A_886], %swap3A_889 {add = true, strides = array<i32>} : memref<1x768xf32, #tpu.memory_space<vmem>>, vector<1x16xf32>,
    %swap3A_890 = arith.constant 0 : i32
    %swap3A_891 = arith.index_cast %swap3A_890 : i32 to index
    %swap3A_892 = arith.constant 544 : index
    %swap3A_893 = tpu.vector_load %arg7[%swap3A_891, %swap3A_892] {strides = array<i32>} : memref<1x768xf32, #tpu.memory_space<vmem>>, vector<1x16xf32>,
    %swap3A_894 = vector.shape_cast %swap3A_893 : vector<1x16xf32> to vector<16xf32>
    %swap3A_895 = vector.shape_cast %scan3A_876#2 : vector<16xf32> to vector<1x16xf32>
    tpu.vector_store %arg7[%swap3A_891, %swap3A_892], %swap3A_895 {add = true, strides = array<i32>} : memref<1x768xf32, #tpu.memory_space<vmem>>, vector<1x16xf32>,
    %swap3A_896 = arith.constant 0 : i32
    %swap3A_897 = arith.index_cast %swap3A_896 : i32 to index
    %swap3A_898 = arith.constant 560 : index
    %swap3A_899 = tpu.vector_load %arg7[%swap3A_897, %swap3A_898] {strides = array<i32>} : memref<1x768xf32, #tpu.memory_space<vmem>>, vector<1x16xf32>,
    %swap3A_900 = vector.shape_cast %swap3A_899 : vector<1x16xf32> to vector<16xf32>
    %swap3A_901 = vector.shape_cast %scan3A_876#3 : vector<16xf32> to vector<1x16xf32>
    tpu.vector_store %arg7[%swap3A_897, %swap3A_898], %swap3A_901 {add = true, strides = array<i32>} : memref<1x768xf32, #tpu.memory_space<vmem>>, vector<1x16xf32>,
    %swap3A_902 = arith.constant 0 : i32
    %swap3A_903 = arith.index_cast %swap3A_902 : i32 to index
    %swap3A_904 = arith.constant 576 : index
    %swap3A_905 = tpu.vector_load %arg7[%swap3A_903, %swap3A_904] {strides = array<i32>} : memref<1x768xf32, #tpu.memory_space<vmem>>, vector<1x16xf32>,
    %swap3A_906 = vector.shape_cast %swap3A_905 : vector<1x16xf32> to vector<16xf32>
    %swap3A_907 = vector.shape_cast %scan3A_876#4 : vector<16xf32> to vector<1x16xf32>
    tpu.vector_store %arg7[%swap3A_903, %swap3A_904], %swap3A_907 {add = true, strides = array<i32>} : memref<1x768xf32, #tpu.memory_space<vmem>>, vector<1x16xf32>,
    %swap3A_908 = arith.constant 0 : i32
    %swap3A_909 = arith.index_cast %swap3A_908 : i32 to index
    %swap3A_910 = arith.constant 592 : index
    %swap3A_911 = tpu.vector_load %arg7[%swap3A_909, %swap3A_910] {strides = array<i32>} : memref<1x768xf32, #tpu.memory_space<vmem>>, vector<1x16xf32>,
    %swap3A_912 = vector.shape_cast %swap3A_911 : vector<1x16xf32> to vector<16xf32>
    %swap3A_913 = vector.shape_cast %scan3A_876#5 : vector<16xf32> to vector<1x16xf32>
    tpu.vector_store %arg7[%swap3A_909, %swap3A_910], %swap3A_913 {add = true, strides = array<i32>} : memref<1x768xf32, #tpu.memory_space<vmem>>, vector<1x16xf32>,
    %swap3A_914 = arith.constant 0 : i32
    %swap3A_915 = arith.index_cast %swap3A_914 : i32 to index
    %swap3A_916 = arith.constant 608 : index
    %swap3A_917 = tpu.vector_load %arg7[%swap3A_915, %swap3A_916] {strides = array<i32>} : memref<1x768xf32, #tpu.memory_space<vmem>>, vector<1x16xf32>,
    %swap3A_918 = vector.shape_cast %swap3A_917 : vector<1x16xf32> to vector<16xf32>
    %swap3A_919 = vector.shape_cast %scan3A_876#6 : vector<16xf32> to vector<1x16xf32>
    tpu.vector_store %arg7[%swap3A_915, %swap3A_916], %swap3A_919 {add = true, strides = array<i32>} : memref<1x768xf32, #tpu.memory_space<vmem>>, vector<1x16xf32>,
    %swap3A_920 = arith.constant 0 : i32
    %swap3A_921 = arith.index_cast %swap3A_920 : i32 to index
    %swap3A_922 = arith.constant 624 : index
    %swap3A_923 = tpu.vector_load %arg7[%swap3A_921, %swap3A_922] {strides = array<i32>} : memref<1x768xf32, #tpu.memory_space<vmem>>, vector<1x16xf32>,
    %swap3A_924 = vector.shape_cast %swap3A_923 : vector<1x16xf32> to vector<16xf32>
    %swap3A_925 = vector.shape_cast %scan3A_876#7 : vector<16xf32> to vector<1x16xf32>
    tpu.vector_store %arg7[%swap3A_921, %swap3A_922], %swap3A_925 {add = true, strides = array<i32>} : memref<1x768xf32, #tpu.memory_space<vmem>>, vector<1x16xf32>,
    %swap3A_926 = arith.constant 0 : i32
    %swap3A_927 = arith.index_cast %swap3A_926 : i32 to index
    %swap3A_928 = arith.constant 640 : index
    %swap3A_929 = tpu.vector_load %arg7[%swap3A_927, %swap3A_928] {strides = array<i32>} : memref<1x768xf32, #tpu.memory_space<vmem>>, vector<1x16xf32>,
    %swap3A_930 = vector.shape_cast %swap3A_929 : vector<1x16xf32> to vector<16xf32>
    %swap3A_931 = vector.shape_cast %scan3A_876#8 : vector<16xf32> to vector<1x16xf32>
    tpu.vector_store %arg7[%swap3A_927, %swap3A_928], %swap3A_931 {add = true, strides = array<i32>} : memref<1x768xf32, #tpu.memory_space<vmem>>, vector<1x16xf32>,
    %swap3A_932 = arith.constant 0 : i32
    %swap3A_933 = arith.index_cast %swap3A_932 : i32 to index
    %swap3A_934 = arith.constant 656 : index
    %swap3A_935 = tpu.vector_load %arg7[%swap3A_933, %swap3A_934] {strides = array<i32>} : memref<1x768xf32, #tpu.memory_space<vmem>>, vector<1x16xf32>,
    %swap3A_936 = vector.shape_cast %swap3A_935 : vector<1x16xf32> to vector<16xf32>
    %swap3A_937 = vector.shape_cast %scan3A_876#9 : vector<16xf32> to vector<1x16xf32>
    tpu.vector_store %arg7[%swap3A_933, %swap3A_934], %swap3A_937 {add = true, strides = array<i32>} : memref<1x768xf32, #tpu.memory_space<vmem>>, vector<1x16xf32>,
    %swap3A_938 = arith.constant 0 : i32
    %swap3A_939 = arith.index_cast %swap3A_938 : i32 to index
    %swap3A_940 = arith.constant 672 : index
    %swap3A_941 = tpu.vector_load %arg7[%swap3A_939, %swap3A_940] {strides = array<i32>} : memref<1x768xf32, #tpu.memory_space<vmem>>, vector<1x16xf32>,
    %swap3A_942 = vector.shape_cast %swap3A_941 : vector<1x16xf32> to vector<16xf32>
    %swap3A_943 = vector.shape_cast %scan3A_876#10 : vector<16xf32> to vector<1x16xf32>
    tpu.vector_store %arg7[%swap3A_939, %swap3A_940], %swap3A_943 {add = true, strides = array<i32>} : memref<1x768xf32, #tpu.memory_space<vmem>>, vector<1x16xf32>,
    %swap3A_944 = arith.constant 0 : i32
    %swap3A_945 = arith.index_cast %swap3A_944 : i32 to index
    %swap3A_946 = arith.constant 688 : index
    %swap3A_947 = tpu.vector_load %arg7[%swap3A_945, %swap3A_946] {strides = array<i32>} : memref<1x768xf32, #tpu.memory_space<vmem>>, vector<1x16xf32>,
    %swap3A_948 = vector.shape_cast %swap3A_947 : vector<1x16xf32> to vector<16xf32>
    %swap3A_949 = vector.shape_cast %scan3A_876#11 : vector<16xf32> to vector<1x16xf32>
    tpu.vector_store %arg7[%swap3A_945, %swap3A_946], %swap3A_949 {add = true, strides = array<i32>} : memref<1x768xf32, #tpu.memory_space<vmem>>, vector<1x16xf32>,
    %swap3A_950 = arith.constant 0 : i32
    %swap3A_951 = arith.index_cast %swap3A_950 : i32 to index
    %swap3A_952 = arith.constant 704 : index
    %swap3A_953 = tpu.vector_load %arg7[%swap3A_951, %swap3A_952] {strides = array<i32>} : memref<1x768xf32, #tpu.memory_space<vmem>>, vector<1x16xf32>,
    %swap3A_954 = vector.shape_cast %swap3A_953 : vector<1x16xf32> to vector<16xf32>
    %swap3A_955 = vector.shape_cast %scan3A_876#12 : vector<16xf32> to vector<1x16xf32>
    tpu.vector_store %arg7[%swap3A_951, %swap3A_952], %swap3A_955 {add = true, strides = array<i32>} : memref<1x768xf32, #tpu.memory_space<vmem>>, vector<1x16xf32>,
    %swap3A_956 = arith.constant 0 : i32
    %swap3A_957 = arith.index_cast %swap3A_956 : i32 to index
    %swap3A_958 = arith.constant 720 : index
    %swap3A_959 = tpu.vector_load %arg7[%swap3A_957, %swap3A_958] {strides = array<i32>} : memref<1x768xf32, #tpu.memory_space<vmem>>, vector<1x16xf32>,
    %swap3A_960 = vector.shape_cast %swap3A_959 : vector<1x16xf32> to vector<16xf32>
    %swap3A_961 = vector.shape_cast %scan3A_876#13 : vector<16xf32> to vector<1x16xf32>
    tpu.vector_store %arg7[%swap3A_957, %swap3A_958], %swap3A_961 {add = true, strides = array<i32>} : memref<1x768xf32, #tpu.memory_space<vmem>>, vector<1x16xf32>,
    %swap3A_962 = arith.constant 0 : i32
    %swap3A_963 = arith.index_cast %swap3A_962 : i32 to index
    %swap3A_964 = arith.constant 736 : index
    %swap3A_965 = tpu.vector_load %arg7[%swap3A_963, %swap3A_964] {strides = array<i32>} : memref<1x768xf32, #tpu.memory_space<vmem>>, vector<1x16xf32>,
    %swap3A_966 = vector.shape_cast %swap3A_965 : vector<1x16xf32> to vector<16xf32>
    %swap3A_967 = vector.shape_cast %scan3A_876#14 : vector<16xf32> to vector<1x16xf32>
    tpu.vector_store %arg7[%swap3A_963, %swap3A_964], %swap3A_967 {add = true, strides = array<i32>} : memref<1x768xf32, #tpu.memory_space<vmem>>, vector<1x16xf32>,
    %swap3A_968 = arith.constant 0 : i32
    %swap3A_969 = arith.index_cast %swap3A_968 : i32 to index
    %swap3A_970 = arith.constant 752 : index
    %swap3A_971 = tpu.vector_load %arg7[%swap3A_969, %swap3A_970] {strides = array<i32>} : memref<1x768xf32, #tpu.memory_space<vmem>>, vector<1x16xf32>,
    %swap3A_972 = vector.shape_cast %swap3A_971 : vector<1x16xf32> to vector<16xf32>
    %swap3A_973 = vector.shape_cast %scan3A_876#15 : vector<16xf32> to vector<1x16xf32>
    tpu.vector_store %arg7[%swap3A_969, %swap3A_970], %swap3A_973 {add = true, strides = array<i32>} : memref<1x768xf32, #tpu.memory_space<vmem>>, vector<1x16xf32>,
    %dma_wait3A_974 = arith.constant 48 : i32
    %dma_wait3A_975 = arith.constant 0 : i32
    %dma_wait3A_976 = tpu.memref_slice %arg6[%dma_wait3A_974, %dma_wait3A_975] : memref<64x768xf32, #tpu.memory_space<vmem>> -> memref<16x768xf32, #tpu.memory_space<vmem>>
    %dma_wait3A_977 = arith.constant 48 : i32
    %dma_wait3A_978 = tpu.memref_slice %arg5[%dma_wait3A_977] : memref<64xi32, #tpu.memory_space<vmem>> -> memref<16xi32, #tpu.memory_space<vmem>>
    %dma_wait3A_979 = arith.constant 0 : i32
    %dma_wait3A_980 = arith.constant 0 : i32
    %dma_wait3A_981 = tpu.memref_slice %arg3[%dma_wait3A_979, %dma_wait3A_980] : memref<100000x768xf32, #tpu.memory_space<hbm>> -> memref<100000x768xf32, #tpu.memory_space<hbm>>
    tpu.wait_indirect_dma semaphore(%arg11 : memref<!tpu.dma_semaphore, #tpu.memory_space<semaphore_mem>>) src(%dma_wait3A_981 : memref<100000x768xf32, #tpu.memory_space<hbm>>) dst(%dma_wait3A_976 : memref<16x768xf32, #tpu.memory_space<vmem>>)
    %scan3A_982 = arith.constant 0 : i32
    %scan3A_983 = arith.constant 16 : i32
    %scan3A_984 = arith.addi %scan3A_982, %scan3A_983 : i32
    %scan3A_985 = arith.constant 1 : i32
    %scan3A_986:16 = scf.for %scan3A_1288 = %scan3A_982 to %scan3A_984 step %scan3A_985 iter_args(%scan3A_1289 = %broadcast_in_dim3A_34, %scan3A_1290 = %broadcast_in_dim3A_34, %scan3A_1291 = %broadcast_in_dim3A_34, %scan3A_1292 = %broadcast_in_dim3A_34, %scan3A_1293 = %broadcast_in_dim3A_34, %scan3A_1294 = %broadcast_in_dim3A_34, %scan3A_1295 = %broadcast_in_dim3A_34, %scan3A_1296 = %broadcast_in_dim3A_34, %scan3A_1297 = %broadcast_in_dim3A_34, %scan3A_1298 = %broadcast_in_dim3A_34, %scan3A_1299 = %broadcast_in_dim3A_34, %scan3A_1300 = %broadcast_in_dim3A_34, %scan3A_1301 = %broadcast_in_dim3A_34, %scan3A_1302 = %broadcast_in_dim3A_34, %scan3A_1303 = %broadcast_in_dim3A_34, %scan3A_1304 = %broadcast_in_dim3A_34) -> (vector<16xf32>, vector<16xf32>, vector<16xf32>, vector<16xf32>, vector<16xf32>, vector<16xf32>, vector<16xf32>, vector<16xf32>, vector<16xf32>, vector<16xf32>, vector<16xf32>, vector<16xf32>, vector<16xf32>, vector<16xf32>, vector<16xf32>, vector<16xf32>)  : i32 {
      %mul3A_1305 = arith.constant 1 : i32
      %mul3A_1306 = arith.muli %scan3A_1288, %mul3A_1305 : i32
      %add3A_1307 = arith.constant 48 : i32
      %add3A_1308 = arith.addi %add3A_1307, %mul3A_1306 : i32
      %add3A_1309 = arith.constant 0 : i32
      %add3A_1310 = arith.addi %add3A_1308, %add3A_1309 : i32
      %get3A = arith.index_cast %add3A_1310 : i32 to index
      %get3A_1311 = arith.constant 0 : index
      %get3A_1312 = tpu.vector_load %arg6[%get3A, %get3A_1311] {strides = array<i32>} : memref<64x768xf32, #tpu.memory_space<vmem>>, vector<1x16xf32>,
      %get3A_1313 = vector.shape_cast %get3A_1312 : vector<1x16xf32> to vector<16xf32>
      %add3A_1314 = arith.addf %scan3A_1289, %get3A_1313 : vector<16xf32>
      %mul3A_1315 = arith.constant 1 : i32
      %mul3A_1316 = arith.muli %scan3A_1288, %mul3A_1315 : i32
      %add3A_1317 = arith.constant 48 : i32
      %add3A_1318 = arith.addi %add3A_1317, %mul3A_1316 : i32
      %add3A_1319 = arith.constant 0 : i32
      %add3A_1320 = arith.addi %add3A_1318, %add3A_1319 : i32
      %get3A_1321 = arith.index_cast %add3A_1320 : i32 to index
      %get3A_1322 = arith.constant 16 : index
      %get3A_1323 = tpu.vector_load %arg6[%get3A_1321, %get3A_1322] {strides = array<i32>} : memref<64x768xf32, #tpu.memory_space<vmem>>, vector<1x16xf32>,
      %get3A_1324 = vector.shape_cast %get3A_1323 : vector<1x16xf32> to vector<16xf32>
      %add3A_1325 = arith.addf %scan3A_1290, %get3A_1324 : vector<16xf32>
      %mul3A_1326 = arith.constant 1 : i32
      %mul3A_1327 = arith.muli %scan3A_1288, %mul3A_1326 : i32
      %add3A_1328 = arith.constant 48 : i32
      %add3A_1329 = arith.addi %add3A_1328, %mul3A_1327 : i32
      %add3A_1330 = arith.constant 0 : i32
      %add3A_1331 = arith.addi %add3A_1329, %add3A_1330 : i32
      %get3A_1332 = arith.index_cast %add3A_1331 : i32 to index
      %get3A_1333 = arith.constant 32 : index
      %get3A_1334 = tpu.vector_load %arg6[%get3A_1332, %get3A_1333] {strides = array<i32>} : memref<64x768xf32, #tpu.memory_space<vmem>>, vector<1x16xf32>,
      %get3A_1335 = vector.shape_cast %get3A_1334 : vector<1x16xf32> to vector<16xf32>
      %add3A_1336 = arith.addf %scan3A_1291, %get3A_1335 : vector<16xf32>
      %mul3A_1337 = arith.constant 1 : i32
      %mul3A_1338 = arith.muli %scan3A_1288, %mul3A_1337 : i32
      %add3A_1339 = arith.constant 48 : i32
      %add3A_1340 = arith.addi %add3A_1339, %mul3A_1338 : i32
      %add3A_1341 = arith.constant 0 : i32
      %add3A_1342 = arith.addi %add3A_1340, %add3A_1341 : i32
      %get3A_1343 = arith.index_cast %add3A_1342 : i32 to index
      %get3A_1344 = arith.constant 48 : index
      %get3A_1345 = tpu.vector_load %arg6[%get3A_1343, %get3A_1344] {strides = array<i32>} : memref<64x768xf32, #tpu.memory_space<vmem>>, vector<1x16xf32>,
      %get3A_1346 = vector.shape_cast %get3A_1345 : vector<1x16xf32> to vector<16xf32>
      %add3A_1347 = arith.addf %scan3A_1292, %get3A_1346 : vector<16xf32>
      %mul3A_1348 = arith.constant 1 : i32
      %mul3A_1349 = arith.muli %scan3A_1288, %mul3A_1348 : i32
      %add3A_1350 = arith.constant 48 : i32
      %add3A_1351 = arith.addi %add3A_1350, %mul3A_1349 : i32
      %add3A_1352 = arith.constant 0 : i32
      %add3A_1353 = arith.addi %add3A_1351, %add3A_1352 : i32
      %get3A_1354 = arith.index_cast %add3A_1353 : i32 to index
      %get3A_1355 = arith.constant 64 : index
      %get3A_1356 = tpu.vector_load %arg6[%get3A_1354, %get3A_1355] {strides = array<i32>} : memref<64x768xf32, #tpu.memory_space<vmem>>, vector<1x16xf32>,
      %get3A_1357 = vector.shape_cast %get3A_1356 : vector<1x16xf32> to vector<16xf32>
      %add3A_1358 = arith.addf %scan3A_1293, %get3A_1357 : vector<16xf32>
      %mul3A_1359 = arith.constant 1 : i32
      %mul3A_1360 = arith.muli %scan3A_1288, %mul3A_1359 : i32
      %add3A_1361 = arith.constant 48 : i32
      %add3A_1362 = arith.addi %add3A_1361, %mul3A_1360 : i32
      %add3A_1363 = arith.constant 0 : i32
      %add3A_1364 = arith.addi %add3A_1362, %add3A_1363 : i32
      %get3A_1365 = arith.index_cast %add3A_1364 : i32 to index
      %get3A_1366 = arith.constant 80 : index
      %get3A_1367 = tpu.vector_load %arg6[%get3A_1365, %get3A_1366] {strides = array<i32>} : memref<64x768xf32, #tpu.memory_space<vmem>>, vector<1x16xf32>,
      %get3A_1368 = vector.shape_cast %get3A_1367 : vector<1x16xf32> to vector<16xf32>
      %add3A_1369 = arith.addf %scan3A_1294, %get3A_1368 : vector<16xf32>
      %mul3A_1370 = arith.constant 1 : i32
      %mul3A_1371 = arith.muli %scan3A_1288, %mul3A_1370 : i32
      %add3A_1372 = arith.constant 48 : i32
      %add3A_1373 = arith.addi %add3A_1372, %mul3A_1371 : i32
      %add3A_1374 = arith.constant 0 : i32
      %add3A_1375 = arith.addi %add3A_1373, %add3A_1374 : i32
      %get3A_1376 = arith.index_cast %add3A_1375 : i32 to index
      %get3A_1377 = arith.constant 96 : index
      %get3A_1378 = tpu.vector_load %arg6[%get3A_1376, %get3A_1377] {strides = array<i32>} : memref<64x768xf32, #tpu.memory_space<vmem>>, vector<1x16xf32>,
      %get3A_1379 = vector.shape_cast %get3A_1378 : vector<1x16xf32> to vector<16xf32>
      %add3A_1380 = arith.addf %scan3A_1295, %get3A_1379 : vector<16xf32>
      %mul3A_1381 = arith.constant 1 : i32
      %mul3A_1382 = arith.muli %scan3A_1288, %mul3A_1381 : i32
      %add3A_1383 = arith.constant 48 : i32
      %add3A_1384 = arith.addi %add3A_1383, %mul3A_1382 : i32
      %add3A_1385 = arith.constant 0 : i32
      %add3A_1386 = arith.addi %add3A_1384, %add3A_1385 : i32
      %get3A_1387 = arith.index_cast %add3A_1386 : i32 to index
      %get3A_1388 = arith.constant 112 : index
      %get3A_1389 = tpu.vector_load %arg6[%get3A_1387, %get3A_1388] {strides = array<i32>} : memref<64x768xf32, #tpu.memory_space<vmem>>, vector<1x16xf32>,
      %get3A_1390 = vector.shape_cast %get3A_1389 : vector<1x16xf32> to vector<16xf32>
      %add3A_1391 = arith.addf %scan3A_1296, %get3A_1390 : vector<16xf32>
      %mul3A_1392 = arith.constant 1 : i32
      %mul3A_1393 = arith.muli %scan3A_1288, %mul3A_1392 : i32
      %add3A_1394 = arith.constant 48 : i32
      %add3A_1395 = arith.addi %add3A_1394, %mul3A_1393 : i32
      %add3A_1396 = arith.constant 0 : i32
      %add3A_1397 = arith.addi %add3A_1395, %add3A_1396 : i32
      %get3A_1398 = arith.index_cast %add3A_1397 : i32 to index
      %get3A_1399 = arith.constant 128 : index
      %get3A_1400 = tpu.vector_load %arg6[%get3A_1398, %get3A_1399] {strides = array<i32>} : memref<64x768xf32, #tpu.memory_space<vmem>>, vector<1x16xf32>,
      %get3A_1401 = vector.shape_cast %get3A_1400 : vector<1x16xf32> to vector<16xf32>
      %add3A_1402 = arith.addf %scan3A_1297, %get3A_1401 : vector<16xf32>
      %mul3A_1403 = arith.constant 1 : i32
      %mul3A_1404 = arith.muli %scan3A_1288, %mul3A_1403 : i32
      %add3A_1405 = arith.constant 48 : i32
      %add3A_1406 = arith.addi %add3A_1405, %mul3A_1404 : i32
      %add3A_1407 = arith.constant 0 : i32
      %add3A_1408 = arith.addi %add3A_1406, %add3A_1407 : i32
      %get3A_1409 = arith.index_cast %add3A_1408 : i32 to index
      %get3A_1410 = arith.constant 144 : index
      %get3A_1411 = tpu.vector_load %arg6[%get3A_1409, %get3A_1410] {strides = array<i32>} : memref<64x768xf32, #tpu.memory_space<vmem>>, vector<1x16xf32>,
      %get3A_1412 = vector.shape_cast %get3A_1411 : vector<1x16xf32> to vector<16xf32>
      %add3A_1413 = arith.addf %scan3A_1298, %get3A_1412 : vector<16xf32>
      %mul3A_1414 = arith.constant 1 : i32
      %mul3A_1415 = arith.muli %scan3A_1288, %mul3A_1414 : i32
      %add3A_1416 = arith.constant 48 : i32
      %add3A_1417 = arith.addi %add3A_1416, %mul3A_1415 : i32
      %add3A_1418 = arith.constant 0 : i32
      %add3A_1419 = arith.addi %add3A_1417, %add3A_1418 : i32
      %get3A_1420 = arith.index_cast %add3A_1419 : i32 to index
      %get3A_1421 = arith.constant 160 : index
      %get3A_1422 = tpu.vector_load %arg6[%get3A_1420, %get3A_1421] {strides = array<i32>} : memref<64x768xf32, #tpu.memory_space<vmem>>, vector<1x16xf32>,
      %get3A_1423 = vector.shape_cast %get3A_1422 : vector<1x16xf32> to vector<16xf32>
      %add3A_1424 = arith.addf %scan3A_1299, %get3A_1423 : vector<16xf32>
      %mul3A_1425 = arith.constant 1 : i32
      %mul3A_1426 = arith.muli %scan3A_1288, %mul3A_1425 : i32
      %add3A_1427 = arith.constant 48 : i32
      %add3A_1428 = arith.addi %add3A_1427, %mul3A_1426 : i32
      %add3A_1429 = arith.constant 0 : i32
      %add3A_1430 = arith.addi %add3A_1428, %add3A_1429 : i32
      %get3A_1431 = arith.index_cast %add3A_1430 : i32 to index
      %get3A_1432 = arith.constant 176 : index
      %get3A_1433 = tpu.vector_load %arg6[%get3A_1431, %get3A_1432] {strides = array<i32>} : memref<64x768xf32, #tpu.memory_space<vmem>>, vector<1x16xf32>,
      %get3A_1434 = vector.shape_cast %get3A_1433 : vector<1x16xf32> to vector<16xf32>
      %add3A_1435 = arith.addf %scan3A_1300, %get3A_1434 : vector<16xf32>
      %mul3A_1436 = arith.constant 1 : i32
      %mul3A_1437 = arith.muli %scan3A_1288, %mul3A_1436 : i32
      %add3A_1438 = arith.constant 48 : i32
      %add3A_1439 = arith.addi %add3A_1438, %mul3A_1437 : i32
      %add3A_1440 = arith.constant 0 : i32
      %add3A_1441 = arith.addi %add3A_1439, %add3A_1440 : i32
      %get3A_1442 = arith.index_cast %add3A_1441 : i32 to index
      %get3A_1443 = arith.constant 192 : index
      %get3A_1444 = tpu.vector_load %arg6[%get3A_1442, %get3A_1443] {strides = array<i32>} : memref<64x768xf32, #tpu.memory_space<vmem>>, vector<1x16xf32>,
      %get3A_1445 = vector.shape_cast %get3A_1444 : vector<1x16xf32> to vector<16xf32>
      %add3A_1446 = arith.addf %scan3A_1301, %get3A_1445 : vector<16xf32>
      %mul3A_1447 = arith.constant 1 : i32
      %mul3A_1448 = arith.muli %scan3A_1288, %mul3A_1447 : i32
      %add3A_1449 = arith.constant 48 : i32
      %add3A_1450 = arith.addi %add3A_1449, %mul3A_1448 : i32
      %add3A_1451 = arith.constant 0 : i32
      %add3A_1452 = arith.addi %add3A_1450, %add3A_1451 : i32
      %get3A_1453 = arith.index_cast %add3A_1452 : i32 to index
      %get3A_1454 = arith.constant 208 : index
      %get3A_1455 = tpu.vector_load %arg6[%get3A_1453, %get3A_1454] {strides = array<i32>} : memref<64x768xf32, #tpu.memory_space<vmem>>, vector<1x16xf32>,
      %get3A_1456 = vector.shape_cast %get3A_1455 : vector<1x16xf32> to vector<16xf32>
      %add3A_1457 = arith.addf %scan3A_1302, %get3A_1456 : vector<16xf32>
      %mul3A_1458 = arith.constant 1 : i32
      %mul3A_1459 = arith.muli %scan3A_1288, %mul3A_1458 : i32
      %add3A_1460 = arith.constant 48 : i32
      %add3A_1461 = arith.addi %add3A_1460, %mul3A_1459 : i32
      %add3A_1462 = arith.constant 0 : i32
      %add3A_1463 = arith.addi %add3A_1461, %add3A_1462 : i32
      %get3A_1464 = arith.index_cast %add3A_1463 : i32 to index
      %get3A_1465 = arith.constant 224 : index
      %get3A_1466 = tpu.vector_load %arg6[%get3A_1464, %get3A_1465] {strides = array<i32>} : memref<64x768xf32, #tpu.memory_space<vmem>>, vector<1x16xf32>,
      %get3A_1467 = vector.shape_cast %get3A_1466 : vector<1x16xf32> to vector<16xf32>
      %add3A_1468 = arith.addf %scan3A_1303, %get3A_1467 : vector<16xf32>
      %mul3A_1469 = arith.constant 1 : i32
      %mul3A_1470 = arith.muli %scan3A_1288, %mul3A_1469 : i32
      %add3A_1471 = arith.constant 48 : i32
      %add3A_1472 = arith.addi %add3A_1471, %mul3A_1470 : i32
      %add3A_1473 = arith.constant 0 : i32
      %add3A_1474 = arith.addi %add3A_1472, %add3A_1473 : i32
      %get3A_1475 = arith.index_cast %add3A_1474 : i32 to index
      %get3A_1476 = arith.constant 240 : index
      %get3A_1477 = tpu.vector_load %arg6[%get3A_1475, %get3A_1476] {strides = array<i32>} : memref<64x768xf32, #tpu.memory_space<vmem>>, vector<1x16xf32>,
      %get3A_1478 = vector.shape_cast %get3A_1477 : vector<1x16xf32> to vector<16xf32>
      %add3A_1479 = arith.addf %scan3A_1304, %get3A_1478 : vector<16xf32>
      scf.yield %add3A_1314, %add3A_1325, %add3A_1336, %add3A_1347, %add3A_1358, %add3A_1369, %add3A_1380, %add3A_1391, %add3A_1402, %add3A_1413, %add3A_1424, %add3A_1435, %add3A_1446, %add3A_1457, %add3A_1468, %add3A_1479 : vector<16xf32>, vector<16xf32>, vector<16xf32>, vector<16xf32>, vector<16xf32>, vector<16xf32>, vector<16xf32>, vector<16xf32>, vector<16xf32>, vector<16xf32>, vector<16xf32>, vector<16xf32>, vector<16xf32>, vector<16xf32>, vector<16xf32>, vector<16xf32>
    }
    %scan3A_987 = arith.constant 16 : i32
    %swap3A_988 = arith.constant 0 : i32
    %swap3A_989 = arith.index_cast %swap3A_988 : i32 to index
    %swap3A_990 = arith.constant 0 : index
    %swap3A_991 = tpu.vector_load %arg7[%swap3A_989, %swap3A_990] {strides = array<i32>} : memref<1x768xf32, #tpu.memory_space<vmem>>, vector<1x16xf32>,
    %swap3A_992 = vector.shape_cast %swap3A_991 : vector<1x16xf32> to vector<16xf32>
    %swap3A_993 = vector.shape_cast %scan3A_986#0 : vector<16xf32> to vector<1x16xf32>
    tpu.vector_store %arg7[%swap3A_989, %swap3A_990], %swap3A_993 {add = true, strides = array<i32>} : memref<1x768xf32, #tpu.memory_space<vmem>>, vector<1x16xf32>,
    %swap3A_994 = arith.constant 0 : i32
    %swap3A_995 = arith.index_cast %swap3A_994 : i32 to index
    %swap3A_996 = arith.constant 16 : index
    %swap3A_997 = tpu.vector_load %arg7[%swap3A_995, %swap3A_996] {strides = array<i32>} : memref<1x768xf32, #tpu.memory_space<vmem>>, vector<1x16xf32>,
    %swap3A_998 = vector.shape_cast %swap3A_997 : vector<1x16xf32> to vector<16xf32>
    %swap3A_999 = vector.shape_cast %scan3A_986#1 : vector<16xf32> to vector<1x16xf32>
    tpu.vector_store %arg7[%swap3A_995, %swap3A_996], %swap3A_999 {add = true, strides = array<i32>} : memref<1x768xf32, #tpu.memory_space<vmem>>, vector<1x16xf32>,
    %swap3A_1000 = arith.constant 0 : i32
    %swap3A_1001 = arith.index_cast %swap3A_1000 : i32 to index
    %swap3A_1002 = arith.constant 32 : index
    %swap3A_1003 = tpu.vector_load %arg7[%swap3A_1001, %swap3A_1002] {strides = array<i32>} : memref<1x768xf32, #tpu.memory_space<vmem>>, vector<1x16xf32>,
    %swap3A_1004 = vector.shape_cast %swap3A_1003 : vector<1x16xf32> to vector<16xf32>
    %swap3A_1005 = vector.shape_cast %scan3A_986#2 : vector<16xf32> to vector<1x16xf32>
    tpu.vector_store %arg7[%swap3A_1001, %swap3A_1002], %swap3A_1005 {add = true, strides = array<i32>} : memref<1x768xf32, #tpu.memory_space<vmem>>, vector<1x16xf32>,
    %swap3A_1006 = arith.constant 0 : i32
    %swap3A_1007 = arith.index_cast %swap3A_1006 : i32 to index
    %swap3A_1008 = arith.constant 48 : index
    %swap3A_1009 = tpu.vector_load %arg7[%swap3A_1007, %swap3A_1008] {strides = array<i32>} : memref<1x768xf32, #tpu.memory_space<vmem>>, vector<1x16xf32>,
    %swap3A_1010 = vector.shape_cast %swap3A_1009 : vector<1x16xf32> to vector<16xf32>
    %swap3A_1011 = vector.shape_cast %scan3A_986#3 : vector<16xf32> to vector<1x16xf32>
    tpu.vector_store %arg7[%swap3A_1007, %swap3A_1008], %swap3A_1011 {add = true, strides = array<i32>} : memref<1x768xf32, #tpu.memory_space<vmem>>, vector<1x16xf32>,
    %swap3A_1012 = arith.constant 0 : i32
    %swap3A_1013 = arith.index_cast %swap3A_1012 : i32 to index
    %swap3A_1014 = arith.constant 64 : index
    %swap3A_1015 = tpu.vector_load %arg7[%swap3A_1013, %swap3A_1014] {strides = array<i32>} : memref<1x768xf32, #tpu.memory_space<vmem>>, vector<1x16xf32>,
    %swap3A_1016 = vector.shape_cast %swap3A_1015 : vector<1x16xf32> to vector<16xf32>
    %swap3A_1017 = vector.shape_cast %scan3A_986#4 : vector<16xf32> to vector<1x16xf32>
    tpu.vector_store %arg7[%swap3A_1013, %swap3A_1014], %swap3A_1017 {add = true, strides = array<i32>} : memref<1x768xf32, #tpu.memory_space<vmem>>, vector<1x16xf32>,
    %swap3A_1018 = arith.constant 0 : i32
    %swap3A_1019 = arith.index_cast %swap3A_1018 : i32 to index
    %swap3A_1020 = arith.constant 80 : index
    %swap3A_1021 = tpu.vector_load %arg7[%swap3A_1019, %swap3A_1020] {strides = array<i32>} : memref<1x768xf32, #tpu.memory_space<vmem>>, vector<1x16xf32>,
    %swap3A_1022 = vector.shape_cast %swap3A_1021 : vector<1x16xf32> to vector<16xf32>
    %swap3A_1023 = vector.shape_cast %scan3A_986#5 : vector<16xf32> to vector<1x16xf32>
    tpu.vector_store %arg7[%swap3A_1019, %swap3A_1020], %swap3A_1023 {add = true, strides = array<i32>} : memref<1x768xf32, #tpu.memory_space<vmem>>, vector<1x16xf32>,
    %swap3A_1024 = arith.constant 0 : i32
    %swap3A_1025 = arith.index_cast %swap3A_1024 : i32 to index
    %swap3A_1026 = arith.constant 96 : index
    %swap3A_1027 = tpu.vector_load %arg7[%swap3A_1025, %swap3A_1026] {strides = array<i32>} : memref<1x768xf32, #tpu.memory_space<vmem>>, vector<1x16xf32>,
    %swap3A_1028 = vector.shape_cast %swap3A_1027 : vector<1x16xf32> to vector<16xf32>
    %swap3A_1029 = vector.shape_cast %scan3A_986#6 : vector<16xf32> to vector<1x16xf32>
    tpu.vector_store %arg7[%swap3A_1025, %swap3A_1026], %swap3A_1029 {add = true, strides = array<i32>} : memref<1x768xf32, #tpu.memory_space<vmem>>, vector<1x16xf32>,
    %swap3A_1030 = arith.constant 0 : i32
    %swap3A_1031 = arith.index_cast %swap3A_1030 : i32 to index
    %swap3A_1032 = arith.constant 112 : index
    %swap3A_1033 = tpu.vector_load %arg7[%swap3A_1031, %swap3A_1032] {strides = array<i32>} : memref<1x768xf32, #tpu.memory_space<vmem>>, vector<1x16xf32>,
    %swap3A_1034 = vector.shape_cast %swap3A_1033 : vector<1x16xf32> to vector<16xf32>
    %swap3A_1035 = vector.shape_cast %scan3A_986#7 : vector<16xf32> to vector<1x16xf32>
    tpu.vector_store %arg7[%swap3A_1031, %swap3A_1032], %swap3A_1035 {add = true, strides = array<i32>} : memref<1x768xf32, #tpu.memory_space<vmem>>, vector<1x16xf32>,
    %swap3A_1036 = arith.constant 0 : i32
    %swap3A_1037 = arith.index_cast %swap3A_1036 : i32 to index
    %swap3A_1038 = arith.constant 128 : index
    %swap3A_1039 = tpu.vector_load %arg7[%swap3A_1037, %swap3A_1038] {strides = array<i32>} : memref<1x768xf32, #tpu.memory_space<vmem>>, vector<1x16xf32>,
    %swap3A_1040 = vector.shape_cast %swap3A_1039 : vector<1x16xf32> to vector<16xf32>
    %swap3A_1041 = vector.shape_cast %scan3A_986#8 : vector<16xf32> to vector<1x16xf32>
    tpu.vector_store %arg7[%swap3A_1037, %swap3A_1038], %swap3A_1041 {add = true, strides = array<i32>} : memref<1x768xf32, #tpu.memory_space<vmem>>, vector<1x16xf32>,
    %swap3A_1042 = arith.constant 0 : i32
    %swap3A_1043 = arith.index_cast %swap3A_1042 : i32 to index
    %swap3A_1044 = arith.constant 144 : index
    %swap3A_1045 = tpu.vector_load %arg7[%swap3A_1043, %swap3A_1044] {strides = array<i32>} : memref<1x768xf32, #tpu.memory_space<vmem>>, vector<1x16xf32>,
    %swap3A_1046 = vector.shape_cast %swap3A_1045 : vector<1x16xf32> to vector<16xf32>
    %swap3A_1047 = vector.shape_cast %scan3A_986#9 : vector<16xf32> to vector<1x16xf32>
    tpu.vector_store %arg7[%swap3A_1043, %swap3A_1044], %swap3A_1047 {add = true, strides = array<i32>} : memref<1x768xf32, #tpu.memory_space<vmem>>, vector<1x16xf32>,
    %swap3A_1048 = arith.constant 0 : i32
    %swap3A_1049 = arith.index_cast %swap3A_1048 : i32 to index
    %swap3A_1050 = arith.constant 160 : index
    %swap3A_1051 = tpu.vector_load %arg7[%swap3A_1049, %swap3A_1050] {strides = array<i32>} : memref<1x768xf32, #tpu.memory_space<vmem>>, vector<1x16xf32>,
    %swap3A_1052 = vector.shape_cast %swap3A_1051 : vector<1x16xf32> to vector<16xf32>
    %swap3A_1053 = vector.shape_cast %scan3A_986#10 : vector<16xf32> to vector<1x16xf32>
    tpu.vector_store %arg7[%swap3A_1049, %swap3A_1050], %swap3A_1053 {add = true, strides = array<i32>} : memref<1x768xf32, #tpu.memory_space<vmem>>, vector<1x16xf32>,
    %swap3A_1054 = arith.constant 0 : i32
    %swap3A_1055 = arith.index_cast %swap3A_1054 : i32 to index
    %swap3A_1056 = arith.constant 176 : index
    %swap3A_1057 = tpu.vector_load %arg7[%swap3A_1055, %swap3A_1056] {strides = array<i32>} : memref<1x768xf32, #tpu.memory_space<vmem>>, vector<1x16xf32>,
    %swap3A_1058 = vector.shape_cast %swap3A_1057 : vector<1x16xf32> to vector<16xf32>
    %swap3A_1059 = vector.shape_cast %scan3A_986#11 : vector<16xf32> to vector<1x16xf32>
    tpu.vector_store %arg7[%swap3A_1055, %swap3A_1056], %swap3A_1059 {add = true, strides = array<i32>} : memref<1x768xf32, #tpu.memory_space<vmem>>, vector<1x16xf32>,
    %swap3A_1060 = arith.constant 0 : i32
    %swap3A_1061 = arith.index_cast %swap3A_1060 : i32 to index
    %swap3A_1062 = arith.constant 192 : index
    %swap3A_1063 = tpu.vector_load %arg7[%swap3A_1061, %swap3A_1062] {strides = array<i32>} : memref<1x768xf32, #tpu.memory_space<vmem>>, vector<1x16xf32>,
    %swap3A_1064 = vector.shape_cast %swap3A_1063 : vector<1x16xf32> to vector<16xf32>
    %swap3A_1065 = vector.shape_cast %scan3A_986#12 : vector<16xf32> to vector<1x16xf32>
    tpu.vector_store %arg7[%swap3A_1061, %swap3A_1062], %swap3A_1065 {add = true, strides = array<i32>} : memref<1x768xf32, #tpu.memory_space<vmem>>, vector<1x16xf32>,
    %swap3A_1066 = arith.constant 0 : i32
    %swap3A_1067 = arith.index_cast %swap3A_1066 : i32 to index
    %swap3A_1068 = arith.constant 208 : index
    %swap3A_1069 = tpu.vector_load %arg7[%swap3A_1067, %swap3A_1068] {strides = array<i32>} : memref<1x768xf32, #tpu.memory_space<vmem>>, vector<1x16xf32>,
    %swap3A_1070 = vector.shape_cast %swap3A_1069 : vector<1x16xf32> to vector<16xf32>
    %swap3A_1071 = vector.shape_cast %scan3A_986#13 : vector<16xf32> to vector<1x16xf32>
    tpu.vector_store %arg7[%swap3A_1067, %swap3A_1068], %swap3A_1071 {add = true, strides = array<i32>} : memref<1x768xf32, #tpu.memory_space<vmem>>, vector<1x16xf32>,
    %swap3A_1072 = arith.constant 0 : i32
    %swap3A_1073 = arith.index_cast %swap3A_1072 : i32 to index
    %swap3A_1074 = arith.constant 224 : index
    %swap3A_1075 = tpu.vector_load %arg7[%swap3A_1073, %swap3A_1074] {strides = array<i32>} : memref<1x768xf32, #tpu.memory_space<vmem>>, vector<1x16xf32>,
    %swap3A_1076 = vector.shape_cast %swap3A_1075 : vector<1x16xf32> to vector<16xf32>
    %swap3A_1077 = vector.shape_cast %scan3A_986#14 : vector<16xf32> to vector<1x16xf32>
    tpu.vector_store %arg7[%swap3A_1073, %swap3A_1074], %swap3A_1077 {add = true, strides = array<i32>} : memref<1x768xf32, #tpu.memory_space<vmem>>, vector<1x16xf32>,
    %swap3A_1078 = arith.constant 0 : i32
    %swap3A_1079 = arith.index_cast %swap3A_1078 : i32 to index
    %swap3A_1080 = arith.constant 240 : index
    %swap3A_1081 = tpu.vector_load %arg7[%swap3A_1079, %swap3A_1080] {strides = array<i32>} : memref<1x768xf32, #tpu.memory_space<vmem>>, vector<1x16xf32>,
    %swap3A_1082 = vector.shape_cast %swap3A_1081 : vector<1x16xf32> to vector<16xf32>
    %swap3A_1083 = vector.shape_cast %scan3A_986#15 : vector<16xf32> to vector<1x16xf32>
    tpu.vector_store %arg7[%swap3A_1079, %swap3A_1080], %swap3A_1083 {add = true, strides = array<i32>} : memref<1x768xf32, #tpu.memory_space<vmem>>, vector<1x16xf32>,
    %scan3A_1084 = arith.constant 0 : i32
    %scan3A_1085 = arith.constant 16 : i32
    %scan3A_1086 = arith.addi %scan3A_1084, %scan3A_1085 : i32
    %scan3A_1087 = arith.constant 1 : i32
    %scan3A_1088:16 = scf.for %scan3A_1288 = %scan3A_1084 to %scan3A_1086 step %scan3A_1087 iter_args(%scan3A_1289 = %broadcast_in_dim3A_34, %scan3A_1290 = %broadcast_in_dim3A_34, %scan3A_1291 = %broadcast_in_dim3A_34, %scan3A_1292 = %broadcast_in_dim3A_34, %scan3A_1293 = %broadcast_in_dim3A_34, %scan3A_1294 = %broadcast_in_dim3A_34, %scan3A_1295 = %broadcast_in_dim3A_34, %scan3A_1296 = %broadcast_in_dim3A_34, %scan3A_1297 = %broadcast_in_dim3A_34, %scan3A_1298 = %broadcast_in_dim3A_34, %scan3A_1299 = %broadcast_in_dim3A_34, %scan3A_1300 = %broadcast_in_dim3A_34, %scan3A_1301 = %broadcast_in_dim3A_34, %scan3A_1302 = %broadcast_in_dim3A_34, %scan3A_1303 = %broadcast_in_dim3A_34, %scan3A_1304 = %broadcast_in_dim3A_34) -> (vector<16xf32>, vector<16xf32>, vector<16xf32>, vector<16xf32>, vector<16xf32>, vector<16xf32>, vector<16xf32>, vector<16xf32>, vector<16xf32>, vector<16xf32>, vector<16xf32>, vector<16xf32>, vector<16xf32>, vector<16xf32>, vector<16xf32>, vector<16xf32>)  : i32 {
      %mul3A_1305 = arith.constant 1 : i32
      %mul3A_1306 = arith.muli %scan3A_1288, %mul3A_1305 : i32
      %add3A_1307 = arith.constant 48 : i32
      %add3A_1308 = arith.addi %add3A_1307, %mul3A_1306 : i32
      %add3A_1309 = arith.constant 0 : i32
      %add3A_1310 = arith.addi %add3A_1308, %add3A_1309 : i32
      %get3A = arith.index_cast %add3A_1310 : i32 to index
      %get3A_1311 = arith.constant 256 : index
      %get3A_1312 = tpu.vector_load %arg6[%get3A, %get3A_1311] {strides = array<i32>} : memref<64x768xf32, #tpu.memory_space<vmem>>, vector<1x16xf32>,
      %get3A_1313 = vector.shape_cast %get3A_1312 : vector<1x16xf32> to vector<16xf32>
      %add3A_1314 = arith.addf %scan3A_1289, %get3A_1313 : vector<16xf32>
      %mul3A_1315 = arith.constant 1 : i32
      %mul3A_1316 = arith.muli %scan3A_1288, %mul3A_1315 : i32
      %add3A_1317 = arith.constant 48 : i32
      %add3A_1318 = arith.addi %add3A_1317, %mul3A_1316 : i32
      %add3A_1319 = arith.constant 0 : i32
      %add3A_1320 = arith.addi %add3A_1318, %add3A_1319 : i32
      %get3A_1321 = arith.index_cast %add3A_1320 : i32 to index
      %get3A_1322 = arith.constant 272 : index
      %get3A_1323 = tpu.vector_load %arg6[%get3A_1321, %get3A_1322] {strides = array<i32>} : memref<64x768xf32, #tpu.memory_space<vmem>>, vector<1x16xf32>,
      %get3A_1324 = vector.shape_cast %get3A_1323 : vector<1x16xf32> to vector<16xf32>
      %add3A_1325 = arith.addf %scan3A_1290, %get3A_1324 : vector<16xf32>
      %mul3A_1326 = arith.constant 1 : i32
      %mul3A_1327 = arith.muli %scan3A_1288, %mul3A_1326 : i32
      %add3A_1328 = arith.constant 48 : i32
      %add3A_1329 = arith.addi %add3A_1328, %mul3A_1327 : i32
      %add3A_1330 = arith.constant 0 : i32
      %add3A_1331 = arith.addi %add3A_1329, %add3A_1330 : i32
      %get3A_1332 = arith.index_cast %add3A_1331 : i32 to index
      %get3A_1333 = arith.constant 288 : index
      %get3A_1334 = tpu.vector_load %arg6[%get3A_1332, %get3A_1333] {strides = array<i32>} : memref<64x768xf32, #tpu.memory_space<vmem>>, vector<1x16xf32>,
      %get3A_1335 = vector.shape_cast %get3A_1334 : vector<1x16xf32> to vector<16xf32>
      %add3A_1336 = arith.addf %scan3A_1291, %get3A_1335 : vector<16xf32>
      %mul3A_1337 = arith.constant 1 : i32
      %mul3A_1338 = arith.muli %scan3A_1288, %mul3A_1337 : i32
      %add3A_1339 = arith.constant 48 : i32
      %add3A_1340 = arith.addi %add3A_1339, %mul3A_1338 : i32
      %add3A_1341 = arith.constant 0 : i32
      %add3A_1342 = arith.addi %add3A_1340, %add3A_1341 : i32
      %get3A_1343 = arith.index_cast %add3A_1342 : i32 to index
      %get3A_1344 = arith.constant 304 : index
      %get3A_1345 = tpu.vector_load %arg6[%get3A_1343, %get3A_1344] {strides = array<i32>} : memref<64x768xf32, #tpu.memory_space<vmem>>, vector<1x16xf32>,
      %get3A_1346 = vector.shape_cast %get3A_1345 : vector<1x16xf32> to vector<16xf32>
      %add3A_1347 = arith.addf %scan3A_1292, %get3A_1346 : vector<16xf32>
      %mul3A_1348 = arith.constant 1 : i32
      %mul3A_1349 = arith.muli %scan3A_1288, %mul3A_1348 : i32
      %add3A_1350 = arith.constant 48 : i32
      %add3A_1351 = arith.addi %add3A_1350, %mul3A_1349 : i32
      %add3A_1352 = arith.constant 0 : i32
      %add3A_1353 = arith.addi %add3A_1351, %add3A_1352 : i32
      %get3A_1354 = arith.index_cast %add3A_1353 : i32 to index
      %get3A_1355 = arith.constant 320 : index
      %get3A_1356 = tpu.vector_load %arg6[%get3A_1354, %get3A_1355] {strides = array<i32>} : memref<64x768xf32, #tpu.memory_space<vmem>>, vector<1x16xf32>,
      %get3A_1357 = vector.shape_cast %get3A_1356 : vector<1x16xf32> to vector<16xf32>
      %add3A_1358 = arith.addf %scan3A_1293, %get3A_1357 : vector<16xf32>
      %mul3A_1359 = arith.constant 1 : i32
      %mul3A_1360 = arith.muli %scan3A_1288, %mul3A_1359 : i32
      %add3A_1361 = arith.constant 48 : i32
      %add3A_1362 = arith.addi %add3A_1361, %mul3A_1360 : i32
      %add3A_1363 = arith.constant 0 : i32
      %add3A_1364 = arith.addi %add3A_1362, %add3A_1363 : i32
      %get3A_1365 = arith.index_cast %add3A_1364 : i32 to index
      %get3A_1366 = arith.constant 336 : index
      %get3A_1367 = tpu.vector_load %arg6[%get3A_1365, %get3A_1366] {strides = array<i32>} : memref<64x768xf32, #tpu.memory_space<vmem>>, vector<1x16xf32>,
      %get3A_1368 = vector.shape_cast %get3A_1367 : vector<1x16xf32> to vector<16xf32>
      %add3A_1369 = arith.addf %scan3A_1294, %get3A_1368 : vector<16xf32>
      %mul3A_1370 = arith.constant 1 : i32
      %mul3A_1371 = arith.muli %scan3A_1288, %mul3A_1370 : i32
      %add3A_1372 = arith.constant 48 : i32
      %add3A_1373 = arith.addi %add3A_1372, %mul3A_1371 : i32
      %add3A_1374 = arith.constant 0 : i32
      %add3A_1375 = arith.addi %add3A_1373, %add3A_1374 : i32
      %get3A_1376 = arith.index_cast %add3A_1375 : i32 to index
      %get3A_1377 = arith.constant 352 : index
      %get3A_1378 = tpu.vector_load %arg6[%get3A_1376, %get3A_1377] {strides = array<i32>} : memref<64x768xf32, #tpu.memory_space<vmem>>, vector<1x16xf32>,
      %get3A_1379 = vector.shape_cast %get3A_1378 : vector<1x16xf32> to vector<16xf32>
      %add3A_1380 = arith.addf %scan3A_1295, %get3A_1379 : vector<16xf32>
      %mul3A_1381 = arith.constant 1 : i32
      %mul3A_1382 = arith.muli %scan3A_1288, %mul3A_1381 : i32
      %add3A_1383 = arith.constant 48 : i32
      %add3A_1384 = arith.addi %add3A_1383, %mul3A_1382 : i32
      %add3A_1385 = arith.constant 0 : i32
      %add3A_1386 = arith.addi %add3A_1384, %add3A_1385 : i32
      %get3A_1387 = arith.index_cast %add3A_1386 : i32 to index
      %get3A_1388 = arith.constant 368 : index
      %get3A_1389 = tpu.vector_load %arg6[%get3A_1387, %get3A_1388] {strides = array<i32>} : memref<64x768xf32, #tpu.memory_space<vmem>>, vector<1x16xf32>,
      %get3A_1390 = vector.shape_cast %get3A_1389 : vector<1x16xf32> to vector<16xf32>
      %add3A_1391 = arith.addf %scan3A_1296, %get3A_1390 : vector<16xf32>
      %mul3A_1392 = arith.constant 1 : i32
      %mul3A_1393 = arith.muli %scan3A_1288, %mul3A_1392 : i32
      %add3A_1394 = arith.constant 48 : i32
      %add3A_1395 = arith.addi %add3A_1394, %mul3A_1393 : i32
      %add3A_1396 = arith.constant 0 : i32
      %add3A_1397 = arith.addi %add3A_1395, %add3A_1396 : i32
      %get3A_1398 = arith.index_cast %add3A_1397 : i32 to index
      %get3A_1399 = arith.constant 384 : index
      %get3A_1400 = tpu.vector_load %arg6[%get3A_1398, %get3A_1399] {strides = array<i32>} : memref<64x768xf32, #tpu.memory_space<vmem>>, vector<1x16xf32>,
      %get3A_1401 = vector.shape_cast %get3A_1400 : vector<1x16xf32> to vector<16xf32>
      %add3A_1402 = arith.addf %scan3A_1297, %get3A_1401 : vector<16xf32>
      %mul3A_1403 = arith.constant 1 : i32
      %mul3A_1404 = arith.muli %scan3A_1288, %mul3A_1403 : i32
      %add3A_1405 = arith.constant 48 : i32
      %add3A_1406 = arith.addi %add3A_1405, %mul3A_1404 : i32
      %add3A_1407 = arith.constant 0 : i32
      %add3A_1408 = arith.addi %add3A_1406, %add3A_1407 : i32
      %get3A_1409 = arith.index_cast %add3A_1408 : i32 to index
      %get3A_1410 = arith.constant 400 : index
      %get3A_1411 = tpu.vector_load %arg6[%get3A_1409, %get3A_1410] {strides = array<i32>} : memref<64x768xf32, #tpu.memory_space<vmem>>, vector<1x16xf32>,
      %get3A_1412 = vector.shape_cast %get3A_1411 : vector<1x16xf32> to vector<16xf32>
      %add3A_1413 = arith.addf %scan3A_1298, %get3A_1412 : vector<16xf32>
      %mul3A_1414 = arith.constant 1 : i32
      %mul3A_1415 = arith.muli %scan3A_1288, %mul3A_1414 : i32
      %add3A_1416 = arith.constant 48 : i32
      %add3A_1417 = arith.addi %add3A_1416, %mul3A_1415 : i32
      %add3A_1418 = arith.constant 0 : i32
      %add3A_1419 = arith.addi %add3A_1417, %add3A_1418 : i32
      %get3A_1420 = arith.index_cast %add3A_1419 : i32 to index
      %get3A_1421 = arith.constant 416 : index
      %get3A_1422 = tpu.vector_load %arg6[%get3A_1420, %get3A_1421] {strides = array<i32>} : memref<64x768xf32, #tpu.memory_space<vmem>>, vector<1x16xf32>,
      %get3A_1423 = vector.shape_cast %get3A_1422 : vector<1x16xf32> to vector<16xf32>
      %add3A_1424 = arith.addf %scan3A_1299, %get3A_1423 : vector<16xf32>
      %mul3A_1425 = arith.constant 1 : i32
      %mul3A_1426 = arith.muli %scan3A_1288, %mul3A_1425 : i32
      %add3A_1427 = arith.constant 48 : i32
      %add3A_1428 = arith.addi %add3A_1427, %mul3A_1426 : i32
      %add3A_1429 = arith.constant 0 : i32
      %add3A_1430 = arith.addi %add3A_1428, %add3A_1429 : i32
      %get3A_1431 = arith.index_cast %add3A_1430 : i32 to index
      %get3A_1432 = arith.constant 432 : index
      %get3A_1433 = tpu.vector_load %arg6[%get3A_1431, %get3A_1432] {strides = array<i32>} : memref<64x768xf32, #tpu.memory_space<vmem>>, vector<1x16xf32>,
      %get3A_1434 = vector.shape_cast %get3A_1433 : vector<1x16xf32> to vector<16xf32>
      %add3A_1435 = arith.addf %scan3A_1300, %get3A_1434 : vector<16xf32>
      %mul3A_1436 = arith.constant 1 : i32
      %mul3A_1437 = arith.muli %scan3A_1288, %mul3A_1436 : i32
      %add3A_1438 = arith.constant 48 : i32
      %add3A_1439 = arith.addi %add3A_1438, %mul3A_1437 : i32
      %add3A_1440 = arith.constant 0 : i32
      %add3A_1441 = arith.addi %add3A_1439, %add3A_1440 : i32
      %get3A_1442 = arith.index_cast %add3A_1441 : i32 to index
      %get3A_1443 = arith.constant 448 : index
      %get3A_1444 = tpu.vector_load %arg6[%get3A_1442, %get3A_1443] {strides = array<i32>} : memref<64x768xf32, #tpu.memory_space<vmem>>, vector<1x16xf32>,
      %get3A_1445 = vector.shape_cast %get3A_1444 : vector<1x16xf32> to vector<16xf32>
      %add3A_1446 = arith.addf %scan3A_1301, %get3A_1445 : vector<16xf32>
      %mul3A_1447 = arith.constant 1 : i32
      %mul3A_1448 = arith.muli %scan3A_1288, %mul3A_1447 : i32
      %add3A_1449 = arith.constant 48 : i32
      %add3A_1450 = arith.addi %add3A_1449, %mul3A_1448 : i32
      %add3A_1451 = arith.constant 0 : i32
      %add3A_1452 = arith.addi %add3A_1450, %add3A_1451 : i32
      %get3A_1453 = arith.index_cast %add3A_1452 : i32 to index
      %get3A_1454 = arith.constant 464 : index
      %get3A_1455 = tpu.vector_load %arg6[%get3A_1453, %get3A_1454] {strides = array<i32>} : memref<64x768xf32, #tpu.memory_space<vmem>>, vector<1x16xf32>,
      %get3A_1456 = vector.shape_cast %get3A_1455 : vector<1x16xf32> to vector<16xf32>
      %add3A_1457 = arith.addf %scan3A_1302, %get3A_1456 : vector<16xf32>
      %mul3A_1458 = arith.constant 1 : i32
      %mul3A_1459 = arith.muli %scan3A_1288, %mul3A_1458 : i32
      %add3A_1460 = arith.constant 48 : i32
      %add3A_1461 = arith.addi %add3A_1460, %mul3A_1459 : i32
      %add3A_1462 = arith.constant 0 : i32
      %add3A_1463 = arith.addi %add3A_1461, %add3A_1462 : i32
      %get3A_1464 = arith.index_cast %add3A_1463 : i32 to index
      %get3A_1465 = arith.constant 480 : index
      %get3A_1466 = tpu.vector_load %arg6[%get3A_1464, %get3A_1465] {strides = array<i32>} : memref<64x768xf32, #tpu.memory_space<vmem>>, vector<1x16xf32>,
      %get3A_1467 = vector.shape_cast %get3A_1466 : vector<1x16xf32> to vector<16xf32>
      %add3A_1468 = arith.addf %scan3A_1303, %get3A_1467 : vector<16xf32>
      %mul3A_1469 = arith.constant 1 : i32
      %mul3A_1470 = arith.muli %scan3A_1288, %mul3A_1469 : i32
      %add3A_1471 = arith.constant 48 : i32
      %add3A_1472 = arith.addi %add3A_1471, %mul3A_1470 : i32
      %add3A_1473 = arith.constant 0 : i32
      %add3A_1474 = arith.addi %add3A_1472, %add3A_1473 : i32
      %get3A_1475 = arith.index_cast %add3A_1474 : i32 to index
      %get3A_1476 = arith.constant 496 : index
      %get3A_1477 = tpu.vector_load %arg6[%get3A_1475, %get3A_1476] {strides = array<i32>} : memref<64x768xf32, #tpu.memory_space<vmem>>, vector<1x16xf32>,
      %get3A_1478 = vector.shape_cast %get3A_1477 : vector<1x16xf32> to vector<16xf32>
      %add3A_1479 = arith.addf %scan3A_1304, %get3A_1478 : vector<16xf32>
      scf.yield %add3A_1314, %add3A_1325, %add3A_1336, %add3A_1347, %add3A_1358, %add3A_1369, %add3A_1380, %add3A_1391, %add3A_1402, %add3A_1413, %add3A_1424, %add3A_1435, %add3A_1446, %add3A_1457, %add3A_1468, %add3A_1479 : vector<16xf32>, vector<16xf32>, vector<16xf32>, vector<16xf32>, vector<16xf32>, vector<16xf32>, vector<16xf32>, vector<16xf32>, vector<16xf32>, vector<16xf32>, vector<16xf32>, vector<16xf32>, vector<16xf32>, vector<16xf32>, vector<16xf32>, vector<16xf32>
    }
    %scan3A_1089 = arith.constant 16 : i32
    %swap3A_1090 = arith.constant 0 : i32
    %swap3A_1091 = arith.index_cast %swap3A_1090 : i32 to index
    %swap3A_1092 = arith.constant 256 : index
    %swap3A_1093 = tpu.vector_load %arg7[%swap3A_1091, %swap3A_1092] {strides = array<i32>} : memref<1x768xf32, #tpu.memory_space<vmem>>, vector<1x16xf32>,
    %swap3A_1094 = vector.shape_cast %swap3A_1093 : vector<1x16xf32> to vector<16xf32>
    %swap3A_1095 = vector.shape_cast %scan3A_1088#0 : vector<16xf32> to vector<1x16xf32>
    tpu.vector_store %arg7[%swap3A_1091, %swap3A_1092], %swap3A_1095 {add = true, strides = array<i32>} : memref<1x768xf32, #tpu.memory_space<vmem>>, vector<1x16xf32>,
    %swap3A_1096 = arith.constant 0 : i32
    %swap3A_1097 = arith.index_cast %swap3A_1096 : i32 to index
    %swap3A_1098 = arith.constant 272 : index
    %swap3A_1099 = tpu.vector_load %arg7[%swap3A_1097, %swap3A_1098] {strides = array<i32>} : memref<1x768xf32, #tpu.memory_space<vmem>>, vector<1x16xf32>,
    %swap3A_1100 = vector.shape_cast %swap3A_1099 : vector<1x16xf32> to vector<16xf32>
    %swap3A_1101 = vector.shape_cast %scan3A_1088#1 : vector<16xf32> to vector<1x16xf32>
    tpu.vector_store %arg7[%swap3A_1097, %swap3A_1098], %swap3A_1101 {add = true, strides = array<i32>} : memref<1x768xf32, #tpu.memory_space<vmem>>, vector<1x16xf32>,
    %swap3A_1102 = arith.constant 0 : i32
    %swap3A_1103 = arith.index_cast %swap3A_1102 : i32 to index
    %swap3A_1104 = arith.constant 288 : index
    %swap3A_1105 = tpu.vector_load %arg7[%swap3A_1103, %swap3A_1104] {strides = array<i32>} : memref<1x768xf32, #tpu.memory_space<vmem>>, vector<1x16xf32>,
    %swap3A_1106 = vector.shape_cast %swap3A_1105 : vector<1x16xf32> to vector<16xf32>
    %swap3A_1107 = vector.shape_cast %scan3A_1088#2 : vector<16xf32> to vector<1x16xf32>
    tpu.vector_store %arg7[%swap3A_1103, %swap3A_1104], %swap3A_1107 {add = true, strides = array<i32>} : memref<1x768xf32, #tpu.memory_space<vmem>>, vector<1x16xf32>,
    %swap3A_1108 = arith.constant 0 : i32
    %swap3A_1109 = arith.index_cast %swap3A_1108 : i32 to index
    %swap3A_1110 = arith.constant 304 : index
    %swap3A_1111 = tpu.vector_load %arg7[%swap3A_1109, %swap3A_1110] {strides = array<i32>} : memref<1x768xf32, #tpu.memory_space<vmem>>, vector<1x16xf32>,
    %swap3A_1112 = vector.shape_cast %swap3A_1111 : vector<1x16xf32> to vector<16xf32>
    %swap3A_1113 = vector.shape_cast %scan3A_1088#3 : vector<16xf32> to vector<1x16xf32>
    tpu.vector_store %arg7[%swap3A_1109, %swap3A_1110], %swap3A_1113 {add = true, strides = array<i32>} : memref<1x768xf32, #tpu.memory_space<vmem>>, vector<1x16xf32>,
    %swap3A_1114 = arith.constant 0 : i32
    %swap3A_1115 = arith.index_cast %swap3A_1114 : i32 to index
    %swap3A_1116 = arith.constant 320 : index
    %swap3A_1117 = tpu.vector_load %arg7[%swap3A_1115, %swap3A_1116] {strides = array<i32>} : memref<1x768xf32, #tpu.memory_space<vmem>>, vector<1x16xf32>,
    %swap3A_1118 = vector.shape_cast %swap3A_1117 : vector<1x16xf32> to vector<16xf32>
    %swap3A_1119 = vector.shape_cast %scan3A_1088#4 : vector<16xf32> to vector<1x16xf32>
    tpu.vector_store %arg7[%swap3A_1115, %swap3A_1116], %swap3A_1119 {add = true, strides = array<i32>} : memref<1x768xf32, #tpu.memory_space<vmem>>, vector<1x16xf32>,
    %swap3A_1120 = arith.constant 0 : i32
    %swap3A_1121 = arith.index_cast %swap3A_1120 : i32 to index
    %swap3A_1122 = arith.constant 336 : index
    %swap3A_1123 = tpu.vector_load %arg7[%swap3A_1121, %swap3A_1122] {strides = array<i32>} : memref<1x768xf32, #tpu.memory_space<vmem>>, vector<1x16xf32>,
    %swap3A_1124 = vector.shape_cast %swap3A_1123 : vector<1x16xf32> to vector<16xf32>
    %swap3A_1125 = vector.shape_cast %scan3A_1088#5 : vector<16xf32> to vector<1x16xf32>
    tpu.vector_store %arg7[%swap3A_1121, %swap3A_1122], %swap3A_1125 {add = true, strides = array<i32>} : memref<1x768xf32, #tpu.memory_space<vmem>>, vector<1x16xf32>,
    %swap3A_1126 = arith.constant 0 : i32
    %swap3A_1127 = arith.index_cast %swap3A_1126 : i32 to index
    %swap3A_1128 = arith.constant 352 : index
    %swap3A_1129 = tpu.vector_load %arg7[%swap3A_1127, %swap3A_1128] {strides = array<i32>} : memref<1x768xf32, #tpu.memory_space<vmem>>, vector<1x16xf32>,
    %swap3A_1130 = vector.shape_cast %swap3A_1129 : vector<1x16xf32> to vector<16xf32>
    %swap3A_1131 = vector.shape_cast %scan3A_1088#6 : vector<16xf32> to vector<1x16xf32>
    tpu.vector_store %arg7[%swap3A_1127, %swap3A_1128], %swap3A_1131 {add = true, strides = array<i32>} : memref<1x768xf32, #tpu.memory_space<vmem>>, vector<1x16xf32>,
    %swap3A_1132 = arith.constant 0 : i32
    %swap3A_1133 = arith.index_cast %swap3A_1132 : i32 to index
    %swap3A_1134 = arith.constant 368 : index
    %swap3A_1135 = tpu.vector_load %arg7[%swap3A_1133, %swap3A_1134] {strides = array<i32>} : memref<1x768xf32, #tpu.memory_space<vmem>>, vector<1x16xf32>,
    %swap3A_1136 = vector.shape_cast %swap3A_1135 : vector<1x16xf32> to vector<16xf32>
    %swap3A_1137 = vector.shape_cast %scan3A_1088#7 : vector<16xf32> to vector<1x16xf32>
    tpu.vector_store %arg7[%swap3A_1133, %swap3A_1134], %swap3A_1137 {add = true, strides = array<i32>} : memref<1x768xf32, #tpu.memory_space<vmem>>, vector<1x16xf32>,
    %swap3A_1138 = arith.constant 0 : i32
    %swap3A_1139 = arith.index_cast %swap3A_1138 : i32 to index
    %swap3A_1140 = arith.constant 384 : index
    %swap3A_1141 = tpu.vector_load %arg7[%swap3A_1139, %swap3A_1140] {strides = array<i32>} : memref<1x768xf32, #tpu.memory_space<vmem>>, vector<1x16xf32>,
    %swap3A_1142 = vector.shape_cast %swap3A_1141 : vector<1x16xf32> to vector<16xf32>
    %swap3A_1143 = vector.shape_cast %scan3A_1088#8 : vector<16xf32> to vector<1x16xf32>
    tpu.vector_store %arg7[%swap3A_1139, %swap3A_1140], %swap3A_1143 {add = true, strides = array<i32>} : memref<1x768xf32, #tpu.memory_space<vmem>>, vector<1x16xf32>,
    %swap3A_1144 = arith.constant 0 : i32
    %swap3A_1145 = arith.index_cast %swap3A_1144 : i32 to index
    %swap3A_1146 = arith.constant 400 : index
    %swap3A_1147 = tpu.vector_load %arg7[%swap3A_1145, %swap3A_1146] {strides = array<i32>} : memref<1x768xf32, #tpu.memory_space<vmem>>, vector<1x16xf32>,
    %swap3A_1148 = vector.shape_cast %swap3A_1147 : vector<1x16xf32> to vector<16xf32>
    %swap3A_1149 = vector.shape_cast %scan3A_1088#9 : vector<16xf32> to vector<1x16xf32>
    tpu.vector_store %arg7[%swap3A_1145, %swap3A_1146], %swap3A_1149 {add = true, strides = array<i32>} : memref<1x768xf32, #tpu.memory_space<vmem>>, vector<1x16xf32>,
    %swap3A_1150 = arith.constant 0 : i32
    %swap3A_1151 = arith.index_cast %swap3A_1150 : i32 to index
    %swap3A_1152 = arith.constant 416 : index
    %swap3A_1153 = tpu.vector_load %arg7[%swap3A_1151, %swap3A_1152] {strides = array<i32>} : memref<1x768xf32, #tpu.memory_space<vmem>>, vector<1x16xf32>,
    %swap3A_1154 = vector.shape_cast %swap3A_1153 : vector<1x16xf32> to vector<16xf32>
    %swap3A_1155 = vector.shape_cast %scan3A_1088#10 : vector<16xf32> to vector<1x16xf32>
    tpu.vector_store %arg7[%swap3A_1151, %swap3A_1152], %swap3A_1155 {add = true, strides = array<i32>} : memref<1x768xf32, #tpu.memory_space<vmem>>, vector<1x16xf32>,
    %swap3A_1156 = arith.constant 0 : i32
    %swap3A_1157 = arith.index_cast %swap3A_1156 : i32 to index
    %swap3A_1158 = arith.constant 432 : index
    %swap3A_1159 = tpu.vector_load %arg7[%swap3A_1157, %swap3A_1158] {strides = array<i32>} : memref<1x768xf32, #tpu.memory_space<vmem>>, vector<1x16xf32>,
    %swap3A_1160 = vector.shape_cast %swap3A_1159 : vector<1x16xf32> to vector<16xf32>
    %swap3A_1161 = vector.shape_cast %scan3A_1088#11 : vector<16xf32> to vector<1x16xf32>
    tpu.vector_store %arg7[%swap3A_1157, %swap3A_1158], %swap3A_1161 {add = true, strides = array<i32>} : memref<1x768xf32, #tpu.memory_space<vmem>>, vector<1x16xf32>,
    %swap3A_1162 = arith.constant 0 : i32
    %swap3A_1163 = arith.index_cast %swap3A_1162 : i32 to index
    %swap3A_1164 = arith.constant 448 : index
    %swap3A_1165 = tpu.vector_load %arg7[%swap3A_1163, %swap3A_1164] {strides = array<i32>} : memref<1x768xf32, #tpu.memory_space<vmem>>, vector<1x16xf32>,
    %swap3A_1166 = vector.shape_cast %swap3A_1165 : vector<1x16xf32> to vector<16xf32>
    %swap3A_1167 = vector.shape_cast %scan3A_1088#12 : vector<16xf32> to vector<1x16xf32>
    tpu.vector_store %arg7[%swap3A_1163, %swap3A_1164], %swap3A_1167 {add = true, strides = array<i32>} : memref<1x768xf32, #tpu.memory_space<vmem>>, vector<1x16xf32>,
    %swap3A_1168 = arith.constant 0 : i32
    %swap3A_1169 = arith.index_cast %swap3A_1168 : i32 to index
    %swap3A_1170 = arith.constant 464 : index
    %swap3A_1171 = tpu.vector_load %arg7[%swap3A_1169, %swap3A_1170] {strides = array<i32>} : memref<1x768xf32, #tpu.memory_space<vmem>>, vector<1x16xf32>,
    %swap3A_1172 = vector.shape_cast %swap3A_1171 : vector<1x16xf32> to vector<16xf32>
    %swap3A_1173 = vector.shape_cast %scan3A_1088#13 : vector<16xf32> to vector<1x16xf32>
    tpu.vector_store %arg7[%swap3A_1169, %swap3A_1170], %swap3A_1173 {add = true, strides = array<i32>} : memref<1x768xf32, #tpu.memory_space<vmem>>, vector<1x16xf32>,
    %swap3A_1174 = arith.constant 0 : i32
    %swap3A_1175 = arith.index_cast %swap3A_1174 : i32 to index
    %swap3A_1176 = arith.constant 480 : index
    %swap3A_1177 = tpu.vector_load %arg7[%swap3A_1175, %swap3A_1176] {strides = array<i32>} : memref<1x768xf32, #tpu.memory_space<vmem>>, vector<1x16xf32>,
    %swap3A_1178 = vector.shape_cast %swap3A_1177 : vector<1x16xf32> to vector<16xf32>
    %swap3A_1179 = vector.shape_cast %scan3A_1088#14 : vector<16xf32> to vector<1x16xf32>
    tpu.vector_store %arg7[%swap3A_1175, %swap3A_1176], %swap3A_1179 {add = true, strides = array<i32>} : memref<1x768xf32, #tpu.memory_space<vmem>>, vector<1x16xf32>,
    %swap3A_1180 = arith.constant 0 : i32
    %swap3A_1181 = arith.index_cast %swap3A_1180 : i32 to index
    %swap3A_1182 = arith.constant 496 : index
    %swap3A_1183 = tpu.vector_load %arg7[%swap3A_1181, %swap3A_1182] {strides = array<i32>} : memref<1x768xf32, #tpu.memory_space<vmem>>, vector<1x16xf32>,
    %swap3A_1184 = vector.shape_cast %swap3A_1183 : vector<1x16xf32> to vector<16xf32>
    %swap3A_1185 = vector.shape_cast %scan3A_1088#15 : vector<16xf32> to vector<1x16xf32>
    tpu.vector_store %arg7[%swap3A_1181, %swap3A_1182], %swap3A_1185 {add = true, strides = array<i32>} : memref<1x768xf32, #tpu.memory_space<vmem>>, vector<1x16xf32>,
    %scan3A_1186 = arith.constant 0 : i32
    %scan3A_1187 = arith.constant 16 : i32
    %scan3A_1188 = arith.addi %scan3A_1186, %scan3A_1187 : i32
    %scan3A_1189 = arith.constant 1 : i32
    %scan3A_1190:16 = scf.for %scan3A_1288 = %scan3A_1186 to %scan3A_1188 step %scan3A_1189 iter_args(%scan3A_1289 = %broadcast_in_dim3A_34, %scan3A_1290 = %broadcast_in_dim3A_34, %scan3A_1291 = %broadcast_in_dim3A_34, %scan3A_1292 = %broadcast_in_dim3A_34, %scan3A_1293 = %broadcast_in_dim3A_34, %scan3A_1294 = %broadcast_in_dim3A_34, %scan3A_1295 = %broadcast_in_dim3A_34, %scan3A_1296 = %broadcast_in_dim3A_34, %scan3A_1297 = %broadcast_in_dim3A_34, %scan3A_1298 = %broadcast_in_dim3A_34, %scan3A_1299 = %broadcast_in_dim3A_34, %scan3A_1300 = %broadcast_in_dim3A_34, %scan3A_1301 = %broadcast_in_dim3A_34, %scan3A_1302 = %broadcast_in_dim3A_34, %scan3A_1303 = %broadcast_in_dim3A_34, %scan3A_1304 = %broadcast_in_dim3A_34) -> (vector<16xf32>, vector<16xf32>, vector<16xf32>, vector<16xf32>, vector<16xf32>, vector<16xf32>, vector<16xf32>, vector<16xf32>, vector<16xf32>, vector<16xf32>, vector<16xf32>, vector<16xf32>, vector<16xf32>, vector<16xf32>, vector<16xf32>, vector<16xf32>)  : i32 {
      %mul3A_1305 = arith.constant 1 : i32
      %mul3A_1306 = arith.muli %scan3A_1288, %mul3A_1305 : i32
      %add3A_1307 = arith.constant 48 : i32
      %add3A_1308 = arith.addi %add3A_1307, %mul3A_1306 : i32
      %add3A_1309 = arith.constant 0 : i32
      %add3A_1310 = arith.addi %add3A_1308, %add3A_1309 : i32
      %get3A = arith.index_cast %add3A_1310 : i32 to index
      %get3A_1311 = arith.constant 512 : index
      %get3A_1312 = tpu.vector_load %arg6[%get3A, %get3A_1311] {strides = array<i32>} : memref<64x768xf32, #tpu.memory_space<vmem>>, vector<1x16xf32>,
      %get3A_1313 = vector.shape_cast %get3A_1312 : vector<1x16xf32> to vector<16xf32>
      %add3A_1314 = arith.addf %scan3A_1289, %get3A_1313 : vector<16xf32>
      %mul3A_1315 = arith.constant 1 : i32
      %mul3A_1316 = arith.muli %scan3A_1288, %mul3A_1315 : i32
      %add3A_1317 = arith.constant 48 : i32
      %add3A_1318 = arith.addi %add3A_1317, %mul3A_1316 : i32
      %add3A_1319 = arith.constant 0 : i32
      %add3A_1320 = arith.addi %add3A_1318, %add3A_1319 : i32
      %get3A_1321 = arith.index_cast %add3A_1320 : i32 to index
      %get3A_1322 = arith.constant 528 : index
      %get3A_1323 = tpu.vector_load %arg6[%get3A_1321, %get3A_1322] {strides = array<i32>} : memref<64x768xf32, #tpu.memory_space<vmem>>, vector<1x16xf32>,
      %get3A_1324 = vector.shape_cast %get3A_1323 : vector<1x16xf32> to vector<16xf32>
      %add3A_1325 = arith.addf %scan3A_1290, %get3A_1324 : vector<16xf32>
      %mul3A_1326 = arith.constant 1 : i32
      %mul3A_1327 = arith.muli %scan3A_1288, %mul3A_1326 : i32
      %add3A_1328 = arith.constant 48 : i32
      %add3A_1329 = arith.addi %add3A_1328, %mul3A_1327 : i32
      %add3A_1330 = arith.constant 0 : i32
      %add3A_1331 = arith.addi %add3A_1329, %add3A_1330 : i32
      %get3A_1332 = arith.index_cast %add3A_1331 : i32 to index
      %get3A_1333 = arith.constant 544 : index
      %get3A_1334 = tpu.vector_load %arg6[%get3A_1332, %get3A_1333] {strides = array<i32>} : memref<64x768xf32, #tpu.memory_space<vmem>>, vector<1x16xf32>,
      %get3A_1335 = vector.shape_cast %get3A_1334 : vector<1x16xf32> to vector<16xf32>
      %add3A_1336 = arith.addf %scan3A_1291, %get3A_1335 : vector<16xf32>
      %mul3A_1337 = arith.constant 1 : i32
      %mul3A_1338 = arith.muli %scan3A_1288, %mul3A_1337 : i32
      %add3A_1339 = arith.constant 48 : i32
      %add3A_1340 = arith.addi %add3A_1339, %mul3A_1338 : i32
      %add3A_1341 = arith.constant 0 : i32
      %add3A_1342 = arith.addi %add3A_1340, %add3A_1341 : i32
      %get3A_1343 = arith.index_cast %add3A_1342 : i32 to index
      %get3A_1344 = arith.constant 560 : index
      %get3A_1345 = tpu.vector_load %arg6[%get3A_1343, %get3A_1344] {strides = array<i32>} : memref<64x768xf32, #tpu.memory_space<vmem>>, vector<1x16xf32>,
      %get3A_1346 = vector.shape_cast %get3A_1345 : vector<1x16xf32> to vector<16xf32>
      %add3A_1347 = arith.addf %scan3A_1292, %get3A_1346 : vector<16xf32>
      %mul3A_1348 = arith.constant 1 : i32
      %mul3A_1349 = arith.muli %scan3A_1288, %mul3A_1348 : i32
      %add3A_1350 = arith.constant 48 : i32
      %add3A_1351 = arith.addi %add3A_1350, %mul3A_1349 : i32
      %add3A_1352 = arith.constant 0 : i32
      %add3A_1353 = arith.addi %add3A_1351, %add3A_1352 : i32
      %get3A_1354 = arith.index_cast %add3A_1353 : i32 to index
      %get3A_1355 = arith.constant 576 : index
      %get3A_1356 = tpu.vector_load %arg6[%get3A_1354, %get3A_1355] {strides = array<i32>} : memref<64x768xf32, #tpu.memory_space<vmem>>, vector<1x16xf32>,
      %get3A_1357 = vector.shape_cast %get3A_1356 : vector<1x16xf32> to vector<16xf32>
      %add3A_1358 = arith.addf %scan3A_1293, %get3A_1357 : vector<16xf32>
      %mul3A_1359 = arith.constant 1 : i32
      %mul3A_1360 = arith.muli %scan3A_1288, %mul3A_1359 : i32
      %add3A_1361 = arith.constant 48 : i32
      %add3A_1362 = arith.addi %add3A_1361, %mul3A_1360 : i32
      %add3A_1363 = arith.constant 0 : i32
      %add3A_1364 = arith.addi %add3A_1362, %add3A_1363 : i32
      %get3A_1365 = arith.index_cast %add3A_1364 : i32 to index
      %get3A_1366 = arith.constant 592 : index
      %get3A_1367 = tpu.vector_load %arg6[%get3A_1365, %get3A_1366] {strides = array<i32>} : memref<64x768xf32, #tpu.memory_space<vmem>>, vector<1x16xf32>,
      %get3A_1368 = vector.shape_cast %get3A_1367 : vector<1x16xf32> to vector<16xf32>
      %add3A_1369 = arith.addf %scan3A_1294, %get3A_1368 : vector<16xf32>
      %mul3A_1370 = arith.constant 1 : i32
      %mul3A_1371 = arith.muli %scan3A_1288, %mul3A_1370 : i32
      %add3A_1372 = arith.constant 48 : i32
      %add3A_1373 = arith.addi %add3A_1372, %mul3A_1371 : i32
      %add3A_1374 = arith.constant 0 : i32
      %add3A_1375 = arith.addi %add3A_1373, %add3A_1374 : i32
      %get3A_1376 = arith.index_cast %add3A_1375 : i32 to index
      %get3A_1377 = arith.constant 608 : index
      %get3A_1378 = tpu.vector_load %arg6[%get3A_1376, %get3A_1377] {strides = array<i32>} : memref<64x768xf32, #tpu.memory_space<vmem>>, vector<1x16xf32>,
      %get3A_1379 = vector.shape_cast %get3A_1378 : vector<1x16xf32> to vector<16xf32>
      %add3A_1380 = arith.addf %scan3A_1295, %get3A_1379 : vector<16xf32>
      %mul3A_1381 = arith.constant 1 : i32
      %mul3A_1382 = arith.muli %scan3A_1288, %mul3A_1381 : i32
      %add3A_1383 = arith.constant 48 : i32
      %add3A_1384 = arith.addi %add3A_1383, %mul3A_1382 : i32
      %add3A_1385 = arith.constant 0 : i32
      %add3A_1386 = arith.addi %add3A_1384, %add3A_1385 : i32
      %get3A_1387 = arith.index_cast %add3A_1386 : i32 to index
      %get3A_1388 = arith.constant 624 : index
      %get3A_1389 = tpu.vector_load %arg6[%get3A_1387, %get3A_1388] {strides = array<i32>} : memref<64x768xf32, #tpu.memory_space<vmem>>, vector<1x16xf32>,
      %get3A_1390 = vector.shape_cast %get3A_1389 : vector<1x16xf32> to vector<16xf32>
      %add3A_1391 = arith.addf %scan3A_1296, %get3A_1390 : vector<16xf32>
      %mul3A_1392 = arith.constant 1 : i32
      %mul3A_1393 = arith.muli %scan3A_1288, %mul3A_1392 : i32
      %add3A_1394 = arith.constant 48 : i32
      %add3A_1395 = arith.addi %add3A_1394, %mul3A_1393 : i32
      %add3A_1396 = arith.constant 0 : i32
      %add3A_1397 = arith.addi %add3A_1395, %add3A_1396 : i32
      %get3A_1398 = arith.index_cast %add3A_1397 : i32 to index
      %get3A_1399 = arith.constant 640 : index
      %get3A_1400 = tpu.vector_load %arg6[%get3A_1398, %get3A_1399] {strides = array<i32>} : memref<64x768xf32, #tpu.memory_space<vmem>>, vector<1x16xf32>,
      %get3A_1401 = vector.shape_cast %get3A_1400 : vector<1x16xf32> to vector<16xf32>
      %add3A_1402 = arith.addf %scan3A_1297, %get3A_1401 : vector<16xf32>
      %mul3A_1403 = arith.constant 1 : i32
      %mul3A_1404 = arith.muli %scan3A_1288, %mul3A_1403 : i32
      %add3A_1405 = arith.constant 48 : i32
      %add3A_1406 = arith.addi %add3A_1405, %mul3A_1404 : i32
      %add3A_1407 = arith.constant 0 : i32
      %add3A_1408 = arith.addi %add3A_1406, %add3A_1407 : i32
      %get3A_1409 = arith.index_cast %add3A_1408 : i32 to index
      %get3A_1410 = arith.constant 656 : index
      %get3A_1411 = tpu.vector_load %arg6[%get3A_1409, %get3A_1410] {strides = array<i32>} : memref<64x768xf32, #tpu.memory_space<vmem>>, vector<1x16xf32>,
      %get3A_1412 = vector.shape_cast %get3A_1411 : vector<1x16xf32> to vector<16xf32>
      %add3A_1413 = arith.addf %scan3A_1298, %get3A_1412 : vector<16xf32>
      %mul3A_1414 = arith.constant 1 : i32
      %mul3A_1415 = arith.muli %scan3A_1288, %mul3A_1414 : i32
      %add3A_1416 = arith.constant 48 : i32
      %add3A_1417 = arith.addi %add3A_1416, %mul3A_1415 : i32
      %add3A_1418 = arith.constant 0 : i32
      %add3A_1419 = arith.addi %add3A_1417, %add3A_1418 : i32
      %get3A_1420 = arith.index_cast %add3A_1419 : i32 to index
      %get3A_1421 = arith.constant 672 : index
      %get3A_1422 = tpu.vector_load %arg6[%get3A_1420, %get3A_1421] {strides = array<i32>} : memref<64x768xf32, #tpu.memory_space<vmem>>, vector<1x16xf32>,
      %get3A_1423 = vector.shape_cast %get3A_1422 : vector<1x16xf32> to vector<16xf32>
      %add3A_1424 = arith.addf %scan3A_1299, %get3A_1423 : vector<16xf32>
      %mul3A_1425 = arith.constant 1 : i32
      %mul3A_1426 = arith.muli %scan3A_1288, %mul3A_1425 : i32
      %add3A_1427 = arith.constant 48 : i32
      %add3A_1428 = arith.addi %add3A_1427, %mul3A_1426 : i32
      %add3A_1429 = arith.constant 0 : i32
      %add3A_1430 = arith.addi %add3A_1428, %add3A_1429 : i32
      %get3A_1431 = arith.index_cast %add3A_1430 : i32 to index
      %get3A_1432 = arith.constant 688 : index
      %get3A_1433 = tpu.vector_load %arg6[%get3A_1431, %get3A_1432] {strides = array<i32>} : memref<64x768xf32, #tpu.memory_space<vmem>>, vector<1x16xf32>,
      %get3A_1434 = vector.shape_cast %get3A_1433 : vector<1x16xf32> to vector<16xf32>
      %add3A_1435 = arith.addf %scan3A_1300, %get3A_1434 : vector<16xf32>
      %mul3A_1436 = arith.constant 1 : i32
      %mul3A_1437 = arith.muli %scan3A_1288, %mul3A_1436 : i32
      %add3A_1438 = arith.constant 48 : i32
      %add3A_1439 = arith.addi %add3A_1438, %mul3A_1437 : i32
      %add3A_1440 = arith.constant 0 : i32
      %add3A_1441 = arith.addi %add3A_1439, %add3A_1440 : i32
      %get3A_1442 = arith.index_cast %add3A_1441 : i32 to index
      %get3A_1443 = arith.constant 704 : index
      %get3A_1444 = tpu.vector_load %arg6[%get3A_1442, %get3A_1443] {strides = array<i32>} : memref<64x768xf32, #tpu.memory_space<vmem>>, vector<1x16xf32>,
      %get3A_1445 = vector.shape_cast %get3A_1444 : vector<1x16xf32> to vector<16xf32>
      %add3A_1446 = arith.addf %scan3A_1301, %get3A_1445 : vector<16xf32>
      %mul3A_1447 = arith.constant 1 : i32
      %mul3A_1448 = arith.muli %scan3A_1288, %mul3A_1447 : i32
      %add3A_1449 = arith.constant 48 : i32
      %add3A_1450 = arith.addi %add3A_1449, %mul3A_1448 : i32
      %add3A_1451 = arith.constant 0 : i32
      %add3A_1452 = arith.addi %add3A_1450, %add3A_1451 : i32
      %get3A_1453 = arith.index_cast %add3A_1452 : i32 to index
      %get3A_1454 = arith.constant 720 : index
      %get3A_1455 = tpu.vector_load %arg6[%get3A_1453, %get3A_1454] {strides = array<i32>} : memref<64x768xf32, #tpu.memory_space<vmem>>, vector<1x16xf32>,
      %get3A_1456 = vector.shape_cast %get3A_1455 : vector<1x16xf32> to vector<16xf32>
      %add3A_1457 = arith.addf %scan3A_1302, %get3A_1456 : vector<16xf32>
      %mul3A_1458 = arith.constant 1 : i32
      %mul3A_1459 = arith.muli %scan3A_1288, %mul3A_1458 : i32
      %add3A_1460 = arith.constant 48 : i32
      %add3A_1461 = arith.addi %add3A_1460, %mul3A_1459 : i32
      %add3A_1462 = arith.constant 0 : i32
      %add3A_1463 = arith.addi %add3A_1461, %add3A_1462 : i32
      %get3A_1464 = arith.index_cast %add3A_1463 : i32 to index
      %get3A_1465 = arith.constant 736 : index
      %get3A_1466 = tpu.vector_load %arg6[%get3A_1464, %get3A_1465] {strides = array<i32>} : memref<64x768xf32, #tpu.memory_space<vmem>>, vector<1x16xf32>,
      %get3A_1467 = vector.shape_cast %get3A_1466 : vector<1x16xf32> to vector<16xf32>
      %add3A_1468 = arith.addf %scan3A_1303, %get3A_1467 : vector<16xf32>
      %mul3A_1469 = arith.constant 1 : i32
      %mul3A_1470 = arith.muli %scan3A_1288, %mul3A_1469 : i32
      %add3A_1471 = arith.constant 48 : i32
      %add3A_1472 = arith.addi %add3A_1471, %mul3A_1470 : i32
      %add3A_1473 = arith.constant 0 : i32
      %add3A_1474 = arith.addi %add3A_1472, %add3A_1473 : i32
      %get3A_1475 = arith.index_cast %add3A_1474 : i32 to index
      %get3A_1476 = arith.constant 752 : index
      %get3A_1477 = tpu.vector_load %arg6[%get3A_1475, %get3A_1476] {strides = array<i32>} : memref<64x768xf32, #tpu.memory_space<vmem>>, vector<1x16xf32>,
      %get3A_1478 = vector.shape_cast %get3A_1477 : vector<1x16xf32> to vector<16xf32>
      %add3A_1479 = arith.addf %scan3A_1304, %get3A_1478 : vector<16xf32>
      scf.yield %add3A_1314, %add3A_1325, %add3A_1336, %add3A_1347, %add3A_1358, %add3A_1369, %add3A_1380, %add3A_1391, %add3A_1402, %add3A_1413, %add3A_1424, %add3A_1435, %add3A_1446, %add3A_1457, %add3A_1468, %add3A_1479 : vector<16xf32>, vector<16xf32>, vector<16xf32>, vector<16xf32>, vector<16xf32>, vector<16xf32>, vector<16xf32>, vector<16xf32>, vector<16xf32>, vector<16xf32>, vector<16xf32>, vector<16xf32>, vector<16xf32>, vector<16xf32>, vector<16xf32>, vector<16xf32>
    }
    %scan3A_1191 = arith.constant 16 : i32
    %swap3A_1192 = arith.constant 0 : i32
    %swap3A_1193 = arith.index_cast %swap3A_1192 : i32 to index
    %swap3A_1194 = arith.constant 512 : index
    %swap3A_1195 = tpu.vector_load %arg7[%swap3A_1193, %swap3A_1194] {strides = array<i32>} : memref<1x768xf32, #tpu.memory_space<vmem>>, vector<1x16xf32>,
    %swap3A_1196 = vector.shape_cast %swap3A_1195 : vector<1x16xf32> to vector<16xf32>
    %swap3A_1197 = vector.shape_cast %scan3A_1190#0 : vector<16xf32> to vector<1x16xf32>
    tpu.vector_store %arg7[%swap3A_1193, %swap3A_1194], %swap3A_1197 {add = true, strides = array<i32>} : memref<1x768xf32, #tpu.memory_space<vmem>>, vector<1x16xf32>,
    %swap3A_1198 = arith.constant 0 : i32
    %swap3A_1199 = arith.index_cast %swap3A_1198 : i32 to index
    %swap3A_1200 = arith.constant 528 : index
    %swap3A_1201 = tpu.vector_load %arg7[%swap3A_1199, %swap3A_1200] {strides = array<i32>} : memref<1x768xf32, #tpu.memory_space<vmem>>, vector<1x16xf32>,
    %swap3A_1202 = vector.shape_cast %swap3A_1201 : vector<1x16xf32> to vector<16xf32>
    %swap3A_1203 = vector.shape_cast %scan3A_1190#1 : vector<16xf32> to vector<1x16xf32>
    tpu.vector_store %arg7[%swap3A_1199, %swap3A_1200], %swap3A_1203 {add = true, strides = array<i32>} : memref<1x768xf32, #tpu.memory_space<vmem>>, vector<1x16xf32>,
    %swap3A_1204 = arith.constant 0 : i32
    %swap3A_1205 = arith.index_cast %swap3A_1204 : i32 to index
    %swap3A_1206 = arith.constant 544 : index
    %swap3A_1207 = tpu.vector_load %arg7[%swap3A_1205, %swap3A_1206] {strides = array<i32>} : memref<1x768xf32, #tpu.memory_space<vmem>>, vector<1x16xf32>,
    %swap3A_1208 = vector.shape_cast %swap3A_1207 : vector<1x16xf32> to vector<16xf32>
    %swap3A_1209 = vector.shape_cast %scan3A_1190#2 : vector<16xf32> to vector<1x16xf32>
    tpu.vector_store %arg7[%swap3A_1205, %swap3A_1206], %swap3A_1209 {add = true, strides = array<i32>} : memref<1x768xf32, #tpu.memory_space<vmem>>, vector<1x16xf32>,
    %swap3A_1210 = arith.constant 0 : i32
    %swap3A_1211 = arith.index_cast %swap3A_1210 : i32 to index
    %swap3A_1212 = arith.constant 560 : index
    %swap3A_1213 = tpu.vector_load %arg7[%swap3A_1211, %swap3A_1212] {strides = array<i32>} : memref<1x768xf32, #tpu.memory_space<vmem>>, vector<1x16xf32>,
    %swap3A_1214 = vector.shape_cast %swap3A_1213 : vector<1x16xf32> to vector<16xf32>
    %swap3A_1215 = vector.shape_cast %scan3A_1190#3 : vector<16xf32> to vector<1x16xf32>
    tpu.vector_store %arg7[%swap3A_1211, %swap3A_1212], %swap3A_1215 {add = true, strides = array<i32>} : memref<1x768xf32, #tpu.memory_space<vmem>>, vector<1x16xf32>,
    %swap3A_1216 = arith.constant 0 : i32
    %swap3A_1217 = arith.index_cast %swap3A_1216 : i32 to index
    %swap3A_1218 = arith.constant 576 : index
    %swap3A_1219 = tpu.vector_load %arg7[%swap3A_1217, %swap3A_1218] {strides = array<i32>} : memref<1x768xf32, #tpu.memory_space<vmem>>, vector<1x16xf32>,
    %swap3A_1220 = vector.shape_cast %swap3A_1219 : vector<1x16xf32> to vector<16xf32>
    %swap3A_1221 = vector.shape_cast %scan3A_1190#4 : vector<16xf32> to vector<1x16xf32>
    tpu.vector_store %arg7[%swap3A_1217, %swap3A_1218], %swap3A_1221 {add = true, strides = array<i32>} : memref<1x768xf32, #tpu.memory_space<vmem>>, vector<1x16xf32>,
    %swap3A_1222 = arith.constant 0 : i32
    %swap3A_1223 = arith.index_cast %swap3A_1222 : i32 to index
    %swap3A_1224 = arith.constant 592 : index
    %swap3A_1225 = tpu.vector_load %arg7[%swap3A_1223, %swap3A_1224] {strides = array<i32>} : memref<1x768xf32, #tpu.memory_space<vmem>>, vector<1x16xf32>,
    %swap3A_1226 = vector.shape_cast %swap3A_1225 : vector<1x16xf32> to vector<16xf32>
    %swap3A_1227 = vector.shape_cast %scan3A_1190#5 : vector<16xf32> to vector<1x16xf32>
    tpu.vector_store %arg7[%swap3A_1223, %swap3A_1224], %swap3A_1227 {add = true, strides = array<i32>} : memref<1x768xf32, #tpu.memory_space<vmem>>, vector<1x16xf32>,
    %swap3A_1228 = arith.constant 0 : i32
    %swap3A_1229 = arith.index_cast %swap3A_1228 : i32 to index
    %swap3A_1230 = arith.constant 608 : index
    %swap3A_1231 = tpu.vector_load %arg7[%swap3A_1229, %swap3A_1230] {strides = array<i32>} : memref<1x768xf32, #tpu.memory_space<vmem>>, vector<1x16xf32>,
    %swap3A_1232 = vector.shape_cast %swap3A_1231 : vector<1x16xf32> to vector<16xf32>
    %swap3A_1233 = vector.shape_cast %scan3A_1190#6 : vector<16xf32> to vector<1x16xf32>
    tpu.vector_store %arg7[%swap3A_1229, %swap3A_1230], %swap3A_1233 {add = true, strides = array<i32>} : memref<1x768xf32, #tpu.memory_space<vmem>>, vector<1x16xf32>,
    %swap3A_1234 = arith.constant 0 : i32
    %swap3A_1235 = arith.index_cast %swap3A_1234 : i32 to index
    %swap3A_1236 = arith.constant 624 : index
    %swap3A_1237 = tpu.vector_load %arg7[%swap3A_1235, %swap3A_1236] {strides = array<i32>} : memref<1x768xf32, #tpu.memory_space<vmem>>, vector<1x16xf32>,
    %swap3A_1238 = vector.shape_cast %swap3A_1237 : vector<1x16xf32> to vector<16xf32>
    %swap3A_1239 = vector.shape_cast %scan3A_1190#7 : vector<16xf32> to vector<1x16xf32>
    tpu.vector_store %arg7[%swap3A_1235, %swap3A_1236], %swap3A_1239 {add = true, strides = array<i32>} : memref<1x768xf32, #tpu.memory_space<vmem>>, vector<1x16xf32>,
    %swap3A_1240 = arith.constant 0 : i32
    %swap3A_1241 = arith.index_cast %swap3A_1240 : i32 to index
    %swap3A_1242 = arith.constant 640 : index
    %swap3A_1243 = tpu.vector_load %arg7[%swap3A_1241, %swap3A_1242] {strides = array<i32>} : memref<1x768xf32, #tpu.memory_space<vmem>>, vector<1x16xf32>,
    %swap3A_1244 = vector.shape_cast %swap3A_1243 : vector<1x16xf32> to vector<16xf32>
    %swap3A_1245 = vector.shape_cast %scan3A_1190#8 : vector<16xf32> to vector<1x16xf32>
    tpu.vector_store %arg7[%swap3A_1241, %swap3A_1242], %swap3A_1245 {add = true, strides = array<i32>} : memref<1x768xf32, #tpu.memory_space<vmem>>, vector<1x16xf32>,
    %swap3A_1246 = arith.constant 0 : i32
    %swap3A_1247 = arith.index_cast %swap3A_1246 : i32 to index
    %swap3A_1248 = arith.constant 656 : index
    %swap3A_1249 = tpu.vector_load %arg7[%swap3A_1247, %swap3A_1248] {strides = array<i32>} : memref<1x768xf32, #tpu.memory_space<vmem>>, vector<1x16xf32>,
    %swap3A_1250 = vector.shape_cast %swap3A_1249 : vector<1x16xf32> to vector<16xf32>
    %swap3A_1251 = vector.shape_cast %scan3A_1190#9 : vector<16xf32> to vector<1x16xf32>
    tpu.vector_store %arg7[%swap3A_1247, %swap3A_1248], %swap3A_1251 {add = true, strides = array<i32>} : memref<1x768xf32, #tpu.memory_space<vmem>>, vector<1x16xf32>,
    %swap3A_1252 = arith.constant 0 : i32
    %swap3A_1253 = arith.index_cast %swap3A_1252 : i32 to index
    %swap3A_1254 = arith.constant 672 : index
    %swap3A_1255 = tpu.vector_load %arg7[%swap3A_1253, %swap3A_1254] {strides = array<i32>} : memref<1x768xf32, #tpu.memory_space<vmem>>, vector<1x16xf32>,
    %swap3A_1256 = vector.shape_cast %swap3A_1255 : vector<1x16xf32> to vector<16xf32>
    %swap3A_1257 = vector.shape_cast %scan3A_1190#10 : vector<16xf32> to vector<1x16xf32>
    tpu.vector_store %arg7[%swap3A_1253, %swap3A_1254], %swap3A_1257 {add = true, strides = array<i32>} : memref<1x768xf32, #tpu.memory_space<vmem>>, vector<1x16xf32>,
    %swap3A_1258 = arith.constant 0 : i32
    %swap3A_1259 = arith.index_cast %swap3A_1258 : i32 to index
    %swap3A_1260 = arith.constant 688 : index
    %swap3A_1261 = tpu.vector_load %arg7[%swap3A_1259, %swap3A_1260] {strides = array<i32>} : memref<1x768xf32, #tpu.memory_space<vmem>>, vector<1x16xf32>,
    %swap3A_1262 = vector.shape_cast %swap3A_1261 : vector<1x16xf32> to vector<16xf32>
    %swap3A_1263 = vector.shape_cast %scan3A_1190#11 : vector<16xf32> to vector<1x16xf32>
    tpu.vector_store %arg7[%swap3A_1259, %swap3A_1260], %swap3A_1263 {add = true, strides = array<i32>} : memref<1x768xf32, #tpu.memory_space<vmem>>, vector<1x16xf32>,
    %swap3A_1264 = arith.constant 0 : i32
    %swap3A_1265 = arith.index_cast %swap3A_1264 : i32 to index
    %swap3A_1266 = arith.constant 704 : index
    %swap3A_1267 = tpu.vector_load %arg7[%swap3A_1265, %swap3A_1266] {strides = array<i32>} : memref<1x768xf32, #tpu.memory_space<vmem>>, vector<1x16xf32>,
    %swap3A_1268 = vector.shape_cast %swap3A_1267 : vector<1x16xf32> to vector<16xf32>
    %swap3A_1269 = vector.shape_cast %scan3A_1190#12 : vector<16xf32> to vector<1x16xf32>
    tpu.vector_store %arg7[%swap3A_1265, %swap3A_1266], %swap3A_1269 {add = true, strides = array<i32>} : memref<1x768xf32, #tpu.memory_space<vmem>>, vector<1x16xf32>,
    %swap3A_1270 = arith.constant 0 : i32
    %swap3A_1271 = arith.index_cast %swap3A_1270 : i32 to index
    %swap3A_1272 = arith.constant 720 : index
    %swap3A_1273 = tpu.vector_load %arg7[%swap3A_1271, %swap3A_1272] {strides = array<i32>} : memref<1x768xf32, #tpu.memory_space<vmem>>, vector<1x16xf32>,
    %swap3A_1274 = vector.shape_cast %swap3A_1273 : vector<1x16xf32> to vector<16xf32>
    %swap3A_1275 = vector.shape_cast %scan3A_1190#13 : vector<16xf32> to vector<1x16xf32>
    tpu.vector_store %arg7[%swap3A_1271, %swap3A_1272], %swap3A_1275 {add = true, strides = array<i32>} : memref<1x768xf32, #tpu.memory_space<vmem>>, vector<1x16xf32>,
    %swap3A_1276 = arith.constant 0 : i32
    %swap3A_1277 = arith.index_cast %swap3A_1276 : i32 to index
    %swap3A_1278 = arith.constant 736 : index
    %swap3A_1279 = tpu.vector_load %arg7[%swap3A_1277, %swap3A_1278] {strides = array<i32>} : memref<1x768xf32, #tpu.memory_space<vmem>>, vector<1x16xf32>,
    %swap3A_1280 = vector.shape_cast %swap3A_1279 : vector<1x16xf32> to vector<16xf32>
    %swap3A_1281 = vector.shape_cast %scan3A_1190#14 : vector<16xf32> to vector<1x16xf32>
    tpu.vector_store %arg7[%swap3A_1277, %swap3A_1278], %swap3A_1281 {add = true, strides = array<i32>} : memref<1x768xf32, #tpu.memory_space<vmem>>, vector<1x16xf32>,
    %swap3A_1282 = arith.constant 0 : i32
    %swap3A_1283 = arith.index_cast %swap3A_1282 : i32 to index
    %swap3A_1284 = arith.constant 752 : index
    %swap3A_1285 = tpu.vector_load %arg7[%swap3A_1283, %swap3A_1284] {strides = array<i32>} : memref<1x768xf32, #tpu.memory_space<vmem>>, vector<1x16xf32>,
    %swap3A_1286 = vector.shape_cast %swap3A_1285 : vector<1x16xf32> to vector<16xf32>
    %swap3A_1287 = vector.shape_cast %scan3A_1190#15 : vector<16xf32> to vector<1x16xf32>
    tpu.vector_store %arg7[%swap3A_1283, %swap3A_1284], %swap3A_1287 {add = true, strides = array<i32>} : memref<1x768xf32, #tpu.memory_space<vmem>>, vector<1x16xf32>,
    "tpu.region"() ({
      %run_scoped3A = tpu.sem_alloc : memref<!tpu.dma_semaphore, #tpu.memory_space<semaphore_mem>>
      %dma_start3A_1288 = arith.constant 0 : i32
      %dma_start3A_1289 = tpu.memref_slice %arg4[%add3A, %dma_start3A_1288] : memref<32x768xf32, #tpu.memory_space<hbm>> -> memref<1x768xf32, #tpu.memory_space<hbm>>
      %dma_start3A_1290 = arith.constant 0 : i32
      %dma_start3A_1291 = tpu.memref_slice %arg4[%add3A, %dma_start3A_1290] : memref<32x768xf32, #tpu.memory_space<hbm>> -> memref<1x768xf32, #tpu.memory_space<hbm>>
      tpu.enqueue_dma source(%arg7 : memref<1x768xf32, #tpu.memory_space<vmem>>) target(%dma_start3A_1291 : memref<1x768xf32, #tpu.memory_space<hbm>>) target_semaphore(%run_scoped3A : memref<!tpu.dma_semaphore, #tpu.memory_space<semaphore_mem>>)
      %dma_wait3A_1292 = arith.constant 0 : i32
      %dma_wait3A_1293 = tpu.memref_slice %arg4[%add3A, %dma_wait3A_1292] : memref<32x768xf32, #tpu.memory_space<hbm>> -> memref<1x768xf32, #tpu.memory_space<hbm>>
      %dma_wait3A_1294 = arith.constant 0 : i32
      %dma_wait3A_1295 = tpu.memref_slice %arg4[%add3A, %dma_wait3A_1294] : memref<32x768xf32, #tpu.memory_space<hbm>> -> memref<1x768xf32, #tpu.memory_space<hbm>>
      tpu.wait_dma2 semaphore(%run_scoped3A : memref<!tpu.dma_semaphore, #tpu.memory_space<semaphore_mem>>) src(%arg7 : memref<1x768xf32, #tpu.memory_space<vmem>>) dst(%dma_wait3A_1295 : memref<1x768xf32, #tpu.memory_space<hbm>>)
      tpu.yield
    }) : () -> ()
    return
  }
}

module attributes {stable_mosaic.version = 14 : i64} {
  func.func @_final_body(%arg0: memref<32x768xf32, #tpu.memory_space<vmem>>, %arg1: memref<1x768xf32, #tpu.memory_space<vmem>>, %arg2: memref<768xf32, #tpu.memory_space<vmem>>) attributes {dimension_semantics = [], scalar_prefetch = 0 : i64, scratch_operands = 0 : i64, tpu.core_type = #tpu.core_type<tc>} {
    %get3A = arith.constant 0 : index
    %get3A_0 = arith.constant 0 : index
    %get3A_1 = vector.load %arg0[%get3A, %get3A_0] : memref<32x768xf32, #tpu.memory_space<vmem>>, vector<32x768xf32>
    %reduce_sum3A = arith.constant dense<0.000000e+00> : vector<768xf32>
    %reduce_sum3A_2 = vector.multi_reduction <add>, %get3A_1, %reduce_sum3A [0] : vector<32x768xf32> to vector<768xf32>
    %get3A_3 = arith.constant 0 : index
    %get3A_4 = arith.constant 0 : index
    %get3A_5 = vector.load %arg1[%get3A_3, %get3A_4] : memref<1x768xf32, #tpu.memory_space<vmem>>, vector<1x768xf32>
    %get3A_6 = vector.shape_cast %get3A_5 : vector<1x768xf32> to vector<768xf32>
    %add3A = arith.addf %reduce_sum3A_2, %get3A_6 : vector<768xf32>
    %mul3A = arith.constant 4.8828125E-4 : f32
    %mul3A_7 = vector.broadcast %mul3A : f32 to vector<768xf32>
    %mul3A_8 = arith.mulf %add3A, %mul3A_7 : vector<768xf32>
    %swap3A = arith.constant 0 : index
    %swap3A_9 = vector.load %arg2[%swap3A] : memref<768xf32, #tpu.memory_space<vmem>>, vector<768xf32>
    tpu.vector_store %arg2[%swap3A], %mul3A_8 {strides = array<i32>} : memref<768xf32, #tpu.memory_space<vmem>>, vector<768xf32>,
    return
  }
}

module attributes {stable_mosaic.version = 14 : i64} {
  func.func @_pos_sum_body(%arg0: i32, %arg1: memref<256x768xf32, #tpu.memory_space<vmem>>, %arg2: memref<1x768xf32, #tpu.memory_space<vmem>>) attributes {dimension_semantics = [#tpu.dimension_semantics<arbitrary>], iteration_bounds = array<i64: 8>, scalar_prefetch = 0 : i64, scratch_operands = 0 : i64, tpu.core_type = #tpu.core_type<tc>, window_params = [{transform_indices = @transform_0, window_bounds = array<i64: 256, 768>}, {pipeline_mode = #tpu.pipeline_mode<synchronous>, transform_indices = @transform_1, window_bounds = array<i64: 1, 768>}]} {
    %eq3A = arith.constant 0 : i32
    %eq3A_0 = arith.cmpi eq, %arg0, %eq3A : i32
    %convert_element_type3A = arith.extui %eq3A_0 : i1 to i32
    %cond3A = arith.constant 0 : i32
    %cond3A_1 = arith.cmpi ne, %convert_element_type3A, %cond3A : i32
    scf.if %cond3A_1 {
      %broadcast_in_dim3A_10 = arith.constant 0.000000e+00 : f32
      %broadcast_in_dim3A_11 = vector.broadcast %broadcast_in_dim3A_10 : f32 to vector<1x768xf32>
      %swap3A_12 = arith.constant 0 : index
      %swap3A_13 = arith.constant 0 : index
      %swap3A_14 = vector.load %arg2[%swap3A_12, %swap3A_13] : memref<1x768xf32, #tpu.memory_space<vmem>>, vector<1x768xf32>
      tpu.vector_store %arg2[%swap3A_12, %swap3A_13], %broadcast_in_dim3A_11 {strides = array<i32>} : memref<1x768xf32, #tpu.memory_space<vmem>>, vector<1x768xf32>,
    } else {
    }
    %get3A = arith.constant 0 : index
    %get3A_2 = arith.constant 0 : index
    %get3A_3 = vector.load %arg2[%get3A, %get3A_2] : memref<1x768xf32, #tpu.memory_space<vmem>>, vector<1x768xf32>
    %get3A_4 = arith.constant 0 : index
    %get3A_5 = arith.constant 0 : index
    %get3A_6 = vector.load %arg1[%get3A_4, %get3A_5] : memref<256x768xf32, #tpu.memory_space<vmem>>, vector<256x768xf32>
    %reduce_sum3A = arith.constant dense<0.000000e+00> : vector<768xf32>
    %reduce_sum3A_7 = vector.multi_reduction <add>, %get3A_6, %reduce_sum3A [0] : vector<256x768xf32> to vector<768xf32>
    %broadcast_in_dim3A = vector.shape_cast %reduce_sum3A_7 : vector<768xf32> to vector<1x768xf32>
    %add3A = arith.addf %get3A_3, %broadcast_in_dim3A : vector<1x768xf32>
    %swap3A = arith.constant 0 : index
    %swap3A_8 = arith.constant 0 : index
    %swap3A_9 = vector.load %arg2[%swap3A, %swap3A_8] : memref<1x768xf32, #tpu.memory_space<vmem>>, vector<1x768xf32>
    tpu.vector_store %arg2[%swap3A, %swap3A_8], %add3A {strides = array<i32>} : memref<1x768xf32, #tpu.memory_space<vmem>>, vector<1x768xf32>,
    return
  }
  func.func @transform_0(%arg0: i32) -> (i32, i32) {
    %c0_i32 = arith.constant 0 : i32
    %c0_i32_0 = arith.constant 0 : i32
    return %arg0, %c0_i32 : i32, i32
  }
  func.func @transform_1(%arg0: i32) -> (i32, i32) {
    %c0_i32 = arith.constant 0 : i32
    %c0_i32_0 = arith.constant 0 : i32
    %c0_i32_1 = arith.constant 0 : i32
    return %c0_i32, %c0_i32_0 : i32, i32
  }
}

</mosaic_0001>

<sc_bundles>
// kernel: kernel.5.cloned.1.call-start
scs
__scs_entry_jumppad:
0x0: {  	(pc) =	sbr.rel $0x88, $3  }
0x1: {  	(tag) =	ssettag $0x0;
	lr =	simm.s32 $0x1  }
0x2: {  	[smem:$0x3F9E] =	sst lr;
	_ =	strace $0xD0000000  }
0x3: {  	_ = 	snop  }
0x4: {  	_ = 	snop  }
0x5: {  	_ = 	snop  }
0x6: {  	_ = 	snop  }
0x7: {  	_ = 	snop  }
__scs_overlays_trampoline_lowered:
0x8: {  	[smem:$0x3FAD] =	sst s0  }
0x9: {  	[smem:$0x3FAE] =	sst s1  }
0xa: {  	[smem:$0x3FAF] =	sst s2  }
0xb: {  	[smem:$0x3FB0] =	sst s3  }
0xc: {  	[smem:$0x3FB1] =	sst s4  }
0xd: {  	[smem:$0x3FB2] =	sst s5  }
0xe: {  	[smem:$0x3FB3] =	sst s6  }
0xf: {  	[smem:$0x3FB4] =	sst s7  }
0x10: {  	[smem:$0x3FB5] =	sst s8  }
0x11: {  	[smem:$0x3FB6] =	sst s9;
	s0 =	simm.s32 @!p0 $0x0  }
0x12: {  	s1 =	sld [smem:$0x3F9C];
	s0 =	simm.s32 @p0 $0x1  }
0x13: {  	[smem:$0x3FB7] =	sst s0;
	s0 =	simm.s32 @!p1 $0x0  }
0x14: {  	s2 =	sld [smem:$0x3F9B];
	s0 =	simm.s32 @p1 $0x1  }
0x15: {  	[smem:$0x3FB8] =	sst s0;
	s0 =	simm.s32 @!p2 $0x0  }
0x16: {  	s3 =	sld [smem:$0x3FDB];
	s0 =	simm.s32 @p2 $0x1  }
0x17: {  	s4 =	simm.s32 $0x1BF5;
	[smem:$0x3FBA] =	sst s0  }
0x18: {  	s0 =	sld [smem:$0x3F9D];
	_ =	swait.ge [sflag:s4], $0x0  }
0x19: {  	s7 =	sld [smem:$0x3F9E]  }
0x1a: {  	s8 =	sadd.s32 $0xFFFFE003, lr  }
0x1b: {  	s9 =	sadd.s32 $0xFFFFFEF7, lr;
	s5 =	simm.s32 $0xFFFFFFFF;
	p2 =	slt.u32 s8, $0xFFFFF086  }
0x1c: {  	p1 =	slt.u32 s9, $0xF7A;
	s5 =	simm.s32 @!p2 $0x0  }
0x1d: {  	s5 =	simm.s32 @p1 $0x1;
	p0 =	seq.s32 s7, s2  }
0x1e: {  	s7 =	smul.u32 @!p0 $0xF7A, s2;
	p2 =	seq.s32 @!p0 s5, $0x0  }
0x1f: {  	s9 =	smul.u32 $0xF7A, s1;
	s8 =	simm.s32 @!p0 $0x1BF5;
	p2 =	por !p2, p0  }
0x20: {  	[sflag:s8] =	ssyncset.s32 @!p0 $0xFFFFF086;
	s6 =	sadd.s32 @!p0 s3, s7;
	s7 =	simm.s32 @!p0 $0x108  }
0x21: {  	s3 =	sadd.s32 s3, s9;
	s6 =	sadd.s32 @!p0 $0x88, s6;
	s7 =	simm.s32 @p2 $0x1082  }
0x22: {  	[simem:s7], [sflag:s8] =	dma.local @!p0 [hbm:s6], $0xF7A  }
0x23: {  	s9 =	sor.u32 $0xD0000000, s2;
	s6 =	simm.s32 $0x108;
	_ =	swait.ge @!p0 [sflag:s8], $0x0  }
0x24: {  	s3 =	sadd.s32 $0x88, s3;
	s6 =	simm.s32 @!p1 $0x1082;
	[sflag:s4] =	ssyncset.s32 $0xFFFFF086  }
0x25: {  	[simem:s6], [sflag:s4] =	dma.local [hbm:s3], $0xF7A  }
0x26: {  	[smem:$0x3F9E] =	sst s1;
	(tag) =	ssettag s2;
	_ =	strace s9  }
0x27: {  	s1 =	sld [smem:$0x3FAE]  }
0x28: {  	s2 =	sld [smem:$0x3FAF]  }
0x29: {  	s4 =	sld [smem:$0x3FB1]  }
0x2a: {  	p0 =	seq.s32 s5, $0x0;
	s5 =	sld [smem:$0x3FB2]  }
0x2b: {  	s6 =	sld [smem:$0x3FB3]  }
0x2c: {  	s7 =	sld [smem:$0x3FB4]  }
0x2d: {  	s3 =	simm.s32 $0x108;
	s8 =	sld [smem:$0x3FB5]  }
0x2e: {  	s3 =	simm.s32 @!p0 $0x1082;
	s9 =	sld [smem:$0x3FB6]  }
0x2f: {  	lr =	sadd.s32 s0, s3;
	s0 =	sld [smem:$0x3FAD]  }
0x30: {  	s3 =	sld [smem:$0x3FB0]  }
0x31: {  	[smem:$0x3FB9] =	sst s10  }
0x32: {  	s10 =	sld [smem:$0x3FB7];
	_ =	sdelay $0x3  }
0x33: {  	p0 =	seq.s32 s10, $0x1;
	s10 =	sld [smem:$0x3FB9];
	_ =	sdelay $0x3  }
0x34: {  	[smem:$0x3FB9] =	sst s10  }
0x35: {  	s10 =	sld [smem:$0x3FB8];
	_ =	sdelay $0x3  }
0x36: {  	p1 =	seq.s32 s10, $0x1;
	s10 =	sld [smem:$0x3FB9];
	_ =	sdelay $0x3  }
0x37: {  	[smem:$0x3FB9] =	sst s10  }
0x38: {  	s10 =	sld [smem:$0x3FBA]  }
0x39: {  	_ = 	snop;
	(pc) =	sbr.ind lr, $3  }
0x3a: {  	_ = 	snop  }
0x3b: {  	_ = 	snop  }
0x3c: {  	p2 =	seq.s32 s10, $0x1;
	s10 =	sld [smem:$0x3FB9]  }
0x3d: {  	_ =	shalt  }
0x3e: {  	_ =	shalt  }
0x3f: {  	_ =	shalt  }
0x40: {  	_ =	shalt  }
0x41: {  	_ =	shalt  }
0x42: {  	_ =	shalt  }
0x43: {  	_ =	shalt  }
0x44: {  	_ =	shalt  }
0x45: {  	_ =	shalt  }
0x46: {  	_ =	shalt  }
0x47: {  	_ =	shalt  }
0x48: {  	_ =	shalt  }
0x49: {  	_ =	shalt  }
0x4a: {  	_ =	shalt  }
0x4b: {  	_ =	shalt  }
0x4c: {  	_ =	shalt  }
0x4d: {  	_ =	shalt  }
0x4e: {  	_ =	shalt  }
0x4f: {  	_ =	shalt  }
0x50: {  	_ =	shalt  }
0x51: {  	_ =	shalt  }
0x52: {  	_ =	shalt  }
0x53: {  	_ =	shalt  }
0x54: {  	_ =	shalt  }
0x55: {  	_ =	shalt  }
0x56: {  	_ =	shalt  }
0x57: {  	_ =	shalt  }
0x58: {  	_ =	shalt  }
0x59: {  	_ =	shalt  }
0x5a: {  	_ =	shalt  }
0x5b: {  	_ =	shalt  }
0x5c: {  	_ =	shalt  }
0x5d: {  	_ =	shalt  }
0x5e: {  	_ =	shalt  }
0x5f: {  	_ =	shalt  }
0x60: {  	_ =	shalt  }
0x61: {  	_ =	shalt  }
0x62: {  	_ =	shalt  }
0x63: {  	_ =	shalt  }
0x64: {  	_ =	shalt  }
0x65: {  	_ =	shalt  }
0x66: {  	_ =	shalt  }
0x67: {  	_ =	shalt  }
0x68: {  	_ =	shalt  }
0x69: {  	_ =	shalt  }
0x6a: {  	_ =	shalt  }
0x6b: {  	_ =	shalt  }
0x6c: {  	_ =	shalt  }
0x6d: {  	_ =	shalt  }
0x6e: {  	_ =	shalt  }
0x6f: {  	_ =	shalt  }
0x70: {  	_ =	shalt  }
0x71: {  	_ =	shalt  }
0x72: {  	_ =	shalt  }
0x73: {  	_ =	shalt  }
0x74: {  	_ =	shalt  }
0x75: {  	_ =	shalt  }
0x76: {  	_ =	shalt  }
0x77: {  	_ =	shalt  }
0x78: {  	_ =	shalt  }
0x79: {  	_ =	shalt  }
0x7a: {  	_ =	shalt  }
0x7b: {  	_ =	shalt  }
0x7c: {  	_ =	shalt  }
0x7d: {  	_ =	shalt  }
0x7e: {  	_ =	shalt  }
0x7f: {  	_ =	shalt  }
0x80: {  	_ =	shalt  }
0x81: {  	_ =	shalt  }
0x82: {  	_ =	shalt  }
0x83: {  	_ =	shalt  }
0x84: {  	_ =	shalt  }
0x85: {  	_ =	shalt  }
0x86: {  	_ =	shalt  }
0x87: {  	_ =	shalt  }
.Lfunc_end0:
.L_simem_size_0:
called_computation_lowered:
.L_overlay_start_0:
0x88: {  	s2 =	sld [smem:$0x3FD9]  }
0x89: {  	s3 =	sld [smem:$0x3FFE];
	_ =	sdelay $0x1  }
0x8a: {  	s1 =	srdreg.scid  }
0x8b: {  	s0 =	sand.u32 $0x1, s1  }
0x8c: {  	s17 =	sshll.u32 s0, $0xA;
	s2 =	sadd.s32 s3, s2  }
0x8d: {  	s2 =	sadd.s32 s2, s17  }
0x8e: {  	[smem:$0x3FC5] =	sst s2  }
0x8f: {  	_ = 	snop  }
0x90: {  	s2 =	sld [smem:$0x3FC9]  }
0x91: {  	s18 =	sld [smem:$0x3FC8];
	(tm) =	ssettm $0x1  }
0x92: {  	s4 =	sld [smem:$0x3FFB];
	_ =	sdelay $0x3  }
0x93: {  	_ =	strace s4  }
0x94: {  	s4 =	sld [smem:$0x3FFC];
	_ =	sdelay $0x3  }
0x95: {  	_ =	strace s4  }
0x96: {  	s4 =	sld [smem:$0x3FFD];
	_ =	sdelay $0x3  }
0x97: {  	_ =	strace s4  }
0x98: {  	_ =	strace $0x8FFFFFFF  }
0x99: {  	s19 =	sld [smem:$0x3FDB];
	_ =	sdelay $0x1  }
0x9a: {  	s5 =	simm.s32 $_scs_section_size  }
0x9b: {  	s6 =	simm.s32 $_size__tile_overlayer_lowered;
	s7 =	simm.s32 $_tile_overlayer_lowered  }
0x9c: {  	s22 =	simm.s32 $0x1BFF;
	s21 =	sshll.u32 s7, $0x1;
	s4 =	sadd.s32 s5, s19  }
0x9d: {  	s8 =	simm.s32 $0x0;
	s20 =	sshll.u32 s6, $0x1;
	s6 =	sadd.s32 s21, s4  }
0x9e: {  	[timem:s8], [sflag:s22] =	dma.local [hbm:s6], s20  }
0x9f: {  	_ =	swait.ge [sflag:s22], s20  }
0xa0: {  	s5 =	ssub.s32 $0x0, s20;
	[sflag:s22] =	ssyncset.done $0x0  }
0xa1: {  	[sflag:s22] =	ssyncadd.s32 s5;
	_ =	sdelay $0x1  }
0xa2: {  	s23 =	simm.s32 $0x1B8B  }
0xa3: {  	_ =	swait.ge [sflag:s23], $0x1  }
0xa4: {  	[sflag:s23] =	ssyncset.done $0x0  }
0xa5: {  	s25 =	simm.s32 $0x1B8E;
	s24 =	sld [smem:$0x3FFE];
	[sflag:s23] =	ssyncadd.s32 $0xFFFFFFFF  }
0xa6: {  	s26 =	simm.s32 $execute0_lowered;
	[smem:$0x3FD2] =	sst s25  }
0xa7: {  	s6 =	sshll.u32 s26, $0x1;
	_ =	strace $0x80000046;
	[dreg:$0x1] =	wrdreg $0xFFFFFFFF  }
0xa8: {  	s28 =	simm.s32 $_size_execute0_lowered;
	s4 =	sadd.s32 s4, s6;
	[dreg:$0x0] =	wrdreg $0x0  }
0xa9: {  	s6 =	sshll.u32 s28, $0x1;
	[dreg:$0x2] =	wrdreg s4  }
0xaa: {  	[dreg:$0x3] =	wrdreg s6  }
0xab: {  	[dreg:$0x4] =	wrdreg $0xC0  }
0xac: {  	_ =	task [dreg:s8], $0x5FFFF  }
0xad: {  	[dreg:$0x1] =	wrdreg $0xFFFFFFFF  }
0xae: {  	[dreg:$0x0] =	wrdreg $0x60  }
0xaf: {  	[dreg:$0x2] =	wrdreg s2  }
0xb0: {  	[dreg:$0x3] =	wrdreg s18  }
0xb1: {  	[dreg:$0x4] =	wrdreg s24  }
0xb2: {  	[dreg:$0x5] =	wrdreg $0x9  }
0xb3: {  	_ =	task.clear_ibuf [dreg:s8], $0x6FFFF;
	_ =	strace $0x90000046  }
0xb4: {  	s29 =	simm.s32 $0x9;
	_ =	strace $0x80000048  }
0xb5: {  	_ =	swait.ge [sflag:s29], $0x1  }
0xb6: {  	[sflag:s29] =	ssyncadd.s32 $0xFFFFFFFF  }
0xb7: {  	_ =	strace $0x90000048  }
0xb8: {  	_ =	sfence  }
0xb9: {  	s30 =	sld [smem:$0x0];
	_ =	sdelay $0x2  }
0xba: {  	s31 =	sshll.u32 s1, $0xD;
	s1 =	sshrl.u32 s1, $0x2  }
0xbb: {  	s3 =	sand.u32 $0x4000, s31;
	s1 =	sadd.s32 s1, s30  }
0xbc: {  	s0 =	sor.u32 s3, s0;
	s1 =	sshll.u32 s1, $0x11  }
0xbd: {  	s0 =	sor.u32 s1, s0  }
0xbe: {  	s0 =	sadd.s32 $0x8F2B, s0  }
0xbf: {  	[sflag:s0] =	ssyncadd.remote.s32 $0x1  }
0xc0: {  	_ =	sfence.sel $0xFFFF  }
0xc1: {  	[dreg:$0x0] =	wrdreg $0xFFFFFFFF;
	(pc) =	sbr.abs _section_cstart, $3  }
0xc2: {  	[dreg:$0x1] =	wrdreg $0xFFFFFFFF  }
0xc3: {  	_ =	task.clear_ibuf [dreg:s8], $0x2FFFF;
	_ =	strace $0x9FFFFFFF  }
0xc4: {  	(tm) =	ssettm $0x7FFFFFFF  }
0xc5: {  	_ =	shalt  }
tec
execute0_lowered:
.L_overlay_start_1:
0x0: {  	(tag) =	ssettag $0x1  }
0x1: {  	s0 =	srdreg.scid;
	s1 =	rddreg [dreg:$0x0]  }
0x2: {  	s5 =	stileid.u32;
	s2 =	rddreg [dreg:$0x1]  }
0x3: {  	s24 =	rddreg [dreg:$0x2];
	s9 =	simm.s32 $0x5;
	s16 =	simm.s32 $0x80  }
0x4: {  	s14 =	simm.s32 $0xC080;
	s21 =	simm.s32 $0xC280;
	s22 =	simm.s32 $0xC290  }
0x5: {  	s28 =	simm.s32 $0xC2E0;
	s29 =	simm.s32 $0xC2F0;
	s30 =	simm.s32 $0xC300  }
0x6: {  	s31 =	simm.s32 $0xC310;
	s11 =	simm.s32 $0xC340;
	s10 =	simm.s32 $0xC350  }
0x7: {  	s12 =	simm.s32 $0x4;
	s13 =	simm.s32 $0x0;
	s0 =	sand.u32 $0x1, s0  }
0x8: {  	s3 =	sshll.u32 s5, $0x1;
	s23 =	sshrl.u32 s5, $0x2;
	s5 =	sadd.s32 $0x100, s2  }
0x9: {  	s4 =	sor.u32 s0, s3;
	s6 =	smul.u32 $0x1800, s23;
	s3 =	simm.s32 $0x0  }
0xa: {  	s0 =	ssub.s32 $0x2, s0;
	s23 =	simm.s32 $0xC2A0;
	s7 =	sshll.u32 s4, $0x7  }
0xb: {  	[smem:$0x7FF] =	sst s3;
	s25 =	sshrl.u32 s0, $0x1;
	s4 =	sshll.u32 s4, $0x3  }
0xc: {  	s7 =	sand.u32 $0x380, s7;
	_ =	strace $0x80000047;
	s0 =	ssub.s32 s0, s25  }
0xd: {  	s1 =	sadd.s32 s1, s4;
	s25 =	simm.s32 $0xC2C0;
	s4 =	simm.s32 $0xC360  }
0xe: {  	s6 =	sor.u32 s6, s7;
	[dreg:$0x4] =	wrdreg s1;
	s0 =	smax.u32 s0, $0x1  }
0xf: {  	s1 =	simm.s32 $0xC320;
	s7 =	simm.s32 $0xC370;
	s6 =	sshrl.u32 s6, $0x3  }
0x10: {  	v2 =	vlaneseq.u32;
	[dreg:$0x6] =	wrdreg s0;
	s0 =	simm.s32 $0xC330;
	s8 =	sadd.s32 s6, s24  }
0x11: {  	vm0 =	vmmov $0xffff;
	v1 =	vshrl.u32 v2, $0x3;
	s6 =	sadd.s32 $0x200, s2;
	s24 =	simm.s32 $0xC2B0;
	s26 =	sadd.s32 $0x800, s8  }
0x12: {  	v0 =	vand.u32 $0x7, v2;
	v2 =	vor.u32 $0x8, v2;
	v1 =	vmul.u32 $0x8, v1;
	s8 =	simm.s32 $0x3;
	[dreg:$0x5] =	wrdreg s26;
	s26 =	simm.s32 $0xC2D0  }
.LBB2_1:
0x13: {  	s15 =	rddreg [dreg:$0x4]  }
0x14: {  	[tilespmem:s3], [sflag:$0x5] =	stream.linear.gather [hbm4b:s15+s3], $0x40, $0x38;
	[tilespmem:$0xC380] =	vst v63  }
0x15: {  	_ =	swait.ge [sflag:s9], $0x40  }
0x16: {  	[sflag:s9] =	ssyncset.done $0x0  }
0x17: {  	[sflag:s9] =	ssyncadd.s32 $0xFFFFFFC0  }
0x18: {  	v3 =	vld [tilespmem:$0x0];
	_ =	sdelay $0x4  }
0x19: {  	v4 =	vshrl.u32 v3, $0x3  }
0x1a: {  	v4 =	vmul.u32 $0x30, v4  }
0x1b: {  	v3 =	vand.u32 $0x7, v3  }
0x1c: {  	v3 =	vor.u32 v3, v4  }
0x1d: {  	v4 =	vperm.xlane v3, v0;
	_ =	sdelay $0x1  }
0x1e: {  	v4 =	vadd.s32 v1, v4;
	_ =	sdelay $0x3  }
0x1f: {  	v3 =	vperm.xlane v3, v2  }
0x20: {  	[tilespmem:s16], [sflag:$0x1] =	stream.indirect_vreg.gather [hbm4b:s2+s3], $0x80, v4, vm0, $0xb8;
	[tilespmem:$0xC380] =	vst v63  }
0x21: {  	v3 =	vadd.s32 v1, v3;
	s16 =	simm.s32 $0x880  }
0x22: {  	[tilespmem:s16], [sflag:$0x1] =	stream.indirect_vreg.gather [hbm4b:s5+s3], $0x80, v4, vm0, $0xb8;
	[tilespmem:$0xC380] =	vst v63  }
0x23: {  	s17 =	simm.s32 $0x1080  }
0x24: {  	[tilespmem:s17], [sflag:$0x1] =	stream.indirect_vreg.gather [hbm4b:s6+s3], $0x80, v4, vm0, $0xb8;
	[tilespmem:$0xC380] =	vst v63  }
0x25: {  	s18 =	simm.s32 $0x1880  }
0x26: {  	[tilespmem:s18], [sflag:$0x1] =	stream.indirect_vreg.gather [hbm4b:s2+s3], $0x80, v3, vm0, $0xb8;
	[tilespmem:$0xC380] =	vst v63  }
0x27: {  	s19 =	simm.s32 $0x2080  }
0x28: {  	[tilespmem:s19], [sflag:$0x1] =	stream.indirect_vreg.gather [hbm4b:s5+s3], $0x80, v3, vm0, $0xb8;
	[tilespmem:$0xC380] =	vst v63  }
0x29: {  	s20 =	simm.s32 $0x2880  }
0x2a: {  	[tilespmem:s20], [sflag:$0x1] =	stream.indirect_vreg.gather [hbm4b:s6+s3], $0x80, v3, vm0, $0xb8;
	[tilespmem:$0xC380] =	vst v63  }
0x2b: {  	v3 =	vld [tilespmem:$0x10];
	_ =	sdelay $0x4  }
0x2c: {  	v4 =	vshrl.u32 v3, $0x3  }
0x2d: {  	v4 =	vmul.u32 $0x30, v4  }
0x2e: {  	v3 =	vand.u32 $0x7, v3  }
0x2f: {  	v3 =	vor.u32 v3, v4  }
0x30: {  	v4 =	vperm.xlane v3, v0;
	_ =	sdelay $0x1  }
0x31: {  	v4 =	vadd.s32 v1, v4;
	_ =	sdelay $0x3  }
0x32: {  	s16 =	simm.s32 $0x3080;
	v3 =	vperm.xlane v3, v2  }
0x33: {  	[tilespmem:s16], [sflag:$0x2] =	stream.indirect_vreg.gather [hbm4b:s2+s3], $0x80, v4, vm0, $0xb8;
	[tilespmem:$0xC380] =	vst v63  }
0x34: {  	s17 =	simm.s32 $0x3880;
	v3 =	vadd.s32 v1, v3  }
0x35: {  	[tilespmem:s17], [sflag:$0x2] =	stream.indirect_vreg.gather [hbm4b:s5+s3], $0x80, v4, vm0, $0xb8;
	[tilespmem:$0xC380] =	vst v63  }
0x36: {  	s18 =	simm.s32 $0x4080  }
0x37: {  	[tilespmem:s18], [sflag:$0x2] =	stream.indirect_vreg.gather [hbm4b:s6+s3], $0x80, v4, vm0, $0xb8;
	[tilespmem:$0xC380] =	vst v63  }
0x38: {  	s19 =	simm.s32 $0x4880  }
0x39: {  	[tilespmem:s19], [sflag:$0x2] =	stream.indirect_vreg.gather [hbm4b:s2+s3], $0x80, v3, vm0, $0xb8;
	[tilespmem:$0xC380] =	vst v63  }
0x3a: {  	s20 =	simm.s32 $0x5080  }
0x3b: {  	[tilespmem:s20], [sflag:$0x2] =	stream.indirect_vreg.gather [hbm4b:s5+s3], $0x80, v3, vm0, $0xb8;
	[tilespmem:$0xC380] =	vst v63  }
0x3c: {  	s16 =	simm.s32 $0x5880  }
0x3d: {  	[tilespmem:s16], [sflag:$0x2] =	stream.indirect_vreg.gather [hbm4b:s6+s3], $0x80, v3, vm0, $0xb8;
	[tilespmem:$0xC380] =	vst v63  }
0x3e: {  	v3 =	vld [tilespmem:$0x20];
	_ =	sdelay $0x4  }
0x3f: {  	v4 =	vshrl.u32 v3, $0x3  }
0x40: {  	v4 =	vmul.u32 $0x30, v4  }
0x41: {  	v3 =	vand.u32 $0x7, v3  }
0x42: {  	v3 =	vor.u32 v3, v4  }
0x43: {  	v4 =	vperm.xlane v3, v0;
	_ =	sdelay $0x1  }
0x44: {  	v4 =	vadd.s32 v1, v4;
	_ =	sdelay $0x3  }
0x45: {  	s17 =	simm.s32 $0x6080;
	v3 =	vperm.xlane v3, v2  }
0x46: {  	[tilespmem:s17], [sflag:$0x3] =	stream.indirect_vreg.gather [hbm4b:s2+s3], $0x80, v4, vm0, $0xb8;
	[tilespmem:$0xC380] =	vst v63  }
0x47: {  	s18 =	simm.s32 $0x6880;
	v3 =	vadd.s32 v1, v3  }
0x48: {  	[tilespmem:s18], [sflag:$0x3] =	stream.indirect_vreg.gather [hbm4b:s5+s3], $0x80, v4, vm0, $0xb8;
	[tilespmem:$0xC380] =	vst v63  }
0x49: {  	s19 =	simm.s32 $0x7080  }
0x4a: {  	[tilespmem:s19], [sflag:$0x3] =	stream.indirect_vreg.gather [hbm4b:s6+s3], $0x80, v4, vm0, $0xb8;
	[tilespmem:$0xC380] =	vst v63  }
0x4b: {  	s20 =	simm.s32 $0x7880  }
0x4c: {  	[tilespmem:s20], [sflag:$0x3] =	stream.indirect_vreg.gather [hbm4b:s2+s3], $0x80, v3, vm0, $0xb8;
	[tilespmem:$0xC380] =	vst v63  }
0x4d: {  	s16 =	simm.s32 $0x8080  }
0x4e: {  	[tilespmem:s16], [sflag:$0x3] =	stream.indirect_vreg.gather [hbm4b:s5+s3], $0x80, v3, vm0, $0xb8;
	[tilespmem:$0xC380] =	vst v63  }
0x4f: {  	s17 =	simm.s32 $0x8880  }
0x50: {  	[tilespmem:s17], [sflag:$0x3] =	stream.indirect_vreg.gather [hbm4b:s6+s3], $0x80, v3, vm0, $0xb8;
	[tilespmem:$0xC380] =	vst v63  }
0x51: {  	v3 =	vld [tilespmem:$0x30];
	_ =	sdelay $0x4  }
0x52: {  	v4 =	vshrl.u32 v3, $0x3  }
0x53: {  	v4 =	vmul.u32 $0x30, v4  }
0x54: {  	v3 =	vand.u32 $0x7, v3  }
0x55: {  	v3 =	vor.u32 v3, v4  }
0x56: {  	v4 =	vperm.xlane v3, v0;
	_ =	sdelay $0x1  }
0x57: {  	v4 =	vadd.s32 v1, v4;
	_ =	sdelay $0x3  }
0x58: {  	s18 =	simm.s32 $0x9080;
	v3 =	vperm.xlane v3, v2  }
0x59: {  	[tilespmem:s18], [sflag:$0x4] =	stream.indirect_vreg.gather [hbm4b:s2+s3], $0x80, v4, vm0, $0xb8;
	[tilespmem:$0xC380] =	vst v63  }
0x5a: {  	s19 =	simm.s32 $0x9880;
	v3 =	vadd.s32 v1, v3  }
0x5b: {  	[tilespmem:s19], [sflag:$0x4] =	stream.indirect_vreg.gather [hbm4b:s5+s3], $0x80, v4, vm0, $0xb8;
	[tilespmem:$0xC380] =	vst v63  }
0x5c: {  	s20 =	simm.s32 $0xA080  }
0x5d: {  	[tilespmem:s20], [sflag:$0x4] =	stream.indirect_vreg.gather [hbm4b:s6+s3], $0x80, v4, vm0, $0xb8;
	[tilespmem:$0xC380] =	vst v63  }
0x5e: {  	s16 =	simm.s32 $0xA880  }
0x5f: {  	[tilespmem:s16], [sflag:$0x4] =	stream.indirect_vreg.gather [hbm4b:s2+s3], $0x80, v3, vm0, $0xb8;
	[tilespmem:$0xC380] =	vst v63  }
0x60: {  	s17 =	simm.s32 $0xB080;
	s19 =	simm.s32 $0x0  }
0x61: {  	[tilespmem:s17], [sflag:$0x4] =	stream.indirect_vreg.gather [hbm4b:s5+s3], $0x80, v3, vm0, $0xb8;
	[tilespmem:$0xC380] =	vst v63  }
0x62: {  	s18 =	simm.s32 $0xB880;
	s15 =	smul.u32 $0x6000, s19;
	s17 =	simm.s32 $0x1  }
0x63: {  	[tilespmem:s18], [sflag:$0x4] =	stream.indirect_vreg.gather [hbm4b:s6+s3], $0x80, v3, vm0, $0xb8;
	[tilespmem:$0xC380] =	vst v63  }
0x64: {  	_ =	swait.ge [sflag:s17], $0x3000  }
0x65: {  	s20 =	sand.u32 $0x380, s3;
	s15 =	sshra.s32 s15, $0x2;
	[sflag:s17] =	ssyncset.done $0x0  }
0x66: {  	s15 =	sor.u32 s20, s15;
	[sflag:s17] =	ssyncadd.s32 $0xFFFFD000  }
0x67: {  	v3 =	vld [tilespmem:s15+$0x4F0]  }
0x68: {  	v4 =	vld [tilespmem:s15+$0x80]  }
0x69: {  	v6 =	vld [tilespmem:s15+$0x90]  }
0x6a: {  	v7 =	vld [tilespmem:s15+$0xA0]  }
0x6b: {  	v8 =	vld [tilespmem:s15+$0xB0]  }
0x6c: {  	v9 =	vld [tilespmem:s15+$0xC0]  }
0x6d: {  	v10 =	vld [tilespmem:s15+$0xD0]  }
0x6e: {  	v5 =	vimm.f32 $0.0e+00  }
0x6f: {  	v3 =	vadd.f32 v3, v5  }
0x70: {  	v22 =	vld [tilespmem:s15+$0xE0];
	v18 =	vadd.f32 v4, v5;
	v15 =	vadd.f32 v6, v5  }
0x71: {  	v14 =	vimm.f32 $0.0e+00;
	v21 =	vld [tilespmem:s15+$0xF0];
	v16 =	vadd.f32 v7, v5;
	v17 =	vadd.f32 v8, v5  }
0x72: {  	v11 =	vimm.f32 $0.0e+00;
	v19 =	vld [tilespmem:s15+$0x480];
	v13 =	vadd.f32 v9, v5;
	v12 =	vadd.f32 v10, v5  }
0x73: {  	v20 =	vld [tilespmem:s15+$0x490];
	v10 =	vimm.f32 $0.0e+00;
	v8 =	vimm.f32 $0.0e+00;
	v6 =	vimm.f32 $0.0e+00  }
0x74: {  	s16 =	simm.s32 $0x0;
	s18 =	simm.s32 $0x0;
	s17 =	simm.s32 $0x2;
	v23 =	vld [tilespmem:s15+$0x4A0];
	v9 =	vimm.f32 $0.0e+00;
	v7 =	vimm.f32 $0.0e+00;
	v4 =	vimm.f32 $0.0e+00  }
.LBB2_2:
0x75: {  	p0 =	sne.s32 s17, $0xF;
	s18 =	smul.u32 $0x6000, s18;
	v5 =	vadd.f32 v22, v5;
	v22 =	vld [tilespmem:s15+$0x4B0]  }
0x76: {  	s16 =	sadd.s32 $0x80, s16;
	v14 =	vadd.f32 v21, v14;
	v21 =	vld [tilespmem:s15+$0x4C0]  }
0x77: {  	s19 =	sand.u32 $0x380, s16;
	s18 =	sshra.s32 s18, $0x2;
	v11 =	vadd.f32 v19, v11;
	v19 =	vld [tilespmem:s15+$0x4D0]  }
0x78: {  	v10 =	vadd.f32 v20, v10;
	v20 =	vld [tilespmem:s15+$0x4E0];
	s15 =	sor.u32 s19, s18  }
0x79: {  	v24 =	vld [tilespmem:s15+$0x4F0];
	v8 =	vadd.f32 v23, v8  }
0x7a: {  	v23 =	vld [tilespmem:s15+$0x80];
	v6 =	vadd.f32 v22, v6  }
0x7b: {  	v22 =	vld [tilespmem:s15+$0x90];
	v9 =	vadd.f32 v21, v9  }
0x7c: {  	v21 =	vld [tilespmem:s15+$0xA0];
	v7 =	vadd.f32 v19, v7  }
0x7d: {  	v19 =	vld [tilespmem:s15+$0xB0];
	v4 =	vadd.f32 v20, v4  }
0x7e: {  	v20 =	vld [tilespmem:s15+$0xC0];
	v3 =	vadd.f32 v24, v3  }
0x7f: {  	v18 =	vadd.f32 v23, v18;
	v23 =	vld [tilespmem:s15+$0xD0]  }
.Ltmp0:
0x80: {  	v15 =	vadd.f32 v22, v15;
	v22 =	vld [tilespmem:s15+$0xE0];
	(pc) =	sbr.rel @p0 .LBB2_2-.Ltmp0, $4  }
0x81: {  	v16 =	vadd.f32 v21, v16;
	v21 =	vld [tilespmem:s15+$0xF0]  }
0x82: {  	v17 =	vadd.f32 v19, v17;
	v19 =	vld [tilespmem:s15+$0x480]  }
0x83: {  	v13 =	vadd.f32 v20, v13;
	v20 =	vld [tilespmem:s15+$0x490]  }
0x84: {  	s18 =	sshrl.u32 s17, $0x3;
	s17 =	sadd.s32 $0x1, s17;
	v12 =	vadd.f32 v23, v12;
	v23 =	vld [tilespmem:s15+$0x4A0]  }
0x85: {  	s17 =	smul.u32 $0x6000, s18;
	v24 =	vld [tilespmem:s15+$0x4B0]  }
0x86: {  	v25 =	vld [tilespmem:s15+$0x4C0];
	s16 =	sadd.s32 $0x80, s16  }
0x87: {  	v26 =	vld [tilespmem:s15+$0x4D0];
	s16 =	sand.u32 $0x380, s16;
	s17 =	sshra.s32 s17, $0x2  }
0x88: {  	v27 =	vld [tilespmem:s15+$0x4E0];
	s16 =	sor.u32 s16, s17  }
0x89: {  	v28 =	vld [tilespmem:s16+$0x4F0]  }
0x8a: {  	v29 =	vld [tilespmem:s16+$0x80]  }
0x8b: {  	v30 =	vld [tilespmem:s16+$0x90]  }
0x8c: {  	v31 =	vld [tilespmem:s16+$0xA0]  }
0x8d: {  	v32 =	vld [tilespmem:s16+$0xB0]  }
0x8e: {  	v33 =	vld [tilespmem:s16+$0xC0]  }
0x8f: {  	v34 =	vld [tilespmem:s16+$0xD0]  }
0x90: {  	v35 =	vld [tilespmem:s16+$0xE0]  }
0x91: {  	v36 =	vld [tilespmem:s16+$0xF0]  }
0x92: {  	v37 =	vld [tilespmem:s16+$0x480]  }
0x93: {  	v38 =	vld [tilespmem:s16+$0x490]  }
0x94: {  	v39 =	vld [tilespmem:s16+$0x4A0]  }
0x95: {  	v40 =	vld [tilespmem:s16+$0x4B0]  }
0x96: {  	v41 =	vld [tilespmem:s16+$0x4C0];
	v18 =	vadd.f32 v29, v18  }
0x97: {  	v62 =	vld [tilespmem:s16+$0x4D0];
	v15 =	vadd.f32 v30, v15  }
0x98: {  	v63 =	vld [tilespmem:s16+$0x4E0];
	v16 =	vadd.f32 v31, v16;
	[tilespmem:$0xC080] =	vst v18  }
0x99: {  	v17 =	vadd.f32 v32, v17;
	[tilespmem:$0xC090] =	vst v15  }
0x9a: {  	v5 =	vadd.f32 v22, v5;
	v13 =	vadd.f32 v33, v13;
	[tilespmem:$0xC0A0] =	vst v16  }
0x9b: {  	v11 =	vadd.f32 v19, v11;
	v12 =	vadd.f32 v34, v12;
	[tilespmem:$0xC0B0] =	vst v17  }
0x9c: {  	v8 =	vadd.f32 v23, v8;
	v5 =	vadd.f32 v35, v5;
	[tilespmem:$0xC0C0] =	vst v13  }
0x9d: {  	v7 =	vadd.f32 v26, v7;
	v11 =	vadd.f32 v37, v11;
	[tilespmem:$0xC0D0] =	vst v12  }
0x9e: {  	v4 =	vadd.f32 v27, v4;
	v8 =	vadd.f32 v39, v8;
	[tilespmem:$0xC0E0] =	vst v5  }
0x9f: {  	v7 =	vadd.f32 v62, v7;
	[tilespmem:$0xC100] =	vst v11  }
0xa0: {  	v14 =	vadd.f32 v21, v14;
	v4 =	vadd.f32 v63, v4;
	[tilespmem:$0xC120] =	vst v8  }
0xa1: {  	v10 =	vadd.f32 v20, v10;
	v3 =	vadd.f32 v28, v3;
	[tilespmem:$0xC150] =	vst v7  }
0xa2: {  	v13 =	vadd.f32 v36, v14;
	v5 =	vadd.f32 v24, v6;
	[tilespmem:$0xC160] =	vst v4  }
0xa3: {  	s18 =	simm.s32 $0x0;
	v9 =	vadd.f32 v25, v9;
	v6 =	vadd.f32 v38, v10;
	[tilespmem:$0xC170] =	vst v3  }
0xa4: {  	s19 =	smul.u32 $0x6000, s18;
	[tilespmem:$0xC0F0] =	vst v13;
	v5 =	vadd.f32 v40, v5  }
0xa5: {  	s15 =	simm.s32 $0x0;
	[tilespmem:$0xC110] =	vst v6;
	v6 =	vadd.f32 v41, v9  }
0xa6: {  	s20 =	sand.u32 $0x380, s15;
	s16 =	sshra.s32 s19, $0x2;
	[tilespmem:$0xC130] =	vst v5  }
0xa7: {  	s16 =	sor.u32 s20, s16;
	[tilespmem:$0xC140] =	vst v6  }
0xa8: {  	v3 =	vld [tilespmem:s16+$0xCF0]  }
0xa9: {  	v4 =	vld [tilespmem:s16+$0x880]  }
0xaa: {  	v6 =	vld [tilespmem:s16+$0x890]  }
0xab: {  	v7 =	vld [tilespmem:s16+$0x8A0]  }
0xac: {  	v8 =	vld [tilespmem:s16+$0x8B0]  }
0xad: {  	v9 =	vld [tilespmem:s16+$0x8C0]  }
0xae: {  	v10 =	vld [tilespmem:s16+$0x8D0]  }
0xaf: {  	v5 =	vimm.f32 $0.0e+00  }
0xb0: {  	v3 =	vadd.f32 v3, v5  }
0xb1: {  	v22 =	vld [tilespmem:s16+$0x8E0];
	v18 =	vadd.f32 v4, v5;
	v15 =	vadd.f32 v6, v5  }
0xb2: {  	v14 =	vimm.f32 $0.0e+00;
	v21 =	vld [tilespmem:s16+$0x8F0];
	v16 =	vadd.f32 v7, v5;
	v17 =	vadd.f32 v8, v5  }
0xb3: {  	v11 =	vimm.f32 $0.0e+00;
	v19 =	vld [tilespmem:s16+$0xC80];
	v13 =	vadd.f32 v9, v5;
	v12 =	vadd.f32 v10, v5  }
0xb4: {  	v20 =	vld [tilespmem:s16+$0xC90];
	v10 =	vimm.f32 $0.0e+00;
	v9 =	vimm.f32 $0.0e+00;
	v7 =	vimm.f32 $0.0e+00  }
0xb5: {  	s18 =	simm.s32 $0x0;
	s17 =	simm.s32 $0x2;
	v23 =	vld [tilespmem:s16+$0xCA0];
	v8 =	vimm.f32 $0.0e+00;
	v6 =	vimm.f32 $0.0e+00;
	v4 =	vimm.f32 $0.0e+00  }
.LBB2_4:
0xb6: {  	p0 =	sne.s32 s17, $0xF;
	s18 =	smul.u32 $0x6000, s18;
	v5 =	vadd.f32 v22, v5;
	v22 =	vld [tilespmem:s16+$0xCB0]  }
0xb7: {  	s15 =	sadd.s32 $0x80, s15;
	v14 =	vadd.f32 v21, v14;
	v21 =	vld [tilespmem:s16+$0xCC0]  }
0xb8: {  	s19 =	sand.u32 $0x380, s15;
	s18 =	sshra.s32 s18, $0x2;
	v11 =	vadd.f32 v19, v11;
	v19 =	vld [tilespmem:s16+$0xCD0]  }
0xb9: {  	v10 =	vadd.f32 v20, v10;
	v20 =	vld [tilespmem:s16+$0xCE0];
	s16 =	sor.u32 s19, s18  }
0xba: {  	v24 =	vld [tilespmem:s16+$0xCF0];
	v9 =	vadd.f32 v23, v9  }
0xbb: {  	v23 =	vld [tilespmem:s16+$0x880];
	v7 =	vadd.f32 v22, v7  }
0xbc: {  	v22 =	vld [tilespmem:s16+$0x890];
	v8 =	vadd.f32 v21, v8  }
0xbd: {  	v21 =	vld [tilespmem:s16+$0x8A0];
	v6 =	vadd.f32 v19, v6  }
0xbe: {  	v19 =	vld [tilespmem:s16+$0x8B0];
	v4 =	vadd.f32 v20, v4  }
0xbf: {  	v20 =	vld [tilespmem:s16+$0x8C0];
	v3 =	vadd.f32 v24, v3  }
0xc0: {  	v18 =	vadd.f32 v23, v18;
	v23 =	vld [tilespmem:s16+$0x8D0]  }
.Ltmp1:
0xc1: {  	v15 =	vadd.f32 v22, v15;
	v22 =	vld [tilespmem:s16+$0x8E0];
	(pc) =	sbr.rel @p0 .LBB2_4-.Ltmp1, $4  }
0xc2: {  	v16 =	vadd.f32 v21, v16;
	v21 =	vld [tilespmem:s16+$0x8F0]  }
0xc3: {  	v17 =	vadd.f32 v19, v17;
	v19 =	vld [tilespmem:s16+$0xC80]  }
0xc4: {  	v13 =	vadd.f32 v20, v13;
	v20 =	vld [tilespmem:s16+$0xC90]  }
0xc5: {  	s18 =	sshrl.u32 s17, $0x3;
	s17 =	sadd.s32 $0x1, s17;
	v12 =	vadd.f32 v23, v12;
	v23 =	vld [tilespmem:s16+$0xCA0]  }
0xc6: {  	s17 =	smul.u32 $0x6000, s18;
	v24 =	vld [tilespmem:s16+$0xCB0]  }
0xc7: {  	v25 =	vld [tilespmem:s16+$0xCC0];
	s15 =	sadd.s32 $0x80, s15  }
0xc8: {  	v26 =	vld [tilespmem:s16+$0xCD0];
	s15 =	sand.u32 $0x380, s15;
	s17 =	sshra.s32 s17, $0x2  }
0xc9: {  	v27 =	vld [tilespmem:s16+$0xCE0];
	s15 =	sor.u32 s15, s17  }
0xca: {  	v28 =	vld [tilespmem:s15+$0xCF0]  }
0xcb: {  	v29 =	vld [tilespmem:s15+$0x880]  }
0xcc: {  	v30 =	vld [tilespmem:s15+$0x890]  }
0xcd: {  	v31 =	vld [tilespmem:s15+$0x8A0]  }
0xce: {  	v32 =	vld [tilespmem:s15+$0x8B0]  }
0xcf: {  	v33 =	vld [tilespmem:s15+$0x8C0]  }
0xd0: {  	v34 =	vld [tilespmem:s15+$0x8D0]  }
0xd1: {  	v35 =	vld [tilespmem:s15+$0x8E0]  }
0xd2: {  	v36 =	vld [tilespmem:s15+$0x8F0]  }
0xd3: {  	v37 =	vld [tilespmem:s15+$0xC80]  }
0xd4: {  	v38 =	vld [tilespmem:s15+$0xC90]  }
0xd5: {  	v39 =	vld [tilespmem:s15+$0xCA0]  }
0xd6: {  	v40 =	vld [tilespmem:s15+$0xCB0]  }
0xd7: {  	v41 =	vld [tilespmem:s15+$0xCC0];
	v18 =	vadd.f32 v29, v18  }
0xd8: {  	v62 =	vld [tilespmem:s15+$0xCD0];
	v15 =	vadd.f32 v30, v15  }
0xd9: {  	v63 =	vld [tilespmem:s15+$0xCE0];
	v16 =	vadd.f32 v31, v16;
	[tilespmem:$0xC180] =	vst v18  }
0xda: {  	v17 =	vadd.f32 v32, v17;
	[tilespmem:$0xC190] =	vst v15  }
0xdb: {  	v5 =	vadd.f32 v22, v5;
	v13 =	vadd.f32 v33, v13;
	[tilespmem:$0xC1A0] =	vst v16  }
0xdc: {  	v11 =	vadd.f32 v19, v11;
	v12 =	vadd.f32 v34, v12;
	[tilespmem:$0xC1B0] =	vst v17  }
0xdd: {  	v9 =	vadd.f32 v23, v9;
	v5 =	vadd.f32 v35, v5;
	[tilespmem:$0xC1C0] =	vst v13  }
0xde: {  	v6 =	vadd.f32 v26, v6;
	v11 =	vadd.f32 v37, v11;
	[tilespmem:$0xC1D0] =	vst v12  }
0xdf: {  	v4 =	vadd.f32 v27, v4;
	v9 =	vadd.f32 v39, v9;
	[tilespmem:$0xC1E0] =	vst v5  }
0xe0: {  	v6 =	vadd.f32 v62, v6;
	[tilespmem:$0xC200] =	vst v11  }
0xe1: {  	v14 =	vadd.f32 v21, v14;
	v4 =	vadd.f32 v63, v4;
	[tilespmem:$0xC220] =	vst v9  }
0xe2: {  	v10 =	vadd.f32 v20, v10;
	v3 =	vadd.f32 v28, v3;
	[tilespmem:$0xC250] =	vst v6  }
0xe3: {  	v13 =	vadd.f32 v36, v14;
	v5 =	vadd.f32 v24, v7;
	[tilespmem:$0xC260] =	vst v4  }
0xe4: {  	s18 =	simm.s32 $0x0;
	v8 =	vadd.f32 v25, v8;
	v7 =	vadd.f32 v38, v10;
	[tilespmem:$0xC270] =	vst v3  }
0xe5: {  	s19 =	smul.u32 $0x6000, s18;
	[tilespmem:$0xC1F0] =	vst v13;
	v5 =	vadd.f32 v40, v5  }
0xe6: {  	s15 =	simm.s32 $0x0;
	[tilespmem:$0xC210] =	vst v7;
	v7 =	vadd.f32 v41, v8  }
0xe7: {  	s16 =	sshra.s32 s19, $0x2;
	s20 =	sand.u32 $0x380, s15;
	[tilespmem:$0xC230] =	vst v5  }
0xe8: {  	s16 =	sor.u32 s20, s16;
	[tilespmem:$0xC240] =	vst v7  }
0xe9: {  	v3 =	vld [tilespmem:s16+$0x14F0]  }
0xea: {  	v4 =	vld [tilespmem:s16+$0x1080]  }
0xeb: {  	v6 =	vld [tilespmem:s16+$0x1090]  }
0xec: {  	v7 =	vld [tilespmem:s16+$0x10A0]  }
0xed: {  	v8 =	vld [tilespmem:s16+$0x10B0]  }
0xee: {  	v9 =	vld [tilespmem:s16+$0x10C0]  }
0xef: {  	v10 =	vld [tilespmem:s16+$0x10D0]  }
0xf0: {  	v5 =	vimm.f32 $0.0e+00  }
0xf1: {  	v3 =	vadd.f32 v3, v5  }
0xf2: {  	v22 =	vld [tilespmem:s16+$0x10E0];
	v18 =	vadd.f32 v4, v5;
	v15 =	vadd.f32 v6, v5  }
0xf3: {  	v14 =	vimm.f32 $0.0e+00;
	v21 =	vld [tilespmem:s16+$0x10F0];
	v16 =	vadd.f32 v7, v5;
	v17 =	vadd.f32 v8, v5  }
0xf4: {  	v11 =	vimm.f32 $0.0e+00;
	v19 =	vld [tilespmem:s16+$0x1480];
	v13 =	vadd.f32 v9, v5;
	v12 =	vadd.f32 v10, v5  }
0xf5: {  	v20 =	vld [tilespmem:s16+$0x1490];
	v10 =	vimm.f32 $0.0e+00;
	v9 =	vimm.f32 $0.0e+00;
	v7 =	vimm.f32 $0.0e+00  }
0xf6: {  	s18 =	simm.s32 $0x0;
	s17 =	simm.s32 $0x2;
	v23 =	vld [tilespmem:s16+$0x14A0];
	v8 =	vimm.f32 $0.0e+00;
	v6 =	vimm.f32 $0.0e+00;
	v4 =	vimm.f32 $0.0e+00  }
.LBB2_6:
0xf7: {  	p0 =	sne.s32 s17, $0xF;
	s18 =	smul.u32 $0x6000, s18;
	v5 =	vadd.f32 v22, v5;
	v22 =	vld [tilespmem:s16+$0x14B0]  }
0xf8: {  	s15 =	sadd.s32 $0x80, s15;
	v14 =	vadd.f32 v21, v14;
	v21 =	vld [tilespmem:s16+$0x14C0]  }
0xf9: {  	s19 =	sand.u32 $0x380, s15;
	s18 =	sshra.s32 s18, $0x2;
	v11 =	vadd.f32 v19, v11;
	v19 =	vld [tilespmem:s16+$0x14D0]  }
0xfa: {  	v10 =	vadd.f32 v20, v10;
	v20 =	vld [tilespmem:s16+$0x14E0];
	s16 =	sor.u32 s19, s18  }
0xfb: {  	v24 =	vld [tilespmem:s16+$0x14F0];
	v9 =	vadd.f32 v23, v9  }
0xfc: {  	v23 =	vld [tilespmem:s16+$0x1080];
	v7 =	vadd.f32 v22, v7  }
0xfd: {  	v22 =	vld [tilespmem:s16+$0x1090];
	v8 =	vadd.f32 v21, v8  }
0xfe: {  	v21 =	vld [tilespmem:s16+$0x10A0];
	v6 =	vadd.f32 v19, v6  }
0xff: {  	v19 =	vld [tilespmem:s16+$0x10B0];
	v4 =	vadd.f32 v20, v4  }
0x100: {  	v20 =	vld [tilespmem:s16+$0x10C0];
	v3 =	vadd.f32 v24, v3  }
0x101: {  	v18 =	vadd.f32 v23, v18;
	v23 =	vld [tilespmem:s16+$0x10D0]  }
.Ltmp2:
0x102: {  	v15 =	vadd.f32 v22, v15;
	v22 =	vld [tilespmem:s16+$0x10E0];
	(pc) =	sbr.rel @p0 .LBB2_6-.Ltmp2, $4  }
0x103: {  	v16 =	vadd.f32 v21, v16;
	v21 =	vld [tilespmem:s16+$0x10F0]  }
0x104: {  	v17 =	vadd.f32 v19, v17;
	v19 =	vld [tilespmem:s16+$0x1480]  }
0x105: {  	v13 =	vadd.f32 v20, v13;
	v20 =	vld [tilespmem:s16+$0x1490]  }
0x106: {  	s18 =	sshrl.u32 s17, $0x3;
	s17 =	sadd.s32 $0x1, s17;
	v12 =	vadd.f32 v23, v12;
	v23 =	vld [tilespmem:s16+$0x14A0]  }
0x107: {  	s17 =	smul.u32 $0x6000, s18;
	v24 =	vld [tilespmem:s16+$0x14B0]  }
0x108: {  	v25 =	vld [tilespmem:s16+$0x14C0];
	s15 =	sadd.s32 $0x80, s15  }
0x109: {  	v26 =	vld [tilespmem:s16+$0x14D0];
	s15 =	sand.u32 $0x380, s15;
	s17 =	sshra.s32 s17, $0x2  }
0x10a: {  	v27 =	vld [tilespmem:s16+$0x14E0];
	s15 =	sor.u32 s15, s17  }
0x10b: {  	v28 =	vld [tilespmem:s15+$0x14F0]  }
0x10c: {  	v29 =	vld [tilespmem:s15+$0x1080]  }
0x10d: {  	v30 =	vld [tilespmem:s15+$0x1090]  }
0x10e: {  	v31 =	vld [tilespmem:s15+$0x10A0]  }
0x10f: {  	v32 =	vld [tilespmem:s15+$0x10B0]  }
0x110: {  	v33 =	vld [tilespmem:s15+$0x10C0]  }
0x111: {  	v34 =	vld [tilespmem:s15+$0x10D0]  }
0x112: {  	v35 =	vld [tilespmem:s15+$0x10E0]  }
0x113: {  	v36 =	vld [tilespmem:s15+$0x10F0]  }
0x114: {  	v37 =	vld [tilespmem:s15+$0x1480]  }
0x115: {  	v38 =	vld [tilespmem:s15+$0x1490]  }
0x116: {  	v39 =	vld [tilespmem:s15+$0x14A0]  }
0x117: {  	v40 =	vld [tilespmem:s15+$0x14B0]  }
0x118: {  	v41 =	vld [tilespmem:s15+$0x14C0];
	v18 =	vadd.f32 v29, v18  }
0x119: {  	v62 =	vld [tilespmem:s15+$0x14D0];
	v15 =	vadd.f32 v30, v15  }
0x11a: {  	v63 =	vld [tilespmem:s15+$0x14E0];
	v16 =	vadd.f32 v31, v16;
	[tilespmem:$0xC280] =	vst v18  }
0x11b: {  	v17 =	vadd.f32 v32, v17;
	[tilespmem:$0xC290] =	vst v15  }
0x11c: {  	v5 =	vadd.f32 v22, v5;
	v13 =	vadd.f32 v33, v13;
	[tilespmem:$0xC2A0] =	vst v16  }
0x11d: {  	v11 =	vadd.f32 v19, v11;
	v12 =	vadd.f32 v34, v12;
	[tilespmem:$0xC2B0] =	vst v17  }
0x11e: {  	v9 =	vadd.f32 v23, v9;
	v5 =	vadd.f32 v35, v5;
	[tilespmem:$0xC2C0] =	vst v13  }
0x11f: {  	v6 =	vadd.f32 v26, v6;
	v11 =	vadd.f32 v37, v11;
	[tilespmem:$0xC2D0] =	vst v12  }
0x120: {  	v4 =	vadd.f32 v27, v4;
	v9 =	vadd.f32 v39, v9;
	[tilespmem:$0xC2E0] =	vst v5  }
0x121: {  	v6 =	vadd.f32 v62, v6;
	[tilespmem:$0xC300] =	vst v11  }
0x122: {  	v14 =	vadd.f32 v21, v14;
	v4 =	vadd.f32 v63, v4;
	[tilespmem:$0xC320] =	vst v9  }
0x123: {  	v10 =	vadd.f32 v20, v10;
	v3 =	vadd.f32 v28, v3;
	[tilespmem:$0xC350] =	vst v6  }
0x124: {  	v13 =	vadd.f32 v36, v14;
	v5 =	vadd.f32 v24, v7;
	[tilespmem:$0xC360] =	vst v4  }
0x125: {  	v8 =	vadd.f32 v25, v8;
	v7 =	vadd.f32 v38, v10;
	[tilespmem:$0xC370] =	vst v3  }
0x126: {  	[tilespmem:$0xC2F0] =	vst v13;
	v5 =	vadd.f32 v40, v5  }
0x127: {  	[tilespmem:$0xC310] =	vst v7;
	v7 =	vadd.f32 v41, v8  }
0x128: {  	s17 =	simm.s32 $0x0;
	[tilespmem:$0xC330] =	vst v5  }
0x129: {  	s19 =	simm.s32 $0x2;
	s18 =	smul.u32 $0x6000, s17;
	[tilespmem:$0xC340] =	vst v7  }
0x12a: {  	s15 =	simm.s32 $0x0;
	_ =	swait.ge [sflag:s19], $0x3000  }
0x12b: {  	s20 =	sand.u32 $0x380, s15;
	s16 =	sshra.s32 s18, $0x2;
	[sflag:s19] =	ssyncset.done $0x0  }
0x12c: {  	s16 =	sor.u32 s20, s16;
	[sflag:s19] =	ssyncadd.s32 $0xFFFFD000  }
0x12d: {  	v3 =	vld [tilespmem:s16+$0x34F0]  }
0x12e: {  	v4 =	vld [tilespmem:s16+$0x3080]  }
0x12f: {  	v6 =	vld [tilespmem:s16+$0x3090]  }
0x130: {  	v7 =	vld [tilespmem:s16+$0x30A0]  }
0x131: {  	v8 =	vld [tilespmem:s16+$0x30B0]  }
0x132: {  	v9 =	vld [tilespmem:s16+$0x30C0]  }
0x133: {  	v10 =	vld [tilespmem:s16+$0x30D0]  }
0x134: {  	v5 =	vimm.f32 $0.0e+00  }
0x135: {  	v3 =	vadd.f32 v3, v5  }
0x136: {  	v22 =	vld [tilespmem:s16+$0x30E0];
	v18 =	vadd.f32 v4, v5;
	v15 =	vadd.f32 v6, v5  }
0x137: {  	v14 =	vimm.f32 $0.0e+00;
	v21 =	vld [tilespmem:s16+$0x30F0];
	v16 =	vadd.f32 v7, v5;
	v17 =	vadd.f32 v8, v5  }
0x138: {  	v11 =	vimm.f32 $0.0e+00;
	v19 =	vld [tilespmem:s16+$0x3480];
	v13 =	vadd.f32 v9, v5;
	v12 =	vadd.f32 v10, v5  }
0x139: {  	v20 =	vld [tilespmem:s16+$0x3490];
	v10 =	vimm.f32 $0.0e+00;
	v9 =	vimm.f32 $0.0e+00;
	v7 =	vimm.f32 $0.0e+00  }
0x13a: {  	s17 =	simm.s32 $0x2;
	s18 =	simm.s32 $0x0;
	v23 =	vld [tilespmem:s16+$0x34A0];
	v8 =	vimm.f32 $0.0e+00;
	v6 =	vimm.f32 $0.0e+00;
	v4 =	vimm.f32 $0.0e+00  }
.LBB2_8:
0x13b: {  	p0 =	sne.s32 s17, $0xF;
	s18 =	smul.u32 $0x6000, s18;
	v5 =	vadd.f32 v22, v5;
	v22 =	vld [tilespmem:s16+$0x34B0]  }
0x13c: {  	s15 =	sadd.s32 $0x80, s15;
	v14 =	vadd.f32 v21, v14;
	v21 =	vld [tilespmem:s16+$0x34C0]  }
0x13d: {  	s19 =	sand.u32 $0x380, s15;
	s18 =	sshra.s32 s18, $0x2;
	v11 =	vadd.f32 v19, v11;
	v19 =	vld [tilespmem:s16+$0x34D0]  }
0x13e: {  	v10 =	vadd.f32 v20, v10;
	v20 =	vld [tilespmem:s16+$0x34E0];
	s16 =	sor.u32 s19, s18  }
0x13f: {  	v24 =	vld [tilespmem:s16+$0x34F0];
	v9 =	vadd.f32 v23, v9  }
0x140: {  	v23 =	vld [tilespmem:s16+$0x3080];
	v7 =	vadd.f32 v22, v7  }
0x141: {  	v22 =	vld [tilespmem:s16+$0x3090];
	v8 =	vadd.f32 v21, v8  }
0x142: {  	v21 =	vld [tilespmem:s16+$0x30A0];
	v6 =	vadd.f32 v19, v6  }
0x143: {  	v19 =	vld [tilespmem:s16+$0x30B0];
	v4 =	vadd.f32 v20, v4  }
0x144: {  	v20 =	vld [tilespmem:s16+$0x30C0];
	v3 =	vadd.f32 v24, v3  }
0x145: {  	v18 =	vadd.f32 v23, v18;
	v23 =	vld [tilespmem:s16+$0x30D0]  }
.Ltmp3:
0x146: {  	v15 =	vadd.f32 v22, v15;
	v22 =	vld [tilespmem:s16+$0x30E0];
	(pc) =	sbr.rel @p0 .LBB2_8-.Ltmp3, $4  }
0x147: {  	v16 =	vadd.f32 v21, v16;
	v21 =	vld [tilespmem:s16+$0x30F0]  }
0x148: {  	v17 =	vadd.f32 v19, v17;
	v19 =	vld [tilespmem:s16+$0x3480]  }
0x149: {  	v13 =	vadd.f32 v20, v13;
	v20 =	vld [tilespmem:s16+$0x3490]  }
0x14a: {  	s18 =	sshrl.u32 s17, $0x3;
	s17 =	sadd.s32 $0x1, s17;
	v12 =	vadd.f32 v23, v12;
	v23 =	vld [tilespmem:s16+$0x34A0]  }
0x14b: {  	s17 =	smul.u32 $0x6000, s18;
	v24 =	vld [tilespmem:s16+$0x34B0]  }
0x14c: {  	v25 =	vld [tilespmem:s16+$0x34C0];
	s15 =	sadd.s32 $0x80, s15  }
0x14d: {  	v26 =	vld [tilespmem:s16+$0x34D0];
	s15 =	sand.u32 $0x380, s15;
	s17 =	sshra.s32 s17, $0x2  }
0x14e: {  	v27 =	vld [tilespmem:s16+$0x34E0];
	s15 =	sor.u32 s15, s17  }
0x14f: {  	v28 =	vld [tilespmem:s15+$0x34F0]  }
0x150: {  	v29 =	vld [tilespmem:s15+$0x3080]  }
0x151: {  	v30 =	vld [tilespmem:s15+$0x3090]  }
0x152: {  	v31 =	vld [tilespmem:s15+$0x30A0]  }
0x153: {  	v32 =	vld [tilespmem:s15+$0x30B0]  }
0x154: {  	v33 =	vld [tilespmem:s15+$0x30C0]  }
0x155: {  	v34 =	vld [tilespmem:s15+$0x30D0]  }
0x156: {  	v35 =	vld [tilespmem:s15+$0x30E0]  }
0x157: {  	v36 =	vld [tilespmem:s15+$0x30F0]  }
0x158: {  	v37 =	vld [tilespmem:s15+$0x3480]  }
0x159: {  	v38 =	vld [tilespmem:s15+$0x3490]  }
0x15a: {  	v39 =	vld [tilespmem:s15+$0x34A0]  }
0x15b: {  	v40 =	vld [tilespmem:s15+$0x34B0]  }
0x15c: {  	v41 =	vld [tilespmem:s15+$0x34C0]  }
0x15d: {  	v62 =	vld [tilespmem:s15+$0x34D0];
	v18 =	vadd.f32 v29, v18  }
0x15e: {  	v63 =	vld [tilespmem:s15+$0x34E0];
	v15 =	vadd.f32 v30, v15  }
0x15f: {  	s17 =	simm.s32 $0xC090;
	v16 =	vadd.f32 v31, v16;
	[tilespmem:s14+$0x0] =	vst.add.f32.msk $0xffff, v18  }
0x160: {  	s18 =	simm.s32 $0xC0A0;
	v17 =	vadd.f32 v32, v17;
	[tilespmem:s17+$0x0] =	vst.add.f32.msk $0xffff, v15  }
0x161: {  	v5 =	vadd.f32 v22, v5;
	s19 =	simm.s32 $0xC0B0;
	v13 =	vadd.f32 v33, v13;
	[tilespmem:s18+$0x0] =	vst.add.f32.msk $0xffff, v16  }
0x162: {  	s20 =	simm.s32 $0xC0C0;
	v14 =	vadd.f32 v21, v14;
	v12 =	vadd.f32 v34, v12;
	[tilespmem:s19+$0x0] =	vst.add.f32.msk $0xffff, v17  }
0x163: {  	s16 =	simm.s32 $0xC0D0;
	v11 =	vadd.f32 v19, v11;
	v5 =	vadd.f32 v35, v5;
	[tilespmem:s20+$0x0] =	vst.add.f32.msk $0xffff, v13  }
0x164: {  	v10 =	vadd.f32 v20, v10;
	s17 =	simm.s32 $0xC0E0;
	v13 =	vadd.f32 v36, v14;
	[tilespmem:s16+$0x0] =	vst.add.f32.msk $0xffff, v12  }
0x165: {  	v9 =	vadd.f32 v23, v9;
	v11 =	vadd.f32 v37, v11;
	s18 =	simm.s32 $0xC0F0;
	[tilespmem:s17+$0x0] =	vst.add.f32.msk $0xffff, v5  }
0x166: {  	s19 =	simm.s32 $0xC100;
	v5 =	vadd.f32 v24, v7;
	v7 =	vadd.f32 v38, v10;
	[tilespmem:s18+$0x0] =	vst.add.f32.msk $0xffff, v13  }
0x167: {  	v8 =	vadd.f32 v25, v8;
	v9 =	vadd.f32 v39, v9;
	s20 =	simm.s32 $0xC110;
	[tilespmem:s19+$0x0] =	vst.add.f32.msk $0xffff, v11  }
0x168: {  	v6 =	vadd.f32 v26, v6;
	s16 =	simm.s32 $0xC120;
	v5 =	vadd.f32 v40, v5;
	[tilespmem:s20+$0x0] =	vst.add.f32.msk $0xffff, v7  }
0x169: {  	v4 =	vadd.f32 v27, v4;
	s17 =	simm.s32 $0xC130;
	v7 =	vadd.f32 v41, v8;
	[tilespmem:s16+$0x0] =	vst.add.f32.msk $0xffff, v9  }
0x16a: {  	v6 =	vadd.f32 v62, v6;
	s18 =	simm.s32 $0x0;
	s19 =	simm.s32 $0xC140;
	[tilespmem:s17+$0x0] =	vst.add.f32.msk $0xffff, v5  }
0x16b: {  	v4 =	vadd.f32 v63, v4;
	s20 =	smul.u32 $0x6000, s18;
	s17 =	simm.s32 $0xC150;
	[tilespmem:s19+$0x0] =	vst.add.f32.msk $0xffff, v7  }
0x16c: {  	s15 =	simm.s32 $0x0;
	v3 =	vadd.f32 v28, v3;
	s18 =	simm.s32 $0xC160;
	[tilespmem:s17+$0x0] =	vst.add.f32.msk $0xffff, v6  }
0x16d: {  	s16 =	sshra.s32 s20, $0x2;
	s20 =	simm.s32 $0xC170;
	s19 =	sand.u32 $0x380, s15;
	[tilespmem:s18+$0x0] =	vst.add.f32.msk $0xffff, v4  }
0x16e: {  	s16 =	sor.u32 s19, s16;
	[tilespmem:s20+$0x0] =	vst.add.f32.msk $0xffff, v3  }
0x16f: {  	v3 =	vld [tilespmem:s16+$0x3CF0]  }
0x170: {  	v4 =	vld [tilespmem:s16+$0x3880]  }
0x171: {  	v6 =	vld [tilespmem:s16+$0x3890]  }
0x172: {  	v7 =	vld [tilespmem:s16+$0x38A0]  }
0x173: {  	v8 =	vld [tilespmem:s16+$0x38B0]  }
0x174: {  	v9 =	vld [tilespmem:s16+$0x38C0]  }
0x175: {  	v10 =	vld [tilespmem:s16+$0x38D0]  }
0x176: {  	v5 =	vimm.f32 $0.0e+00  }
0x177: {  	v3 =	vadd.f32 v3, v5  }
0x178: {  	v22 =	vld [tilespmem:s16+$0x38E0];
	v18 =	vadd.f32 v4, v5;
	v15 =	vadd.f32 v6, v5  }
0x179: {  	v14 =	vimm.f32 $0.0e+00;
	v21 =	vld [tilespmem:s16+$0x38F0];
	v16 =	vadd.f32 v7, v5;
	v17 =	vadd.f32 v8, v5  }
0x17a: {  	v11 =	vimm.f32 $0.0e+00;
	v19 =	vld [tilespmem:s16+$0x3C80];
	v13 =	vadd.f32 v9, v5;
	v12 =	vadd.f32 v10, v5  }
0x17b: {  	v20 =	vld [tilespmem:s16+$0x3C90];
	v10 =	vimm.f32 $0.0e+00;
	v9 =	vimm.f32 $0.0e+00;
	v7 =	vimm.f32 $0.0e+00  }
0x17c: {  	s17 =	simm.s32 $0x2;
	s18 =	simm.s32 $0x0;
	v23 =	vld [tilespmem:s16+$0x3CA0];
	v8 =	vimm.f32 $0.0e+00;
	v6 =	vimm.f32 $0.0e+00;
	v4 =	vimm.f32 $0.0e+00  }
.LBB2_10:
0x17d: {  	p0 =	sne.s32 s17, $0xF;
	s18 =	smul.u32 $0x6000, s18;
	v5 =	vadd.f32 v22, v5;
	v22 =	vld [tilespmem:s16+$0x3CB0]  }
0x17e: {  	s15 =	sadd.s32 $0x80, s15;
	v14 =	vadd.f32 v21, v14;
	v21 =	vld [tilespmem:s16+$0x3CC0]  }
0x17f: {  	s19 =	sand.u32 $0x380, s15;
	s18 =	sshra.s32 s18, $0x2;
	v11 =	vadd.f32 v19, v11;
	v19 =	vld [tilespmem:s16+$0x3CD0]  }
0x180: {  	v10 =	vadd.f32 v20, v10;
	v20 =	vld [tilespmem:s16+$0x3CE0];
	s16 =	sor.u32 s19, s18  }
0x181: {  	v24 =	vld [tilespmem:s16+$0x3CF0];
	v9 =	vadd.f32 v23, v9  }
0x182: {  	v23 =	vld [tilespmem:s16+$0x3880];
	v7 =	vadd.f32 v22, v7  }
0x183: {  	v22 =	vld [tilespmem:s16+$0x3890];
	v8 =	vadd.f32 v21, v8  }
0x184: {  	v21 =	vld [tilespmem:s16+$0x38A0];
	v6 =	vadd.f32 v19, v6  }
0x185: {  	v19 =	vld [tilespmem:s16+$0x38B0];
	v4 =	vadd.f32 v20, v4  }
0x186: {  	v20 =	vld [tilespmem:s16+$0x38C0];
	v3 =	vadd.f32 v24, v3  }
0x187: {  	v18 =	vadd.f32 v23, v18;
	v23 =	vld [tilespmem:s16+$0x38D0]  }
.Ltmp4:
0x188: {  	v15 =	vadd.f32 v22, v15;
	v22 =	vld [tilespmem:s16+$0x38E0];
	(pc) =	sbr.rel @p0 .LBB2_10-.Ltmp4, $4  }
0x189: {  	v16 =	vadd.f32 v21, v16;
	v21 =	vld [tilespmem:s16+$0x38F0]  }
0x18a: {  	v17 =	vadd.f32 v19, v17;
	v19 =	vld [tilespmem:s16+$0x3C80]  }
0x18b: {  	v13 =	vadd.f32 v20, v13;
	v20 =	vld [tilespmem:s16+$0x3C90]  }
0x18c: {  	s18 =	sshrl.u32 s17, $0x3;
	s17 =	sadd.s32 $0x1, s17;
	v12 =	vadd.f32 v23, v12;
	v23 =	vld [tilespmem:s16+$0x3CA0]  }
0x18d: {  	s17 =	smul.u32 $0x6000, s18;
	v24 =	vld [tilespmem:s16+$0x3CB0]  }
0x18e: {  	v25 =	vld [tilespmem:s16+$0x3CC0];
	s15 =	sadd.s32 $0x80, s15  }
0x18f: {  	v26 =	vld [tilespmem:s16+$0x3CD0];
	s15 =	sand.u32 $0x380, s15;
	s17 =	sshra.s32 s17, $0x2  }
0x190: {  	v27 =	vld [tilespmem:s16+$0x3CE0];
	s15 =	sor.u32 s15, s17  }
0x191: {  	v28 =	vld [tilespmem:s15+$0x3CF0]  }
0x192: {  	v29 =	vld [tilespmem:s15+$0x3880]  }
0x193: {  	v30 =	vld [tilespmem:s15+$0x3890]  }
0x194: {  	v31 =	vld [tilespmem:s15+$0x38A0]  }
0x195: {  	v32 =	vld [tilespmem:s15+$0x38B0]  }
0x196: {  	v33 =	vld [tilespmem:s15+$0x38C0]  }
0x197: {  	v34 =	vld [tilespmem:s15+$0x38D0]  }
0x198: {  	v35 =	vld [tilespmem:s15+$0x38E0]  }
0x199: {  	v36 =	vld [tilespmem:s15+$0x38F0]  }
0x19a: {  	v37 =	vld [tilespmem:s15+$0x3C80]  }
0x19b: {  	v38 =	vld [tilespmem:s15+$0x3C90]  }
0x19c: {  	v39 =	vld [tilespmem:s15+$0x3CA0]  }
0x19d: {  	v40 =	vld [tilespmem:s15+$0x3CB0]  }
0x19e: {  	v41 =	vld [tilespmem:s15+$0x3CC0]  }
0x19f: {  	v62 =	vld [tilespmem:s15+$0x3CD0];
	v18 =	vadd.f32 v29, v18  }
0x1a0: {  	s18 =	simm.s32 $0xC180;
	v63 =	vld [tilespmem:s15+$0x3CE0];
	v15 =	vadd.f32 v30, v15  }
0x1a1: {  	s19 =	simm.s32 $0xC190;
	v16 =	vadd.f32 v31, v16;
	[tilespmem:s18+$0x0] =	vst.add.f32.msk $0xffff, v18  }
0x1a2: {  	s20 =	simm.s32 $0xC1A0;
	v17 =	vadd.f32 v32, v17;
	[tilespmem:s19+$0x0] =	vst.add.f32.msk $0xffff, v15  }
0x1a3: {  	v5 =	vadd.f32 v22, v5;
	s16 =	simm.s32 $0xC1B0;
	v13 =	vadd.f32 v33, v13;
	[tilespmem:s20+$0x0] =	vst.add.f32.msk $0xffff, v16  }
0x1a4: {  	v14 =	vadd.f32 v21, v14;
	s17 =	simm.s32 $0xC1C0;
	v12 =	vadd.f32 v34, v12;
	[tilespmem:s16+$0x0] =	vst.add.f32.msk $0xffff, v17  }
0x1a5: {  	v11 =	vadd.f32 v19, v11;
	v5 =	vadd.f32 v35, v5;
	s18 =	simm.s32 $0xC1D0;
	[tilespmem:s17+$0x0] =	vst.add.f32.msk $0xffff, v13  }
0x1a6: {  	v10 =	vadd.f32 v20, v10;
	s19 =	simm.s32 $0xC1E0;
	v13 =	vadd.f32 v36, v14;
	[tilespmem:s18+$0x0] =	vst.add.f32.msk $0xffff, v12  }
0x1a7: {  	v9 =	vadd.f32 v23, v9;
	v11 =	vadd.f32 v37, v11;
	s20 =	simm.s32 $0xC1F0;
	[tilespmem:s19+$0x0] =	vst.add.f32.msk $0xffff, v5  }
0x1a8: {  	s16 =	simm.s32 $0xC200;
	v5 =	vadd.f32 v24, v7;
	v7 =	vadd.f32 v38, v10;
	[tilespmem:s20+$0x0] =	vst.add.f32.msk $0xffff, v13  }
0x1a9: {  	v8 =	vadd.f32 v25, v8;
	v9 =	vadd.f32 v39, v9;
	s17 =	simm.s32 $0xC210;
	[tilespmem:s16+$0x0] =	vst.add.f32.msk $0xffff, v11  }
0x1aa: {  	v6 =	vadd.f32 v26, v6;
	s18 =	simm.s32 $0xC220;
	v5 =	vadd.f32 v40, v5;
	[tilespmem:s17+$0x0] =	vst.add.f32.msk $0xffff, v7  }
0x1ab: {  	v4 =	vadd.f32 v27, v4;
	s19 =	simm.s32 $0xC230;
	v7 =	vadd.f32 v41, v8;
	[tilespmem:s18+$0x0] =	vst.add.f32.msk $0xffff, v9  }
0x1ac: {  	v6 =	vadd.f32 v62, v6;
	s20 =	simm.s32 $0x0;
	s17 =	simm.s32 $0xC240;
	[tilespmem:s19+$0x0] =	vst.add.f32.msk $0xffff, v5  }
0x1ad: {  	v4 =	vadd.f32 v63, v4;
	s16 =	smul.u32 $0x1800, s20;
	s18 =	simm.s32 $0xC250;
	[tilespmem:s17+$0x0] =	vst.add.f32.msk $0xffff, v7  }
0x1ae: {  	s15 =	simm.s32 $0x0;
	v3 =	vadd.f32 v28, v3;
	s19 =	simm.s32 $0xC260;
	[tilespmem:s18+$0x0] =	vst.add.f32.msk $0xffff, v6  }
0x1af: {  	s20 =	sor.u32 s16, s15;
	[tilespmem:s19+$0x0] =	vst.add.f32.msk $0xffff, v4;
	s19 =	simm.s32 $0xC270  }
0x1b0: {  	s17 =	sor.u32 $0x4400, s20;
	[tilespmem:s19+$0x0] =	vst.add.f32.msk $0xffff, v3  }
0x1b1: {  	v3 =	vld [tilespmem:s17+$0xF0]  }
0x1b2: {  	v5 =	vld [tilespmem:s17+$0x80]  }
0x1b3: {  	v6 =	vld [tilespmem:s17+$0x90]  }
0x1b4: {  	v9 =	vld [tilespmem:s17+$0xA0]  }
0x1b5: {  	v10 =	vld [tilespmem:s17+$0xB0]  }
0x1b6: {  	v11 =	vld [tilespmem:s17+$0xC0]  }
0x1b7: {  	v19 =	vimm.f32 $0.0e+00;
	s20 =	sand.u32 $0x380, s15;
	v12 =	vld [tilespmem:s17+$0xD0]  }
0x1b8: {  	v18 =	vimm.f32 $0.0e+00;
	v16 =	vimm.f32 $0.0e+00;
	s16 =	sor.u32 s20, s16;
	v4 =	vimm.f32 $0.0e+00;
	v15 =	vld [tilespmem:s17+$0xE0]  }
0x1b9: {  	v17 =	vimm.f32 $0.0e+00;
	v22 =	vld [tilespmem:s16+$0x4080];
	v3 =	vadd.f32 v3, v4;
	v7 =	vadd.f32 v5, v4  }
0x1ba: {  	v14 =	vimm.f32 $0.0e+00;
	v20 =	vld [tilespmem:s16+$0x4090];
	v8 =	vadd.f32 v6, v4;
	v9 =	vadd.f32 v9, v4  }
0x1bb: {  	v13 =	vimm.f32 $0.0e+00;
	v21 =	vld [tilespmem:s16+$0x40A0];
	v10 =	vadd.f32 v10, v4;
	v5 =	vadd.f32 v11, v4  }
0x1bc: {  	s18 =	simm.s32 $0x0;
	s17 =	simm.s32 $0x2;
	v23 =	vld [tilespmem:s16+$0x40B0];
	v6 =	vadd.f32 v12, v4;
	v12 =	vimm.f32 $0.0e+00;
	v11 =	vimm.f32 $0.0e+00  }
.LBB2_12:
0x1bd: {  	p0 =	sne.s32 s17, $0xF;
	s18 =	smul.u32 $0x1800, s18;
	v24 =	vld [tilespmem:s16+$0x40C0];
	v4 =	vadd.f32 v15, v4  }
0x1be: {  	s15 =	sadd.s32 $0x80, s15;
	v19 =	vadd.f32 v22, v19;
	v15 =	vld [tilespmem:s16+$0x40D0]  }
0x1bf: {  	s19 =	sand.u32 $0x380, s15;
	s20 =	sor.u32 s18, s15;
	v17 =	vadd.f32 v20, v17;
	v20 =	vld [tilespmem:s16+$0x40E0]  }
0x1c0: {  	s20 =	sor.u32 $0x4400, s20;
	v18 =	vadd.f32 v21, v18;
	v21 =	vld [tilespmem:s16+$0x40F0];
	s16 =	sor.u32 s19, s18  }
0x1c1: {  	v22 =	vld [tilespmem:s20+$0xF0];
	v16 =	vadd.f32 v23, v16  }
0x1c2: {  	v23 =	vld [tilespmem:s20+$0x80];
	v13 =	vadd.f32 v24, v13  }
0x1c3: {  	v24 =	vld [tilespmem:s20+$0x90];
	v14 =	vadd.f32 v15, v14  }
0x1c4: {  	v25 =	vld [tilespmem:s20+$0xA0];
	v12 =	vadd.f32 v20, v12  }
0x1c5: {  	v26 =	vld [tilespmem:s20+$0xB0];
	v11 =	vadd.f32 v21, v11  }
0x1c6: {  	v27 =	vld [tilespmem:s20+$0xC0];
	v3 =	vadd.f32 v22, v3  }
0x1c7: {  	v7 =	vadd.f32 v23, v7;
	v28 =	vld [tilespmem:s20+$0xD0]  }
.Ltmp5:
0x1c8: {  	v8 =	vadd.f32 v24, v8;
	v15 =	vld [tilespmem:s20+$0xE0];
	(pc) =	sbr.rel @p0 .LBB2_12-.Ltmp5, $4  }
0x1c9: {  	v22 =	vld [tilespmem:s16+$0x4080];
	v9 =	vadd.f32 v25, v9  }
0x1ca: {  	v20 =	vld [tilespmem:s16+$0x4090];
	v10 =	vadd.f32 v26, v10  }
0x1cb: {  	v21 =	vld [tilespmem:s16+$0x40A0];
	v5 =	vadd.f32 v27, v5  }
0x1cc: {  	s18 =	sshrl.u32 s17, $0x3;
	s17 =	sadd.s32 $0x1, s17;
	v23 =	vld [tilespmem:s16+$0x40B0];
	v6 =	vadd.f32 v28, v6  }
0x1cd: {  	s17 =	smul.u32 $0x1800, s18;
	v24 =	vld [tilespmem:s16+$0x40C0]  }
0x1ce: {  	v25 =	vld [tilespmem:s16+$0x40D0];
	s15 =	sadd.s32 $0x80, s15  }
0x1cf: {  	v26 =	vld [tilespmem:s16+$0x40E0];
	s18 =	sor.u32 s17, s15  }
0x1d0: {  	v27 =	vld [tilespmem:s16+$0x40F0];
	s18 =	sor.u32 $0x4400, s18  }
0x1d1: {  	v28 =	vld [tilespmem:s18+$0xF0]  }
0x1d2: {  	v29 =	vld [tilespmem:s18+$0x80]  }
0x1d3: {  	v30 =	vld [tilespmem:s18+$0x90]  }
0x1d4: {  	v31 =	vld [tilespmem:s18+$0xA0]  }
0x1d5: {  	v32 =	vld [tilespmem:s18+$0xB0]  }
0x1d6: {  	v33 =	vld [tilespmem:s18+$0xC0]  }
0x1d7: {  	s15 =	sand.u32 $0x380, s15;
	v34 =	vld [tilespmem:s18+$0xD0]  }
0x1d8: {  	s15 =	sor.u32 s15, s17;
	v35 =	vld [tilespmem:s18+$0xE0]  }
0x1d9: {  	v36 =	vld [tilespmem:s15+$0x4080]  }
0x1da: {  	v37 =	vld [tilespmem:s15+$0x4090]  }
0x1db: {  	v38 =	vld [tilespmem:s15+$0x40A0]  }
0x1dc: {  	v39 =	vld [tilespmem:s15+$0x40B0]  }
0x1dd: {  	v19 =	vadd.f32 v22, v19;
	v22 =	vld [tilespmem:s15+$0x40C0]  }
0x1de: {  	v17 =	vadd.f32 v20, v17;
	v20 =	vld [tilespmem:s15+$0x40D0]  }
0x1df: {  	v18 =	vadd.f32 v21, v18;
	v21 =	vld [tilespmem:s15+$0x40E0];
	v19 =	vadd.f32 v36, v19  }
0x1e0: {  	v16 =	vadd.f32 v23, v16;
	v23 =	vld [tilespmem:s15+$0x40F0];
	v17 =	vadd.f32 v37, v17  }
0x1e1: {  	v13 =	vadd.f32 v24, v13;
	v18 =	vadd.f32 v38, v18;
	[tilespmem:s21+$0x0] =	vst.add.f32.msk $0xffff, v19  }
0x1e2: {  	v14 =	vadd.f32 v25, v14;
	v16 =	vadd.f32 v39, v16;
	[tilespmem:s22+$0x0] =	vst.add.f32.msk $0xffff, v17  }
0x1e3: {  	v12 =	vadd.f32 v26, v12;
	v13 =	vadd.f32 v22, v13;
	[tilespmem:s23+$0x0] =	vst.add.f32.msk $0xffff, v18  }
0x1e4: {  	v11 =	vadd.f32 v27, v11;
	v14 =	vadd.f32 v20, v14;
	[tilespmem:s24+$0x0] =	vst.add.f32.msk $0xffff, v16  }
0x1e5: {  	v12 =	vadd.f32 v21, v12;
	[tilespmem:s25+$0x0] =	vst.add.f32.msk $0xffff, v13  }
0x1e6: {  	v11 =	vadd.f32 v23, v11;
	[tilespmem:s26+$0x0] =	vst.add.f32.msk $0xffff, v14  }
0x1e7: {  	v7 =	vadd.f32 v29, v7;
	[tilespmem:s28+$0x0] =	vst.add.f32.msk $0xffff, v12  }
0x1e8: {  	v8 =	vadd.f32 v30, v8;
	[tilespmem:s29+$0x0] =	vst.add.f32.msk $0xffff, v11  }
0x1e9: {  	v9 =	vadd.f32 v31, v9;
	[tilespmem:s30+$0x0] =	vst.add.f32.msk $0xffff, v7  }
0x1ea: {  	v7 =	vadd.f32 v32, v10;
	[tilespmem:s31+$0x0] =	vst.add.f32.msk $0xffff, v8  }
0x1eb: {  	v4 =	vadd.f32 v15, v4;
	v5 =	vadd.f32 v33, v5;
	[tilespmem:s1+$0x0] =	vst.add.f32.msk $0xffff, v9  }
0x1ec: {  	v6 =	vadd.f32 v34, v6;
	[tilespmem:s0+$0x0] =	vst.add.f32.msk $0xffff, v7  }
0x1ed: {  	v4 =	vadd.f32 v35, v4;
	[tilespmem:s11+$0x0] =	vst.add.f32.msk $0xffff, v5  }
0x1ee: {  	v3 =	vadd.f32 v28, v3;
	[tilespmem:s10+$0x0] =	vst.add.f32.msk $0xffff, v6  }
0x1ef: {  	s18 =	simm.s32 $0x0;
	[tilespmem:s4+$0x0] =	vst.add.f32.msk $0xffff, v4  }
0x1f0: {  	s19 =	smul.u32 $0x6000, s18;
	[tilespmem:s7+$0x0] =	vst.add.f32.msk $0xffff, v3  }
0x1f1: {  	s15 =	simm.s32 $0x0;
	_ =	swait.ge [sflag:s8], $0x3000  }
0x1f2: {  	s20 =	sand.u32 $0x380, s15;
	s16 =	sshra.s32 s19, $0x2;
	[sflag:s8] =	ssyncset.done $0x0  }
0x1f3: {  	s16 =	sor.u32 s20, s16;
	[sflag:s8] =	ssyncadd.s32 $0xFFFFD000  }
0x1f4: {  	v3 =	vld [tilespmem:s16+$0x64F0]  }
0x1f5: {  	v4 =	vld [tilespmem:s16+$0x6080]  }
0x1f6: {  	v6 =	vld [tilespmem:s16+$0x6090]  }
0x1f7: {  	v7 =	vld [tilespmem:s16+$0x60A0]  }
0x1f8: {  	v8 =	vld [tilespmem:s16+$0x60B0]  }
0x1f9: {  	v9 =	vld [tilespmem:s16+$0x60C0]  }
0x1fa: {  	v10 =	vld [tilespmem:s16+$0x60D0]  }
0x1fb: {  	v5 =	vimm.f32 $0.0e+00  }
0x1fc: {  	v3 =	vadd.f32 v3, v5  }
0x1fd: {  	v22 =	vld [tilespmem:s16+$0x60E0];
	v18 =	vadd.f32 v4, v5;
	v15 =	vadd.f32 v6, v5  }
0x1fe: {  	v14 =	vimm.f32 $0.0e+00;
	v21 =	vld [tilespmem:s16+$0x60F0];
	v16 =	vadd.f32 v7, v5;
	v17 =	vadd.f32 v8, v5  }
0x1ff: {  	v11 =	vimm.f32 $0.0e+00;
	v19 =	vld [tilespmem:s16+$0x6480];
	v13 =	vadd.f32 v9, v5;
	v12 =	vadd.f32 v10, v5  }
0x200: {  	v20 =	vld [tilespmem:s16+$0x6490];
	v10 =	vimm.f32 $0.0e+00;
	v9 =	vimm.f32 $0.0e+00;
	v7 =	vimm.f32 $0.0e+00  }
0x201: {  	s17 =	simm.s32 $0x2;
	s18 =	simm.s32 $0x0;
	v23 =	vld [tilespmem:s16+$0x64A0];
	v8 =	vimm.f32 $0.0e+00;
	v6 =	vimm.f32 $0.0e+00;
	v4 =	vimm.f32 $0.0e+00  }
.LBB2_14:
0x202: {  	p0 =	sne.s32 s17, $0xF;
	s18 =	smul.u32 $0x6000, s18;
	v5 =	vadd.f32 v22, v5;
	v22 =	vld [tilespmem:s16+$0x64B0]  }
0x203: {  	s15 =	sadd.s32 $0x80, s15;
	v14 =	vadd.f32 v21, v14;
	v21 =	vld [tilespmem:s16+$0x64C0]  }
0x204: {  	s19 =	sand.u32 $0x380, s15;
	s18 =	sshra.s32 s18, $0x2;
	v11 =	vadd.f32 v19, v11;
	v19 =	vld [tilespmem:s16+$0x64D0]  }
0x205: {  	v10 =	vadd.f32 v20, v10;
	v20 =	vld [tilespmem:s16+$0x64E0];
	s16 =	sor.u32 s19, s18  }
0x206: {  	v24 =	vld [tilespmem:s16+$0x64F0];
	v9 =	vadd.f32 v23, v9  }
0x207: {  	v23 =	vld [tilespmem:s16+$0x6080];
	v7 =	vadd.f32 v22, v7  }
0x208: {  	v22 =	vld [tilespmem:s16+$0x6090];
	v8 =	vadd.f32 v21, v8  }
0x209: {  	v21 =	vld [tilespmem:s16+$0x60A0];
	v6 =	vadd.f32 v19, v6  }
0x20a: {  	v19 =	vld [tilespmem:s16+$0x60B0];
	v4 =	vadd.f32 v20, v4  }
0x20b: {  	v20 =	vld [tilespmem:s16+$0x60C0];
	v3 =	vadd.f32 v24, v3  }
0x20c: {  	v18 =	vadd.f32 v23, v18;
	v23 =	vld [tilespmem:s16+$0x60D0]  }
.Ltmp6:
0x20d: {  	v15 =	vadd.f32 v22, v15;
	v22 =	vld [tilespmem:s16+$0x60E0];
	(pc) =	sbr.rel @p0 .LBB2_14-.Ltmp6, $4  }
0x20e: {  	v16 =	vadd.f32 v21, v16;
	v21 =	vld [tilespmem:s16+$0x60F0]  }
0x20f: {  	v17 =	vadd.f32 v19, v17;
	v19 =	vld [tilespmem:s16+$0x6480]  }
0x210: {  	v13 =	vadd.f32 v20, v13;
	v20 =	vld [tilespmem:s16+$0x6490]  }
0x211: {  	s18 =	sshrl.u32 s17, $0x3;
	s17 =	sadd.s32 $0x1, s17;
	v12 =	vadd.f32 v23, v12;
	v23 =	vld [tilespmem:s16+$0x64A0]  }
0x212: {  	s17 =	smul.u32 $0x6000, s18;
	v24 =	vld [tilespmem:s16+$0x64B0]  }
0x213: {  	v25 =	vld [tilespmem:s16+$0x64C0];
	s15 =	sadd.s32 $0x80, s15  }
0x214: {  	v26 =	vld [tilespmem:s16+$0x64D0];
	s15 =	sand.u32 $0x380, s15;
	s17 =	sshra.s32 s17, $0x2  }
0x215: {  	v27 =	vld [tilespmem:s16+$0x64E0];
	s15 =	sor.u32 s15, s17  }
0x216: {  	v28 =	vld [tilespmem:s15+$0x64F0]  }
0x217: {  	v29 =	vld [tilespmem:s15+$0x6080]  }
0x218: {  	v30 =	vld [tilespmem:s15+$0x6090]  }
0x219: {  	v31 =	vld [tilespmem:s15+$0x60A0]  }
0x21a: {  	v32 =	vld [tilespmem:s15+$0x60B0]  }
0x21b: {  	v33 =	vld [tilespmem:s15+$0x60C0]  }
0x21c: {  	v34 =	vld [tilespmem:s15+$0x60D0]  }
0x21d: {  	v35 =	vld [tilespmem:s15+$0x60E0]  }
0x21e: {  	v36 =	vld [tilespmem:s15+$0x60F0]  }
0x21f: {  	v37 =	vld [tilespmem:s15+$0x6480]  }
0x220: {  	v38 =	vld [tilespmem:s15+$0x6490]  }
0x221: {  	v39 =	vld [tilespmem:s15+$0x64A0]  }
0x222: {  	v40 =	vld [tilespmem:s15+$0x64B0]  }
0x223: {  	v41 =	vld [tilespmem:s15+$0x64C0]  }
0x224: {  	v62 =	vld [tilespmem:s15+$0x64D0];
	v18 =	vadd.f32 v29, v18  }
0x225: {  	v63 =	vld [tilespmem:s15+$0x64E0];
	v15 =	vadd.f32 v30, v15  }
0x226: {  	s17 =	simm.s32 $0xC090;
	v16 =	vadd.f32 v31, v16;
	[tilespmem:s14+$0x0] =	vst.add.f32.msk $0xffff, v18  }
0x227: {  	s18 =	simm.s32 $0xC0A0;
	v17 =	vadd.f32 v32, v17;
	[tilespmem:s17+$0x0] =	vst.add.f32.msk $0xffff, v15  }
0x228: {  	v5 =	vadd.f32 v22, v5;
	s19 =	simm.s32 $0xC0B0;
	v13 =	vadd.f32 v33, v13;
	[tilespmem:s18+$0x0] =	vst.add.f32.msk $0xffff, v16  }
0x229: {  	s20 =	simm.s32 $0xC0C0;
	v14 =	vadd.f32 v21, v14;
	v12 =	vadd.f32 v34, v12;
	[tilespmem:s19+$0x0] =	vst.add.f32.msk $0xffff, v17  }
0x22a: {  	s16 =	simm.s32 $0xC0D0;
	v11 =	vadd.f32 v19, v11;
	v5 =	vadd.f32 v35, v5;
	[tilespmem:s20+$0x0] =	vst.add.f32.msk $0xffff, v13  }
0x22b: {  	v10 =	vadd.f32 v20, v10;
	s17 =	simm.s32 $0xC0E0;
	v13 =	vadd.f32 v36, v14;
	[tilespmem:s16+$0x0] =	vst.add.f32.msk $0xffff, v12  }
0x22c: {  	v9 =	vadd.f32 v23, v9;
	v11 =	vadd.f32 v37, v11;
	s18 =	simm.s32 $0xC0F0;
	[tilespmem:s17+$0x0] =	vst.add.f32.msk $0xffff, v5  }
0x22d: {  	s19 =	simm.s32 $0xC100;
	v5 =	vadd.f32 v24, v7;
	v7 =	vadd.f32 v38, v10;
	[tilespmem:s18+$0x0] =	vst.add.f32.msk $0xffff, v13  }
0x22e: {  	v8 =	vadd.f32 v25, v8;
	v9 =	vadd.f32 v39, v9;
	s20 =	simm.s32 $0xC110;
	[tilespmem:s19+$0x0] =	vst.add.f32.msk $0xffff, v11  }
0x22f: {  	v6 =	vadd.f32 v26, v6;
	s16 =	simm.s32 $0xC120;
	v5 =	vadd.f32 v40, v5;
	[tilespmem:s20+$0x0] =	vst.add.f32.msk $0xffff, v7  }
0x230: {  	v4 =	vadd.f32 v27, v4;
	s17 =	simm.s32 $0xC130;
	v7 =	vadd.f32 v41, v8;
	[tilespmem:s16+$0x0] =	vst.add.f32.msk $0xffff, v9  }
0x231: {  	v6 =	vadd.f32 v62, v6;
	s18 =	simm.s32 $0x0;
	s19 =	simm.s32 $0xC140;
	[tilespmem:s17+$0x0] =	vst.add.f32.msk $0xffff, v5  }
0x232: {  	v4 =	vadd.f32 v63, v4;
	s20 =	smul.u32 $0x6000, s18;
	s17 =	simm.s32 $0xC150;
	[tilespmem:s19+$0x0] =	vst.add.f32.msk $0xffff, v7  }
0x233: {  	s15 =	simm.s32 $0x0;
	v3 =	vadd.f32 v28, v3;
	s18 =	simm.s32 $0xC160;
	[tilespmem:s17+$0x0] =	vst.add.f32.msk $0xffff, v6  }
0x234: {  	s16 =	sshra.s32 s20, $0x2;
	s20 =	simm.s32 $0xC170;
	s19 =	sand.u32 $0x380, s15;
	[tilespmem:s18+$0x0] =	vst.add.f32.msk $0xffff, v4  }
0x235: {  	s16 =	sor.u32 s19, s16;
	[tilespmem:s20+$0x0] =	vst.add.f32.msk $0xffff, v3  }
0x236: {  	v3 =	vld [tilespmem:s16+$0x6CF0]  }
0x237: {  	v4 =	vld [tilespmem:s16+$0x6880]  }
0x238: {  	v6 =	vld [tilespmem:s16+$0x6890]  }
0x239: {  	v7 =	vld [tilespmem:s16+$0x68A0]  }
0x23a: {  	v8 =	vld [tilespmem:s16+$0x68B0]  }
0x23b: {  	v9 =	vld [tilespmem:s16+$0x68C0]  }
0x23c: {  	v10 =	vld [tilespmem:s16+$0x68D0]  }
0x23d: {  	v5 =	vimm.f32 $0.0e+00  }
0x23e: {  	v3 =	vadd.f32 v3, v5  }
0x23f: {  	v22 =	vld [tilespmem:s16+$0x68E0];
	v18 =	vadd.f32 v4, v5;
	v15 =	vadd.f32 v6, v5  }
0x240: {  	v14 =	vimm.f32 $0.0e+00;
	v21 =	vld [tilespmem:s16+$0x68F0];
	v16 =	vadd.f32 v7, v5;
	v17 =	vadd.f32 v8, v5  }
0x241: {  	v11 =	vimm.f32 $0.0e+00;
	v19 =	vld [tilespmem:s16+$0x6C80];
	v13 =	vadd.f32 v9, v5;
	v12 =	vadd.f32 v10, v5  }
0x242: {  	v20 =	vld [tilespmem:s16+$0x6C90];
	v10 =	vimm.f32 $0.0e+00;
	v9 =	vimm.f32 $0.0e+00;
	v7 =	vimm.f32 $0.0e+00  }
0x243: {  	s17 =	simm.s32 $0x2;
	s18 =	simm.s32 $0x0;
	v23 =	vld [tilespmem:s16+$0x6CA0];
	v8 =	vimm.f32 $0.0e+00;
	v6 =	vimm.f32 $0.0e+00;
	v4 =	vimm.f32 $0.0e+00  }
.LBB2_16:
0x244: {  	p0 =	sne.s32 s17, $0xF;
	s18 =	smul.u32 $0x6000, s18;
	v5 =	vadd.f32 v22, v5;
	v22 =	vld [tilespmem:s16+$0x6CB0]  }
0x245: {  	s15 =	sadd.s32 $0x80, s15;
	v14 =	vadd.f32 v21, v14;
	v21 =	vld [tilespmem:s16+$0x6CC0]  }
0x246: {  	s19 =	sand.u32 $0x380, s15;
	s18 =	sshra.s32 s18, $0x2;
	v11 =	vadd.f32 v19, v11;
	v19 =	vld [tilespmem:s16+$0x6CD0]  }
0x247: {  	v10 =	vadd.f32 v20, v10;
	v20 =	vld [tilespmem:s16+$0x6CE0];
	s16 =	sor.u32 s19, s18  }
0x248: {  	v24 =	vld [tilespmem:s16+$0x6CF0];
	v9 =	vadd.f32 v23, v9  }
0x249: {  	v23 =	vld [tilespmem:s16+$0x6880];
	v7 =	vadd.f32 v22, v7  }
0x24a: {  	v22 =	vld [tilespmem:s16+$0x6890];
	v8 =	vadd.f32 v21, v8  }
0x24b: {  	v21 =	vld [tilespmem:s16+$0x68A0];
	v6 =	vadd.f32 v19, v6  }
0x24c: {  	v19 =	vld [tilespmem:s16+$0x68B0];
	v4 =	vadd.f32 v20, v4  }
0x24d: {  	v20 =	vld [tilespmem:s16+$0x68C0];
	v3 =	vadd.f32 v24, v3  }
0x24e: {  	v18 =	vadd.f32 v23, v18;
	v23 =	vld [tilespmem:s16+$0x68D0]  }
.Ltmp7:
0x24f: {  	v15 =	vadd.f32 v22, v15;
	v22 =	vld [tilespmem:s16+$0x68E0];
	(pc) =	sbr.rel @p0 .LBB2_16-.Ltmp7, $4  }
0x250: {  	v16 =	vadd.f32 v21, v16;
	v21 =	vld [tilespmem:s16+$0x68F0]  }
0x251: {  	v17 =	vadd.f32 v19, v17;
	v19 =	vld [tilespmem:s16+$0x6C80]  }
0x252: {  	v13 =	vadd.f32 v20, v13;
	v20 =	vld [tilespmem:s16+$0x6C90]  }
0x253: {  	s18 =	sshrl.u32 s17, $0x3;
	s17 =	sadd.s32 $0x1, s17;
	v12 =	vadd.f32 v23, v12;
	v23 =	vld [tilespmem:s16+$0x6CA0]  }
0x254: {  	s17 =	smul.u32 $0x6000, s18;
	v24 =	vld [tilespmem:s16+$0x6CB0]  }
0x255: {  	v25 =	vld [tilespmem:s16+$0x6CC0];
	s15 =	sadd.s32 $0x80, s15  }
0x256: {  	v26 =	vld [tilespmem:s16+$0x6CD0];
	s15 =	sand.u32 $0x380, s15;
	s17 =	sshra.s32 s17, $0x2  }
0x257: {  	v27 =	vld [tilespmem:s16+$0x6CE0];
	s15 =	sor.u32 s15, s17  }
0x258: {  	v28 =	vld [tilespmem:s15+$0x6CF0]  }
0x259: {  	v29 =	vld [tilespmem:s15+$0x6880]  }
0x25a: {  	v30 =	vld [tilespmem:s15+$0x6890]  }
0x25b: {  	v31 =	vld [tilespmem:s15+$0x68A0]  }
0x25c: {  	v32 =	vld [tilespmem:s15+$0x68B0]  }
0x25d: {  	v33 =	vld [tilespmem:s15+$0x68C0]  }
0x25e: {  	v34 =	vld [tilespmem:s15+$0x68D0]  }
0x25f: {  	v35 =	vld [tilespmem:s15+$0x68E0]  }
0x260: {  	v36 =	vld [tilespmem:s15+$0x68F0]  }
0x261: {  	v37 =	vld [tilespmem:s15+$0x6C80]  }
0x262: {  	v38 =	vld [tilespmem:s15+$0x6C90]  }
0x263: {  	v39 =	vld [tilespmem:s15+$0x6CA0]  }
0x264: {  	v40 =	vld [tilespmem:s15+$0x6CB0]  }
0x265: {  	v41 =	vld [tilespmem:s15+$0x6CC0]  }
0x266: {  	v62 =	vld [tilespmem:s15+$0x6CD0];
	v18 =	vadd.f32 v29, v18  }
0x267: {  	s16 =	simm.s32 $0xC180;
	v63 =	vld [tilespmem:s15+$0x6CE0];
	v15 =	vadd.f32 v30, v15  }
0x268: {  	s17 =	simm.s32 $0xC190;
	v16 =	vadd.f32 v31, v16;
	[tilespmem:s16+$0x0] =	vst.add.f32.msk $0xffff, v18  }
0x269: {  	s18 =	simm.s32 $0xC1A0;
	v17 =	vadd.f32 v32, v17;
	[tilespmem:s17+$0x0] =	vst.add.f32.msk $0xffff, v15  }
0x26a: {  	v5 =	vadd.f32 v22, v5;
	s19 =	simm.s32 $0xC1B0;
	v13 =	vadd.f32 v33, v13;
	[tilespmem:s18+$0x0] =	vst.add.f32.msk $0xffff, v16  }
0x26b: {  	s20 =	simm.s32 $0xC1C0;
	v14 =	vadd.f32 v21, v14;
	v12 =	vadd.f32 v34, v12;
	[tilespmem:s19+$0x0] =	vst.add.f32.msk $0xffff, v17  }
0x26c: {  	v11 =	vadd.f32 v19, v11;
	v5 =	vadd.f32 v35, v5;
	s16 =	simm.s32 $0xC1D0;
	[tilespmem:s20+$0x0] =	vst.add.f32.msk $0xffff, v13  }
0x26d: {  	v10 =	vadd.f32 v20, v10;
	s17 =	simm.s32 $0xC1E0;
	v13 =	vadd.f32 v36, v14;
	[tilespmem:s16+$0x0] =	vst.add.f32.msk $0xffff, v12  }
0x26e: {  	v9 =	vadd.f32 v23, v9;
	v11 =	vadd.f32 v37, v11;
	s18 =	simm.s32 $0xC1F0;
	[tilespmem:s17+$0x0] =	vst.add.f32.msk $0xffff, v5  }
0x26f: {  	s19 =	simm.s32 $0xC200;
	v5 =	vadd.f32 v24, v7;
	v7 =	vadd.f32 v38, v10;
	[tilespmem:s18+$0x0] =	vst.add.f32.msk $0xffff, v13  }
0x270: {  	v8 =	vadd.f32 v25, v8;
	v9 =	vadd.f32 v39, v9;
	s20 =	simm.s32 $0xC210;
	[tilespmem:s19+$0x0] =	vst.add.f32.msk $0xffff, v11  }
0x271: {  	v6 =	vadd.f32 v26, v6;
	s16 =	simm.s32 $0xC220;
	v5 =	vadd.f32 v40, v5;
	[tilespmem:s20+$0x0] =	vst.add.f32.msk $0xffff, v7  }
0x272: {  	v4 =	vadd.f32 v27, v4;
	s17 =	simm.s32 $0xC230;
	v7 =	vadd.f32 v41, v8;
	[tilespmem:s16+$0x0] =	vst.add.f32.msk $0xffff, v9  }
0x273: {  	v6 =	vadd.f32 v62, v6;
	s18 =	simm.s32 $0x0;
	s19 =	simm.s32 $0xC240;
	[tilespmem:s17+$0x0] =	vst.add.f32.msk $0xffff, v5  }
0x274: {  	v4 =	vadd.f32 v63, v4;
	s20 =	smul.u32 $0x6000, s18;
	s17 =	simm.s32 $0xC250;
	[tilespmem:s19+$0x0] =	vst.add.f32.msk $0xffff, v7  }
0x275: {  	s15 =	simm.s32 $0x0;
	v3 =	vadd.f32 v28, v3;
	s18 =	simm.s32 $0xC260;
	[tilespmem:s17+$0x0] =	vst.add.f32.msk $0xffff, v6  }
0x276: {  	s16 =	sshra.s32 s20, $0x2;
	s20 =	simm.s32 $0xC270;
	s19 =	sand.u32 $0x380, s15;
	[tilespmem:s18+$0x0] =	vst.add.f32.msk $0xffff, v4  }
0x277: {  	s16 =	sor.u32 s19, s16;
	[tilespmem:s20+$0x0] =	vst.add.f32.msk $0xffff, v3  }
0x278: {  	v3 =	vld [tilespmem:s16+$0x74F0]  }
0x279: {  	v4 =	vld [tilespmem:s16+$0x7080]  }
0x27a: {  	v6 =	vld [tilespmem:s16+$0x7090]  }
0x27b: {  	v7 =	vld [tilespmem:s16+$0x70A0]  }
0x27c: {  	v8 =	vld [tilespmem:s16+$0x70B0]  }
0x27d: {  	v9 =	vld [tilespmem:s16+$0x70C0]  }
0x27e: {  	v10 =	vld [tilespmem:s16+$0x70D0]  }
0x27f: {  	v5 =	vimm.f32 $0.0e+00  }
0x280: {  	v3 =	vadd.f32 v3, v5  }
0x281: {  	v22 =	vld [tilespmem:s16+$0x70E0];
	v18 =	vadd.f32 v4, v5;
	v15 =	vadd.f32 v6, v5  }
0x282: {  	v14 =	vimm.f32 $0.0e+00;
	v21 =	vld [tilespmem:s16+$0x70F0];
	v16 =	vadd.f32 v7, v5;
	v17 =	vadd.f32 v8, v5  }
0x283: {  	v11 =	vimm.f32 $0.0e+00;
	v19 =	vld [tilespmem:s16+$0x7480];
	v13 =	vadd.f32 v9, v5;
	v12 =	vadd.f32 v10, v5  }
0x284: {  	v20 =	vld [tilespmem:s16+$0x7490];
	v10 =	vimm.f32 $0.0e+00;
	v9 =	vimm.f32 $0.0e+00;
	v7 =	vimm.f32 $0.0e+00  }
0x285: {  	s17 =	simm.s32 $0x2;
	s18 =	simm.s32 $0x0;
	v23 =	vld [tilespmem:s16+$0x74A0];
	v8 =	vimm.f32 $0.0e+00;
	v6 =	vimm.f32 $0.0e+00;
	v4 =	vimm.f32 $0.0e+00  }
.LBB2_18:
0x286: {  	p0 =	sne.s32 s17, $0xF;
	s18 =	smul.u32 $0x6000, s18;
	v5 =	vadd.f32 v22, v5;
	v22 =	vld [tilespmem:s16+$0x74B0]  }
0x287: {  	s15 =	sadd.s32 $0x80, s15;
	v14 =	vadd.f32 v21, v14;
	v21 =	vld [tilespmem:s16+$0x74C0]  }
0x288: {  	s19 =	sand.u32 $0x380, s15;
	s18 =	sshra.s32 s18, $0x2;
	v11 =	vadd.f32 v19, v11;
	v19 =	vld [tilespmem:s16+$0x74D0]  }
0x289: {  	v10 =	vadd.f32 v20, v10;
	v20 =	vld [tilespmem:s16+$0x74E0];
	s16 =	sor.u32 s19, s18  }
0x28a: {  	v24 =	vld [tilespmem:s16+$0x74F0];
	v9 =	vadd.f32 v23, v9  }
0x28b: {  	v23 =	vld [tilespmem:s16+$0x7080];
	v7 =	vadd.f32 v22, v7  }
0x28c: {  	v22 =	vld [tilespmem:s16+$0x7090];
	v8 =	vadd.f32 v21, v8  }
0x28d: {  	v21 =	vld [tilespmem:s16+$0x70A0];
	v6 =	vadd.f32 v19, v6  }
0x28e: {  	v19 =	vld [tilespmem:s16+$0x70B0];
	v4 =	vadd.f32 v20, v4  }
0x28f: {  	v20 =	vld [tilespmem:s16+$0x70C0];
	v3 =	vadd.f32 v24, v3  }
0x290: {  	v18 =	vadd.f32 v23, v18;
	v23 =	vld [tilespmem:s16+$0x70D0]  }
.Ltmp8:
0x291: {  	v15 =	vadd.f32 v22, v15;
	v22 =	vld [tilespmem:s16+$0x70E0];
	(pc) =	sbr.rel @p0 .LBB2_18-.Ltmp8, $4  }
0x292: {  	v16 =	vadd.f32 v21, v16;
	v21 =	vld [tilespmem:s16+$0x70F0]  }
0x293: {  	v17 =	vadd.f32 v19, v17;
	v19 =	vld [tilespmem:s16+$0x7480]  }
0x294: {  	v13 =	vadd.f32 v20, v13;
	v20 =	vld [tilespmem:s16+$0x7490]  }
0x295: {  	s18 =	sshrl.u32 s17, $0x3;
	s17 =	sadd.s32 $0x1, s17;
	v12 =	vadd.f32 v23, v12;
	v23 =	vld [tilespmem:s16+$0x74A0]  }
0x296: {  	s17 =	smul.u32 $0x6000, s18;
	v24 =	vld [tilespmem:s16+$0x74B0]  }
0x297: {  	v25 =	vld [tilespmem:s16+$0x74C0];
	s15 =	sadd.s32 $0x80, s15  }
0x298: {  	v26 =	vld [tilespmem:s16+$0x74D0];
	s15 =	sand.u32 $0x380, s15;
	s17 =	sshra.s32 s17, $0x2  }
0x299: {  	v27 =	vld [tilespmem:s16+$0x74E0];
	s15 =	sor.u32 s15, s17  }
0x29a: {  	v28 =	vld [tilespmem:s15+$0x74F0]  }
0x29b: {  	v29 =	vld [tilespmem:s15+$0x7080]  }
0x29c: {  	v30 =	vld [tilespmem:s15+$0x7090]  }
0x29d: {  	v31 =	vld [tilespmem:s15+$0x70A0]  }
0x29e: {  	v32 =	vld [tilespmem:s15+$0x70B0]  }
0x29f: {  	v33 =	vld [tilespmem:s15+$0x70C0]  }
0x2a0: {  	v34 =	vld [tilespmem:s15+$0x70D0]  }
0x2a1: {  	v35 =	vld [tilespmem:s15+$0x70E0]  }
0x2a2: {  	v36 =	vld [tilespmem:s15+$0x70F0]  }
0x2a3: {  	v37 =	vld [tilespmem:s15+$0x7480]  }
0x2a4: {  	v38 =	vld [tilespmem:s15+$0x7490]  }
0x2a5: {  	v39 =	vld [tilespmem:s15+$0x74A0]  }
0x2a6: {  	v40 =	vld [tilespmem:s15+$0x74B0]  }
0x2a7: {  	v41 =	vld [tilespmem:s15+$0x74C0]  }
0x2a8: {  	v62 =	vld [tilespmem:s15+$0x74D0];
	v18 =	vadd.f32 v29, v18  }
0x2a9: {  	v63 =	vld [tilespmem:s15+$0x74E0];
	v15 =	vadd.f32 v30, v15  }
0x2aa: {  	v16 =	vadd.f32 v31, v16;
	[tilespmem:s21+$0x0] =	vst.add.f32.msk $0xffff, v18  }
0x2ab: {  	v17 =	vadd.f32 v32, v17;
	[tilespmem:s22+$0x0] =	vst.add.f32.msk $0xffff, v15  }
0x2ac: {  	v5 =	vadd.f32 v22, v5;
	v13 =	vadd.f32 v33, v13;
	[tilespmem:s23+$0x0] =	vst.add.f32.msk $0xffff, v16  }
0x2ad: {  	v14 =	vadd.f32 v21, v14;
	v12 =	vadd.f32 v34, v12;
	[tilespmem:s24+$0x0] =	vst.add.f32.msk $0xffff, v17  }
0x2ae: {  	v11 =	vadd.f32 v19, v11;
	v5 =	vadd.f32 v35, v5;
	[tilespmem:s25+$0x0] =	vst.add.f32.msk $0xffff, v13  }
0x2af: {  	v10 =	vadd.f32 v20, v10;
	v13 =	vadd.f32 v36, v14;
	[tilespmem:s26+$0x0] =	vst.add.f32.msk $0xffff, v12  }
0x2b0: {  	v9 =	vadd.f32 v23, v9;
	v11 =	vadd.f32 v37, v11;
	[tilespmem:s28+$0x0] =	vst.add.f32.msk $0xffff, v5  }
0x2b1: {  	v5 =	vadd.f32 v24, v7;
	v7 =	vadd.f32 v38, v10;
	[tilespmem:s29+$0x0] =	vst.add.f32.msk $0xffff, v13  }
0x2b2: {  	v8 =	vadd.f32 v25, v8;
	v9 =	vadd.f32 v39, v9;
	[tilespmem:s30+$0x0] =	vst.add.f32.msk $0xffff, v11  }
0x2b3: {  	v6 =	vadd.f32 v26, v6;
	v5 =	vadd.f32 v40, v5;
	[tilespmem:s31+$0x0] =	vst.add.f32.msk $0xffff, v7  }
0x2b4: {  	v4 =	vadd.f32 v27, v4;
	v7 =	vadd.f32 v41, v8;
	[tilespmem:s1+$0x0] =	vst.add.f32.msk $0xffff, v9  }
0x2b5: {  	v6 =	vadd.f32 v62, v6;
	[tilespmem:s0+$0x0] =	vst.add.f32.msk $0xffff, v5  }
0x2b6: {  	v4 =	vadd.f32 v63, v4;
	[tilespmem:s11+$0x0] =	vst.add.f32.msk $0xffff, v7  }
0x2b7: {  	v3 =	vadd.f32 v28, v3;
	[tilespmem:s10+$0x0] =	vst.add.f32.msk $0xffff, v6  }
0x2b8: {  	s18 =	simm.s32 $0x0;
	[tilespmem:s4+$0x0] =	vst.add.f32.msk $0xffff, v4  }
0x2b9: {  	s19 =	smul.u32 $0x6000, s18;
	[tilespmem:s7+$0x0] =	vst.add.f32.msk $0xffff, v3  }
0x2ba: {  	s15 =	simm.s32 $0x0;
	_ =	swait.ge [sflag:s12], $0x3000  }
0x2bb: {  	s16 =	sshra.s32 s19, $0x2;
	s20 =	sand.u32 $0x380, s15;
	[sflag:s12] =	ssyncset.done $0x0  }
0x2bc: {  	s16 =	sor.u32 s20, s16;
	[sflag:s12] =	ssyncadd.s32 $0xFFFFD000  }
0x2bd: {  	v3 =	vld [tilespmem:s16+$0x94F0]  }
0x2be: {  	v4 =	vld [tilespmem:s16+$0x9080]  }
0x2bf: {  	v6 =	vld [tilespmem:s16+$0x9090]  }
0x2c0: {  	v7 =	vld [tilespmem:s16+$0x90A0]  }
0x2c1: {  	v8 =	vld [tilespmem:s16+$0x90B0]  }
0x2c2: {  	v9 =	vld [tilespmem:s16+$0x90C0]  }
0x2c3: {  	v10 =	vld [tilespmem:s16+$0x90D0]  }
0x2c4: {  	v5 =	vimm.f32 $0.0e+00  }
0x2c5: {  	v3 =	vadd.f32 v3, v5  }
0x2c6: {  	v22 =	vld [tilespmem:s16+$0x90E0];
	v18 =	vadd.f32 v4, v5;
	v15 =	vadd.f32 v6, v5  }
0x2c7: {  	v14 =	vimm.f32 $0.0e+00;
	v21 =	vld [tilespmem:s16+$0x90F0];
	v16 =	vadd.f32 v7, v5;
	v17 =	vadd.f32 v8, v5  }
0x2c8: {  	v11 =	vimm.f32 $0.0e+00;
	v19 =	vld [tilespmem:s16+$0x9480];
	v13 =	vadd.f32 v9, v5;
	v12 =	vadd.f32 v10, v5  }
0x2c9: {  	v20 =	vld [tilespmem:s16+$0x9490];
	v10 =	vimm.f32 $0.0e+00;
	v9 =	vimm.f32 $0.0e+00;
	v7 =	vimm.f32 $0.0e+00  }
0x2ca: {  	s18 =	simm.s32 $0x0;
	s17 =	simm.s32 $0x2;
	v23 =	vld [tilespmem:s16+$0x94A0];
	v8 =	vimm.f32 $0.0e+00;
	v6 =	vimm.f32 $0.0e+00;
	v4 =	vimm.f32 $0.0e+00  }
.LBB2_20:
0x2cb: {  	p0 =	sne.s32 s17, $0xF;
	s18 =	smul.u32 $0x6000, s18;
	v5 =	vadd.f32 v22, v5;
	v22 =	vld [tilespmem:s16+$0x94B0]  }
0x2cc: {  	s15 =	sadd.s32 $0x80, s15;
	v14 =	vadd.f32 v21, v14;
	v21 =	vld [tilespmem:s16+$0x94C0]  }
0x2cd: {  	s19 =	sand.u32 $0x380, s15;
	s18 =	sshra.s32 s18, $0x2;
	v11 =	vadd.f32 v19, v11;
	v19 =	vld [tilespmem:s16+$0x94D0]  }
0x2ce: {  	v10 =	vadd.f32 v20, v10;
	v20 =	vld [tilespmem:s16+$0x94E0];
	s16 =	sor.u32 s19, s18  }
0x2cf: {  	v24 =	vld [tilespmem:s16+$0x94F0];
	v9 =	vadd.f32 v23, v9  }
0x2d0: {  	v23 =	vld [tilespmem:s16+$0x9080];
	v7 =	vadd.f32 v22, v7  }
0x2d1: {  	v22 =	vld [tilespmem:s16+$0x9090];
	v8 =	vadd.f32 v21, v8  }
0x2d2: {  	v21 =	vld [tilespmem:s16+$0x90A0];
	v6 =	vadd.f32 v19, v6  }
0x2d3: {  	v19 =	vld [tilespmem:s16+$0x90B0];
	v4 =	vadd.f32 v20, v4  }
0x2d4: {  	v20 =	vld [tilespmem:s16+$0x90C0];
	v3 =	vadd.f32 v24, v3  }
0x2d5: {  	v18 =	vadd.f32 v23, v18;
	v23 =	vld [tilespmem:s16+$0x90D0]  }
.Ltmp9:
0x2d6: {  	v15 =	vadd.f32 v22, v15;
	v22 =	vld [tilespmem:s16+$0x90E0];
	(pc) =	sbr.rel @p0 .LBB2_20-.Ltmp9, $4  }
0x2d7: {  	v16 =	vadd.f32 v21, v16;
	v21 =	vld [tilespmem:s16+$0x90F0]  }
0x2d8: {  	v17 =	vadd.f32 v19, v17;
	v19 =	vld [tilespmem:s16+$0x9480]  }
0x2d9: {  	v13 =	vadd.f32 v20, v13;
	v20 =	vld [tilespmem:s16+$0x9490]  }
0x2da: {  	s18 =	sshrl.u32 s17, $0x3;
	s17 =	sadd.s32 $0x1, s17;
	v12 =	vadd.f32 v23, v12;
	v23 =	vld [tilespmem:s16+$0x94A0]  }
0x2db: {  	s17 =	smul.u32 $0x6000, s18;
	v24 =	vld [tilespmem:s16+$0x94B0]  }
0x2dc: {  	v25 =	vld [tilespmem:s16+$0x94C0];
	s15 =	sadd.s32 $0x80, s15  }
0x2dd: {  	v26 =	vld [tilespmem:s16+$0x94D0];
	s15 =	sand.u32 $0x380, s15;
	s17 =	sshra.s32 s17, $0x2  }
0x2de: {  	v27 =	vld [tilespmem:s16+$0x94E0];
	s15 =	sor.u32 s15, s17  }
0x2df: {  	v28 =	vld [tilespmem:s15+$0x94F0]  }
0x2e0: {  	v29 =	vld [tilespmem:s15+$0x9080]  }
0x2e1: {  	v30 =	vld [tilespmem:s15+$0x9090]  }
0x2e2: {  	v31 =	vld [tilespmem:s15+$0x90A0]  }
0x2e3: {  	v32 =	vld [tilespmem:s15+$0x90B0]  }
0x2e4: {  	v33 =	vld [tilespmem:s15+$0x90C0]  }
0x2e5: {  	v34 =	vld [tilespmem:s15+$0x90D0]  }
0x2e6: {  	v35 =	vld [tilespmem:s15+$0x90E0]  }
0x2e7: {  	v36 =	vld [tilespmem:s15+$0x90F0]  }
0x2e8: {  	v37 =	vld [tilespmem:s15+$0x9480]  }
0x2e9: {  	v38 =	vld [tilespmem:s15+$0x9490]  }
0x2ea: {  	v39 =	vld [tilespmem:s15+$0x94A0]  }
0x2eb: {  	v40 =	vld [tilespmem:s15+$0x94B0]  }
0x2ec: {  	v41 =	vld [tilespmem:s15+$0x94C0]  }
0x2ed: {  	v62 =	vld [tilespmem:s15+$0x94D0];
	v18 =	vadd.f32 v29, v18  }
0x2ee: {  	v63 =	vld [tilespmem:s15+$0x94E0];
	v15 =	vadd.f32 v30, v15  }
0x2ef: {  	s17 =	simm.s32 $0xC090;
	v16 =	vadd.f32 v31, v16;
	[tilespmem:s14+$0x0] =	vst.add.f32.msk $0xffff, v18  }
0x2f0: {  	s18 =	simm.s32 $0xC0A0;
	v17 =	vadd.f32 v32, v17;
	[tilespmem:s17+$0x0] =	vst.add.f32.msk $0xffff, v15  }
0x2f1: {  	v5 =	vadd.f32 v22, v5;
	s19 =	simm.s32 $0xC0B0;
	v13 =	vadd.f32 v33, v13;
	[tilespmem:s18+$0x0] =	vst.add.f32.msk $0xffff, v16  }
0x2f2: {  	s20 =	simm.s32 $0xC0C0;
	v14 =	vadd.f32 v21, v14;
	v12 =	vadd.f32 v34, v12;
	[tilespmem:s19+$0x0] =	vst.add.f32.msk $0xffff, v17  }
0x2f3: {  	s16 =	simm.s32 $0xC0D0;
	v11 =	vadd.f32 v19, v11;
	v5 =	vadd.f32 v35, v5;
	[tilespmem:s20+$0x0] =	vst.add.f32.msk $0xffff, v13  }
0x2f4: {  	v10 =	vadd.f32 v20, v10;
	s17 =	simm.s32 $0xC0E0;
	v13 =	vadd.f32 v36, v14;
	[tilespmem:s16+$0x0] =	vst.add.f32.msk $0xffff, v12  }
0x2f5: {  	v9 =	vadd.f32 v23, v9;
	v11 =	vadd.f32 v37, v11;
	s18 =	simm.s32 $0xC0F0;
	[tilespmem:s17+$0x0] =	vst.add.f32.msk $0xffff, v5  }
0x2f6: {  	s19 =	simm.s32 $0xC100;
	v5 =	vadd.f32 v24, v7;
	v7 =	vadd.f32 v38, v10;
	[tilespmem:s18+$0x0] =	vst.add.f32.msk $0xffff, v13  }
0x2f7: {  	v8 =	vadd.f32 v25, v8;
	v9 =	vadd.f32 v39, v9;
	s20 =	simm.s32 $0xC110;
	[tilespmem:s19+$0x0] =	vst.add.f32.msk $0xffff, v11  }
0x2f8: {  	v6 =	vadd.f32 v26, v6;
	s16 =	simm.s32 $0xC120;
	v5 =	vadd.f32 v40, v5;
	[tilespmem:s20+$0x0] =	vst.add.f32.msk $0xffff, v7  }
0x2f9: {  	v4 =	vadd.f32 v27, v4;
	s17 =	simm.s32 $0xC130;
	v7 =	vadd.f32 v41, v8;
	[tilespmem:s16+$0x0] =	vst.add.f32.msk $0xffff, v9  }
0x2fa: {  	v6 =	vadd.f32 v62, v6;
	s18 =	simm.s32 $0x0;
	s19 =	simm.s32 $0xC140;
	[tilespmem:s17+$0x0] =	vst.add.f32.msk $0xffff, v5  }
0x2fb: {  	v4 =	vadd.f32 v63, v4;
	s20 =	smul.u32 $0x6000, s18;
	s17 =	simm.s32 $0xC150;
	[tilespmem:s19+$0x0] =	vst.add.f32.msk $0xffff, v7  }
0x2fc: {  	s15 =	simm.s32 $0x0;
	v3 =	vadd.f32 v28, v3;
	s18 =	simm.s32 $0xC160;
	[tilespmem:s17+$0x0] =	vst.add.f32.msk $0xffff, v6  }
0x2fd: {  	s16 =	sshra.s32 s20, $0x2;
	s20 =	simm.s32 $0xC170;
	s19 =	sand.u32 $0x380, s15;
	[tilespmem:s18+$0x0] =	vst.add.f32.msk $0xffff, v4  }
0x2fe: {  	s16 =	sor.u32 s19, s16;
	[tilespmem:s20+$0x0] =	vst.add.f32.msk $0xffff, v3  }
0x2ff: {  	v3 =	vld [tilespmem:s16+$0x9CF0]  }
0x300: {  	v4 =	vld [tilespmem:s16+$0x9880]  }
0x301: {  	v6 =	vld [tilespmem:s16+$0x9890]  }
0x302: {  	v7 =	vld [tilespmem:s16+$0x98A0]  }
0x303: {  	v8 =	vld [tilespmem:s16+$0x98B0]  }
0x304: {  	v9 =	vld [tilespmem:s16+$0x98C0]  }
0x305: {  	v10 =	vld [tilespmem:s16+$0x98D0]  }
0x306: {  	v5 =	vimm.f32 $0.0e+00  }
0x307: {  	v3 =	vadd.f32 v3, v5  }
0x308: {  	v22 =	vld [tilespmem:s16+$0x98E0];
	v18 =	vadd.f32 v4, v5;
	v15 =	vadd.f32 v6, v5  }
0x309: {  	v14 =	vimm.f32 $0.0e+00;
	v21 =	vld [tilespmem:s16+$0x98F0];
	v16 =	vadd.f32 v7, v5;
	v17 =	vadd.f32 v8, v5  }
0x30a: {  	v11 =	vimm.f32 $0.0e+00;
	v19 =	vld [tilespmem:s16+$0x9C80];
	v13 =	vadd.f32 v9, v5;
	v12 =	vadd.f32 v10, v5  }
0x30b: {  	v20 =	vld [tilespmem:s16+$0x9C90];
	v10 =	vimm.f32 $0.0e+00;
	v9 =	vimm.f32 $0.0e+00;
	v7 =	vimm.f32 $0.0e+00  }
0x30c: {  	s17 =	simm.s32 $0x2;
	s18 =	simm.s32 $0x0;
	v23 =	vld [tilespmem:s16+$0x9CA0];
	v8 =	vimm.f32 $0.0e+00;
	v6 =	vimm.f32 $0.0e+00;
	v4 =	vimm.f32 $0.0e+00  }
.LBB2_22:
0x30d: {  	p0 =	sne.s32 s17, $0xF;
	s18 =	smul.u32 $0x6000, s18;
	v5 =	vadd.f32 v22, v5;
	v22 =	vld [tilespmem:s16+$0x9CB0]  }
0x30e: {  	s15 =	sadd.s32 $0x80, s15;
	v14 =	vadd.f32 v21, v14;
	v21 =	vld [tilespmem:s16+$0x9CC0]  }
0x30f: {  	s19 =	sand.u32 $0x380, s15;
	s18 =	sshra.s32 s18, $0x2;
	v11 =	vadd.f32 v19, v11;
	v19 =	vld [tilespmem:s16+$0x9CD0]  }
0x310: {  	v10 =	vadd.f32 v20, v10;
	v20 =	vld [tilespmem:s16+$0x9CE0];
	s16 =	sor.u32 s19, s18  }
0x311: {  	v24 =	vld [tilespmem:s16+$0x9CF0];
	v9 =	vadd.f32 v23, v9  }
0x312: {  	v23 =	vld [tilespmem:s16+$0x9880];
	v7 =	vadd.f32 v22, v7  }
0x313: {  	v22 =	vld [tilespmem:s16+$0x9890];
	v8 =	vadd.f32 v21, v8  }
0x314: {  	v21 =	vld [tilespmem:s16+$0x98A0];
	v6 =	vadd.f32 v19, v6  }
0x315: {  	v19 =	vld [tilespmem:s16+$0x98B0];
	v4 =	vadd.f32 v20, v4  }
0x316: {  	v20 =	vld [tilespmem:s16+$0x98C0];
	v3 =	vadd.f32 v24, v3  }
0x317: {  	v18 =	vadd.f32 v23, v18;
	v23 =	vld [tilespmem:s16+$0x98D0]  }
.Ltmp10:
0x318: {  	v15 =	vadd.f32 v22, v15;
	v22 =	vld [tilespmem:s16+$0x98E0];
	(pc) =	sbr.rel @p0 .LBB2_22-.Ltmp10, $4  }
0x319: {  	v16 =	vadd.f32 v21, v16;
	v21 =	vld [tilespmem:s16+$0x98F0]  }
0x31a: {  	v17 =	vadd.f32 v19, v17;
	v19 =	vld [tilespmem:s16+$0x9C80]  }
0x31b: {  	v13 =	vadd.f32 v20, v13;
	v20 =	vld [tilespmem:s16+$0x9C90]  }
0x31c: {  	s18 =	sshrl.u32 s17, $0x3;
	s17 =	sadd.s32 $0x1, s17;
	v12 =	vadd.f32 v23, v12;
	v23 =	vld [tilespmem:s16+$0x9CA0]  }
0x31d: {  	s17 =	smul.u32 $0x6000, s18;
	v24 =	vld [tilespmem:s16+$0x9CB0]  }
0x31e: {  	v25 =	vld [tilespmem:s16+$0x9CC0];
	s15 =	sadd.s32 $0x80, s15  }
0x31f: {  	v26 =	vld [tilespmem:s16+$0x9CD0];
	s15 =	sand.u32 $0x380, s15;
	s17 =	sshra.s32 s17, $0x2  }
0x320: {  	v27 =	vld [tilespmem:s16+$0x9CE0];
	s15 =	sor.u32 s15, s17  }
0x321: {  	v28 =	vld [tilespmem:s15+$0x9CF0]  }
0x322: {  	v29 =	vld [tilespmem:s15+$0x9880]  }
0x323: {  	v30 =	vld [tilespmem:s15+$0x9890]  }
0x324: {  	v31 =	vld [tilespmem:s15+$0x98A0]  }
0x325: {  	v32 =	vld [tilespmem:s15+$0x98B0]  }
0x326: {  	v33 =	vld [tilespmem:s15+$0x98C0]  }
0x327: {  	v34 =	vld [tilespmem:s15+$0x98D0]  }
0x328: {  	v35 =	vld [tilespmem:s15+$0x98E0]  }
0x329: {  	v36 =	vld [tilespmem:s15+$0x98F0]  }
0x32a: {  	v37 =	vld [tilespmem:s15+$0x9C80]  }
0x32b: {  	v38 =	vld [tilespmem:s15+$0x9C90]  }
0x32c: {  	v39 =	vld [tilespmem:s15+$0x9CA0]  }
0x32d: {  	v40 =	vld [tilespmem:s15+$0x9CB0]  }
0x32e: {  	v41 =	vld [tilespmem:s15+$0x9CC0]  }
0x32f: {  	v62 =	vld [tilespmem:s15+$0x9CD0];
	v18 =	vadd.f32 v29, v18  }
0x330: {  	s18 =	simm.s32 $0xC180;
	v63 =	vld [tilespmem:s15+$0x9CE0];
	v15 =	vadd.f32 v30, v15  }
0x331: {  	s19 =	simm.s32 $0xC190;
	v16 =	vadd.f32 v31, v16;
	[tilespmem:s18+$0x0] =	vst.add.f32.msk $0xffff, v18  }
0x332: {  	s20 =	simm.s32 $0xC1A0;
	v17 =	vadd.f32 v32, v17;
	[tilespmem:s19+$0x0] =	vst.add.f32.msk $0xffff, v15  }
0x333: {  	v5 =	vadd.f32 v22, v5;
	s16 =	simm.s32 $0xC1B0;
	v13 =	vadd.f32 v33, v13;
	[tilespmem:s20+$0x0] =	vst.add.f32.msk $0xffff, v16  }
0x334: {  	v14 =	vadd.f32 v21, v14;
	s17 =	simm.s32 $0xC1C0;
	v12 =	vadd.f32 v34, v12;
	[tilespmem:s16+$0x0] =	vst.add.f32.msk $0xffff, v17  }
0x335: {  	v11 =	vadd.f32 v19, v11;
	v5 =	vadd.f32 v35, v5;
	s18 =	simm.s32 $0xC1D0;
	[tilespmem:s17+$0x0] =	vst.add.f32.msk $0xffff, v13  }
0x336: {  	v10 =	vadd.f32 v20, v10;
	s19 =	simm.s32 $0xC1E0;
	v13 =	vadd.f32 v36, v14;
	[tilespmem:s18+$0x0] =	vst.add.f32.msk $0xffff, v12  }
0x337: {  	v9 =	vadd.f32 v23, v9;
	v11 =	vadd.f32 v37, v11;
	s20 =	simm.s32 $0xC1F0;
	[tilespmem:s19+$0x0] =	vst.add.f32.msk $0xffff, v5  }
0x338: {  	s16 =	simm.s32 $0xC200;
	v5 =	vadd.f32 v24, v7;
	v7 =	vadd.f32 v38, v10;
	[tilespmem:s20+$0x0] =	vst.add.f32.msk $0xffff, v13  }
0x339: {  	v8 =	vadd.f32 v25, v8;
	v9 =	vadd.f32 v39, v9;
	s17 =	simm.s32 $0xC210;
	[tilespmem:s16+$0x0] =	vst.add.f32.msk $0xffff, v11  }
0x33a: {  	v6 =	vadd.f32 v26, v6;
	s18 =	simm.s32 $0xC220;
	v5 =	vadd.f32 v40, v5;
	[tilespmem:s17+$0x0] =	vst.add.f32.msk $0xffff, v7  }
0x33b: {  	v4 =	vadd.f32 v27, v4;
	s19 =	simm.s32 $0xC230;
	v7 =	vadd.f32 v41, v8;
	[tilespmem:s18+$0x0] =	vst.add.f32.msk $0xffff, v9  }
0x33c: {  	v6 =	vadd.f32 v62, v6;
	s20 =	simm.s32 $0x0;
	s17 =	simm.s32 $0xC240;
	[tilespmem:s19+$0x0] =	vst.add.f32.msk $0xffff, v5  }
0x33d: {  	v4 =	vadd.f32 v63, v4;
	s16 =	smul.u32 $0x1800, s20;
	s18 =	simm.s32 $0xC250;
	[tilespmem:s17+$0x0] =	vst.add.f32.msk $0xffff, v7  }
0x33e: {  	s15 =	simm.s32 $0x0;
	v3 =	vadd.f32 v28, v3;
	s19 =	simm.s32 $0xC260;
	[tilespmem:s18+$0x0] =	vst.add.f32.msk $0xffff, v6  }
0x33f: {  	s20 =	sor.u32 s16, s15;
	[tilespmem:s19+$0x0] =	vst.add.f32.msk $0xffff, v4;
	s19 =	simm.s32 $0xC270  }
0x340: {  	s17 =	sor.u32 $0xA400, s20;
	[tilespmem:s19+$0x0] =	vst.add.f32.msk $0xffff, v3  }
0x341: {  	v3 =	vld [tilespmem:s17+$0xF0]  }
0x342: {  	v5 =	vld [tilespmem:s17+$0x80]  }
0x343: {  	v6 =	vld [tilespmem:s17+$0x90]  }
0x344: {  	v9 =	vld [tilespmem:s17+$0xA0]  }
0x345: {  	v10 =	vld [tilespmem:s17+$0xB0]  }
0x346: {  	v11 =	vld [tilespmem:s17+$0xC0]  }
0x347: {  	v19 =	vimm.f32 $0.0e+00;
	s20 =	sand.u32 $0x380, s15;
	v12 =	vld [tilespmem:s17+$0xD0]  }
0x348: {  	v18 =	vimm.f32 $0.0e+00;
	v15 =	vimm.f32 $0.0e+00;
	s16 =	sor.u32 s20, s16;
	v4 =	vimm.f32 $0.0e+00;
	v16 =	vld [tilespmem:s17+$0xE0]  }
0x349: {  	v17 =	vimm.f32 $0.0e+00;
	v22 =	vld [tilespmem:s16+$0xA080];
	v3 =	vadd.f32 v3, v4;
	v7 =	vadd.f32 v5, v4  }
0x34a: {  	v14 =	vimm.f32 $0.0e+00;
	v20 =	vld [tilespmem:s16+$0xA090];
	v8 =	vadd.f32 v6, v4;
	v9 =	vadd.f32 v9, v4  }
0x34b: {  	v13 =	vimm.f32 $0.0e+00;
	v21 =	vld [tilespmem:s16+$0xA0A0];
	v10 =	vadd.f32 v10, v4;
	v5 =	vadd.f32 v11, v4  }
0x34c: {  	s18 =	simm.s32 $0x0;
	s17 =	simm.s32 $0x2;
	v23 =	vld [tilespmem:s16+$0xA0B0];
	v6 =	vadd.f32 v12, v4;
	v12 =	vimm.f32 $0.0e+00;
	v11 =	vimm.f32 $0.0e+00  }
.LBB2_24:
0x34d: {  	p0 =	sne.s32 s17, $0xF;
	s18 =	smul.u32 $0x1800, s18;
	v24 =	vld [tilespmem:s16+$0xA0C0];
	v4 =	vadd.f32 v16, v4  }
0x34e: {  	s15 =	sadd.s32 $0x80, s15;
	v19 =	vadd.f32 v22, v19;
	v16 =	vld [tilespmem:s16+$0xA0D0]  }
0x34f: {  	s19 =	sand.u32 $0x380, s15;
	s20 =	sor.u32 s18, s15;
	v17 =	vadd.f32 v20, v17;
	v20 =	vld [tilespmem:s16+$0xA0E0]  }
0x350: {  	s20 =	sor.u32 $0xA400, s20;
	v18 =	vadd.f32 v21, v18;
	v21 =	vld [tilespmem:s16+$0xA0F0];
	s16 =	sor.u32 s19, s18  }
0x351: {  	v22 =	vld [tilespmem:s20+$0xF0];
	v14 =	vadd.f32 v23, v14  }
0x352: {  	v23 =	vld [tilespmem:s20+$0x80];
	v13 =	vadd.f32 v24, v13  }
0x353: {  	v24 =	vld [tilespmem:s20+$0x90];
	v15 =	vadd.f32 v16, v15  }
0x354: {  	v25 =	vld [tilespmem:s20+$0xA0];
	v12 =	vadd.f32 v20, v12  }
0x355: {  	v26 =	vld [tilespmem:s20+$0xB0];
	v11 =	vadd.f32 v21, v11  }
0x356: {  	v27 =	vld [tilespmem:s20+$0xC0];
	v3 =	vadd.f32 v22, v3  }
0x357: {  	v7 =	vadd.f32 v23, v7;
	v28 =	vld [tilespmem:s20+$0xD0]  }
.Ltmp11:
0x358: {  	v8 =	vadd.f32 v24, v8;
	v16 =	vld [tilespmem:s20+$0xE0];
	(pc) =	sbr.rel @p0 .LBB2_24-.Ltmp11, $4  }
0x359: {  	v22 =	vld [tilespmem:s16+$0xA080];
	v9 =	vadd.f32 v25, v9  }
0x35a: {  	v20 =	vld [tilespmem:s16+$0xA090];
	v10 =	vadd.f32 v26, v10  }
0x35b: {  	v21 =	vld [tilespmem:s16+$0xA0A0];
	v5 =	vadd.f32 v27, v5  }
0x35c: {  	s18 =	sshrl.u32 s17, $0x3;
	s17 =	sadd.s32 $0x1, s17;
	v23 =	vld [tilespmem:s16+$0xA0B0];
	v6 =	vadd.f32 v28, v6  }
0x35d: {  	s17 =	smul.u32 $0x1800, s18;
	v24 =	vld [tilespmem:s16+$0xA0C0]  }
0x35e: {  	v25 =	vld [tilespmem:s16+$0xA0D0];
	s15 =	sadd.s32 $0x80, s15  }
0x35f: {  	v26 =	vld [tilespmem:s16+$0xA0E0];
	s18 =	sor.u32 s17, s15  }
0x360: {  	v27 =	vld [tilespmem:s16+$0xA0F0];
	s20 =	sor.u32 $0xA400, s18  }
0x361: {  	v28 =	vld [tilespmem:s20+$0xF0]  }
0x362: {  	v29 =	vld [tilespmem:s20+$0x80]  }
0x363: {  	v30 =	vld [tilespmem:s20+$0x90]  }
0x364: {  	v31 =	vld [tilespmem:s20+$0xA0]  }
0x365: {  	v32 =	vld [tilespmem:s20+$0xB0]  }
0x366: {  	v33 =	vld [tilespmem:s20+$0xC0]  }
0x367: {  	s15 =	sand.u32 $0x380, s15;
	v34 =	vld [tilespmem:s20+$0xD0]  }
0x368: {  	s15 =	sor.u32 s15, s17;
	v35 =	vld [tilespmem:s20+$0xE0]  }
0x369: {  	v36 =	vld [tilespmem:s15+$0xA080]  }
0x36a: {  	v37 =	vld [tilespmem:s15+$0xA090]  }
0x36b: {  	v38 =	vld [tilespmem:s15+$0xA0A0]  }
0x36c: {  	v39 =	vld [tilespmem:s15+$0xA0B0]  }
0x36d: {  	v19 =	vadd.f32 v22, v19;
	v59 =	vld [tilespmem:s15+$0xA0C0]  }
0x36e: {  	v17 =	vadd.f32 v20, v17;
	v60 =	vld [tilespmem:s15+$0xA0D0]  }
0x36f: {  	v18 =	vadd.f32 v21, v18;
	v61 =	vld [tilespmem:s15+$0xA0E0];
	v19 =	vadd.f32 v36, v19  }
0x370: {  	v62 =	vld [tilespmem:s15+$0xA0F0];
	v14 =	vadd.f32 v23, v14;
	v17 =	vadd.f32 v37, v17  }
0x371: {  	v13 =	vadd.f32 v24, v13;
	v18 =	vadd.f32 v38, v18;
	[tilespmem:s21+$0x0] =	vst.add.f32.msk $0xffff, v19  }
0x372: {  	v15 =	vadd.f32 v25, v15;
	v14 =	vadd.f32 v39, v14;
	[tilespmem:s22+$0x0] =	vst.add.f32.msk $0xffff, v17  }
0x373: {  	v12 =	vadd.f32 v26, v12;
	v13 =	vadd.f32 v59, v13;
	[tilespmem:s23+$0x0] =	vst.add.f32.msk $0xffff, v18  }
0x374: {  	v11 =	vadd.f32 v27, v11;
	v15 =	vadd.f32 v60, v15;
	[tilespmem:s24+$0x0] =	vst.add.f32.msk $0xffff, v14  }
0x375: {  	v12 =	vadd.f32 v61, v12;
	[tilespmem:s25+$0x0] =	vst.add.f32.msk $0xffff, v13  }
0x376: {  	v11 =	vadd.f32 v62, v11;
	[tilespmem:s26+$0x0] =	vst.add.f32.msk $0xffff, v15  }
0x377: {  	v7 =	vadd.f32 v29, v7;
	[tilespmem:s28+$0x0] =	vst.add.f32.msk $0xffff, v12  }
0x378: {  	v8 =	vadd.f32 v30, v8;
	[tilespmem:s29+$0x0] =	vst.add.f32.msk $0xffff, v11  }
0x379: {  	v9 =	vadd.f32 v31, v9;
	[tilespmem:s30+$0x0] =	vst.add.f32.msk $0xffff, v7  }
0x37a: {  	v63 =	vadd.f32 v32, v10;
	[tilespmem:s31+$0x0] =	vst.add.f32.msk $0xffff, v8  }
0x37b: {  	v4 =	vadd.f32 v16, v4;
	v5 =	vadd.f32 v33, v5;
	[tilespmem:s1+$0x0] =	vst.add.f32.msk $0xffff, v9  }
0x37c: {  	v6 =	vadd.f32 v34, v6;
	[tilespmem:s0+$0x0] =	vst.add.f32.msk $0xffff, v63  }
0x37d: {  	v4 =	vadd.f32 v35, v4;
	[tilespmem:s11+$0x0] =	vst.add.f32.msk $0xffff, v5  }
0x37e: {  	v3 =	vadd.f32 v28, v3;
	[tilespmem:s10+$0x0] =	vst.add.f32.msk $0xffff, v6  }
0x37f: {  	[tilespmem:s4+$0x0] =	vst.add.f32.msk $0xffff, v4  }
0x380: {  	s16 =	simm.s32 $0x80;
	s19 =	simm.s32 $0x400;
	s18 =	rddreg [dreg:$0x5];
	[tilespmem:s7+$0x0] =	vst.add.f32.msk $0xffff, v3  }
0x381: {  	[hbm4b:s18+s16] =	stream.strided.scatter [tilespmem:s14], [sflag:$0x5], $0x300, s19, s16, $0x38;
	[tilespmem:$0xC380] =	vst v63  }
0x382: {  	_ =	swait.ge [sflag:s9], $0x300  }
0x383: {  	s13 =	sadd.s32 $0x1, s13;
	s20 =	rddreg [dreg:$0x6]  }
0x384: {  	p0 =	sne.s32 s13, s20  }
.Ltmp12:
0x385: {  	_ = 	snop;
	(pc) =	sbr.rel @p0 .LBB2_1-.Ltmp12, $3  }
0x386: {  	_ =	sdelay $0x1  }
0x387: {  	[sflag:s9] =	ssyncset.done $0x0  }
0x388: {  	[sflag:s9] =	ssyncadd.s32 $0xFFFFFD00  }
0x389: {  	_ =	sfence.sel $0x180000  }
0x38a: {  	[bflag:$0x0] =	sbarrier.arrive $0xFFFF  }
0x38b: {  	_ =	strace $0x90000047  }
0x38c: {  	s0 =	stileid.u32;
	[bflag:$0x2] =	sbarrier.arrive $0xFFFF  }
0x38d: {  	p0 =	sne.s32 s0, $0x0;
	s0 =	rddreg [dreg:$0x3]  }
0x38e: {  	s0 =	sadd.s32 @!p0 $0x100000, s0  }
0x38f: {  	[sflag:s0] =	ssyncadd.tile.s32 @!p0 $0x1;
	_ =	shalt  }
.Lfunc_end2:
_tile_overlayer_lowered:
.L_overlay_start_2:
0x390: {  	(tag) =	ssettag $0x2  }
0x391: {  	s0 =	rddreg [dreg:$0x0];
	s2 =	stileid.u32  }
0x392: {  	s1 =	rddreg [dreg:$0x1];
	p0 =	sne.s32 s2, $0x0  }
0x393: {  	s3 =	rddreg [dreg:$0x2];
	[bflag:$0x3] =	sbarrier.arrive $0xFFFF;
	s2 =	simm.s32 @!p0 $0x1C05  }
0x394: {  	[timem:s3], [sflag:s2] =	dma.local @!p0 [hbm:s0], s1  }
0x395: {  	s0 =	simm.s32 @!p0 $0x5  }
0x396: {  	_ =	swait.ge @!p0 [sflag:s0], s1  }
0x397: {  	s1 =	ssub.s32 @!p0 $0x0, s1;
	[sflag:s0] =	ssyncset.done @!p0 $0x0  }
0x398: {  	[sflag:s0] =	ssyncadd.s32 @!p0 s1  }
0x399: {  	[bflag:$0x3] =	sbarrier.arrive $0xFFFF  }
0x39a: {  	_ =	shalt  }

</sc_bundles>
